<compile_context>
chip_gen: v7x
topology: tpu7x:2x2x1
jax: 0.10.2.dev20260603
libtpu: 0.0.44.dev20260713+nightly
codegen_flags: <defaults>
</compile_context>

<pallas_src>
import functools

import jax
import jax.numpy as jnp
from jax import lax
from jax.experimental import pallas as pl
from jax.experimental.pallas import tpu as pltpu
from jax.experimental.pallas import tpu_sc as plsc

NC = 2
NS = 16
NW = NC * NS
LANE = 16
CHUNK = 128



def _mm_body(h_ref, wm_ref, m_ref):
    m_ref[...] = jnp.dot(h_ref[...], wm_ref[...],
                         preferred_element_type=jnp.float32)


def _mm(h, wm, row_block):
    n, c = h.shape
    return pl.pallas_call(
        _mm_body,
        grid=(n // row_block,),
        in_specs=[
            pl.BlockSpec((row_block, c), lambda i: (i, 0)),
            pl.BlockSpec((c, c), lambda i: (0, 0)),
        ],
        out_specs=pl.BlockSpec((row_block, c), lambda i: (i, 0)),
        out_shape=jax.ShapeDtypeStruct((n, c), jnp.float32),
    )(h, wm)


def _gh_body(h_ref, whh_ref, bhh_ref, gh_ref):
    gh_ref[...] = (
        jnp.dot(h_ref[...], whh_ref[...], preferred_element_type=jnp.float32)
        + bhh_ref[...]
    )


def _gh(h, whhT, bhh2, row_block):
    n, c = h.shape
    return pl.pallas_call(
        _gh_body,
        grid=(n // row_block,),
        in_specs=[
            pl.BlockSpec((row_block, c), lambda i: (i, 0)),
            pl.BlockSpec((c, 3 * c), lambda i: (0, 0)),
            pl.BlockSpec((1, 3 * c), lambda i: (0, 0)),
        ],
        out_specs=pl.BlockSpec((row_block, 3 * c), lambda i: (i, 0)),
        out_shape=jax.ShapeDtypeStruct((n, 3 * c), jnp.float32),
    )(h, whhT, bhh2)



def _gru_body(p_ref, gh_ref, h_ref, wih_ref, bih_ref, o_ref):
    c = h_ref.shape[1]
    agg = p_ref[0]
    for k in range(1, p_ref.shape[0]):
        agg = agg + p_ref[k]
    gi = (
        jnp.dot(agg, wih_ref[...], preferred_element_type=jnp.float32)
        + bih_ref[...]
    )
    gh = gh_ref[...]
    h = h_ref[...]
    r = jax.nn.sigmoid(gi[:, :c] + gh[:, :c])
    z = jax.nn.sigmoid(gi[:, c:2 * c] + gh[:, c:2 * c])
    n = jnp.tanh(gi[:, 2 * c:] + r * gh[:, 2 * c:])
    o_ref[...] = (1.0 - z) * n + z * h


def _gru(parts, gh, h, wihT, bih2, row_block):
    n, c = h.shape
    grid = n // row_block
    return pl.pallas_call(
        _gru_body,
        grid=(grid,),
        in_specs=[
            pl.BlockSpec((parts.shape[0], row_block, c), lambda i: (0, i, 0)),
            pl.BlockSpec((row_block, 3 * c), lambda i: (i, 0)),
            pl.BlockSpec((row_block, c), lambda i: (i, 0)),
            pl.BlockSpec((c, 3 * c), lambda i: (0, 0)),
            pl.BlockSpec((1, 3 * c), lambda i: (0, 0)),
        ],
        out_specs=pl.BlockSpec((row_block, c), lambda i: (i, 0)),
        out_shape=jax.ShapeDtypeStruct((n, c), jnp.float32),
    )(parts, gh, h, wihT, bih2)



@functools.cache
def _make_sc_agg(n_nodes, c, cpt0, cpt1):
    agg_rows = -(-(n_nodes + 1) // (NS * 8)) * (NS * 8)
    zps = agg_rows // NS
    assert cpt0 % 8 == 0 and cpt1 % 8 == 0
    piece = 48
    ncor = NC
    mesh = plsc.VectorSubcoreMesh(
        core_axis_name="c", subcore_axis_name="s",
        num_cores=ncor, num_subcores=NS)

    @functools.partial(
        pl.kernel,
        mesh=mesh,
        out_type=jax.ShapeDtypeStruct((ncor, agg_rows, c), jnp.float32),
        scratch_types=[
            pltpu.VMEM((piece, CHUNK), jnp.int32),
            pltpu.VMEM((piece, CHUNK), jnp.int32),
            pltpu.VMEM((2, CHUNK, c), jnp.float32),
            pltpu.VMEM_SHARED((agg_rows, c), jnp.float32),
            pltpu.SemaphoreType.DMA,
            pltpu.SemaphoreType.DMA,
        ],
    )
    def sc_agg(m_hbm, src_hbm, dst_hbm, out_hbm,
               src_v, dst_v, rows_v, agg_sh, sem0, sem1):
        core = lax.axis_index("c")
        sub = lax.axis_index("s")

        @pl.loop(0, CHUNK)
        def _(r):
            for j in range(c // LANE):
                rows_v[0, r, pl.ds(j * LANE, LANE)] = jnp.zeros(
                    (LANE,), jnp.float32)

        zfull, zrem = zps // CHUNK, zps % CHUNK

        @pl.loop(0, zfull)
        def _(k):
            pltpu.sync_copy(rows_v.at[0],
                            agg_sh.at[pl.ds(sub * zps + k * CHUNK, CHUNK)])
        if zrem:
            pltpu.sync_copy(
                rows_v.at[0, pl.ds(0, zrem)],
                agg_sh.at[pl.ds(sub * zps + zfull * CHUNK, zrem)])
        plsc.subcore_barrier()

        def tile_work(cpt_c, tile_base):
            done = 0
            while done < cpt_c:
                pc = min(piece, cpt_c - done)
                cbase = tile_base + done
                done += pc
                pltpu.sync_copy(src_hbm.at[pl.ds(cbase, pc)],
                                src_v.at[pl.ds(0, pc)])
                pltpu.sync_copy(dst_hbm.at[pl.ds(cbase, pc)],
                                dst_v.at[pl.ds(0, pc)])

                pltpu.async_copy(m_hbm.at[src_v.at[0]], rows_v.at[0], sem0)

                @pl.loop(0, pc, step=2)
                def _(j2):
                    pltpu.async_copy(
                        m_hbm.at[src_v.at[j2 + 1]], rows_v.at[1], sem1)
                    pltpu.make_async_copy(
                        m_hbm.at[src_v.at[j2]], rows_v.at[0], sem0).wait()
                    pltpu.sync_copy(
                        rows_v.at[0], agg_sh.at[dst_v.at[j2]], add=True)

                    @pl.when(j2 + 2 < pc)
                    def _():
                        pltpu.async_copy(
                            m_hbm.at[src_v.at[j2 + 2]], rows_v.at[0], sem0)

                    pltpu.make_async_copy(
                        m_hbm.at[src_v.at[j2 + 1]], rows_v.at[1], sem1).wait()
                    pltpu.sync_copy(
                        rows_v.at[1], agg_sh.at[dst_v.at[j2 + 1]], add=True)

        if cpt0:
            @pl.when(core == 0)
            def _():
                tile_work(cpt0, sub * cpt0)

        if cpt1:
            @pl.when(core == 1)
            def _():
                tile_work(cpt1, NS * cpt0 + sub * cpt1)

        plsc.subcore_barrier()
        pltpu.sync_copy(agg_sh.at[pl.ds(sub * zps, zps)],
                        out_hbm.at[core, pl.ds(sub * zps, zps)])

    return sc_agg



def kernel(x, edge_index, weight, W_ih, W_hh, b_ih, b_hh):
    n, c = x.shape
    e = edge_index.shape[1]
    num_layers = weight.shape[0]

    src = edge_index[0].astype(jnp.int32)
    dst = edge_index[1].astype(jnp.int32)
    pair_cpt = -(-e // (NS * CHUNK * 16)) * 16
    cpt0 = min(max(int(round(pair_cpt * 0.9 / 16)) * 16, 16), pair_cpt - 16)
    cpt1 = pair_cpt - cpt0
    e_pad = NS * CHUNK * pair_cpt
    src_p = jnp.concatenate(
        [src, jnp.zeros((e_pad - e,), jnp.int32)]).reshape(NS * pair_cpt, CHUNK)
    dst_p = jnp.concatenate(
        [dst, jnp.full((e_pad - e,), n, jnp.int32)]).reshape(NS * pair_cpt, CHUNK)

    whhT = W_hh.T
    wihT = W_ih.T
    bhh2 = b_hh.reshape(1, -1)
    bih2 = b_ih.reshape(1, -1)

    sc_agg = _make_sc_agg(n, c, cpt0, cpt1)
    row_block = 1000 if n % 1000 == 0 else n

    h = x
    for i in range(num_layers):
        m = _mm(h, weight[i], row_block)
        parts = sc_agg(m, src_p, dst_p)
        gh = _gh(h, whhT, bhh2, row_block)
        h = _gru(parts, gh, h, wihT, bih2, row_block)
    return h

# --- scband reference (transcript-rebuilt; emitter-appended) ---
"""Pipeline reference for scband-label-scoring-graph-model-44040594653829 (READ-ONLY COPY).

The authoritative reference and input builder live on the scoring server;
editing this copy changes nothing except your own understanding.
"""

import jax, jax.numpy as jnp
import numpy as np

N_NODES = 10000
N_EDGES = 320000
C = 128
NUM_LAYERS = 2

def setup_inputs(seed: int = 0) -> dict:
    key = jax.random.key(seed)
    k1, k2, k3, k4, k5, k6, k7 = jax.random.split(key, 7)
    x = jax.random.normal(k1, (N_NODES, C), dtype=jnp.float32)
    edge_index = jax.random.randint(k2, (2, N_EDGES), 0, N_NODES, dtype=jnp.int64)
    bound = 1.0 / np.sqrt(C)
    weight = jax.random.uniform(k3, (NUM_LAYERS, C, C), dtype=jnp.float32, minval=-bound, maxval=bound)
    W_ih = jax.random.uniform(k4, (3 * C, C), dtype=jnp.float32, minval=-bound, maxval=bound)
    W_hh = jax.random.uniform(k5, (3 * C, C), dtype=jnp.float32, minval=-bound, maxval=bound)
    b_ih = jax.random.uniform(k6, (3 * C,), dtype=jnp.float32, minval=-bound, maxval=bound)
    b_hh = jax.random.uniform(k7, (3 * C,), dtype=jnp.float32, minval=-bound, maxval=bound)
    return {"x": x, "edge_index": edge_index, "weight": weight, "W_ih": W_ih, "W_hh": W_hh, "b_ih": b_ih, "b_hh": b_hh}

def _gru_cell(inp, h, W_ih, W_hh, b_ih, b_hh):
    gi = inp @ W_ih.T + b_ih
    gh = h @ W_hh.T + b_hh
    i_r, i_z, i_n = jnp.split(gi, 3, axis=-1)
    h_r, h_z, h_n = jnp.split(gh, 3, axis=-1)
    r = jax.nn.sigmoid(i_r + h_r)
    z = jax.nn.sigmoid(i_z + h_z)
    n = jnp.tanh(i_n + r * h_n)
    return (1.0 - z) * n + z * h

def reference(x, edge_index, weight, W_ih, W_hh, b_ih, b_hh):
    # GatedGraphConv forward: h^{(0)} = x (in_channels == out_channels)
    h = x
    src = edge_index[0]
    dst = edge_index[1]
    num_nodes = x.shape[0]
    for i in range(NUM_LAYERS):
        m = h @ weight[i]
        # message: x_j = m[src]; aggregate: scatter-add at dst
        msg = jnp.take(m, src, axis=0)
        agg = jax.ops.segment_sum(msg, dst, num_segments=num_nodes)
        h = _gru_cell(agg, h, W_ih, W_hh, b_ih, b_hh)
    return h

if __name__ == "__main__":
    import jax
    _d = setup_inputs()
    print(jax.jit(kernel)(*tuple(_d.values())))

</pallas_src>

<mosaic_0001>
#map = affine_map<(d0, d1) -> (0, 0)>
#map1 = affine_map<(d0, d1) -> (0, 0, 0)>
module attributes {stable_mosaic.version = 14 : i64} {
  func.func @sc_agg(%arg0: i32, %arg1: i32, %arg2: memref<10000x128xf32, #tpu.memory_space<hbm>>, %arg3: memref<2560x128xi32, #tpu.memory_space<hbm>>, %arg4: memref<2560x128xi32, #tpu.memory_space<hbm>>, %arg5: memref<2x10112x128xf32, #tpu.memory_space<hbm>>, %arg6: memref<48x128xi32, #tpu.memory_space<vmem>>, %arg7: memref<48x128xi32, #tpu.memory_space<vmem>>, %arg8: memref<2x128x128xf32, #tpu.memory_space<vmem>>, %arg9: memref<10112x128xf32, #tpu.memory_space<vmem_shared>>, %arg10: memref<!tpu.dma_semaphore, #tpu.memory_space<semaphore_mem>>, %arg11: memref<!tpu.dma_semaphore, #tpu.memory_space<semaphore_mem>>) attributes {dimension_semantics = [#tpu.dimension_semantics<core_parallel>, #tpu.dimension_semantics<subcore_parallel>], iteration_bounds = array<i64: 2, 16>, scalar_prefetch = 0 : i64, scratch_operands = 6 : i64, tpu.core_type = #tpu.core_type<sc_vector_subcore>, window_params = [{transform_indices = #map}, {transform_indices = #map}, {transform_indices = #map}, {transform_indices = #map1}]} {
    %scan3A = arith.constant 0 : i32
    %scan3A_0 = arith.constant 128 : i32
    %scan3A_1 = arith.addi %scan3A, %scan3A_0 : i32
    %scan3A_2 = arith.constant 1 : i32
    scf.for %scan3A_23 = %scan3A to %scan3A_1 step %scan3A_2  : i32 {
      %mul3A_24 = arith.constant 1 : i32
      %mul3A_25 = arith.muli %scan3A_23, %mul3A_24 : i32
      %add3A_26 = arith.constant 0 : i32
      %add3A_27 = arith.addi %add3A_26, %mul3A_25 : i32
      %broadcast_in_dim3A = arith.constant 0.000000e+00 : f32
      %broadcast_in_dim3A_28 = vector.broadcast %broadcast_in_dim3A : f32 to vector<16xf32>
      %swap3A = arith.constant 0 : i32
      %swap3A_29 = arith.index_cast %swap3A : i32 to index
      %swap3A_30 = arith.index_cast %add3A_27 : i32 to index
      %swap3A_31 = arith.constant 0 : index
      %swap3A_32 = tpu.vector_load %arg8[%swap3A_29, %swap3A_30, %swap3A_31] {strides = array<i32>} : memref<2x128x128xf32, #tpu.memory_space<vmem>>, vector<1x1x16xf32>,
      %swap3A_33 = vector.shape_cast %swap3A_32 : vector<1x1x16xf32> to vector<16xf32>
      %swap3A_34 = vector.shape_cast %broadcast_in_dim3A_28 : vector<16xf32> to vector<1x1x16xf32>
      tpu.vector_store %arg8[%swap3A_29, %swap3A_30, %swap3A_31], %swap3A_34 {strides = array<i32>} : memref<2x128x128xf32, #tpu.memory_space<vmem>>, vector<1x1x16xf32>,
      %broadcast_in_dim3A_35 = arith.constant 0.000000e+00 : f32
      %broadcast_in_dim3A_36 = vector.broadcast %broadcast_in_dim3A_35 : f32 to vector<16xf32>
      %swap3A_37 = arith.constant 0 : i32
      %swap3A_38 = arith.index_cast %swap3A_37 : i32 to index
      %swap3A_39 = arith.index_cast %add3A_27 : i32 to index
      %swap3A_40 = arith.constant 16 : index
      %swap3A_41 = tpu.vector_load %arg8[%swap3A_38, %swap3A_39, %swap3A_40] {strides = array<i32>} : memref<2x128x128xf32, #tpu.memory_space<vmem>>, vector<1x1x16xf32>,
      %swap3A_42 = vector.shape_cast %swap3A_41 : vector<1x1x16xf32> to vector<16xf32>
      %swap3A_43 = vector.shape_cast %broadcast_in_dim3A_36 : vector<16xf32> to vector<1x1x16xf32>
      tpu.vector_store %arg8[%swap3A_38, %swap3A_39, %swap3A_40], %swap3A_43 {strides = array<i32>} : memref<2x128x128xf32, #tpu.memory_space<vmem>>, vector<1x1x16xf32>,
      %broadcast_in_dim3A_44 = arith.constant 0.000000e+00 : f32
      %broadcast_in_dim3A_45 = vector.broadcast %broadcast_in_dim3A_44 : f32 to vector<16xf32>
      %swap3A_46 = arith.constant 0 : i32
      %swap3A_47 = arith.index_cast %swap3A_46 : i32 to index
      %swap3A_48 = arith.index_cast %add3A_27 : i32 to index
      %swap3A_49 = arith.constant 32 : index
      %swap3A_50 = tpu.vector_load %arg8[%swap3A_47, %swap3A_48, %swap3A_49] {strides = array<i32>} : memref<2x128x128xf32, #tpu.memory_space<vmem>>, vector<1x1x16xf32>,
      %swap3A_51 = vector.shape_cast %swap3A_50 : vector<1x1x16xf32> to vector<16xf32>
      %swap3A_52 = vector.shape_cast %broadcast_in_dim3A_45 : vector<16xf32> to vector<1x1x16xf32>
      tpu.vector_store %arg8[%swap3A_47, %swap3A_48, %swap3A_49], %swap3A_52 {strides = array<i32>} : memref<2x128x128xf32, #tpu.memory_space<vmem>>, vector<1x1x16xf32>,
      %broadcast_in_dim3A_53 = arith.constant 0.000000e+00 : f32
      %broadcast_in_dim3A_54 = vector.broadcast %broadcast_in_dim3A_53 : f32 to vector<16xf32>
      %swap3A_55 = arith.constant 0 : i32
      %swap3A_56 = arith.index_cast %swap3A_55 : i32 to index
      %swap3A_57 = arith.index_cast %add3A_27 : i32 to index
      %swap3A_58 = arith.constant 48 : index
      %swap3A_59 = tpu.vector_load %arg8[%swap3A_56, %swap3A_57, %swap3A_58] {strides = array<i32>} : memref<2x128x128xf32, #tpu.memory_space<vmem>>, vector<1x1x16xf32>,
      %swap3A_60 = vector.shape_cast %swap3A_59 : vector<1x1x16xf32> to vector<16xf32>
      %swap3A_61 = vector.shape_cast %broadcast_in_dim3A_54 : vector<16xf32> to vector<1x1x16xf32>
      tpu.vector_store %arg8[%swap3A_56, %swap3A_57, %swap3A_58], %swap3A_61 {strides = array<i32>} : memref<2x128x128xf32, #tpu.memory_space<vmem>>, vector<1x1x16xf32>,
      %broadcast_in_dim3A_62 = arith.constant 0.000000e+00 : f32
      %broadcast_in_dim3A_63 = vector.broadcast %broadcast_in_dim3A_62 : f32 to vector<16xf32>
      %swap3A_64 = arith.constant 0 : i32
      %swap3A_65 = arith.index_cast %swap3A_64 : i32 to index
      %swap3A_66 = arith.index_cast %add3A_27 : i32 to index
      %swap3A_67 = arith.constant 64 : index
      %swap3A_68 = tpu.vector_load %arg8[%swap3A_65, %swap3A_66, %swap3A_67] {strides = array<i32>} : memref<2x128x128xf32, #tpu.memory_space<vmem>>, vector<1x1x16xf32>,
      %swap3A_69 = vector.shape_cast %swap3A_68 : vector<1x1x16xf32> to vector<16xf32>
      %swap3A_70 = vector.shape_cast %broadcast_in_dim3A_63 : vector<16xf32> to vector<1x1x16xf32>
      tpu.vector_store %arg8[%swap3A_65, %swap3A_66, %swap3A_67], %swap3A_70 {strides = array<i32>} : memref<2x128x128xf32, #tpu.memory_space<vmem>>, vector<1x1x16xf32>,
      %broadcast_in_dim3A_71 = arith.constant 0.000000e+00 : f32
      %broadcast_in_dim3A_72 = vector.broadcast %broadcast_in_dim3A_71 : f32 to vector<16xf32>
      %swap3A_73 = arith.constant 0 : i32
      %swap3A_74 = arith.index_cast %swap3A_73 : i32 to index
      %swap3A_75 = arith.index_cast %add3A_27 : i32 to index
      %swap3A_76 = arith.constant 80 : index
      %swap3A_77 = tpu.vector_load %arg8[%swap3A_74, %swap3A_75, %swap3A_76] {strides = array<i32>} : memref<2x128x128xf32, #tpu.memory_space<vmem>>, vector<1x1x16xf32>,
      %swap3A_78 = vector.shape_cast %swap3A_77 : vector<1x1x16xf32> to vector<16xf32>
      %swap3A_79 = vector.shape_cast %broadcast_in_dim3A_72 : vector<16xf32> to vector<1x1x16xf32>
      tpu.vector_store %arg8[%swap3A_74, %swap3A_75, %swap3A_76], %swap3A_79 {strides = array<i32>} : memref<2x128x128xf32, #tpu.memory_space<vmem>>, vector<1x1x16xf32>,
      %broadcast_in_dim3A_80 = arith.constant 0.000000e+00 : f32
      %broadcast_in_dim3A_81 = vector.broadcast %broadcast_in_dim3A_80 : f32 to vector<16xf32>
      %swap3A_82 = arith.constant 0 : i32
      %swap3A_83 = arith.index_cast %swap3A_82 : i32 to index
      %swap3A_84 = arith.index_cast %add3A_27 : i32 to index
      %swap3A_85 = arith.constant 96 : index
      %swap3A_86 = tpu.vector_load %arg8[%swap3A_83, %swap3A_84, %swap3A_85] {strides = array<i32>} : memref<2x128x128xf32, #tpu.memory_space<vmem>>, vector<1x1x16xf32>,
      %swap3A_87 = vector.shape_cast %swap3A_86 : vector<1x1x16xf32> to vector<16xf32>
      %swap3A_88 = vector.shape_cast %broadcast_in_dim3A_81 : vector<16xf32> to vector<1x1x16xf32>
      tpu.vector_store %arg8[%swap3A_83, %swap3A_84, %swap3A_85], %swap3A_88 {strides = array<i32>} : memref<2x128x128xf32, #tpu.memory_space<vmem>>, vector<1x1x16xf32>,
      %broadcast_in_dim3A_89 = arith.constant 0.000000e+00 : f32
      %broadcast_in_dim3A_90 = vector.broadcast %broadcast_in_dim3A_89 : f32 to vector<16xf32>
      %swap3A_91 = arith.constant 0 : i32
      %swap3A_92 = arith.index_cast %swap3A_91 : i32 to index
      %swap3A_93 = arith.index_cast %add3A_27 : i32 to index
      %swap3A_94 = arith.constant 112 : index
      %swap3A_95 = tpu.vector_load %arg8[%swap3A_92, %swap3A_93, %swap3A_94] {strides = array<i32>} : memref<2x128x128xf32, #tpu.memory_space<vmem>>, vector<1x1x16xf32>,
      %swap3A_96 = vector.shape_cast %swap3A_95 : vector<1x1x16xf32> to vector<16xf32>
      %swap3A_97 = vector.shape_cast %broadcast_in_dim3A_90 : vector<16xf32> to vector<1x1x16xf32>
      tpu.vector_store %arg8[%swap3A_92, %swap3A_93, %swap3A_94], %swap3A_97 {strides = array<i32>} : memref<2x128x128xf32, #tpu.memory_space<vmem>>, vector<1x1x16xf32>,
    }
    %scan3A_3 = arith.constant 128 : i32
    %scan3A_4 = arith.constant 0 : i32
    %scan3A_5 = arith.constant 4 : i32
    %scan3A_6 = arith.addi %scan3A_4, %scan3A_5 : i32
    %scan3A_7 = arith.constant 1 : i32
    scf.for %scan3A_23 = %scan3A_4 to %scan3A_6 step %scan3A_7  : i32 {
      %mul3A_24 = arith.constant 1 : i32
      %mul3A_25 = arith.muli %scan3A_23, %mul3A_24 : i32
      %add3A_26 = arith.constant 0 : i32
      %add3A_27 = arith.addi %add3A_26, %mul3A_25 : i32
      %mul3A_28 = arith.constant 632 : i32
      %mul3A_29 = arith.muli %arg1, %mul3A_28 : i32
      %mul3A_30 = arith.constant 128 : i32
      %mul3A_31 = arith.muli %add3A_27, %mul3A_30 : i32
      %add3A_32 = arith.addi %mul3A_29, %mul3A_31 : i32
      %run_scoped3A_33 = arith.constant 0 : i32
      "tpu.region"() ({
        %run_scoped3A_34 = tpu.sem_alloc : memref<!tpu.dma_semaphore, #tpu.memory_space<semaphore_mem>>
        %dma_start3A = arith.constant 0 : i32
        %dma_start3A_35 = arith.constant 0 : i32
        %dma_start3A_36 = tpu.memref_slice %arg8[%run_scoped3A_33, %dma_start3A, %dma_start3A_35] : memref<2x128x128xf32, #tpu.memory_space<vmem>> -> memref<1x128x128xf32, #tpu.memory_space<vmem>>
        %dma_start3A_37 = tpu.memref_squeeze %dma_start3A_36 : memref<1x128x128xf32, #tpu.memory_space<vmem>> -> memref<128x128xf32, #tpu.memory_space<vmem>>
        %dma_start3A_38 = arith.constant 0 : i32
        %dma_start3A_39 = tpu.memref_slice %arg9[%add3A_32, %dma_start3A_38] : memref<10112x128xf32, #tpu.memory_space<vmem_shared>> -> memref<128x128xf32, #tpu.memory_space<vmem_shared>>
        %dma_start3A_40 = arith.constant 0 : i32
        %dma_start3A_41 = tpu.memref_slice %arg9[%add3A_32, %dma_start3A_40] : memref<10112x128xf32, #tpu.memory_space<vmem_shared>> -> memref<128x128xf32, #tpu.memory_space<vmem_shared>>
        %dma_start3A_42 = arith.constant 0 : i32
        %dma_start3A_43 = arith.constant 0 : i32
        %dma_start3A_44 = tpu.memref_slice %arg8[%run_scoped3A_33, %dma_start3A_42, %dma_start3A_43] : memref<2x128x128xf32, #tpu.memory_space<vmem>> -> memref<1x128x128xf32, #tpu.memory_space<vmem>>
        %dma_start3A_45 = tpu.memref_squeeze %dma_start3A_44 : memref<1x128x128xf32, #tpu.memory_space<vmem>> -> memref<128x128xf32, #tpu.memory_space<vmem>>
        tpu.enqueue_dma source(%dma_start3A_45 : memref<128x128xf32, #tpu.memory_space<vmem>>) target(%dma_start3A_41 : memref<128x128xf32, #tpu.memory_space<vmem_shared>>) target_semaphore(%run_scoped3A_34 : memref<!tpu.dma_semaphore, #tpu.memory_space<semaphore_mem>>)
        %dma_wait3A = arith.constant 0 : i32
        %dma_wait3A_46 = arith.constant 0 : i32
        %dma_wait3A_47 = tpu.memref_slice %arg8[%run_scoped3A_33, %dma_wait3A, %dma_wait3A_46] : memref<2x128x128xf32, #tpu.memory_space<vmem>> -> memref<1x128x128xf32, #tpu.memory_space<vmem>>
        %dma_wait3A_48 = tpu.memref_squeeze %dma_wait3A_47 : memref<1x128x128xf32, #tpu.memory_space<vmem>> -> memref<128x128xf32, #tpu.memory_space<vmem>>
        %dma_wait3A_49 = arith.constant 0 : i32
        %dma_wait3A_50 = tpu.memref_slice %arg9[%add3A_32, %dma_wait3A_49] : memref<10112x128xf32, #tpu.memory_space<vmem_shared>> -> memref<128x128xf32, #tpu.memory_space<vmem_shared>>
        %dma_wait3A_51 = arith.constant 0 : i32
        %dma_wait3A_52 = tpu.memref_slice %arg9[%add3A_32, %dma_wait3A_51] : memref<10112x128xf32, #tpu.memory_space<vmem_shared>> -> memref<128x128xf32, #tpu.memory_space<vmem_shared>>
        %dma_wait3A_53 = arith.constant 0 : i32
        %dma_wait3A_54 = arith.constant 0 : i32
        %dma_wait3A_55 = tpu.memref_slice %arg8[%run_scoped3A_33, %dma_wait3A_53, %dma_wait3A_54] : memref<2x128x128xf32, #tpu.memory_space<vmem>> -> memref<1x128x128xf32, #tpu.memory_space<vmem>>
        %dma_wait3A_56 = tpu.memref_squeeze %dma_wait3A_55 : memref<1x128x128xf32, #tpu.memory_space<vmem>> -> memref<128x128xf32, #tpu.memory_space<vmem>>
        tpu.wait_dma2 semaphore(%run_scoped3A_34 : memref<!tpu.dma_semaphore, #tpu.memory_space<semaphore_mem>>) src(%dma_wait3A_56 : memref<128x128xf32, #tpu.memory_space<vmem>>) dst(%dma_wait3A_52 : memref<128x128xf32, #tpu.memory_space<vmem_shared>>)
        tpu.yield
      }) : () -> ()
    }
    %scan3A_8 = arith.constant 4 : i32
    %mul3A = arith.constant 632 : i32
    %mul3A_9 = arith.muli %arg1, %mul3A : i32
    %add3A = arith.constant 512 : i32
    %add3A_10 = arith.addi %mul3A_9, %add3A : i32
    %run_scoped3A = arith.constant 0 : i32
    "tpu.region"() ({
      %run_scoped3A_23 = tpu.sem_alloc : memref<!tpu.dma_semaphore, #tpu.memory_space<semaphore_mem>>
      %dma_start3A = arith.constant 0 : i32
      %dma_start3A_24 = arith.constant 0 : i32
      %dma_start3A_25 = tpu.memref_slice %arg8[%run_scoped3A, %dma_start3A, %dma_start3A_24] : memref<2x128x128xf32, #tpu.memory_space<vmem>> -> memref<1x120x128xf32, #tpu.memory_space<vmem>>
      %dma_start3A_26 = tpu.memref_squeeze %dma_start3A_25 : memref<1x120x128xf32, #tpu.memory_space<vmem>> -> memref<120x128xf32, #tpu.memory_space<vmem>>
      %dma_start3A_27 = arith.constant 0 : i32
      %dma_start3A_28 = tpu.memref_slice %arg9[%add3A_10, %dma_start3A_27] : memref<10112x128xf32, #tpu.memory_space<vmem_shared>> -> memref<120x128xf32, #tpu.memory_space<vmem_shared>>
      %dma_start3A_29 = arith.constant 0 : i32
      %dma_start3A_30 = tpu.memref_slice %arg9[%add3A_10, %dma_start3A_29] : memref<10112x128xf32, #tpu.memory_space<vmem_shared>> -> memref<120x128xf32, #tpu.memory_space<vmem_shared>>
      %dma_start3A_31 = arith.constant 0 : i32
      %dma_start3A_32 = arith.constant 0 : i32
      %dma_start3A_33 = tpu.memref_slice %arg8[%run_scoped3A, %dma_start3A_31, %dma_start3A_32] : memref<2x128x128xf32, #tpu.memory_space<vmem>> -> memref<1x120x128xf32, #tpu.memory_space<vmem>>
      %dma_start3A_34 = tpu.memref_squeeze %dma_start3A_33 : memref<1x120x128xf32, #tpu.memory_space<vmem>> -> memref<120x128xf32, #tpu.memory_space<vmem>>
      tpu.enqueue_dma source(%dma_start3A_34 : memref<120x128xf32, #tpu.memory_space<vmem>>) target(%dma_start3A_30 : memref<120x128xf32, #tpu.memory_space<vmem_shared>>) target_semaphore(%run_scoped3A_23 : memref<!tpu.dma_semaphore, #tpu.memory_space<semaphore_mem>>)
      %dma_wait3A = arith.constant 0 : i32
      %dma_wait3A_35 = arith.constant 0 : i32
      %dma_wait3A_36 = tpu.memref_slice %arg8[%run_scoped3A, %dma_wait3A, %dma_wait3A_35] : memref<2x128x128xf32, #tpu.memory_space<vmem>> -> memref<1x120x128xf32, #tpu.memory_space<vmem>>
      %dma_wait3A_37 = tpu.memref_squeeze %dma_wait3A_36 : memref<1x120x128xf32, #tpu.memory_space<vmem>> -> memref<120x128xf32, #tpu.memory_space<vmem>>
      %dma_wait3A_38 = arith.constant 0 : i32
      %dma_wait3A_39 = tpu.memref_slice %arg9[%add3A_10, %dma_wait3A_38] : memref<10112x128xf32, #tpu.memory_space<vmem_shared>> -> memref<120x128xf32, #tpu.memory_space<vmem_shared>>
      %dma_wait3A_40 = arith.constant 0 : i32
      %dma_wait3A_41 = tpu.memref_slice %arg9[%add3A_10, %dma_wait3A_40] : memref<10112x128xf32, #tpu.memory_space<vmem_shared>> -> memref<120x128xf32, #tpu.memory_space<vmem_shared>>
      %dma_wait3A_42 = arith.constant 0 : i32
      %dma_wait3A_43 = arith.constant 0 : i32
      %dma_wait3A_44 = tpu.memref_slice %arg8[%run_scoped3A, %dma_wait3A_42, %dma_wait3A_43] : memref<2x128x128xf32, #tpu.memory_space<vmem>> -> memref<1x120x128xf32, #tpu.memory_space<vmem>>
      %dma_wait3A_45 = tpu.memref_squeeze %dma_wait3A_44 : memref<1x120x128xf32, #tpu.memory_space<vmem>> -> memref<120x128xf32, #tpu.memory_space<vmem>>
      tpu.wait_dma2 semaphore(%run_scoped3A_23 : memref<!tpu.dma_semaphore, #tpu.memory_space<semaphore_mem>>) src(%dma_wait3A_45 : memref<120x128xf32, #tpu.memory_space<vmem>>) dst(%dma_wait3A_41 : memref<120x128xf32, #tpu.memory_space<vmem_shared>>)
      tpu.yield
    }) : () -> ()
    %barrier3A = arith.constant 0 : index
    tpu.barrier barrier_id(%barrier3A)
    %eq3A = arith.constant 0 : i32
    %eq3A_11 = arith.cmpi eq, %arg0, %eq3A : i32
    %convert_element_type3A = arith.extui %eq3A_11 : i1 to i32
    %cond3A = arith.constant 0 : i32
    %cond3A_12 = arith.cmpi ne, %convert_element_type3A, %cond3A : i32
    scf.if %cond3A_12 {
      %mul3A_23 = arith.constant 144 : i32
      %mul3A_24 = arith.muli %arg1, %mul3A_23 : i32
      %add3A_25 = arith.constant 0 : i32
      %add3A_26 = arith.addi %mul3A_24, %add3A_25 : i32
      "tpu.region"() ({
        %run_scoped3A_81 = tpu.sem_alloc : memref<!tpu.dma_semaphore, #tpu.memory_space<semaphore_mem>>
        %dma_start3A_82 = arith.constant 0 : i32
        %dma_start3A_83 = arith.constant 0 : i32
        %dma_start3A_84 = tpu.memref_slice %arg6[%dma_start3A_82, %dma_start3A_83] : memref<48x128xi32, #tpu.memory_space<vmem>> -> memref<48x128xi32, #tpu.memory_space<vmem>>
        %dma_start3A_85 = arith.constant 0 : i32
        %dma_start3A_86 = tpu.memref_slice %arg3[%add3A_26, %dma_start3A_85] : memref<2560x128xi32, #tpu.memory_space<hbm>> -> memref<48x128xi32, #tpu.memory_space<hbm>>
        %dma_start3A_87 = arith.constant 0 : i32
        %dma_start3A_88 = arith.constant 0 : i32
        %dma_start3A_89 = tpu.memref_slice %arg6[%dma_start3A_87, %dma_start3A_88] : memref<48x128xi32, #tpu.memory_space<vmem>> -> memref<48x128xi32, #tpu.memory_space<vmem>>
        %dma_start3A_90 = arith.constant 0 : i32
        %dma_start3A_91 = tpu.memref_slice %arg3[%add3A_26, %dma_start3A_90] : memref<2560x128xi32, #tpu.memory_space<hbm>> -> memref<48x128xi32, #tpu.memory_space<hbm>>
        tpu.enqueue_dma source(%dma_start3A_91 : memref<48x128xi32, #tpu.memory_space<hbm>>) target(%dma_start3A_89 : memref<48x128xi32, #tpu.memory_space<vmem>>) target_semaphore(%run_scoped3A_81 : memref<!tpu.dma_semaphore, #tpu.memory_space<semaphore_mem>>)
        %dma_wait3A = arith.constant 0 : i32
        %dma_wait3A_92 = arith.constant 0 : i32
        %dma_wait3A_93 = tpu.memref_slice %arg6[%dma_wait3A, %dma_wait3A_92] : memref<48x128xi32, #tpu.memory_space<vmem>> -> memref<48x128xi32, #tpu.memory_space<vmem>>
        %dma_wait3A_94 = arith.constant 0 : i32
        %dma_wait3A_95 = tpu.memref_slice %arg3[%add3A_26, %dma_wait3A_94] : memref<2560x128xi32, #tpu.memory_space<hbm>> -> memref<48x128xi32, #tpu.memory_space<hbm>>
        %dma_wait3A_96 = arith.constant 0 : i32
        %dma_wait3A_97 = arith.constant 0 : i32
        %dma_wait3A_98 = tpu.memref_slice %arg6[%dma_wait3A_96, %dma_wait3A_97] : memref<48x128xi32, #tpu.memory_space<vmem>> -> memref<48x128xi32, #tpu.memory_space<vmem>>
        %dma_wait3A_99 = arith.constant 0 : i32
        %dma_wait3A_100 = tpu.memref_slice %arg3[%add3A_26, %dma_wait3A_99] : memref<2560x128xi32, #tpu.memory_space<hbm>> -> memref<48x128xi32, #tpu.memory_space<hbm>>
        tpu.wait_dma2 semaphore(%run_scoped3A_81 : memref<!tpu.dma_semaphore, #tpu.memory_space<semaphore_mem>>) src(%dma_wait3A_100 : memref<48x128xi32, #tpu.memory_space<hbm>>) dst(%dma_wait3A_98 : memref<48x128xi32, #tpu.memory_space<vmem>>)
        tpu.yield
      }) : () -> ()
      "tpu.region"() ({
        %run_scoped3A_81 = tpu.sem_alloc : memref<!tpu.dma_semaphore, #tpu.memory_space<semaphore_mem>>
        %dma_start3A_82 = arith.constant 0 : i32
        %dma_start3A_83 = arith.constant 0 : i32
        %dma_start3A_84 = tpu.memref_slice %arg7[%dma_start3A_82, %dma_start3A_83] : memref<48x128xi32, #tpu.memory_space<vmem>> -> memref<48x128xi32, #tpu.memory_space<vmem>>
        %dma_start3A_85 = arith.constant 0 : i32
        %dma_start3A_86 = tpu.memref_slice %arg4[%add3A_26, %dma_start3A_85] : memref<2560x128xi32, #tpu.memory_space<hbm>> -> memref<48x128xi32, #tpu.memory_space<hbm>>
        %dma_start3A_87 = arith.constant 0 : i32
        %dma_start3A_88 = arith.constant 0 : i32
        %dma_start3A_89 = tpu.memref_slice %arg7[%dma_start3A_87, %dma_start3A_88] : memref<48x128xi32, #tpu.memory_space<vmem>> -> memref<48x128xi32, #tpu.memory_space<vmem>>
        %dma_start3A_90 = arith.constant 0 : i32
        %dma_start3A_91 = tpu.memref_slice %arg4[%add3A_26, %dma_start3A_90] : memref<2560x128xi32, #tpu.memory_space<hbm>> -> memref<48x128xi32, #tpu.memory_space<hbm>>
        tpu.enqueue_dma source(%dma_start3A_91 : memref<48x128xi32, #tpu.memory_space<hbm>>) target(%dma_start3A_89 : memref<48x128xi32, #tpu.memory_space<vmem>>) target_semaphore(%run_scoped3A_81 : memref<!tpu.dma_semaphore, #tpu.memory_space<semaphore_mem>>)
        %dma_wait3A = arith.constant 0 : i32
        %dma_wait3A_92 = arith.constant 0 : i32
        %dma_wait3A_93 = tpu.memref_slice %arg7[%dma_wait3A, %dma_wait3A_92] : memref<48x128xi32, #tpu.memory_space<vmem>> -> memref<48x128xi32, #tpu.memory_space<vmem>>
        %dma_wait3A_94 = arith.constant 0 : i32
        %dma_wait3A_95 = tpu.memref_slice %arg4[%add3A_26, %dma_wait3A_94] : memref<2560x128xi32, #tpu.memory_space<hbm>> -> memref<48x128xi32, #tpu.memory_space<hbm>>
        %dma_wait3A_96 = arith.constant 0 : i32
        %dma_wait3A_97 = arith.constant 0 : i32
        %dma_wait3A_98 = tpu.memref_slice %arg7[%dma_wait3A_96, %dma_wait3A_97] : memref<48x128xi32, #tpu.memory_space<vmem>> -> memref<48x128xi32, #tpu.memory_space<vmem>>
        %dma_wait3A_99 = arith.constant 0 : i32
        %dma_wait3A_100 = tpu.memref_slice %arg4[%add3A_26, %dma_wait3A_99] : memref<2560x128xi32, #tpu.memory_space<hbm>> -> memref<48x128xi32, #tpu.memory_space<hbm>>
        tpu.wait_dma2 semaphore(%run_scoped3A_81 : memref<!tpu.dma_semaphore, #tpu.memory_space<semaphore_mem>>) src(%dma_wait3A_100 : memref<48x128xi32, #tpu.memory_space<hbm>>) dst(%dma_wait3A_98 : memref<48x128xi32, #tpu.memory_space<vmem>>)
        tpu.yield
      }) : () -> ()
      %dma_start3A = arith.constant 0 : i32
      %dma_start3A_27 = arith.constant 0 : i32
      %dma_start3A_28 = arith.constant 0 : i32
      %dma_start3A_29 = arith.constant 0 : i32
      %dma_start3A_30 = tpu.memref_slice %arg8[%dma_start3A_27, %dma_start3A_28, %dma_start3A_29] : memref<2x128x128xf32, #tpu.memory_space<vmem>> -> memref<1x128x128xf32, #tpu.memory_space<vmem>>
      %dma_start3A_31 = tpu.memref_squeeze %dma_start3A_30 : memref<1x128x128xf32, #tpu.memory_space<vmem>> -> memref<128x128xf32, #tpu.memory_space<vmem>>
      %dma_start3A_32 = arith.constant 0 : i32
      %dma_start3A_33 = tpu.memref_slice %arg6[%dma_start3A, %dma_start3A_32] : memref<48x128xi32, #tpu.memory_space<vmem>> -> memref<1x128xi32, #tpu.memory_space<vmem>>
      %dma_start3A_34 = tpu.memref_squeeze %dma_start3A_33 : memref<1x128xi32, #tpu.memory_space<vmem>> -> memref<128xi32, #tpu.memory_space<vmem>>
      %dma_start3A_35 = arith.constant 0 : i32
      %dma_start3A_36 = arith.constant 0 : i32
      %dma_start3A_37 = tpu.memref_slice %arg2[%dma_start3A_35, %dma_start3A_36] : memref<10000x128xf32, #tpu.memory_space<hbm>> -> memref<10000x128xf32, #tpu.memory_space<hbm>>
      tpu.enqueue_indirect_dma source(%dma_start3A_37 : memref<10000x128xf32, #tpu.memory_space<hbm>>) target(%dma_start3A_31 : memref<128x128xf32, #tpu.memory_space<vmem>>) offsets(%dma_start3A_34 : memref<128xi32, #tpu.memory_space<vmem>>) semaphore(%arg10 : memref<!tpu.dma_semaphore, #tpu.memory_space<semaphore_mem>>)
      %scan3A_38 = arith.constant 0 : i32
      %scan3A_39 = arith.constant 24 : i32
      %scan3A_40 = arith.addi %scan3A_38, %scan3A_39 : i32
      %scan3A_41 = arith.constant 1 : i32
      scf.for %scan3A_81 = %scan3A_38 to %scan3A_40 step %scan3A_41  : i32 {
        %mul3A_82 = arith.constant 2 : i32
        %mul3A_83 = arith.muli %scan3A_81, %mul3A_82 : i32
        %add3A_84 = arith.constant 0 : i32
        %add3A_85 = arith.addi %add3A_84, %mul3A_83 : i32
        %add3A_86 = arith.constant 1 : i32
        %add3A_87 = arith.addi %add3A_85, %add3A_86 : i32
        %dma_start3A_88 = arith.constant 1 : i32
        %dma_start3A_89 = arith.constant 0 : i32
        %dma_start3A_90 = arith.constant 0 : i32
        %dma_start3A_91 = tpu.memref_slice %arg8[%dma_start3A_88, %dma_start3A_89, %dma_start3A_90] : memref<2x128x128xf32, #tpu.memory_space<vmem>> -> memref<1x128x128xf32, #tpu.memory_space<vmem>>
        %dma_start3A_92 = tpu.memref_squeeze %dma_start3A_91 : memref<1x128x128xf32, #tpu.memory_space<vmem>> -> memref<128x128xf32, #tpu.memory_space<vmem>>
        %dma_start3A_93 = arith.constant 0 : i32
        %dma_start3A_94 = tpu.memref_slice %arg6[%add3A_87, %dma_start3A_93] : memref<48x128xi32, #tpu.memory_space<vmem>> -> memref<1x128xi32, #tpu.memory_space<vmem>>
        %dma_start3A_95 = tpu.memref_squeeze %dma_start3A_94 : memref<1x128xi32, #tpu.memory_space<vmem>> -> memref<128xi32, #tpu.memory_space<vmem>>
        %dma_start3A_96 = arith.constant 0 : i32
        %dma_start3A_97 = arith.constant 0 : i32
        %dma_start3A_98 = tpu.memref_slice %arg2[%dma_start3A_96, %dma_start3A_97] : memref<10000x128xf32, #tpu.memory_space<hbm>> -> memref<10000x128xf32, #tpu.memory_space<hbm>>
        tpu.enqueue_indirect_dma source(%dma_start3A_98 : memref<10000x128xf32, #tpu.memory_space<hbm>>) target(%dma_start3A_92 : memref<128x128xf32, #tpu.memory_space<vmem>>) offsets(%dma_start3A_95 : memref<128xi32, #tpu.memory_space<vmem>>) semaphore(%arg11 : memref<!tpu.dma_semaphore, #tpu.memory_space<semaphore_mem>>)
        %dma_wait3A = arith.constant 0 : i32
        %dma_wait3A_99 = arith.constant 0 : i32
        %dma_wait3A_100 = arith.constant 0 : i32
        %dma_wait3A_101 = tpu.memref_slice %arg8[%dma_wait3A, %dma_wait3A_99, %dma_wait3A_100] : memref<2x128x128xf32, #tpu.memory_space<vmem>> -> memref<1x128x128xf32, #tpu.memory_space<vmem>>
        %dma_wait3A_102 = tpu.memref_squeeze %dma_wait3A_101 : memref<1x128x128xf32, #tpu.memory_space<vmem>> -> memref<128x128xf32, #tpu.memory_space<vmem>>
        %dma_wait3A_103 = arith.constant 0 : i32
        %dma_wait3A_104 = tpu.memref_slice %arg6[%add3A_85, %dma_wait3A_103] : memref<48x128xi32, #tpu.memory_space<vmem>> -> memref<1x128xi32, #tpu.memory_space<vmem>>
        %dma_wait3A_105 = tpu.memref_squeeze %dma_wait3A_104 : memref<1x128xi32, #tpu.memory_space<vmem>> -> memref<128xi32, #tpu.memory_space<vmem>>
        %dma_wait3A_106 = arith.constant 0 : i32
        %dma_wait3A_107 = arith.constant 0 : i32
        %dma_wait3A_108 = tpu.memref_slice %arg2[%dma_wait3A_106, %dma_wait3A_107] : memref<10000x128xf32, #tpu.memory_space<hbm>> -> memref<10000x128xf32, #tpu.memory_space<hbm>>
        tpu.wait_indirect_dma semaphore(%arg10 : memref<!tpu.dma_semaphore, #tpu.memory_space<semaphore_mem>>) src(%dma_wait3A_108 : memref<10000x128xf32, #tpu.memory_space<hbm>>) dst(%dma_wait3A_102 : memref<128x128xf32, #tpu.memory_space<vmem>>)
        %run_scoped3A_109 = arith.constant 0 : i32
        "tpu.region"() ({
          %run_scoped3A_132 = tpu.sem_alloc : memref<!tpu.dma_semaphore, #tpu.memory_space<semaphore_mem>>
          %dma_start3A_133 = arith.constant 0 : i32
          %dma_start3A_134 = arith.constant 0 : i32
          %dma_start3A_135 = tpu.memref_slice %arg8[%run_scoped3A_109, %dma_start3A_133, %dma_start3A_134] : memref<2x128x128xf32, #tpu.memory_space<vmem>> -> memref<1x128x128xf32, #tpu.memory_space<vmem>>
          %dma_start3A_136 = tpu.memref_squeeze %dma_start3A_135 : memref<1x128x128xf32, #tpu.memory_space<vmem>> -> memref<128x128xf32, #tpu.memory_space<vmem>>
          %dma_start3A_137 = arith.constant 0 : i32
          %dma_start3A_138 = tpu.memref_slice %arg7[%add3A_85, %dma_start3A_137] : memref<48x128xi32, #tpu.memory_space<vmem>> -> memref<1x128xi32, #tpu.memory_space<vmem>>
          %dma_start3A_139 = tpu.memref_squeeze %dma_start3A_138 : memref<1x128xi32, #tpu.memory_space<vmem>> -> memref<128xi32, #tpu.memory_space<vmem>>
          %dma_start3A_140 = arith.constant 0 : i32
          %dma_start3A_141 = arith.constant 0 : i32
          %dma_start3A_142 = tpu.memref_slice %arg9[%dma_start3A_140, %dma_start3A_141] : memref<10112x128xf32, #tpu.memory_space<vmem_shared>> -> memref<10112x128xf32, #tpu.memory_space<vmem_shared>>
          tpu.enqueue_indirect_dma source(%dma_start3A_136 : memref<128x128xf32, #tpu.memory_space<vmem>>) target(%dma_start3A_142 : memref<10112x128xf32, #tpu.memory_space<vmem_shared>>) offsets(%dma_start3A_139 : memref<128xi32, #tpu.memory_space<vmem>>) semaphore(%run_scoped3A_132 : memref<!tpu.dma_semaphore, #tpu.memory_space<semaphore_mem>>) {add = true}
          %dma_wait3A_143 = arith.constant 0 : i32
          %dma_wait3A_144 = arith.constant 0 : i32
          %dma_wait3A_145 = tpu.memref_slice %arg8[%run_scoped3A_109, %dma_wait3A_143, %dma_wait3A_144] : memref<2x128x128xf32, #tpu.memory_space<vmem>> -> memref<1x128x128xf32, #tpu.memory_space<vmem>>
          %dma_wait3A_146 = tpu.memref_squeeze %dma_wait3A_145 : memref<1x128x128xf32, #tpu.memory_space<vmem>> -> memref<128x128xf32, #tpu.memory_space<vmem>>
          %dma_wait3A_147 = arith.constant 0 : i32
          %dma_wait3A_148 = tpu.memref_slice %arg7[%add3A_85, %dma_wait3A_147] : memref<48x128xi32, #tpu.memory_space<vmem>> -> memref<1x128xi32, #tpu.memory_space<vmem>>
          %dma_wait3A_149 = tpu.memref_squeeze %dma_wait3A_148 : memref<1x128xi32, #tpu.memory_space<vmem>> -> memref<128xi32, #tpu.memory_space<vmem>>
          %dma_wait3A_150 = arith.constant 0 : i32
          %dma_wait3A_151 = arith.constant 0 : i32
          %dma_wait3A_152 = tpu.memref_slice %arg9[%dma_wait3A_150, %dma_wait3A_151] : memref<10112x128xf32, #tpu.memory_space<vmem_shared>> -> memref<10112x128xf32, #tpu.memory_space<vmem_shared>>
          tpu.wait_indirect_dma semaphore(%run_scoped3A_132 : memref<!tpu.dma_semaphore, #tpu.memory_space<semaphore_mem>>) src(%dma_wait3A_146 : memref<128x128xf32, #tpu.memory_space<vmem>>) dst(%dma_wait3A_152 : memref<10112x128xf32, #tpu.memory_space<vmem_shared>>)
          tpu.yield
        }) : () -> ()
        %add3A_110 = arith.constant 2 : i32
        %add3A_111 = arith.addi %add3A_85, %add3A_110 : i32
        %lt3A = arith.constant 48 : i32
        %lt3A_112 = arith.cmpi slt, %add3A_111, %lt3A : i32
        %convert_element_type3A_113 = arith.extui %lt3A_112 : i1 to i32
        %cond3A_114 = arith.constant 0 : i32
        %cond3A_115 = arith.cmpi ne, %convert_element_type3A_113, %cond3A_114 : i32
        scf.if %cond3A_115 {
          %add3A_132 = arith.constant 2 : i32
          %add3A_133 = arith.addi %add3A_85, %add3A_132 : i32
          %dma_start3A_134 = arith.constant 0 : i32
          %dma_start3A_135 = arith.constant 0 : i32
          %dma_start3A_136 = arith.constant 0 : i32
          %dma_start3A_137 = tpu.memref_slice %arg8[%dma_start3A_134, %dma_start3A_135, %dma_start3A_136] : memref<2x128x128xf32, #tpu.memory_space<vmem>> -> memref<1x128x128xf32, #tpu.memory_space<vmem>>
          %dma_start3A_138 = tpu.memref_squeeze %dma_start3A_137 : memref<1x128x128xf32, #tpu.memory_space<vmem>> -> memref<128x128xf32, #tpu.memory_space<vmem>>
          %dma_start3A_139 = arith.constant 0 : i32
          %dma_start3A_140 = tpu.memref_slice %arg6[%add3A_133, %dma_start3A_139] : memref<48x128xi32, #tpu.memory_space<vmem>> -> memref<1x128xi32, #tpu.memory_space<vmem>>
          %dma_start3A_141 = tpu.memref_squeeze %dma_start3A_140 : memref<1x128xi32, #tpu.memory_space<vmem>> -> memref<128xi32, #tpu.memory_space<vmem>>
          %dma_start3A_142 = arith.constant 0 : i32
          %dma_start3A_143 = arith.constant 0 : i32
          %dma_start3A_144 = tpu.memref_slice %arg2[%dma_start3A_142, %dma_start3A_143] : memref<10000x128xf32, #tpu.memory_space<hbm>> -> memref<10000x128xf32, #tpu.memory_space<hbm>>
          tpu.enqueue_indirect_dma source(%dma_start3A_144 : memref<10000x128xf32, #tpu.memory_space<hbm>>) target(%dma_start3A_138 : memref<128x128xf32, #tpu.memory_space<vmem>>) offsets(%dma_start3A_141 : memref<128xi32, #tpu.memory_space<vmem>>) semaphore(%arg10 : memref<!tpu.dma_semaphore, #tpu.memory_space<semaphore_mem>>)
        } else {
        }
        %add3A_116 = arith.constant 1 : i32
        %add3A_117 = arith.addi %add3A_85, %add3A_116 : i32
        %dma_wait3A_118 = arith.constant 1 : i32
        %dma_wait3A_119 = arith.constant 0 : i32
        %dma_wait3A_120 = arith.constant 0 : i32
        %dma_wait3A_121 = tpu.memref_slice %arg8[%dma_wait3A_118, %dma_wait3A_119, %dma_wait3A_120] : memref<2x128x128xf32, #tpu.memory_space<vmem>> -> memref<1x128x128xf32, #tpu.memory_space<vmem>>
        %dma_wait3A_122 = tpu.memref_squeeze %dma_wait3A_121 : memref<1x128x128xf32, #tpu.memory_space<vmem>> -> memref<128x128xf32, #tpu.memory_space<vmem>>
        %dma_wait3A_123 = arith.constant 0 : i32
        %dma_wait3A_124 = tpu.memref_slice %arg6[%add3A_117, %dma_wait3A_123] : memref<48x128xi32, #tpu.memory_space<vmem>> -> memref<1x128xi32, #tpu.memory_space<vmem>>
        %dma_wait3A_125 = tpu.memref_squeeze %dma_wait3A_124 : memref<1x128xi32, #tpu.memory_space<vmem>> -> memref<128xi32, #tpu.memory_space<vmem>>
        %dma_wait3A_126 = arith.constant 0 : i32
        %dma_wait3A_127 = arith.constant 0 : i32
        %dma_wait3A_128 = tpu.memref_slice %arg2[%dma_wait3A_126, %dma_wait3A_127] : memref<10000x128xf32, #tpu.memory_space<hbm>> -> memref<10000x128xf32, #tpu.memory_space<hbm>>
        tpu.wait_indirect_dma semaphore(%arg11 : memref<!tpu.dma_semaphore, #tpu.memory_space<semaphore_mem>>) src(%dma_wait3A_128 : memref<10000x128xf32, #tpu.memory_space<hbm>>) dst(%dma_wait3A_122 : memref<128x128xf32, #tpu.memory_space<vmem>>)
        %add3A_129 = arith.constant 1 : i32
        %add3A_130 = arith.addi %add3A_85, %add3A_129 : i32
        %run_scoped3A_131 = arith.constant 1 : i32
        "tpu.region"() ({
          %run_scoped3A_132 = tpu.sem_alloc : memref<!tpu.dma_semaphore, #tpu.memory_space<semaphore_mem>>
          %dma_start3A_133 = arith.constant 0 : i32
          %dma_start3A_134 = arith.constant 0 : i32
          %dma_start3A_135 = tpu.memref_slice %arg8[%run_scoped3A_131, %dma_start3A_133, %dma_start3A_134] : memref<2x128x128xf32, #tpu.memory_space<vmem>> -> memref<1x128x128xf32, #tpu.memory_space<vmem>>
          %dma_start3A_136 = tpu.memref_squeeze %dma_start3A_135 : memref<1x128x128xf32, #tpu.memory_space<vmem>> -> memref<128x128xf32, #tpu.memory_space<vmem>>
          %dma_start3A_137 = arith.constant 0 : i32
          %dma_start3A_138 = tpu.memref_slice %arg7[%add3A_130, %dma_start3A_137] : memref<48x128xi32, #tpu.memory_space<vmem>> -> memref<1x128xi32, #tpu.memory_space<vmem>>
          %dma_start3A_139 = tpu.memref_squeeze %dma_start3A_138 : memref<1x128xi32, #tpu.memory_space<vmem>> -> memref<128xi32, #tpu.memory_space<vmem>>
          %dma_start3A_140 = arith.constant 0 : i32
          %dma_start3A_141 = arith.constant 0 : i32
          %dma_start3A_142 = tpu.memref_slice %arg9[%dma_start3A_140, %dma_start3A_141] : memref<10112x128xf32, #tpu.memory_space<vmem_shared>> -> memref<10112x128xf32, #tpu.memory_space<vmem_shared>>
          tpu.enqueue_indirect_dma source(%dma_start3A_136 : memref<128x128xf32, #tpu.memory_space<vmem>>) target(%dma_start3A_142 : memref<10112x128xf32, #tpu.memory_space<vmem_shared>>) offsets(%dma_start3A_139 : memref<128xi32, #tpu.memory_space<vmem>>) semaphore(%run_scoped3A_132 : memref<!tpu.dma_semaphore, #tpu.memory_space<semaphore_mem>>) {add = true}
          %dma_wait3A_143 = arith.constant 0 : i32
          %dma_wait3A_144 = arith.constant 0 : i32
          %dma_wait3A_145 = tpu.memref_slice %arg8[%run_scoped3A_131, %dma_wait3A_143, %dma_wait3A_144] : memref<2x128x128xf32, #tpu.memory_space<vmem>> -> memref<1x128x128xf32, #tpu.memory_space<vmem>>
          %dma_wait3A_146 = tpu.memref_squeeze %dma_wait3A_145 : memref<1x128x128xf32, #tpu.memory_space<vmem>> -> memref<128x128xf32, #tpu.memory_space<vmem>>
          %dma_wait3A_147 = arith.constant 0 : i32
          %dma_wait3A_148 = tpu.memref_slice %arg7[%add3A_130, %dma_wait3A_147] : memref<48x128xi32, #tpu.memory_space<vmem>> -> memref<1x128xi32, #tpu.memory_space<vmem>>
          %dma_wait3A_149 = tpu.memref_squeeze %dma_wait3A_148 : memref<1x128xi32, #tpu.memory_space<vmem>> -> memref<128xi32, #tpu.memory_space<vmem>>
          %dma_wait3A_150 = arith.constant 0 : i32
          %dma_wait3A_151 = arith.constant 0 : i32
          %dma_wait3A_152 = tpu.memref_slice %arg9[%dma_wait3A_150, %dma_wait3A_151] : memref<10112x128xf32, #tpu.memory_space<vmem_shared>> -> memref<10112x128xf32, #tpu.memory_space<vmem_shared>>
          tpu.wait_indirect_dma semaphore(%run_scoped3A_132 : memref<!tpu.dma_semaphore, #tpu.memory_space<semaphore_mem>>) src(%dma_wait3A_146 : memref<128x128xf32, #tpu.memory_space<vmem>>) dst(%dma_wait3A_152 : memref<10112x128xf32, #tpu.memory_space<vmem_shared>>)
          tpu.yield
        }) : () -> ()
      }
      %scan3A_42 = arith.constant 24 : i32
      %add3A_43 = arith.constant 48 : i32
      %add3A_44 = arith.addi %mul3A_24, %add3A_43 : i32
      "tpu.region"() ({
        %run_scoped3A_81 = tpu.sem_alloc : memref<!tpu.dma_semaphore, #tpu.memory_space<semaphore_mem>>
        %dma_start3A_82 = arith.constant 0 : i32
        %dma_start3A_83 = arith.constant 0 : i32
        %dma_start3A_84 = tpu.memref_slice %arg6[%dma_start3A_82, %dma_start3A_83] : memref<48x128xi32, #tpu.memory_space<vmem>> -> memref<48x128xi32, #tpu.memory_space<vmem>>
        %dma_start3A_85 = arith.constant 0 : i32
        %dma_start3A_86 = tpu.memref_slice %arg3[%add3A_44, %dma_start3A_85] : memref<2560x128xi32, #tpu.memory_space<hbm>> -> memref<48x128xi32, #tpu.memory_space<hbm>>
        %dma_start3A_87 = arith.constant 0 : i32
        %dma_start3A_88 = arith.constant 0 : i32
        %dma_start3A_89 = tpu.memref_slice %arg6[%dma_start3A_87, %dma_start3A_88] : memref<48x128xi32, #tpu.memory_space<vmem>> -> memref<48x128xi32, #tpu.memory_space<vmem>>
        %dma_start3A_90 = arith.constant 0 : i32
        %dma_start3A_91 = tpu.memref_slice %arg3[%add3A_44, %dma_start3A_90] : memref<2560x128xi32, #tpu.memory_space<hbm>> -> memref<48x128xi32, #tpu.memory_space<hbm>>
        tpu.enqueue_dma source(%dma_start3A_91 : memref<48x128xi32, #tpu.memory_space<hbm>>) target(%dma_start3A_89 : memref<48x128xi32, #tpu.memory_space<vmem>>) target_semaphore(%run_scoped3A_81 : memref<!tpu.dma_semaphore, #tpu.memory_space<semaphore_mem>>)
        %dma_wait3A = arith.constant 0 : i32
        %dma_wait3A_92 = arith.constant 0 : i32
        %dma_wait3A_93 = tpu.memref_slice %arg6[%dma_wait3A, %dma_wait3A_92] : memref<48x128xi32, #tpu.memory_space<vmem>> -> memref<48x128xi32, #tpu.memory_space<vmem>>
        %dma_wait3A_94 = arith.constant 0 : i32
        %dma_wait3A_95 = tpu.memref_slice %arg3[%add3A_44, %dma_wait3A_94] : memref<2560x128xi32, #tpu.memory_space<hbm>> -> memref<48x128xi32, #tpu.memory_space<hbm>>
        %dma_wait3A_96 = arith.constant 0 : i32
        %dma_wait3A_97 = arith.constant 0 : i32
        %dma_wait3A_98 = tpu.memref_slice %arg6[%dma_wait3A_96, %dma_wait3A_97] : memref<48x128xi32, #tpu.memory_space<vmem>> -> memref<48x128xi32, #tpu.memory_space<vmem>>
        %dma_wait3A_99 = arith.constant 0 : i32
        %dma_wait3A_100 = tpu.memref_slice %arg3[%add3A_44, %dma_wait3A_99] : memref<2560x128xi32, #tpu.memory_space<hbm>> -> memref<48x128xi32, #tpu.memory_space<hbm>>
        tpu.wait_dma2 semaphore(%run_scoped3A_81 : memref<!tpu.dma_semaphore, #tpu.memory_space<semaphore_mem>>) src(%dma_wait3A_100 : memref<48x128xi32, #tpu.memory_space<hbm>>) dst(%dma_wait3A_98 : memref<48x128xi32, #tpu.memory_space<vmem>>)
        tpu.yield
      }) : () -> ()
      "tpu.region"() ({
        %run_scoped3A_81 = tpu.sem_alloc : memref<!tpu.dma_semaphore, #tpu.memory_space<semaphore_mem>>
        %dma_start3A_82 = arith.constant 0 : i32
        %dma_start3A_83 = arith.constant 0 : i32
        %dma_start3A_84 = tpu.memref_slice %arg7[%dma_start3A_82, %dma_start3A_83] : memref<48x128xi32, #tpu.memory_space<vmem>> -> memref<48x128xi32, #tpu.memory_space<vmem>>
        %dma_start3A_85 = arith.constant 0 : i32
        %dma_start3A_86 = tpu.memref_slice %arg4[%add3A_44, %dma_start3A_85] : memref<2560x128xi32, #tpu.memory_space<hbm>> -> memref<48x128xi32, #tpu.memory_space<hbm>>
        %dma_start3A_87 = arith.constant 0 : i32
        %dma_start3A_88 = arith.constant 0 : i32
        %dma_start3A_89 = tpu.memref_slice %arg7[%dma_start3A_87, %dma_start3A_88] : memref<48x128xi32, #tpu.memory_space<vmem>> -> memref<48x128xi32, #tpu.memory_space<vmem>>
        %dma_start3A_90 = arith.constant 0 : i32
        %dma_start3A_91 = tpu.memref_slice %arg4[%add3A_44, %dma_start3A_90] : memref<2560x128xi32, #tpu.memory_space<hbm>> -> memref<48x128xi32, #tpu.memory_space<hbm>>
        tpu.enqueue_dma source(%dma_start3A_91 : memref<48x128xi32, #tpu.memory_space<hbm>>) target(%dma_start3A_89 : memref<48x128xi32, #tpu.memory_space<vmem>>) target_semaphore(%run_scoped3A_81 : memref<!tpu.dma_semaphore, #tpu.memory_space<semaphore_mem>>)
        %dma_wait3A = arith.constant 0 : i32
        %dma_wait3A_92 = arith.constant 0 : i32
        %dma_wait3A_93 = tpu.memref_slice %arg7[%dma_wait3A, %dma_wait3A_92] : memref<48x128xi32, #tpu.memory_space<vmem>> -> memref<48x128xi32, #tpu.memory_space<vmem>>
        %dma_wait3A_94 = arith.constant 0 : i32
        %dma_wait3A_95 = tpu.memref_slice %arg4[%add3A_44, %dma_wait3A_94] : memref<2560x128xi32, #tpu.memory_space<hbm>> -> memref<48x128xi32, #tpu.memory_space<hbm>>
        %dma_wait3A_96 = arith.constant 0 : i32
        %dma_wait3A_97 = arith.constant 0 : i32
        %dma_wait3A_98 = tpu.memref_slice %arg7[%dma_wait3A_96, %dma_wait3A_97] : memref<48x128xi32, #tpu.memory_space<vmem>> -> memref<48x128xi32, #tpu.memory_space<vmem>>
        %dma_wait3A_99 = arith.constant 0 : i32
        %dma_wait3A_100 = tpu.memref_slice %arg4[%add3A_44, %dma_wait3A_99] : memref<2560x128xi32, #tpu.memory_space<hbm>> -> memref<48x128xi32, #tpu.memory_space<hbm>>
        tpu.wait_dma2 semaphore(%run_scoped3A_81 : memref<!tpu.dma_semaphore, #tpu.memory_space<semaphore_mem>>) src(%dma_wait3A_100 : memref<48x128xi32, #tpu.memory_space<hbm>>) dst(%dma_wait3A_98 : memref<48x128xi32, #tpu.memory_space<vmem>>)
        tpu.yield
      }) : () -> ()
      %dma_start3A_45 = arith.constant 0 : i32
      %dma_start3A_46 = arith.constant 0 : i32
      %dma_start3A_47 = arith.constant 0 : i32
      %dma_start3A_48 = arith.constant 0 : i32
      %dma_start3A_49 = tpu.memref_slice %arg8[%dma_start3A_46, %dma_start3A_47, %dma_start3A_48] : memref<2x128x128xf32, #tpu.memory_space<vmem>> -> memref<1x128x128xf32, #tpu.memory_space<vmem>>
      %dma_start3A_50 = tpu.memref_squeeze %dma_start3A_49 : memref<1x128x128xf32, #tpu.memory_space<vmem>> -> memref<128x128xf32, #tpu.memory_space<vmem>>
      %dma_start3A_51 = arith.constant 0 : i32
      %dma_start3A_52 = tpu.memref_slice %arg6[%dma_start3A_45, %dma_start3A_51] : memref<48x128xi32, #tpu.memory_space<vmem>> -> memref<1x128xi32, #tpu.memory_space<vmem>>
      %dma_start3A_53 = tpu.memref_squeeze %dma_start3A_52 : memref<1x128xi32, #tpu.memory_space<vmem>> -> memref<128xi32, #tpu.memory_space<vmem>>
      %dma_start3A_54 = arith.constant 0 : i32
      %dma_start3A_55 = arith.constant 0 : i32
      %dma_start3A_56 = tpu.memref_slice %arg2[%dma_start3A_54, %dma_start3A_55] : memref<10000x128xf32, #tpu.memory_space<hbm>> -> memref<10000x128xf32, #tpu.memory_space<hbm>>
      tpu.enqueue_indirect_dma source(%dma_start3A_56 : memref<10000x128xf32, #tpu.memory_space<hbm>>) target(%dma_start3A_50 : memref<128x128xf32, #tpu.memory_space<vmem>>) offsets(%dma_start3A_53 : memref<128xi32, #tpu.memory_space<vmem>>) semaphore(%arg10 : memref<!tpu.dma_semaphore, #tpu.memory_space<semaphore_mem>>)
      %scan3A_57 = arith.constant 0 : i32
      %scan3A_58 = arith.constant 24 : i32
      %scan3A_59 = arith.addi %scan3A_57, %scan3A_58 : i32
      %scan3A_60 = arith.constant 1 : i32
      scf.for %scan3A_81 = %scan3A_57 to %scan3A_59 step %scan3A_60  : i32 {
        %mul3A_82 = arith.constant 2 : i32
        %mul3A_83 = arith.muli %scan3A_81, %mul3A_82 : i32
        %add3A_84 = arith.constant 0 : i32
        %add3A_85 = arith.addi %add3A_84, %mul3A_83 : i32
        %add3A_86 = arith.constant 1 : i32
        %add3A_87 = arith.addi %add3A_85, %add3A_86 : i32
        %dma_start3A_88 = arith.constant 1 : i32
        %dma_start3A_89 = arith.constant 0 : i32
        %dma_start3A_90 = arith.constant 0 : i32
        %dma_start3A_91 = tpu.memref_slice %arg8[%dma_start3A_88, %dma_start3A_89, %dma_start3A_90] : memref<2x128x128xf32, #tpu.memory_space<vmem>> -> memref<1x128x128xf32, #tpu.memory_space<vmem>>
        %dma_start3A_92 = tpu.memref_squeeze %dma_start3A_91 : memref<1x128x128xf32, #tpu.memory_space<vmem>> -> memref<128x128xf32, #tpu.memory_space<vmem>>
        %dma_start3A_93 = arith.constant 0 : i32
        %dma_start3A_94 = tpu.memref_slice %arg6[%add3A_87, %dma_start3A_93] : memref<48x128xi32, #tpu.memory_space<vmem>> -> memref<1x128xi32, #tpu.memory_space<vmem>>
        %dma_start3A_95 = tpu.memref_squeeze %dma_start3A_94 : memref<1x128xi32, #tpu.memory_space<vmem>> -> memref<128xi32, #tpu.memory_space<vmem>>
        %dma_start3A_96 = arith.constant 0 : i32
        %dma_start3A_97 = arith.constant 0 : i32
        %dma_start3A_98 = tpu.memref_slice %arg2[%dma_start3A_96, %dma_start3A_97] : memref<10000x128xf32, #tpu.memory_space<hbm>> -> memref<10000x128xf32, #tpu.memory_space<hbm>>
        tpu.enqueue_indirect_dma source(%dma_start3A_98 : memref<10000x128xf32, #tpu.memory_space<hbm>>) target(%dma_start3A_92 : memref<128x128xf32, #tpu.memory_space<vmem>>) offsets(%dma_start3A_95 : memref<128xi32, #tpu.memory_space<vmem>>) semaphore(%arg11 : memref<!tpu.dma_semaphore, #tpu.memory_space<semaphore_mem>>)
        %dma_wait3A = arith.constant 0 : i32
        %dma_wait3A_99 = arith.constant 0 : i32
        %dma_wait3A_100 = arith.constant 0 : i32
        %dma_wait3A_101 = tpu.memref_slice %arg8[%dma_wait3A, %dma_wait3A_99, %dma_wait3A_100] : memref<2x128x128xf32, #tpu.memory_space<vmem>> -> memref<1x128x128xf32, #tpu.memory_space<vmem>>
        %dma_wait3A_102 = tpu.memref_squeeze %dma_wait3A_101 : memref<1x128x128xf32, #tpu.memory_space<vmem>> -> memref<128x128xf32, #tpu.memory_space<vmem>>
        %dma_wait3A_103 = arith.constant 0 : i32
        %dma_wait3A_104 = tpu.memref_slice %arg6[%add3A_85, %dma_wait3A_103] : memref<48x128xi32, #tpu.memory_space<vmem>> -> memref<1x128xi32, #tpu.memory_space<vmem>>
        %dma_wait3A_105 = tpu.memref_squeeze %dma_wait3A_104 : memref<1x128xi32, #tpu.memory_space<vmem>> -> memref<128xi32, #tpu.memory_space<vmem>>
        %dma_wait3A_106 = arith.constant 0 : i32
        %dma_wait3A_107 = arith.constant 0 : i32
        %dma_wait3A_108 = tpu.memref_slice %arg2[%dma_wait3A_106, %dma_wait3A_107] : memref<10000x128xf32, #tpu.memory_space<hbm>> -> memref<10000x128xf32, #tpu.memory_space<hbm>>
        tpu.wait_indirect_dma semaphore(%arg10 : memref<!tpu.dma_semaphore, #tpu.memory_space<semaphore_mem>>) src(%dma_wait3A_108 : memref<10000x128xf32, #tpu.memory_space<hbm>>) dst(%dma_wait3A_102 : memref<128x128xf32, #tpu.memory_space<vmem>>)
        %run_scoped3A_109 = arith.constant 0 : i32
        "tpu.region"() ({
          %run_scoped3A_132 = tpu.sem_alloc : memref<!tpu.dma_semaphore, #tpu.memory_space<semaphore_mem>>
          %dma_start3A_133 = arith.constant 0 : i32
          %dma_start3A_134 = arith.constant 0 : i32
          %dma_start3A_135 = tpu.memref_slice %arg8[%run_scoped3A_109, %dma_start3A_133, %dma_start3A_134] : memref<2x128x128xf32, #tpu.memory_space<vmem>> -> memref<1x128x128xf32, #tpu.memory_space<vmem>>
          %dma_start3A_136 = tpu.memref_squeeze %dma_start3A_135 : memref<1x128x128xf32, #tpu.memory_space<vmem>> -> memref<128x128xf32, #tpu.memory_space<vmem>>
          %dma_start3A_137 = arith.constant 0 : i32
          %dma_start3A_138 = tpu.memref_slice %arg7[%add3A_85, %dma_start3A_137] : memref<48x128xi32, #tpu.memory_space<vmem>> -> memref<1x128xi32, #tpu.memory_space<vmem>>
          %dma_start3A_139 = tpu.memref_squeeze %dma_start3A_138 : memref<1x128xi32, #tpu.memory_space<vmem>> -> memref<128xi32, #tpu.memory_space<vmem>>
          %dma_start3A_140 = arith.constant 0 : i32
          %dma_start3A_141 = arith.constant 0 : i32
          %dma_start3A_142 = tpu.memref_slice %arg9[%dma_start3A_140, %dma_start3A_141] : memref<10112x128xf32, #tpu.memory_space<vmem_shared>> -> memref<10112x128xf32, #tpu.memory_space<vmem_shared>>
          tpu.enqueue_indirect_dma source(%dma_start3A_136 : memref<128x128xf32, #tpu.memory_space<vmem>>) target(%dma_start3A_142 : memref<10112x128xf32, #tpu.memory_space<vmem_shared>>) offsets(%dma_start3A_139 : memref<128xi32, #tpu.memory_space<vmem>>) semaphore(%run_scoped3A_132 : memref<!tpu.dma_semaphore, #tpu.memory_space<semaphore_mem>>) {add = true}
          %dma_wait3A_143 = arith.constant 0 : i32
          %dma_wait3A_144 = arith.constant 0 : i32
          %dma_wait3A_145 = tpu.memref_slice %arg8[%run_scoped3A_109, %dma_wait3A_143, %dma_wait3A_144] : memref<2x128x128xf32, #tpu.memory_space<vmem>> -> memref<1x128x128xf32, #tpu.memory_space<vmem>>
          %dma_wait3A_146 = tpu.memref_squeeze %dma_wait3A_145 : memref<1x128x128xf32, #tpu.memory_space<vmem>> -> memref<128x128xf32, #tpu.memory_space<vmem>>
          %dma_wait3A_147 = arith.constant 0 : i32
          %dma_wait3A_148 = tpu.memref_slice %arg7[%add3A_85, %dma_wait3A_147] : memref<48x128xi32, #tpu.memory_space<vmem>> -> memref<1x128xi32, #tpu.memory_space<vmem>>
          %dma_wait3A_149 = tpu.memref_squeeze %dma_wait3A_148 : memref<1x128xi32, #tpu.memory_space<vmem>> -> memref<128xi32, #tpu.memory_space<vmem>>
          %dma_wait3A_150 = arith.constant 0 : i32
          %dma_wait3A_151 = arith.constant 0 : i32
          %dma_wait3A_152 = tpu.memref_slice %arg9[%dma_wait3A_150, %dma_wait3A_151] : memref<10112x128xf32, #tpu.memory_space<vmem_shared>> -> memref<10112x128xf32, #tpu.memory_space<vmem_shared>>
          tpu.wait_indirect_dma semaphore(%run_scoped3A_132 : memref<!tpu.dma_semaphore, #tpu.memory_space<semaphore_mem>>) src(%dma_wait3A_146 : memref<128x128xf32, #tpu.memory_space<vmem>>) dst(%dma_wait3A_152 : memref<10112x128xf32, #tpu.memory_space<vmem_shared>>)
          tpu.yield
        }) : () -> ()
        %add3A_110 = arith.constant 2 : i32
        %add3A_111 = arith.addi %add3A_85, %add3A_110 : i32
        %lt3A = arith.constant 48 : i32
        %lt3A_112 = arith.cmpi slt, %add3A_111, %lt3A : i32
        %convert_element_type3A_113 = arith.extui %lt3A_112 : i1 to i32
        %cond3A_114 = arith.constant 0 : i32
        %cond3A_115 = arith.cmpi ne, %convert_element_type3A_113, %cond3A_114 : i32
        scf.if %cond3A_115 {
          %add3A_132 = arith.constant 2 : i32
          %add3A_133 = arith.addi %add3A_85, %add3A_132 : i32
          %dma_start3A_134 = arith.constant 0 : i32
          %dma_start3A_135 = arith.constant 0 : i32
          %dma_start3A_136 = arith.constant 0 : i32
          %dma_start3A_137 = tpu.memref_slice %arg8[%dma_start3A_134, %dma_start3A_135, %dma_start3A_136] : memref<2x128x128xf32, #tpu.memory_space<vmem>> -> memref<1x128x128xf32, #tpu.memory_space<vmem>>
          %dma_start3A_138 = tpu.memref_squeeze %dma_start3A_137 : memref<1x128x128xf32, #tpu.memory_space<vmem>> -> memref<128x128xf32, #tpu.memory_space<vmem>>
          %dma_start3A_139 = arith.constant 0 : i32
          %dma_start3A_140 = tpu.memref_slice %arg6[%add3A_133, %dma_start3A_139] : memref<48x128xi32, #tpu.memory_space<vmem>> -> memref<1x128xi32, #tpu.memory_space<vmem>>
          %dma_start3A_141 = tpu.memref_squeeze %dma_start3A_140 : memref<1x128xi32, #tpu.memory_space<vmem>> -> memref<128xi32, #tpu.memory_space<vmem>>
          %dma_start3A_142 = arith.constant 0 : i32
          %dma_start3A_143 = arith.constant 0 : i32
          %dma_start3A_144 = tpu.memref_slice %arg2[%dma_start3A_142, %dma_start3A_143] : memref<10000x128xf32, #tpu.memory_space<hbm>> -> memref<10000x128xf32, #tpu.memory_space<hbm>>
          tpu.enqueue_indirect_dma source(%dma_start3A_144 : memref<10000x128xf32, #tpu.memory_space<hbm>>) target(%dma_start3A_138 : memref<128x128xf32, #tpu.memory_space<vmem>>) offsets(%dma_start3A_141 : memref<128xi32, #tpu.memory_space<vmem>>) semaphore(%arg10 : memref<!tpu.dma_semaphore, #tpu.memory_space<semaphore_mem>>)
        } else {
        }
        %add3A_116 = arith.constant 1 : i32
        %add3A_117 = arith.addi %add3A_85, %add3A_116 : i32
        %dma_wait3A_118 = arith.constant 1 : i32
        %dma_wait3A_119 = arith.constant 0 : i32
        %dma_wait3A_120 = arith.constant 0 : i32
        %dma_wait3A_121 = tpu.memref_slice %arg8[%dma_wait3A_118, %dma_wait3A_119, %dma_wait3A_120] : memref<2x128x128xf32, #tpu.memory_space<vmem>> -> memref<1x128x128xf32, #tpu.memory_space<vmem>>
        %dma_wait3A_122 = tpu.memref_squeeze %dma_wait3A_121 : memref<1x128x128xf32, #tpu.memory_space<vmem>> -> memref<128x128xf32, #tpu.memory_space<vmem>>
        %dma_wait3A_123 = arith.constant 0 : i32
        %dma_wait3A_124 = tpu.memref_slice %arg6[%add3A_117, %dma_wait3A_123] : memref<48x128xi32, #tpu.memory_space<vmem>> -> memref<1x128xi32, #tpu.memory_space<vmem>>
        %dma_wait3A_125 = tpu.memref_squeeze %dma_wait3A_124 : memref<1x128xi32, #tpu.memory_space<vmem>> -> memref<128xi32, #tpu.memory_space<vmem>>
        %dma_wait3A_126 = arith.constant 0 : i32
        %dma_wait3A_127 = arith.constant 0 : i32
        %dma_wait3A_128 = tpu.memref_slice %arg2[%dma_wait3A_126, %dma_wait3A_127] : memref<10000x128xf32, #tpu.memory_space<hbm>> -> memref<10000x128xf32, #tpu.memory_space<hbm>>
        tpu.wait_indirect_dma semaphore(%arg11 : memref<!tpu.dma_semaphore, #tpu.memory_space<semaphore_mem>>) src(%dma_wait3A_128 : memref<10000x128xf32, #tpu.memory_space<hbm>>) dst(%dma_wait3A_122 : memref<128x128xf32, #tpu.memory_space<vmem>>)
        %add3A_129 = arith.constant 1 : i32
        %add3A_130 = arith.addi %add3A_85, %add3A_129 : i32
        %run_scoped3A_131 = arith.constant 1 : i32
        "tpu.region"() ({
          %run_scoped3A_132 = tpu.sem_alloc : memref<!tpu.dma_semaphore, #tpu.memory_space<semaphore_mem>>
          %dma_start3A_133 = arith.constant 0 : i32
          %dma_start3A_134 = arith.constant 0 : i32
          %dma_start3A_135 = tpu.memref_slice %arg8[%run_scoped3A_131, %dma_start3A_133, %dma_start3A_134] : memref<2x128x128xf32, #tpu.memory_space<vmem>> -> memref<1x128x128xf32, #tpu.memory_space<vmem>>
          %dma_start3A_136 = tpu.memref_squeeze %dma_start3A_135 : memref<1x128x128xf32, #tpu.memory_space<vmem>> -> memref<128x128xf32, #tpu.memory_space<vmem>>
          %dma_start3A_137 = arith.constant 0 : i32
          %dma_start3A_138 = tpu.memref_slice %arg7[%add3A_130, %dma_start3A_137] : memref<48x128xi32, #tpu.memory_space<vmem>> -> memref<1x128xi32, #tpu.memory_space<vmem>>
          %dma_start3A_139 = tpu.memref_squeeze %dma_start3A_138 : memref<1x128xi32, #tpu.memory_space<vmem>> -> memref<128xi32, #tpu.memory_space<vmem>>
          %dma_start3A_140 = arith.constant 0 : i32
          %dma_start3A_141 = arith.constant 0 : i32
          %dma_start3A_142 = tpu.memref_slice %arg9[%dma_start3A_140, %dma_start3A_141] : memref<10112x128xf32, #tpu.memory_space<vmem_shared>> -> memref<10112x128xf32, #tpu.memory_space<vmem_shared>>
          tpu.enqueue_indirect_dma source(%dma_start3A_136 : memref<128x128xf32, #tpu.memory_space<vmem>>) target(%dma_start3A_142 : memref<10112x128xf32, #tpu.memory_space<vmem_shared>>) offsets(%dma_start3A_139 : memref<128xi32, #tpu.memory_space<vmem>>) semaphore(%run_scoped3A_132 : memref<!tpu.dma_semaphore, #tpu.memory_space<semaphore_mem>>) {add = true}
          %dma_wait3A_143 = arith.constant 0 : i32
          %dma_wait3A_144 = arith.constant 0 : i32
          %dma_wait3A_145 = tpu.memref_slice %arg8[%run_scoped3A_131, %dma_wait3A_143, %dma_wait3A_144] : memref<2x128x128xf32, #tpu.memory_space<vmem>> -> memref<1x128x128xf32, #tpu.memory_space<vmem>>
          %dma_wait3A_146 = tpu.memref_squeeze %dma_wait3A_145 : memref<1x128x128xf32, #tpu.memory_space<vmem>> -> memref<128x128xf32, #tpu.memory_space<vmem>>
          %dma_wait3A_147 = arith.constant 0 : i32
          %dma_wait3A_148 = tpu.memref_slice %arg7[%add3A_130, %dma_wait3A_147] : memref<48x128xi32, #tpu.memory_space<vmem>> -> memref<1x128xi32, #tpu.memory_space<vmem>>
          %dma_wait3A_149 = tpu.memref_squeeze %dma_wait3A_148 : memref<1x128xi32, #tpu.memory_space<vmem>> -> memref<128xi32, #tpu.memory_space<vmem>>
          %dma_wait3A_150 = arith.constant 0 : i32
          %dma_wait3A_151 = arith.constant 0 : i32
          %dma_wait3A_152 = tpu.memref_slice %arg9[%dma_wait3A_150, %dma_wait3A_151] : memref<10112x128xf32, #tpu.memory_space<vmem_shared>> -> memref<10112x128xf32, #tpu.memory_space<vmem_shared>>
          tpu.wait_indirect_dma semaphore(%run_scoped3A_132 : memref<!tpu.dma_semaphore, #tpu.memory_space<semaphore_mem>>) src(%dma_wait3A_146 : memref<128x128xf32, #tpu.memory_space<vmem>>) dst(%dma_wait3A_152 : memref<10112x128xf32, #tpu.memory_space<vmem_shared>>)
          tpu.yield
        }) : () -> ()
      }
      %scan3A_61 = arith.constant 24 : i32
      %add3A_62 = arith.constant 96 : i32
      %add3A_63 = arith.addi %mul3A_24, %add3A_62 : i32
      "tpu.region"() ({
        %run_scoped3A_81 = tpu.sem_alloc : memref<!tpu.dma_semaphore, #tpu.memory_space<semaphore_mem>>
        %dma_start3A_82 = arith.constant 0 : i32
        %dma_start3A_83 = arith.constant 0 : i32
        %dma_start3A_84 = tpu.memref_slice %arg6[%dma_start3A_82, %dma_start3A_83] : memref<48x128xi32, #tpu.memory_space<vmem>> -> memref<48x128xi32, #tpu.memory_space<vmem>>
        %dma_start3A_85 = arith.constant 0 : i32
        %dma_start3A_86 = tpu.memref_slice %arg3[%add3A_63, %dma_start3A_85] : memref<2560x128xi32, #tpu.memory_space<hbm>> -> memref<48x128xi32, #tpu.memory_space<hbm>>
        %dma_start3A_87 = arith.constant 0 : i32
        %dma_start3A_88 = arith.constant 0 : i32
        %dma_start3A_89 = tpu.memref_slice %arg6[%dma_start3A_87, %dma_start3A_88] : memref<48x128xi32, #tpu.memory_space<vmem>> -> memref<48x128xi32, #tpu.memory_space<vmem>>
        %dma_start3A_90 = arith.constant 0 : i32
        %dma_start3A_91 = tpu.memref_slice %arg3[%add3A_63, %dma_start3A_90] : memref<2560x128xi32, #tpu.memory_space<hbm>> -> memref<48x128xi32, #tpu.memory_space<hbm>>
        tpu.enqueue_dma source(%dma_start3A_91 : memref<48x128xi32, #tpu.memory_space<hbm>>) target(%dma_start3A_89 : memref<48x128xi32, #tpu.memory_space<vmem>>) target_semaphore(%run_scoped3A_81 : memref<!tpu.dma_semaphore, #tpu.memory_space<semaphore_mem>>)
        %dma_wait3A = arith.constant 0 : i32
        %dma_wait3A_92 = arith.constant 0 : i32
        %dma_wait3A_93 = tpu.memref_slice %arg6[%dma_wait3A, %dma_wait3A_92] : memref<48x128xi32, #tpu.memory_space<vmem>> -> memref<48x128xi32, #tpu.memory_space<vmem>>
        %dma_wait3A_94 = arith.constant 0 : i32
        %dma_wait3A_95 = tpu.memref_slice %arg3[%add3A_63, %dma_wait3A_94] : memref<2560x128xi32, #tpu.memory_space<hbm>> -> memref<48x128xi32, #tpu.memory_space<hbm>>
        %dma_wait3A_96 = arith.constant 0 : i32
        %dma_wait3A_97 = arith.constant 0 : i32
        %dma_wait3A_98 = tpu.memref_slice %arg6[%dma_wait3A_96, %dma_wait3A_97] : memref<48x128xi32, #tpu.memory_space<vmem>> -> memref<48x128xi32, #tpu.memory_space<vmem>>
        %dma_wait3A_99 = arith.constant 0 : i32
        %dma_wait3A_100 = tpu.memref_slice %arg3[%add3A_63, %dma_wait3A_99] : memref<2560x128xi32, #tpu.memory_space<hbm>> -> memref<48x128xi32, #tpu.memory_space<hbm>>
        tpu.wait_dma2 semaphore(%run_scoped3A_81 : memref<!tpu.dma_semaphore, #tpu.memory_space<semaphore_mem>>) src(%dma_wait3A_100 : memref<48x128xi32, #tpu.memory_space<hbm>>) dst(%dma_wait3A_98 : memref<48x128xi32, #tpu.memory_space<vmem>>)
        tpu.yield
      }) : () -> ()
      "tpu.region"() ({
        %run_scoped3A_81 = tpu.sem_alloc : memref<!tpu.dma_semaphore, #tpu.memory_space<semaphore_mem>>
        %dma_start3A_82 = arith.constant 0 : i32
        %dma_start3A_83 = arith.constant 0 : i32
        %dma_start3A_84 = tpu.memref_slice %arg7[%dma_start3A_82, %dma_start3A_83] : memref<48x128xi32, #tpu.memory_space<vmem>> -> memref<48x128xi32, #tpu.memory_space<vmem>>
        %dma_start3A_85 = arith.constant 0 : i32
        %dma_start3A_86 = tpu.memref_slice %arg4[%add3A_63, %dma_start3A_85] : memref<2560x128xi32, #tpu.memory_space<hbm>> -> memref<48x128xi32, #tpu.memory_space<hbm>>
        %dma_start3A_87 = arith.constant 0 : i32
        %dma_start3A_88 = arith.constant 0 : i32
        %dma_start3A_89 = tpu.memref_slice %arg7[%dma_start3A_87, %dma_start3A_88] : memref<48x128xi32, #tpu.memory_space<vmem>> -> memref<48x128xi32, #tpu.memory_space<vmem>>
        %dma_start3A_90 = arith.constant 0 : i32
        %dma_start3A_91 = tpu.memref_slice %arg4[%add3A_63, %dma_start3A_90] : memref<2560x128xi32, #tpu.memory_space<hbm>> -> memref<48x128xi32, #tpu.memory_space<hbm>>
        tpu.enqueue_dma source(%dma_start3A_91 : memref<48x128xi32, #tpu.memory_space<hbm>>) target(%dma_start3A_89 : memref<48x128xi32, #tpu.memory_space<vmem>>) target_semaphore(%run_scoped3A_81 : memref<!tpu.dma_semaphore, #tpu.memory_space<semaphore_mem>>)
        %dma_wait3A = arith.constant 0 : i32
        %dma_wait3A_92 = arith.constant 0 : i32
        %dma_wait3A_93 = tpu.memref_slice %arg7[%dma_wait3A, %dma_wait3A_92] : memref<48x128xi32, #tpu.memory_space<vmem>> -> memref<48x128xi32, #tpu.memory_space<vmem>>
        %dma_wait3A_94 = arith.constant 0 : i32
        %dma_wait3A_95 = tpu.memref_slice %arg4[%add3A_63, %dma_wait3A_94] : memref<2560x128xi32, #tpu.memory_space<hbm>> -> memref<48x128xi32, #tpu.memory_space<hbm>>
        %dma_wait3A_96 = arith.constant 0 : i32
        %dma_wait3A_97 = arith.constant 0 : i32
        %dma_wait3A_98 = tpu.memref_slice %arg7[%dma_wait3A_96, %dma_wait3A_97] : memref<48x128xi32, #tpu.memory_space<vmem>> -> memref<48x128xi32, #tpu.memory_space<vmem>>
        %dma_wait3A_99 = arith.constant 0 : i32
        %dma_wait3A_100 = tpu.memref_slice %arg4[%add3A_63, %dma_wait3A_99] : memref<2560x128xi32, #tpu.memory_space<hbm>> -> memref<48x128xi32, #tpu.memory_space<hbm>>
        tpu.wait_dma2 semaphore(%run_scoped3A_81 : memref<!tpu.dma_semaphore, #tpu.memory_space<semaphore_mem>>) src(%dma_wait3A_100 : memref<48x128xi32, #tpu.memory_space<hbm>>) dst(%dma_wait3A_98 : memref<48x128xi32, #tpu.memory_space<vmem>>)
        tpu.yield
      }) : () -> ()
      %dma_start3A_64 = arith.constant 0 : i32
      %dma_start3A_65 = arith.constant 0 : i32
      %dma_start3A_66 = arith.constant 0 : i32
      %dma_start3A_67 = arith.constant 0 : i32
      %dma_start3A_68 = tpu.memref_slice %arg8[%dma_start3A_65, %dma_start3A_66, %dma_start3A_67] : memref<2x128x128xf32, #tpu.memory_space<vmem>> -> memref<1x128x128xf32, #tpu.memory_space<vmem>>
      %dma_start3A_69 = tpu.memref_squeeze %dma_start3A_68 : memref<1x128x128xf32, #tpu.memory_space<vmem>> -> memref<128x128xf32, #tpu.memory_space<vmem>>
      %dma_start3A_70 = arith.constant 0 : i32
      %dma_start3A_71 = tpu.memref_slice %arg6[%dma_start3A_64, %dma_start3A_70] : memref<48x128xi32, #tpu.memory_space<vmem>> -> memref<1x128xi32, #tpu.memory_space<vmem>>
      %dma_start3A_72 = tpu.memref_squeeze %dma_start3A_71 : memref<1x128xi32, #tpu.memory_space<vmem>> -> memref<128xi32, #tpu.memory_space<vmem>>
      %dma_start3A_73 = arith.constant 0 : i32
      %dma_start3A_74 = arith.constant 0 : i32
      %dma_start3A_75 = tpu.memref_slice %arg2[%dma_start3A_73, %dma_start3A_74] : memref<10000x128xf32, #tpu.memory_space<hbm>> -> memref<10000x128xf32, #tpu.memory_space<hbm>>
      tpu.enqueue_indirect_dma source(%dma_start3A_75 : memref<10000x128xf32, #tpu.memory_space<hbm>>) target(%dma_start3A_69 : memref<128x128xf32, #tpu.memory_space<vmem>>) offsets(%dma_start3A_72 : memref<128xi32, #tpu.memory_space<vmem>>) semaphore(%arg10 : memref<!tpu.dma_semaphore, #tpu.memory_space<semaphore_mem>>)
      %scan3A_76 = arith.constant 0 : i32
      %scan3A_77 = arith.constant 24 : i32
      %scan3A_78 = arith.addi %scan3A_76, %scan3A_77 : i32
      %scan3A_79 = arith.constant 1 : i32
      scf.for %scan3A_81 = %scan3A_76 to %scan3A_78 step %scan3A_79  : i32 {
        %mul3A_82 = arith.constant 2 : i32
        %mul3A_83 = arith.muli %scan3A_81, %mul3A_82 : i32
        %add3A_84 = arith.constant 0 : i32
        %add3A_85 = arith.addi %add3A_84, %mul3A_83 : i32
        %add3A_86 = arith.constant 1 : i32
        %add3A_87 = arith.addi %add3A_85, %add3A_86 : i32
        %dma_start3A_88 = arith.constant 1 : i32
        %dma_start3A_89 = arith.constant 0 : i32
        %dma_start3A_90 = arith.constant 0 : i32
        %dma_start3A_91 = tpu.memref_slice %arg8[%dma_start3A_88, %dma_start3A_89, %dma_start3A_90] : memref<2x128x128xf32, #tpu.memory_space<vmem>> -> memref<1x128x128xf32, #tpu.memory_space<vmem>>
        %dma_start3A_92 = tpu.memref_squeeze %dma_start3A_91 : memref<1x128x128xf32, #tpu.memory_space<vmem>> -> memref<128x128xf32, #tpu.memory_space<vmem>>
        %dma_start3A_93 = arith.constant 0 : i32
        %dma_start3A_94 = tpu.memref_slice %arg6[%add3A_87, %dma_start3A_93] : memref<48x128xi32, #tpu.memory_space<vmem>> -> memref<1x128xi32, #tpu.memory_space<vmem>>
        %dma_start3A_95 = tpu.memref_squeeze %dma_start3A_94 : memref<1x128xi32, #tpu.memory_space<vmem>> -> memref<128xi32, #tpu.memory_space<vmem>>
        %dma_start3A_96 = arith.constant 0 : i32
        %dma_start3A_97 = arith.constant 0 : i32
        %dma_start3A_98 = tpu.memref_slice %arg2[%dma_start3A_96, %dma_start3A_97] : memref<10000x128xf32, #tpu.memory_space<hbm>> -> memref<10000x128xf32, #tpu.memory_space<hbm>>
        tpu.enqueue_indirect_dma source(%dma_start3A_98 : memref<10000x128xf32, #tpu.memory_space<hbm>>) target(%dma_start3A_92 : memref<128x128xf32, #tpu.memory_space<vmem>>) offsets(%dma_start3A_95 : memref<128xi32, #tpu.memory_space<vmem>>) semaphore(%arg11 : memref<!tpu.dma_semaphore, #tpu.memory_space<semaphore_mem>>)
        %dma_wait3A = arith.constant 0 : i32
        %dma_wait3A_99 = arith.constant 0 : i32
        %dma_wait3A_100 = arith.constant 0 : i32
        %dma_wait3A_101 = tpu.memref_slice %arg8[%dma_wait3A, %dma_wait3A_99, %dma_wait3A_100] : memref<2x128x128xf32, #tpu.memory_space<vmem>> -> memref<1x128x128xf32, #tpu.memory_space<vmem>>
        %dma_wait3A_102 = tpu.memref_squeeze %dma_wait3A_101 : memref<1x128x128xf32, #tpu.memory_space<vmem>> -> memref<128x128xf32, #tpu.memory_space<vmem>>
        %dma_wait3A_103 = arith.constant 0 : i32
        %dma_wait3A_104 = tpu.memref_slice %arg6[%add3A_85, %dma_wait3A_103] : memref<48x128xi32, #tpu.memory_space<vmem>> -> memref<1x128xi32, #tpu.memory_space<vmem>>
        %dma_wait3A_105 = tpu.memref_squeeze %dma_wait3A_104 : memref<1x128xi32, #tpu.memory_space<vmem>> -> memref<128xi32, #tpu.memory_space<vmem>>
        %dma_wait3A_106 = arith.constant 0 : i32
        %dma_wait3A_107 = arith.constant 0 : i32
        %dma_wait3A_108 = tpu.memref_slice %arg2[%dma_wait3A_106, %dma_wait3A_107] : memref<10000x128xf32, #tpu.memory_space<hbm>> -> memref<10000x128xf32, #tpu.memory_space<hbm>>
        tpu.wait_indirect_dma semaphore(%arg10 : memref<!tpu.dma_semaphore, #tpu.memory_space<semaphore_mem>>) src(%dma_wait3A_108 : memref<10000x128xf32, #tpu.memory_space<hbm>>) dst(%dma_wait3A_102 : memref<128x128xf32, #tpu.memory_space<vmem>>)
        %run_scoped3A_109 = arith.constant 0 : i32
        "tpu.region"() ({
          %run_scoped3A_132 = tpu.sem_alloc : memref<!tpu.dma_semaphore, #tpu.memory_space<semaphore_mem>>
          %dma_start3A_133 = arith.constant 0 : i32
          %dma_start3A_134 = arith.constant 0 : i32
          %dma_start3A_135 = tpu.memref_slice %arg8[%run_scoped3A_109, %dma_start3A_133, %dma_start3A_134] : memref<2x128x128xf32, #tpu.memory_space<vmem>> -> memref<1x128x128xf32, #tpu.memory_space<vmem>>
          %dma_start3A_136 = tpu.memref_squeeze %dma_start3A_135 : memref<1x128x128xf32, #tpu.memory_space<vmem>> -> memref<128x128xf32, #tpu.memory_space<vmem>>
          %dma_start3A_137 = arith.constant 0 : i32
          %dma_start3A_138 = tpu.memref_slice %arg7[%add3A_85, %dma_start3A_137] : memref<48x128xi32, #tpu.memory_space<vmem>> -> memref<1x128xi32, #tpu.memory_space<vmem>>
          %dma_start3A_139 = tpu.memref_squeeze %dma_start3A_138 : memref<1x128xi32, #tpu.memory_space<vmem>> -> memref<128xi32, #tpu.memory_space<vmem>>
          %dma_start3A_140 = arith.constant 0 : i32
          %dma_start3A_141 = arith.constant 0 : i32
          %dma_start3A_142 = tpu.memref_slice %arg9[%dma_start3A_140, %dma_start3A_141] : memref<10112x128xf32, #tpu.memory_space<vmem_shared>> -> memref<10112x128xf32, #tpu.memory_space<vmem_shared>>
          tpu.enqueue_indirect_dma source(%dma_start3A_136 : memref<128x128xf32, #tpu.memory_space<vmem>>) target(%dma_start3A_142 : memref<10112x128xf32, #tpu.memory_space<vmem_shared>>) offsets(%dma_start3A_139 : memref<128xi32, #tpu.memory_space<vmem>>) semaphore(%run_scoped3A_132 : memref<!tpu.dma_semaphore, #tpu.memory_space<semaphore_mem>>) {add = true}
          %dma_wait3A_143 = arith.constant 0 : i32
          %dma_wait3A_144 = arith.constant 0 : i32
          %dma_wait3A_145 = tpu.memref_slice %arg8[%run_scoped3A_109, %dma_wait3A_143, %dma_wait3A_144] : memref<2x128x128xf32, #tpu.memory_space<vmem>> -> memref<1x128x128xf32, #tpu.memory_space<vmem>>
          %dma_wait3A_146 = tpu.memref_squeeze %dma_wait3A_145 : memref<1x128x128xf32, #tpu.memory_space<vmem>> -> memref<128x128xf32, #tpu.memory_space<vmem>>
          %dma_wait3A_147 = arith.constant 0 : i32
          %dma_wait3A_148 = tpu.memref_slice %arg7[%add3A_85, %dma_wait3A_147] : memref<48x128xi32, #tpu.memory_space<vmem>> -> memref<1x128xi32, #tpu.memory_space<vmem>>
          %dma_wait3A_149 = tpu.memref_squeeze %dma_wait3A_148 : memref<1x128xi32, #tpu.memory_space<vmem>> -> memref<128xi32, #tpu.memory_space<vmem>>
          %dma_wait3A_150 = arith.constant 0 : i32
          %dma_wait3A_151 = arith.constant 0 : i32
          %dma_wait3A_152 = tpu.memref_slice %arg9[%dma_wait3A_150, %dma_wait3A_151] : memref<10112x128xf32, #tpu.memory_space<vmem_shared>> -> memref<10112x128xf32, #tpu.memory_space<vmem_shared>>
          tpu.wait_indirect_dma semaphore(%run_scoped3A_132 : memref<!tpu.dma_semaphore, #tpu.memory_space<semaphore_mem>>) src(%dma_wait3A_146 : memref<128x128xf32, #tpu.memory_space<vmem>>) dst(%dma_wait3A_152 : memref<10112x128xf32, #tpu.memory_space<vmem_shared>>)
          tpu.yield
        }) : () -> ()
        %add3A_110 = arith.constant 2 : i32
        %add3A_111 = arith.addi %add3A_85, %add3A_110 : i32
        %lt3A = arith.constant 48 : i32
        %lt3A_112 = arith.cmpi slt, %add3A_111, %lt3A : i32
        %convert_element_type3A_113 = arith.extui %lt3A_112 : i1 to i32
        %cond3A_114 = arith.constant 0 : i32
        %cond3A_115 = arith.cmpi ne, %convert_element_type3A_113, %cond3A_114 : i32
        scf.if %cond3A_115 {
          %add3A_132 = arith.constant 2 : i32
          %add3A_133 = arith.addi %add3A_85, %add3A_132 : i32
          %dma_start3A_134 = arith.constant 0 : i32
          %dma_start3A_135 = arith.constant 0 : i32
          %dma_start3A_136 = arith.constant 0 : i32
          %dma_start3A_137 = tpu.memref_slice %arg8[%dma_start3A_134, %dma_start3A_135, %dma_start3A_136] : memref<2x128x128xf32, #tpu.memory_space<vmem>> -> memref<1x128x128xf32, #tpu.memory_space<vmem>>
          %dma_start3A_138 = tpu.memref_squeeze %dma_start3A_137 : memref<1x128x128xf32, #tpu.memory_space<vmem>> -> memref<128x128xf32, #tpu.memory_space<vmem>>
          %dma_start3A_139 = arith.constant 0 : i32
          %dma_start3A_140 = tpu.memref_slice %arg6[%add3A_133, %dma_start3A_139] : memref<48x128xi32, #tpu.memory_space<vmem>> -> memref<1x128xi32, #tpu.memory_space<vmem>>
          %dma_start3A_141 = tpu.memref_squeeze %dma_start3A_140 : memref<1x128xi32, #tpu.memory_space<vmem>> -> memref<128xi32, #tpu.memory_space<vmem>>
          %dma_start3A_142 = arith.constant 0 : i32
          %dma_start3A_143 = arith.constant 0 : i32
          %dma_start3A_144 = tpu.memref_slice %arg2[%dma_start3A_142, %dma_start3A_143] : memref<10000x128xf32, #tpu.memory_space<hbm>> -> memref<10000x128xf32, #tpu.memory_space<hbm>>
          tpu.enqueue_indirect_dma source(%dma_start3A_144 : memref<10000x128xf32, #tpu.memory_space<hbm>>) target(%dma_start3A_138 : memref<128x128xf32, #tpu.memory_space<vmem>>) offsets(%dma_start3A_141 : memref<128xi32, #tpu.memory_space<vmem>>) semaphore(%arg10 : memref<!tpu.dma_semaphore, #tpu.memory_space<semaphore_mem>>)
        } else {
        }
        %add3A_116 = arith.constant 1 : i32
        %add3A_117 = arith.addi %add3A_85, %add3A_116 : i32
        %dma_wait3A_118 = arith.constant 1 : i32
        %dma_wait3A_119 = arith.constant 0 : i32
        %dma_wait3A_120 = arith.constant 0 : i32
        %dma_wait3A_121 = tpu.memref_slice %arg8[%dma_wait3A_118, %dma_wait3A_119, %dma_wait3A_120] : memref<2x128x128xf32, #tpu.memory_space<vmem>> -> memref<1x128x128xf32, #tpu.memory_space<vmem>>
        %dma_wait3A_122 = tpu.memref_squeeze %dma_wait3A_121 : memref<1x128x128xf32, #tpu.memory_space<vmem>> -> memref<128x128xf32, #tpu.memory_space<vmem>>
        %dma_wait3A_123 = arith.constant 0 : i32
        %dma_wait3A_124 = tpu.memref_slice %arg6[%add3A_117, %dma_wait3A_123] : memref<48x128xi32, #tpu.memory_space<vmem>> -> memref<1x128xi32, #tpu.memory_space<vmem>>
        %dma_wait3A_125 = tpu.memref_squeeze %dma_wait3A_124 : memref<1x128xi32, #tpu.memory_space<vmem>> -> memref<128xi32, #tpu.memory_space<vmem>>
        %dma_wait3A_126 = arith.constant 0 : i32
        %dma_wait3A_127 = arith.constant 0 : i32
        %dma_wait3A_128 = tpu.memref_slice %arg2[%dma_wait3A_126, %dma_wait3A_127] : memref<10000x128xf32, #tpu.memory_space<hbm>> -> memref<10000x128xf32, #tpu.memory_space<hbm>>
        tpu.wait_indirect_dma semaphore(%arg11 : memref<!tpu.dma_semaphore, #tpu.memory_space<semaphore_mem>>) src(%dma_wait3A_128 : memref<10000x128xf32, #tpu.memory_space<hbm>>) dst(%dma_wait3A_122 : memref<128x128xf32, #tpu.memory_space<vmem>>)
        %add3A_129 = arith.constant 1 : i32
        %add3A_130 = arith.addi %add3A_85, %add3A_129 : i32
        %run_scoped3A_131 = arith.constant 1 : i32
        "tpu.region"() ({
          %run_scoped3A_132 = tpu.sem_alloc : memref<!tpu.dma_semaphore, #tpu.memory_space<semaphore_mem>>
          %dma_start3A_133 = arith.constant 0 : i32
          %dma_start3A_134 = arith.constant 0 : i32
          %dma_start3A_135 = tpu.memref_slice %arg8[%run_scoped3A_131, %dma_start3A_133, %dma_start3A_134] : memref<2x128x128xf32, #tpu.memory_space<vmem>> -> memref<1x128x128xf32, #tpu.memory_space<vmem>>
          %dma_start3A_136 = tpu.memref_squeeze %dma_start3A_135 : memref<1x128x128xf32, #tpu.memory_space<vmem>> -> memref<128x128xf32, #tpu.memory_space<vmem>>
          %dma_start3A_137 = arith.constant 0 : i32
          %dma_start3A_138 = tpu.memref_slice %arg7[%add3A_130, %dma_start3A_137] : memref<48x128xi32, #tpu.memory_space<vmem>> -> memref<1x128xi32, #tpu.memory_space<vmem>>
          %dma_start3A_139 = tpu.memref_squeeze %dma_start3A_138 : memref<1x128xi32, #tpu.memory_space<vmem>> -> memref<128xi32, #tpu.memory_space<vmem>>
          %dma_start3A_140 = arith.constant 0 : i32
          %dma_start3A_141 = arith.constant 0 : i32
          %dma_start3A_142 = tpu.memref_slice %arg9[%dma_start3A_140, %dma_start3A_141] : memref<10112x128xf32, #tpu.memory_space<vmem_shared>> -> memref<10112x128xf32, #tpu.memory_space<vmem_shared>>
          tpu.enqueue_indirect_dma source(%dma_start3A_136 : memref<128x128xf32, #tpu.memory_space<vmem>>) target(%dma_start3A_142 : memref<10112x128xf32, #tpu.memory_space<vmem_shared>>) offsets(%dma_start3A_139 : memref<128xi32, #tpu.memory_space<vmem>>) semaphore(%run_scoped3A_132 : memref<!tpu.dma_semaphore, #tpu.memory_space<semaphore_mem>>) {add = true}
          %dma_wait3A_143 = arith.constant 0 : i32
          %dma_wait3A_144 = arith.constant 0 : i32
          %dma_wait3A_145 = tpu.memref_slice %arg8[%run_scoped3A_131, %dma_wait3A_143, %dma_wait3A_144] : memref<2x128x128xf32, #tpu.memory_space<vmem>> -> memref<1x128x128xf32, #tpu.memory_space<vmem>>
          %dma_wait3A_146 = tpu.memref_squeeze %dma_wait3A_145 : memref<1x128x128xf32, #tpu.memory_space<vmem>> -> memref<128x128xf32, #tpu.memory_space<vmem>>
          %dma_wait3A_147 = arith.constant 0 : i32
          %dma_wait3A_148 = tpu.memref_slice %arg7[%add3A_130, %dma_wait3A_147] : memref<48x128xi32, #tpu.memory_space<vmem>> -> memref<1x128xi32, #tpu.memory_space<vmem>>
          %dma_wait3A_149 = tpu.memref_squeeze %dma_wait3A_148 : memref<1x128xi32, #tpu.memory_space<vmem>> -> memref<128xi32, #tpu.memory_space<vmem>>
          %dma_wait3A_150 = arith.constant 0 : i32
          %dma_wait3A_151 = arith.constant 0 : i32
          %dma_wait3A_152 = tpu.memref_slice %arg9[%dma_wait3A_150, %dma_wait3A_151] : memref<10112x128xf32, #tpu.memory_space<vmem_shared>> -> memref<10112x128xf32, #tpu.memory_space<vmem_shared>>
          tpu.wait_indirect_dma semaphore(%run_scoped3A_132 : memref<!tpu.dma_semaphore, #tpu.memory_space<semaphore_mem>>) src(%dma_wait3A_146 : memref<128x128xf32, #tpu.memory_space<vmem>>) dst(%dma_wait3A_152 : memref<10112x128xf32, #tpu.memory_space<vmem_shared>>)
          tpu.yield
        }) : () -> ()
      }
      %scan3A_80 = arith.constant 24 : i32
    } else {
    }
    %eq3A_13 = arith.constant 1 : i32
    %eq3A_14 = arith.cmpi eq, %arg0, %eq3A_13 : i32
    %convert_element_type3A_15 = arith.extui %eq3A_14 : i1 to i32
    %cond3A_16 = arith.constant 0 : i32
    %cond3A_17 = arith.cmpi ne, %convert_element_type3A_15, %cond3A_16 : i32
    scf.if %cond3A_17 {
      %mul3A_23 = arith.constant 16 : i32
      %mul3A_24 = arith.muli %arg1, %mul3A_23 : i32
      %add3A_25 = arith.constant 2304 : i32
      %add3A_26 = arith.addi %add3A_25, %mul3A_24 : i32
      %add3A_27 = arith.constant 0 : i32
      %add3A_28 = arith.addi %add3A_26, %add3A_27 : i32
      "tpu.region"() ({
        %run_scoped3A_45 = tpu.sem_alloc : memref<!tpu.dma_semaphore, #tpu.memory_space<semaphore_mem>>
        %dma_start3A_46 = arith.constant 0 : i32
        %dma_start3A_47 = arith.constant 0 : i32
        %dma_start3A_48 = tpu.memref_slice %arg6[%dma_start3A_46, %dma_start3A_47] : memref<48x128xi32, #tpu.memory_space<vmem>> -> memref<16x128xi32, #tpu.memory_space<vmem>>
        %dma_start3A_49 = arith.constant 0 : i32
        %dma_start3A_50 = tpu.memref_slice %arg3[%add3A_28, %dma_start3A_49] : memref<2560x128xi32, #tpu.memory_space<hbm>> -> memref<16x128xi32, #tpu.memory_space<hbm>>
        %dma_start3A_51 = arith.constant 0 : i32
        %dma_start3A_52 = arith.constant 0 : i32
        %dma_start3A_53 = tpu.memref_slice %arg6[%dma_start3A_51, %dma_start3A_52] : memref<48x128xi32, #tpu.memory_space<vmem>> -> memref<16x128xi32, #tpu.memory_space<vmem>>
        %dma_start3A_54 = arith.constant 0 : i32
        %dma_start3A_55 = tpu.memref_slice %arg3[%add3A_28, %dma_start3A_54] : memref<2560x128xi32, #tpu.memory_space<hbm>> -> memref<16x128xi32, #tpu.memory_space<hbm>>
        tpu.enqueue_dma source(%dma_start3A_55 : memref<16x128xi32, #tpu.memory_space<hbm>>) target(%dma_start3A_53 : memref<16x128xi32, #tpu.memory_space<vmem>>) target_semaphore(%run_scoped3A_45 : memref<!tpu.dma_semaphore, #tpu.memory_space<semaphore_mem>>)
        %dma_wait3A = arith.constant 0 : i32
        %dma_wait3A_56 = arith.constant 0 : i32
        %dma_wait3A_57 = tpu.memref_slice %arg6[%dma_wait3A, %dma_wait3A_56] : memref<48x128xi32, #tpu.memory_space<vmem>> -> memref<16x128xi32, #tpu.memory_space<vmem>>
        %dma_wait3A_58 = arith.constant 0 : i32
        %dma_wait3A_59 = tpu.memref_slice %arg3[%add3A_28, %dma_wait3A_58] : memref<2560x128xi32, #tpu.memory_space<hbm>> -> memref<16x128xi32, #tpu.memory_space<hbm>>
        %dma_wait3A_60 = arith.constant 0 : i32
        %dma_wait3A_61 = arith.constant 0 : i32
        %dma_wait3A_62 = tpu.memref_slice %arg6[%dma_wait3A_60, %dma_wait3A_61] : memref<48x128xi32, #tpu.memory_space<vmem>> -> memref<16x128xi32, #tpu.memory_space<vmem>>
        %dma_wait3A_63 = arith.constant 0 : i32
        %dma_wait3A_64 = tpu.memref_slice %arg3[%add3A_28, %dma_wait3A_63] : memref<2560x128xi32, #tpu.memory_space<hbm>> -> memref<16x128xi32, #tpu.memory_space<hbm>>
        tpu.wait_dma2 semaphore(%run_scoped3A_45 : memref<!tpu.dma_semaphore, #tpu.memory_space<semaphore_mem>>) src(%dma_wait3A_64 : memref<16x128xi32, #tpu.memory_space<hbm>>) dst(%dma_wait3A_62 : memref<16x128xi32, #tpu.memory_space<vmem>>)
        tpu.yield
      }) : () -> ()
      "tpu.region"() ({
        %run_scoped3A_45 = tpu.sem_alloc : memref<!tpu.dma_semaphore, #tpu.memory_space<semaphore_mem>>
        %dma_start3A_46 = arith.constant 0 : i32
        %dma_start3A_47 = arith.constant 0 : i32
        %dma_start3A_48 = tpu.memref_slice %arg7[%dma_start3A_46, %dma_start3A_47] : memref<48x128xi32, #tpu.memory_space<vmem>> -> memref<16x128xi32, #tpu.memory_space<vmem>>
        %dma_start3A_49 = arith.constant 0 : i32
        %dma_start3A_50 = tpu.memref_slice %arg4[%add3A_28, %dma_start3A_49] : memref<2560x128xi32, #tpu.memory_space<hbm>> -> memref<16x128xi32, #tpu.memory_space<hbm>>
        %dma_start3A_51 = arith.constant 0 : i32
        %dma_start3A_52 = arith.constant 0 : i32
        %dma_start3A_53 = tpu.memref_slice %arg7[%dma_start3A_51, %dma_start3A_52] : memref<48x128xi32, #tpu.memory_space<vmem>> -> memref<16x128xi32, #tpu.memory_space<vmem>>
        %dma_start3A_54 = arith.constant 0 : i32
        %dma_start3A_55 = tpu.memref_slice %arg4[%add3A_28, %dma_start3A_54] : memref<2560x128xi32, #tpu.memory_space<hbm>> -> memref<16x128xi32, #tpu.memory_space<hbm>>
        tpu.enqueue_dma source(%dma_start3A_55 : memref<16x128xi32, #tpu.memory_space<hbm>>) target(%dma_start3A_53 : memref<16x128xi32, #tpu.memory_space<vmem>>) target_semaphore(%run_scoped3A_45 : memref<!tpu.dma_semaphore, #tpu.memory_space<semaphore_mem>>)
        %dma_wait3A = arith.constant 0 : i32
        %dma_wait3A_56 = arith.constant 0 : i32
        %dma_wait3A_57 = tpu.memref_slice %arg7[%dma_wait3A, %dma_wait3A_56] : memref<48x128xi32, #tpu.memory_space<vmem>> -> memref<16x128xi32, #tpu.memory_space<vmem>>
        %dma_wait3A_58 = arith.constant 0 : i32
        %dma_wait3A_59 = tpu.memref_slice %arg4[%add3A_28, %dma_wait3A_58] : memref<2560x128xi32, #tpu.memory_space<hbm>> -> memref<16x128xi32, #tpu.memory_space<hbm>>
        %dma_wait3A_60 = arith.constant 0 : i32
        %dma_wait3A_61 = arith.constant 0 : i32
        %dma_wait3A_62 = tpu.memref_slice %arg7[%dma_wait3A_60, %dma_wait3A_61] : memref<48x128xi32, #tpu.memory_space<vmem>> -> memref<16x128xi32, #tpu.memory_space<vmem>>
        %dma_wait3A_63 = arith.constant 0 : i32
        %dma_wait3A_64 = tpu.memref_slice %arg4[%add3A_28, %dma_wait3A_63] : memref<2560x128xi32, #tpu.memory_space<hbm>> -> memref<16x128xi32, #tpu.memory_space<hbm>>
        tpu.wait_dma2 semaphore(%run_scoped3A_45 : memref<!tpu.dma_semaphore, #tpu.memory_space<semaphore_mem>>) src(%dma_wait3A_64 : memref<16x128xi32, #tpu.memory_space<hbm>>) dst(%dma_wait3A_62 : memref<16x128xi32, #tpu.memory_space<vmem>>)
        tpu.yield
      }) : () -> ()
      %dma_start3A = arith.constant 0 : i32
      %dma_start3A_29 = arith.constant 0 : i32
      %dma_start3A_30 = arith.constant 0 : i32
      %dma_start3A_31 = arith.constant 0 : i32
      %dma_start3A_32 = tpu.memref_slice %arg8[%dma_start3A_29, %dma_start3A_30, %dma_start3A_31] : memref<2x128x128xf32, #tpu.memory_space<vmem>> -> memref<1x128x128xf32, #tpu.memory_space<vmem>>
      %dma_start3A_33 = tpu.memref_squeeze %dma_start3A_32 : memref<1x128x128xf32, #tpu.memory_space<vmem>> -> memref<128x128xf32, #tpu.memory_space<vmem>>
      %dma_start3A_34 = arith.constant 0 : i32
      %dma_start3A_35 = tpu.memref_slice %arg6[%dma_start3A, %dma_start3A_34] : memref<48x128xi32, #tpu.memory_space<vmem>> -> memref<1x128xi32, #tpu.memory_space<vmem>>
      %dma_start3A_36 = tpu.memref_squeeze %dma_start3A_35 : memref<1x128xi32, #tpu.memory_space<vmem>> -> memref<128xi32, #tpu.memory_space<vmem>>
      %dma_start3A_37 = arith.constant 0 : i32
      %dma_start3A_38 = arith.constant 0 : i32
      %dma_start3A_39 = tpu.memref_slice %arg2[%dma_start3A_37, %dma_start3A_38] : memref<10000x128xf32, #tpu.memory_space<hbm>> -> memref<10000x128xf32, #tpu.memory_space<hbm>>
      tpu.enqueue_indirect_dma source(%dma_start3A_39 : memref<10000x128xf32, #tpu.memory_space<hbm>>) target(%dma_start3A_33 : memref<128x128xf32, #tpu.memory_space<vmem>>) offsets(%dma_start3A_36 : memref<128xi32, #tpu.memory_space<vmem>>) semaphore(%arg10 : memref<!tpu.dma_semaphore, #tpu.memory_space<semaphore_mem>>)
      %scan3A_40 = arith.constant 0 : i32
      %scan3A_41 = arith.constant 8 : i32
      %scan3A_42 = arith.addi %scan3A_40, %scan3A_41 : i32
      %scan3A_43 = arith.constant 1 : i32
      scf.for %scan3A_45 = %scan3A_40 to %scan3A_42 step %scan3A_43  : i32 {
        %mul3A_46 = arith.constant 2 : i32
        %mul3A_47 = arith.muli %scan3A_45, %mul3A_46 : i32
        %add3A_48 = arith.constant 0 : i32
        %add3A_49 = arith.addi %add3A_48, %mul3A_47 : i32
        %add3A_50 = arith.constant 1 : i32
        %add3A_51 = arith.addi %add3A_49, %add3A_50 : i32
        %dma_start3A_52 = arith.constant 1 : i32
        %dma_start3A_53 = arith.constant 0 : i32
        %dma_start3A_54 = arith.constant 0 : i32
        %dma_start3A_55 = tpu.memref_slice %arg8[%dma_start3A_52, %dma_start3A_53, %dma_start3A_54] : memref<2x128x128xf32, #tpu.memory_space<vmem>> -> memref<1x128x128xf32, #tpu.memory_space<vmem>>
        %dma_start3A_56 = tpu.memref_squeeze %dma_start3A_55 : memref<1x128x128xf32, #tpu.memory_space<vmem>> -> memref<128x128xf32, #tpu.memory_space<vmem>>
        %dma_start3A_57 = arith.constant 0 : i32
        %dma_start3A_58 = tpu.memref_slice %arg6[%add3A_51, %dma_start3A_57] : memref<48x128xi32, #tpu.memory_space<vmem>> -> memref<1x128xi32, #tpu.memory_space<vmem>>
        %dma_start3A_59 = tpu.memref_squeeze %dma_start3A_58 : memref<1x128xi32, #tpu.memory_space<vmem>> -> memref<128xi32, #tpu.memory_space<vmem>>
        %dma_start3A_60 = arith.constant 0 : i32
        %dma_start3A_61 = arith.constant 0 : i32
        %dma_start3A_62 = tpu.memref_slice %arg2[%dma_start3A_60, %dma_start3A_61] : memref<10000x128xf32, #tpu.memory_space<hbm>> -> memref<10000x128xf32, #tpu.memory_space<hbm>>
        tpu.enqueue_indirect_dma source(%dma_start3A_62 : memref<10000x128xf32, #tpu.memory_space<hbm>>) target(%dma_start3A_56 : memref<128x128xf32, #tpu.memory_space<vmem>>) offsets(%dma_start3A_59 : memref<128xi32, #tpu.memory_space<vmem>>) semaphore(%arg11 : memref<!tpu.dma_semaphore, #tpu.memory_space<semaphore_mem>>)
        %dma_wait3A = arith.constant 0 : i32
        %dma_wait3A_63 = arith.constant 0 : i32
        %dma_wait3A_64 = arith.constant 0 : i32
        %dma_wait3A_65 = tpu.memref_slice %arg8[%dma_wait3A, %dma_wait3A_63, %dma_wait3A_64] : memref<2x128x128xf32, #tpu.memory_space<vmem>> -> memref<1x128x128xf32, #tpu.memory_space<vmem>>
        %dma_wait3A_66 = tpu.memref_squeeze %dma_wait3A_65 : memref<1x128x128xf32, #tpu.memory_space<vmem>> -> memref<128x128xf32, #tpu.memory_space<vmem>>
        %dma_wait3A_67 = arith.constant 0 : i32
        %dma_wait3A_68 = tpu.memref_slice %arg6[%add3A_49, %dma_wait3A_67] : memref<48x128xi32, #tpu.memory_space<vmem>> -> memref<1x128xi32, #tpu.memory_space<vmem>>
        %dma_wait3A_69 = tpu.memref_squeeze %dma_wait3A_68 : memref<1x128xi32, #tpu.memory_space<vmem>> -> memref<128xi32, #tpu.memory_space<vmem>>
        %dma_wait3A_70 = arith.constant 0 : i32
        %dma_wait3A_71 = arith.constant 0 : i32
        %dma_wait3A_72 = tpu.memref_slice %arg2[%dma_wait3A_70, %dma_wait3A_71] : memref<10000x128xf32, #tpu.memory_space<hbm>> -> memref<10000x128xf32, #tpu.memory_space<hbm>>
        tpu.wait_indirect_dma semaphore(%arg10 : memref<!tpu.dma_semaphore, #tpu.memory_space<semaphore_mem>>) src(%dma_wait3A_72 : memref<10000x128xf32, #tpu.memory_space<hbm>>) dst(%dma_wait3A_66 : memref<128x128xf32, #tpu.memory_space<vmem>>)
        %run_scoped3A_73 = arith.constant 0 : i32
        "tpu.region"() ({
          %run_scoped3A_96 = tpu.sem_alloc : memref<!tpu.dma_semaphore, #tpu.memory_space<semaphore_mem>>
          %dma_start3A_97 = arith.constant 0 : i32
          %dma_start3A_98 = arith.constant 0 : i32
          %dma_start3A_99 = tpu.memref_slice %arg8[%run_scoped3A_73, %dma_start3A_97, %dma_start3A_98] : memref<2x128x128xf32, #tpu.memory_space<vmem>> -> memref<1x128x128xf32, #tpu.memory_space<vmem>>
          %dma_start3A_100 = tpu.memref_squeeze %dma_start3A_99 : memref<1x128x128xf32, #tpu.memory_space<vmem>> -> memref<128x128xf32, #tpu.memory_space<vmem>>
          %dma_start3A_101 = arith.constant 0 : i32
          %dma_start3A_102 = tpu.memref_slice %arg7[%add3A_49, %dma_start3A_101] : memref<48x128xi32, #tpu.memory_space<vmem>> -> memref<1x128xi32, #tpu.memory_space<vmem>>
          %dma_start3A_103 = tpu.memref_squeeze %dma_start3A_102 : memref<1x128xi32, #tpu.memory_space<vmem>> -> memref<128xi32, #tpu.memory_space<vmem>>
          %dma_start3A_104 = arith.constant 0 : i32
          %dma_start3A_105 = arith.constant 0 : i32
          %dma_start3A_106 = tpu.memref_slice %arg9[%dma_start3A_104, %dma_start3A_105] : memref<10112x128xf32, #tpu.memory_space<vmem_shared>> -> memref<10112x128xf32, #tpu.memory_space<vmem_shared>>
          tpu.enqueue_indirect_dma source(%dma_start3A_100 : memref<128x128xf32, #tpu.memory_space<vmem>>) target(%dma_start3A_106 : memref<10112x128xf32, #tpu.memory_space<vmem_shared>>) offsets(%dma_start3A_103 : memref<128xi32, #tpu.memory_space<vmem>>) semaphore(%run_scoped3A_96 : memref<!tpu.dma_semaphore, #tpu.memory_space<semaphore_mem>>) {add = true}
          %dma_wait3A_107 = arith.constant 0 : i32
          %dma_wait3A_108 = arith.constant 0 : i32
          %dma_wait3A_109 = tpu.memref_slice %arg8[%run_scoped3A_73, %dma_wait3A_107, %dma_wait3A_108] : memref<2x128x128xf32, #tpu.memory_space<vmem>> -> memref<1x128x128xf32, #tpu.memory_space<vmem>>
          %dma_wait3A_110 = tpu.memref_squeeze %dma_wait3A_109 : memref<1x128x128xf32, #tpu.memory_space<vmem>> -> memref<128x128xf32, #tpu.memory_space<vmem>>
          %dma_wait3A_111 = arith.constant 0 : i32
          %dma_wait3A_112 = tpu.memref_slice %arg7[%add3A_49, %dma_wait3A_111] : memref<48x128xi32, #tpu.memory_space<vmem>> -> memref<1x128xi32, #tpu.memory_space<vmem>>
          %dma_wait3A_113 = tpu.memref_squeeze %dma_wait3A_112 : memref<1x128xi32, #tpu.memory_space<vmem>> -> memref<128xi32, #tpu.memory_space<vmem>>
          %dma_wait3A_114 = arith.constant 0 : i32
          %dma_wait3A_115 = arith.constant 0 : i32
          %dma_wait3A_116 = tpu.memref_slice %arg9[%dma_wait3A_114, %dma_wait3A_115] : memref<10112x128xf32, #tpu.memory_space<vmem_shared>> -> memref<10112x128xf32, #tpu.memory_space<vmem_shared>>
          tpu.wait_indirect_dma semaphore(%run_scoped3A_96 : memref<!tpu.dma_semaphore, #tpu.memory_space<semaphore_mem>>) src(%dma_wait3A_110 : memref<128x128xf32, #tpu.memory_space<vmem>>) dst(%dma_wait3A_116 : memref<10112x128xf32, #tpu.memory_space<vmem_shared>>)
          tpu.yield
        }) : () -> ()
        %add3A_74 = arith.constant 2 : i32
        %add3A_75 = arith.addi %add3A_49, %add3A_74 : i32
        %lt3A = arith.constant 16 : i32
        %lt3A_76 = arith.cmpi slt, %add3A_75, %lt3A : i32
        %convert_element_type3A_77 = arith.extui %lt3A_76 : i1 to i32
        %cond3A_78 = arith.constant 0 : i32
        %cond3A_79 = arith.cmpi ne, %convert_element_type3A_77, %cond3A_78 : i32
        scf.if %cond3A_79 {
          %add3A_96 = arith.constant 2 : i32
          %add3A_97 = arith.addi %add3A_49, %add3A_96 : i32
          %dma_start3A_98 = arith.constant 0 : i32
          %dma_start3A_99 = arith.constant 0 : i32
          %dma_start3A_100 = arith.constant 0 : i32
          %dma_start3A_101 = tpu.memref_slice %arg8[%dma_start3A_98, %dma_start3A_99, %dma_start3A_100] : memref<2x128x128xf32, #tpu.memory_space<vmem>> -> memref<1x128x128xf32, #tpu.memory_space<vmem>>
          %dma_start3A_102 = tpu.memref_squeeze %dma_start3A_101 : memref<1x128x128xf32, #tpu.memory_space<vmem>> -> memref<128x128xf32, #tpu.memory_space<vmem>>
          %dma_start3A_103 = arith.constant 0 : i32
          %dma_start3A_104 = tpu.memref_slice %arg6[%add3A_97, %dma_start3A_103] : memref<48x128xi32, #tpu.memory_space<vmem>> -> memref<1x128xi32, #tpu.memory_space<vmem>>
          %dma_start3A_105 = tpu.memref_squeeze %dma_start3A_104 : memref<1x128xi32, #tpu.memory_space<vmem>> -> memref<128xi32, #tpu.memory_space<vmem>>
          %dma_start3A_106 = arith.constant 0 : i32
          %dma_start3A_107 = arith.constant 0 : i32
          %dma_start3A_108 = tpu.memref_slice %arg2[%dma_start3A_106, %dma_start3A_107] : memref<10000x128xf32, #tpu.memory_space<hbm>> -> memref<10000x128xf32, #tpu.memory_space<hbm>>
          tpu.enqueue_indirect_dma source(%dma_start3A_108 : memref<10000x128xf32, #tpu.memory_space<hbm>>) target(%dma_start3A_102 : memref<128x128xf32, #tpu.memory_space<vmem>>) offsets(%dma_start3A_105 : memref<128xi32, #tpu.memory_space<vmem>>) semaphore(%arg10 : memref<!tpu.dma_semaphore, #tpu.memory_space<semaphore_mem>>)
        } else {
        }
        %add3A_80 = arith.constant 1 : i32
        %add3A_81 = arith.addi %add3A_49, %add3A_80 : i32
        %dma_wait3A_82 = arith.constant 1 : i32
        %dma_wait3A_83 = arith.constant 0 : i32
        %dma_wait3A_84 = arith.constant 0 : i32
        %dma_wait3A_85 = tpu.memref_slice %arg8[%dma_wait3A_82, %dma_wait3A_83, %dma_wait3A_84] : memref<2x128x128xf32, #tpu.memory_space<vmem>> -> memref<1x128x128xf32, #tpu.memory_space<vmem>>
        %dma_wait3A_86 = tpu.memref_squeeze %dma_wait3A_85 : memref<1x128x128xf32, #tpu.memory_space<vmem>> -> memref<128x128xf32, #tpu.memory_space<vmem>>
        %dma_wait3A_87 = arith.constant 0 : i32
        %dma_wait3A_88 = tpu.memref_slice %arg6[%add3A_81, %dma_wait3A_87] : memref<48x128xi32, #tpu.memory_space<vmem>> -> memref<1x128xi32, #tpu.memory_space<vmem>>
        %dma_wait3A_89 = tpu.memref_squeeze %dma_wait3A_88 : memref<1x128xi32, #tpu.memory_space<vmem>> -> memref<128xi32, #tpu.memory_space<vmem>>
        %dma_wait3A_90 = arith.constant 0 : i32
        %dma_wait3A_91 = arith.constant 0 : i32
        %dma_wait3A_92 = tpu.memref_slice %arg2[%dma_wait3A_90, %dma_wait3A_91] : memref<10000x128xf32, #tpu.memory_space<hbm>> -> memref<10000x128xf32, #tpu.memory_space<hbm>>
        tpu.wait_indirect_dma semaphore(%arg11 : memref<!tpu.dma_semaphore, #tpu.memory_space<semaphore_mem>>) src(%dma_wait3A_92 : memref<10000x128xf32, #tpu.memory_space<hbm>>) dst(%dma_wait3A_86 : memref<128x128xf32, #tpu.memory_space<vmem>>)
        %add3A_93 = arith.constant 1 : i32
        %add3A_94 = arith.addi %add3A_49, %add3A_93 : i32
        %run_scoped3A_95 = arith.constant 1 : i32
        "tpu.region"() ({
          %run_scoped3A_96 = tpu.sem_alloc : memref<!tpu.dma_semaphore, #tpu.memory_space<semaphore_mem>>
          %dma_start3A_97 = arith.constant 0 : i32
          %dma_start3A_98 = arith.constant 0 : i32
          %dma_start3A_99 = tpu.memref_slice %arg8[%run_scoped3A_95, %dma_start3A_97, %dma_start3A_98] : memref<2x128x128xf32, #tpu.memory_space<vmem>> -> memref<1x128x128xf32, #tpu.memory_space<vmem>>
          %dma_start3A_100 = tpu.memref_squeeze %dma_start3A_99 : memref<1x128x128xf32, #tpu.memory_space<vmem>> -> memref<128x128xf32, #tpu.memory_space<vmem>>
          %dma_start3A_101 = arith.constant 0 : i32
          %dma_start3A_102 = tpu.memref_slice %arg7[%add3A_94, %dma_start3A_101] : memref<48x128xi32, #tpu.memory_space<vmem>> -> memref<1x128xi32, #tpu.memory_space<vmem>>
          %dma_start3A_103 = tpu.memref_squeeze %dma_start3A_102 : memref<1x128xi32, #tpu.memory_space<vmem>> -> memref<128xi32, #tpu.memory_space<vmem>>
          %dma_start3A_104 = arith.constant 0 : i32
          %dma_start3A_105 = arith.constant 0 : i32
          %dma_start3A_106 = tpu.memref_slice %arg9[%dma_start3A_104, %dma_start3A_105] : memref<10112x128xf32, #tpu.memory_space<vmem_shared>> -> memref<10112x128xf32, #tpu.memory_space<vmem_shared>>
          tpu.enqueue_indirect_dma source(%dma_start3A_100 : memref<128x128xf32, #tpu.memory_space<vmem>>) target(%dma_start3A_106 : memref<10112x128xf32, #tpu.memory_space<vmem_shared>>) offsets(%dma_start3A_103 : memref<128xi32, #tpu.memory_space<vmem>>) semaphore(%run_scoped3A_96 : memref<!tpu.dma_semaphore, #tpu.memory_space<semaphore_mem>>) {add = true}
          %dma_wait3A_107 = arith.constant 0 : i32
          %dma_wait3A_108 = arith.constant 0 : i32
          %dma_wait3A_109 = tpu.memref_slice %arg8[%run_scoped3A_95, %dma_wait3A_107, %dma_wait3A_108] : memref<2x128x128xf32, #tpu.memory_space<vmem>> -> memref<1x128x128xf32, #tpu.memory_space<vmem>>
          %dma_wait3A_110 = tpu.memref_squeeze %dma_wait3A_109 : memref<1x128x128xf32, #tpu.memory_space<vmem>> -> memref<128x128xf32, #tpu.memory_space<vmem>>
          %dma_wait3A_111 = arith.constant 0 : i32
          %dma_wait3A_112 = tpu.memref_slice %arg7[%add3A_94, %dma_wait3A_111] : memref<48x128xi32, #tpu.memory_space<vmem>> -> memref<1x128xi32, #tpu.memory_space<vmem>>
          %dma_wait3A_113 = tpu.memref_squeeze %dma_wait3A_112 : memref<1x128xi32, #tpu.memory_space<vmem>> -> memref<128xi32, #tpu.memory_space<vmem>>
          %dma_wait3A_114 = arith.constant 0 : i32
          %dma_wait3A_115 = arith.constant 0 : i32
          %dma_wait3A_116 = tpu.memref_slice %arg9[%dma_wait3A_114, %dma_wait3A_115] : memref<10112x128xf32, #tpu.memory_space<vmem_shared>> -> memref<10112x128xf32, #tpu.memory_space<vmem_shared>>
          tpu.wait_indirect_dma semaphore(%run_scoped3A_96 : memref<!tpu.dma_semaphore, #tpu.memory_space<semaphore_mem>>) src(%dma_wait3A_110 : memref<128x128xf32, #tpu.memory_space<vmem>>) dst(%dma_wait3A_116 : memref<10112x128xf32, #tpu.memory_space<vmem_shared>>)
          tpu.yield
        }) : () -> ()
      }
      %scan3A_44 = arith.constant 8 : i32
    } else {
    }
    %barrier3A_18 = arith.constant 0 : index
    tpu.barrier barrier_id(%barrier3A_18)
    %mul3A_19 = arith.constant 632 : i32
    %mul3A_20 = arith.muli %arg1, %mul3A_19 : i32
    %mul3A_21 = arith.constant 632 : i32
    %mul3A_22 = arith.muli %arg1, %mul3A_21 : i32
    "tpu.region"() ({
      %run_scoped3A_23 = tpu.sem_alloc : memref<!tpu.dma_semaphore, #tpu.memory_space<semaphore_mem>>
      %dma_start3A = arith.constant 0 : i32
      %dma_start3A_24 = tpu.memref_slice %arg5[%arg0, %mul3A_22, %dma_start3A] : memref<2x10112x128xf32, #tpu.memory_space<hbm>> -> memref<1x632x128xf32, #tpu.memory_space<hbm>>
      %dma_start3A_25 = tpu.memref_squeeze %dma_start3A_24 : memref<1x632x128xf32, #tpu.memory_space<hbm>> -> memref<632x128xf32, #tpu.memory_space<hbm>>
      %dma_start3A_26 = arith.constant 0 : i32
      %dma_start3A_27 = tpu.memref_slice %arg9[%mul3A_20, %dma_start3A_26] : memref<10112x128xf32, #tpu.memory_space<vmem_shared>> -> memref<632x128xf32, #tpu.memory_space<vmem_shared>>
      tpu.enqueue_dma source(%dma_start3A_27 : memref<632x128xf32, #tpu.memory_space<vmem_shared>>) target(%dma_start3A_25 : memref<632x128xf32, #tpu.memory_space<hbm>>) target_semaphore(%run_scoped3A_23 : memref<!tpu.dma_semaphore, #tpu.memory_space<semaphore_mem>>)
      %dma_wait3A = arith.constant 0 : i32
      %dma_wait3A_28 = tpu.memref_slice %arg5[%arg0, %mul3A_22, %dma_wait3A] : memref<2x10112x128xf32, #tpu.memory_space<hbm>> -> memref<1x632x128xf32, #tpu.memory_space<hbm>>
      %dma_wait3A_29 = tpu.memref_squeeze %dma_wait3A_28 : memref<1x632x128xf32, #tpu.memory_space<hbm>> -> memref<632x128xf32, #tpu.memory_space<hbm>>
      %dma_wait3A_30 = arith.constant 0 : i32
      %dma_wait3A_31 = tpu.memref_slice %arg9[%mul3A_20, %dma_wait3A_30] : memref<10112x128xf32, #tpu.memory_space<vmem_shared>> -> memref<632x128xf32, #tpu.memory_space<vmem_shared>>
      tpu.wait_dma2 semaphore(%run_scoped3A_23 : memref<!tpu.dma_semaphore, #tpu.memory_space<semaphore_mem>>) src(%dma_wait3A_31 : memref<632x128xf32, #tpu.memory_space<vmem_shared>>) dst(%dma_wait3A_29 : memref<632x128xf32, #tpu.memory_space<hbm>>)
      tpu.yield
    }) : () -> ()
    return
  }
}

#map = affine_map<(d0, d1) -> (0, 0)>
#map1 = affine_map<(d0, d1) -> (0, 0, 0)>
module attributes {stable_mosaic.version = 14 : i64} {
  func.func @sc_agg(%arg0: i32, %arg1: i32, %arg2: memref<10000x128xf32, #tpu.memory_space<hbm>>, %arg3: memref<2560x128xi32, #tpu.memory_space<hbm>>, %arg4: memref<2560x128xi32, #tpu.memory_space<hbm>>, %arg5: memref<2x10112x128xf32, #tpu.memory_space<hbm>>, %arg6: memref<48x128xi32, #tpu.memory_space<vmem>>, %arg7: memref<48x128xi32, #tpu.memory_space<vmem>>, %arg8: memref<2x128x128xf32, #tpu.memory_space<vmem>>, %arg9: memref<10112x128xf32, #tpu.memory_space<vmem_shared>>, %arg10: memref<!tpu.dma_semaphore, #tpu.memory_space<semaphore_mem>>, %arg11: memref<!tpu.dma_semaphore, #tpu.memory_space<semaphore_mem>>) attributes {dimension_semantics = [#tpu.dimension_semantics<core_parallel>, #tpu.dimension_semantics<subcore_parallel>], iteration_bounds = array<i64: 2, 16>, scalar_prefetch = 0 : i64, scratch_operands = 6 : i64, tpu.core_type = #tpu.core_type<sc_vector_subcore>, window_params = [{transform_indices = #map}, {transform_indices = #map}, {transform_indices = #map}, {transform_indices = #map1}]} {
    %scan3A = arith.constant 0 : i32
    %scan3A_0 = arith.constant 128 : i32
    %scan3A_1 = arith.addi %scan3A, %scan3A_0 : i32
    %scan3A_2 = arith.constant 1 : i32
    scf.for %scan3A_23 = %scan3A to %scan3A_1 step %scan3A_2  : i32 {
      %mul3A_24 = arith.constant 1 : i32
      %mul3A_25 = arith.muli %scan3A_23, %mul3A_24 : i32
      %add3A_26 = arith.constant 0 : i32
      %add3A_27 = arith.addi %add3A_26, %mul3A_25 : i32
      %broadcast_in_dim3A = arith.constant 0.000000e+00 : f32
      %broadcast_in_dim3A_28 = vector.broadcast %broadcast_in_dim3A : f32 to vector<16xf32>
      %swap3A = arith.constant 0 : i32
      %swap3A_29 = arith.index_cast %swap3A : i32 to index
      %swap3A_30 = arith.index_cast %add3A_27 : i32 to index
      %swap3A_31 = arith.constant 0 : index
      %swap3A_32 = tpu.vector_load %arg8[%swap3A_29, %swap3A_30, %swap3A_31] {strides = array<i32>} : memref<2x128x128xf32, #tpu.memory_space<vmem>>, vector<1x1x16xf32>,
      %swap3A_33 = vector.shape_cast %swap3A_32 : vector<1x1x16xf32> to vector<16xf32>
      %swap3A_34 = vector.shape_cast %broadcast_in_dim3A_28 : vector<16xf32> to vector<1x1x16xf32>
      tpu.vector_store %arg8[%swap3A_29, %swap3A_30, %swap3A_31], %swap3A_34 {strides = array<i32>} : memref<2x128x128xf32, #tpu.memory_space<vmem>>, vector<1x1x16xf32>,
      %broadcast_in_dim3A_35 = arith.constant 0.000000e+00 : f32
      %broadcast_in_dim3A_36 = vector.broadcast %broadcast_in_dim3A_35 : f32 to vector<16xf32>
      %swap3A_37 = arith.constant 0 : i32
      %swap3A_38 = arith.index_cast %swap3A_37 : i32 to index
      %swap3A_39 = arith.index_cast %add3A_27 : i32 to index
      %swap3A_40 = arith.constant 16 : index
      %swap3A_41 = tpu.vector_load %arg8[%swap3A_38, %swap3A_39, %swap3A_40] {strides = array<i32>} : memref<2x128x128xf32, #tpu.memory_space<vmem>>, vector<1x1x16xf32>,
      %swap3A_42 = vector.shape_cast %swap3A_41 : vector<1x1x16xf32> to vector<16xf32>
      %swap3A_43 = vector.shape_cast %broadcast_in_dim3A_36 : vector<16xf32> to vector<1x1x16xf32>
      tpu.vector_store %arg8[%swap3A_38, %swap3A_39, %swap3A_40], %swap3A_43 {strides = array<i32>} : memref<2x128x128xf32, #tpu.memory_space<vmem>>, vector<1x1x16xf32>,
      %broadcast_in_dim3A_44 = arith.constant 0.000000e+00 : f32
      %broadcast_in_dim3A_45 = vector.broadcast %broadcast_in_dim3A_44 : f32 to vector<16xf32>
      %swap3A_46 = arith.constant 0 : i32
      %swap3A_47 = arith.index_cast %swap3A_46 : i32 to index
      %swap3A_48 = arith.index_cast %add3A_27 : i32 to index
      %swap3A_49 = arith.constant 32 : index
      %swap3A_50 = tpu.vector_load %arg8[%swap3A_47, %swap3A_48, %swap3A_49] {strides = array<i32>} : memref<2x128x128xf32, #tpu.memory_space<vmem>>, vector<1x1x16xf32>,
      %swap3A_51 = vector.shape_cast %swap3A_50 : vector<1x1x16xf32> to vector<16xf32>
      %swap3A_52 = vector.shape_cast %broadcast_in_dim3A_45 : vector<16xf32> to vector<1x1x16xf32>
      tpu.vector_store %arg8[%swap3A_47, %swap3A_48, %swap3A_49], %swap3A_52 {strides = array<i32>} : memref<2x128x128xf32, #tpu.memory_space<vmem>>, vector<1x1x16xf32>,
      %broadcast_in_dim3A_53 = arith.constant 0.000000e+00 : f32
      %broadcast_in_dim3A_54 = vector.broadcast %broadcast_in_dim3A_53 : f32 to vector<16xf32>
      %swap3A_55 = arith.constant 0 : i32
      %swap3A_56 = arith.index_cast %swap3A_55 : i32 to index
      %swap3A_57 = arith.index_cast %add3A_27 : i32 to index
      %swap3A_58 = arith.constant 48 : index
      %swap3A_59 = tpu.vector_load %arg8[%swap3A_56, %swap3A_57, %swap3A_58] {strides = array<i32>} : memref<2x128x128xf32, #tpu.memory_space<vmem>>, vector<1x1x16xf32>,
      %swap3A_60 = vector.shape_cast %swap3A_59 : vector<1x1x16xf32> to vector<16xf32>
      %swap3A_61 = vector.shape_cast %broadcast_in_dim3A_54 : vector<16xf32> to vector<1x1x16xf32>
      tpu.vector_store %arg8[%swap3A_56, %swap3A_57, %swap3A_58], %swap3A_61 {strides = array<i32>} : memref<2x128x128xf32, #tpu.memory_space<vmem>>, vector<1x1x16xf32>,
      %broadcast_in_dim3A_62 = arith.constant 0.000000e+00 : f32
      %broadcast_in_dim3A_63 = vector.broadcast %broadcast_in_dim3A_62 : f32 to vector<16xf32>
      %swap3A_64 = arith.constant 0 : i32
      %swap3A_65 = arith.index_cast %swap3A_64 : i32 to index
      %swap3A_66 = arith.index_cast %add3A_27 : i32 to index
      %swap3A_67 = arith.constant 64 : index
      %swap3A_68 = tpu.vector_load %arg8[%swap3A_65, %swap3A_66, %swap3A_67] {strides = array<i32>} : memref<2x128x128xf32, #tpu.memory_space<vmem>>, vector<1x1x16xf32>,
      %swap3A_69 = vector.shape_cast %swap3A_68 : vector<1x1x16xf32> to vector<16xf32>
      %swap3A_70 = vector.shape_cast %broadcast_in_dim3A_63 : vector<16xf32> to vector<1x1x16xf32>
      tpu.vector_store %arg8[%swap3A_65, %swap3A_66, %swap3A_67], %swap3A_70 {strides = array<i32>} : memref<2x128x128xf32, #tpu.memory_space<vmem>>, vector<1x1x16xf32>,
      %broadcast_in_dim3A_71 = arith.constant 0.000000e+00 : f32
      %broadcast_in_dim3A_72 = vector.broadcast %broadcast_in_dim3A_71 : f32 to vector<16xf32>
      %swap3A_73 = arith.constant 0 : i32
      %swap3A_74 = arith.index_cast %swap3A_73 : i32 to index
      %swap3A_75 = arith.index_cast %add3A_27 : i32 to index
      %swap3A_76 = arith.constant 80 : index
      %swap3A_77 = tpu.vector_load %arg8[%swap3A_74, %swap3A_75, %swap3A_76] {strides = array<i32>} : memref<2x128x128xf32, #tpu.memory_space<vmem>>, vector<1x1x16xf32>,
      %swap3A_78 = vector.shape_cast %swap3A_77 : vector<1x1x16xf32> to vector<16xf32>
      %swap3A_79 = vector.shape_cast %broadcast_in_dim3A_72 : vector<16xf32> to vector<1x1x16xf32>
      tpu.vector_store %arg8[%swap3A_74, %swap3A_75, %swap3A_76], %swap3A_79 {strides = array<i32>} : memref<2x128x128xf32, #tpu.memory_space<vmem>>, vector<1x1x16xf32>,
      %broadcast_in_dim3A_80 = arith.constant 0.000000e+00 : f32
      %broadcast_in_dim3A_81 = vector.broadcast %broadcast_in_dim3A_80 : f32 to vector<16xf32>
      %swap3A_82 = arith.constant 0 : i32
      %swap3A_83 = arith.index_cast %swap3A_82 : i32 to index
      %swap3A_84 = arith.index_cast %add3A_27 : i32 to index
      %swap3A_85 = arith.constant 96 : index
      %swap3A_86 = tpu.vector_load %arg8[%swap3A_83, %swap3A_84, %swap3A_85] {strides = array<i32>} : memref<2x128x128xf32, #tpu.memory_space<vmem>>, vector<1x1x16xf32>,
      %swap3A_87 = vector.shape_cast %swap3A_86 : vector<1x1x16xf32> to vector<16xf32>
      %swap3A_88 = vector.shape_cast %broadcast_in_dim3A_81 : vector<16xf32> to vector<1x1x16xf32>
      tpu.vector_store %arg8[%swap3A_83, %swap3A_84, %swap3A_85], %swap3A_88 {strides = array<i32>} : memref<2x128x128xf32, #tpu.memory_space<vmem>>, vector<1x1x16xf32>,
      %broadcast_in_dim3A_89 = arith.constant 0.000000e+00 : f32
      %broadcast_in_dim3A_90 = vector.broadcast %broadcast_in_dim3A_89 : f32 to vector<16xf32>
      %swap3A_91 = arith.constant 0 : i32
      %swap3A_92 = arith.index_cast %swap3A_91 : i32 to index
      %swap3A_93 = arith.index_cast %add3A_27 : i32 to index
      %swap3A_94 = arith.constant 112 : index
      %swap3A_95 = tpu.vector_load %arg8[%swap3A_92, %swap3A_93, %swap3A_94] {strides = array<i32>} : memref<2x128x128xf32, #tpu.memory_space<vmem>>, vector<1x1x16xf32>,
      %swap3A_96 = vector.shape_cast %swap3A_95 : vector<1x1x16xf32> to vector<16xf32>
      %swap3A_97 = vector.shape_cast %broadcast_in_dim3A_90 : vector<16xf32> to vector<1x1x16xf32>
      tpu.vector_store %arg8[%swap3A_92, %swap3A_93, %swap3A_94], %swap3A_97 {strides = array<i32>} : memref<2x128x128xf32, #tpu.memory_space<vmem>>, vector<1x1x16xf32>,
    }
    %scan3A_3 = arith.constant 128 : i32
    %scan3A_4 = arith.constant 0 : i32
    %scan3A_5 = arith.constant 4 : i32
    %scan3A_6 = arith.addi %scan3A_4, %scan3A_5 : i32
    %scan3A_7 = arith.constant 1 : i32
    scf.for %scan3A_23 = %scan3A_4 to %scan3A_6 step %scan3A_7  : i32 {
      %mul3A_24 = arith.constant 1 : i32
      %mul3A_25 = arith.muli %scan3A_23, %mul3A_24 : i32
      %add3A_26 = arith.constant 0 : i32
      %add3A_27 = arith.addi %add3A_26, %mul3A_25 : i32
      %mul3A_28 = arith.constant 632 : i32
      %mul3A_29 = arith.muli %arg1, %mul3A_28 : i32
      %mul3A_30 = arith.constant 128 : i32
      %mul3A_31 = arith.muli %add3A_27, %mul3A_30 : i32
      %add3A_32 = arith.addi %mul3A_29, %mul3A_31 : i32
      %run_scoped3A_33 = arith.constant 0 : i32
      "tpu.region"() ({
        %run_scoped3A_34 = tpu.sem_alloc : memref<!tpu.dma_semaphore, #tpu.memory_space<semaphore_mem>>
        %dma_start3A = arith.constant 0 : i32
        %dma_start3A_35 = arith.constant 0 : i32
        %dma_start3A_36 = tpu.memref_slice %arg8[%run_scoped3A_33, %dma_start3A, %dma_start3A_35] : memref<2x128x128xf32, #tpu.memory_space<vmem>> -> memref<1x128x128xf32, #tpu.memory_space<vmem>>
        %dma_start3A_37 = tpu.memref_squeeze %dma_start3A_36 : memref<1x128x128xf32, #tpu.memory_space<vmem>> -> memref<128x128xf32, #tpu.memory_space<vmem>>
        %dma_start3A_38 = arith.constant 0 : i32
        %dma_start3A_39 = tpu.memref_slice %arg9[%add3A_32, %dma_start3A_38] : memref<10112x128xf32, #tpu.memory_space<vmem_shared>> -> memref<128x128xf32, #tpu.memory_space<vmem_shared>>
        %dma_start3A_40 = arith.constant 0 : i32
        %dma_start3A_41 = tpu.memref_slice %arg9[%add3A_32, %dma_start3A_40] : memref<10112x128xf32, #tpu.memory_space<vmem_shared>> -> memref<128x128xf32, #tpu.memory_space<vmem_shared>>
        %dma_start3A_42 = arith.constant 0 : i32
        %dma_start3A_43 = arith.constant 0 : i32
        %dma_start3A_44 = tpu.memref_slice %arg8[%run_scoped3A_33, %dma_start3A_42, %dma_start3A_43] : memref<2x128x128xf32, #tpu.memory_space<vmem>> -> memref<1x128x128xf32, #tpu.memory_space<vmem>>
        %dma_start3A_45 = tpu.memref_squeeze %dma_start3A_44 : memref<1x128x128xf32, #tpu.memory_space<vmem>> -> memref<128x128xf32, #tpu.memory_space<vmem>>
        tpu.enqueue_dma source(%dma_start3A_45 : memref<128x128xf32, #tpu.memory_space<vmem>>) target(%dma_start3A_41 : memref<128x128xf32, #tpu.memory_space<vmem_shared>>) target_semaphore(%run_scoped3A_34 : memref<!tpu.dma_semaphore, #tpu.memory_space<semaphore_mem>>)
        %dma_wait3A = arith.constant 0 : i32
        %dma_wait3A_46 = arith.constant 0 : i32
        %dma_wait3A_47 = tpu.memref_slice %arg8[%run_scoped3A_33, %dma_wait3A, %dma_wait3A_46] : memref<2x128x128xf32, #tpu.memory_space<vmem>> -> memref<1x128x128xf32, #tpu.memory_space<vmem>>
        %dma_wait3A_48 = tpu.memref_squeeze %dma_wait3A_47 : memref<1x128x128xf32, #tpu.memory_space<vmem>> -> memref<128x128xf32, #tpu.memory_space<vmem>>
        %dma_wait3A_49 = arith.constant 0 : i32
        %dma_wait3A_50 = tpu.memref_slice %arg9[%add3A_32, %dma_wait3A_49] : memref<10112x128xf32, #tpu.memory_space<vmem_shared>> -> memref<128x128xf32, #tpu.memory_space<vmem_shared>>
        %dma_wait3A_51 = arith.constant 0 : i32
        %dma_wait3A_52 = tpu.memref_slice %arg9[%add3A_32, %dma_wait3A_51] : memref<10112x128xf32, #tpu.memory_space<vmem_shared>> -> memref<128x128xf32, #tpu.memory_space<vmem_shared>>
        %dma_wait3A_53 = arith.constant 0 : i32
        %dma_wait3A_54 = arith.constant 0 : i32
        %dma_wait3A_55 = tpu.memref_slice %arg8[%run_scoped3A_33, %dma_wait3A_53, %dma_wait3A_54] : memref<2x128x128xf32, #tpu.memory_space<vmem>> -> memref<1x128x128xf32, #tpu.memory_space<vmem>>
        %dma_wait3A_56 = tpu.memref_squeeze %dma_wait3A_55 : memref<1x128x128xf32, #tpu.memory_space<vmem>> -> memref<128x128xf32, #tpu.memory_space<vmem>>
        tpu.wait_dma2 semaphore(%run_scoped3A_34 : memref<!tpu.dma_semaphore, #tpu.memory_space<semaphore_mem>>) src(%dma_wait3A_56 : memref<128x128xf32, #tpu.memory_space<vmem>>) dst(%dma_wait3A_52 : memref<128x128xf32, #tpu.memory_space<vmem_shared>>)
        tpu.yield
      }) : () -> ()
    }
    %scan3A_8 = arith.constant 4 : i32
    %mul3A = arith.constant 632 : i32
    %mul3A_9 = arith.muli %arg1, %mul3A : i32
    %add3A = arith.constant 512 : i32
    %add3A_10 = arith.addi %mul3A_9, %add3A : i32
    %run_scoped3A = arith.constant 0 : i32
    "tpu.region"() ({
      %run_scoped3A_23 = tpu.sem_alloc : memref<!tpu.dma_semaphore, #tpu.memory_space<semaphore_mem>>
      %dma_start3A = arith.constant 0 : i32
      %dma_start3A_24 = arith.constant 0 : i32
      %dma_start3A_25 = tpu.memref_slice %arg8[%run_scoped3A, %dma_start3A, %dma_start3A_24] : memref<2x128x128xf32, #tpu.memory_space<vmem>> -> memref<1x120x128xf32, #tpu.memory_space<vmem>>
      %dma_start3A_26 = tpu.memref_squeeze %dma_start3A_25 : memref<1x120x128xf32, #tpu.memory_space<vmem>> -> memref<120x128xf32, #tpu.memory_space<vmem>>
      %dma_start3A_27 = arith.constant 0 : i32
      %dma_start3A_28 = tpu.memref_slice %arg9[%add3A_10, %dma_start3A_27] : memref<10112x128xf32, #tpu.memory_space<vmem_shared>> -> memref<120x128xf32, #tpu.memory_space<vmem_shared>>
      %dma_start3A_29 = arith.constant 0 : i32
      %dma_start3A_30 = tpu.memref_slice %arg9[%add3A_10, %dma_start3A_29] : memref<10112x128xf32, #tpu.memory_space<vmem_shared>> -> memref<120x128xf32, #tpu.memory_space<vmem_shared>>
      %dma_start3A_31 = arith.constant 0 : i32
      %dma_start3A_32 = arith.constant 0 : i32
      %dma_start3A_33 = tpu.memref_slice %arg8[%run_scoped3A, %dma_start3A_31, %dma_start3A_32] : memref<2x128x128xf32, #tpu.memory_space<vmem>> -> memref<1x120x128xf32, #tpu.memory_space<vmem>>
      %dma_start3A_34 = tpu.memref_squeeze %dma_start3A_33 : memref<1x120x128xf32, #tpu.memory_space<vmem>> -> memref<120x128xf32, #tpu.memory_space<vmem>>
      tpu.enqueue_dma source(%dma_start3A_34 : memref<120x128xf32, #tpu.memory_space<vmem>>) target(%dma_start3A_30 : memref<120x128xf32, #tpu.memory_space<vmem_shared>>) target_semaphore(%run_scoped3A_23 : memref<!tpu.dma_semaphore, #tpu.memory_space<semaphore_mem>>)
      %dma_wait3A = arith.constant 0 : i32
      %dma_wait3A_35 = arith.constant 0 : i32
      %dma_wait3A_36 = tpu.memref_slice %arg8[%run_scoped3A, %dma_wait3A, %dma_wait3A_35] : memref<2x128x128xf32, #tpu.memory_space<vmem>> -> memref<1x120x128xf32, #tpu.memory_space<vmem>>
      %dma_wait3A_37 = tpu.memref_squeeze %dma_wait3A_36 : memref<1x120x128xf32, #tpu.memory_space<vmem>> -> memref<120x128xf32, #tpu.memory_space<vmem>>
      %dma_wait3A_38 = arith.constant 0 : i32
      %dma_wait3A_39 = tpu.memref_slice %arg9[%add3A_10, %dma_wait3A_38] : memref<10112x128xf32, #tpu.memory_space<vmem_shared>> -> memref<120x128xf32, #tpu.memory_space<vmem_shared>>
      %dma_wait3A_40 = arith.constant 0 : i32
      %dma_wait3A_41 = tpu.memref_slice %arg9[%add3A_10, %dma_wait3A_40] : memref<10112x128xf32, #tpu.memory_space<vmem_shared>> -> memref<120x128xf32, #tpu.memory_space<vmem_shared>>
      %dma_wait3A_42 = arith.constant 0 : i32
      %dma_wait3A_43 = arith.constant 0 : i32
      %dma_wait3A_44 = tpu.memref_slice %arg8[%run_scoped3A, %dma_wait3A_42, %dma_wait3A_43] : memref<2x128x128xf32, #tpu.memory_space<vmem>> -> memref<1x120x128xf32, #tpu.memory_space<vmem>>
      %dma_wait3A_45 = tpu.memref_squeeze %dma_wait3A_44 : memref<1x120x128xf32, #tpu.memory_space<vmem>> -> memref<120x128xf32, #tpu.memory_space<vmem>>
      tpu.wait_dma2 semaphore(%run_scoped3A_23 : memref<!tpu.dma_semaphore, #tpu.memory_space<semaphore_mem>>) src(%dma_wait3A_45 : memref<120x128xf32, #tpu.memory_space<vmem>>) dst(%dma_wait3A_41 : memref<120x128xf32, #tpu.memory_space<vmem_shared>>)
      tpu.yield
    }) : () -> ()
    %barrier3A = arith.constant 0 : index
    tpu.barrier barrier_id(%barrier3A)
    %eq3A = arith.constant 0 : i32
    %eq3A_11 = arith.cmpi eq, %arg0, %eq3A : i32
    %convert_element_type3A = arith.extui %eq3A_11 : i1 to i32
    %cond3A = arith.constant 0 : i32
    %cond3A_12 = arith.cmpi ne, %convert_element_type3A, %cond3A : i32
    scf.if %cond3A_12 {
      %mul3A_23 = arith.constant 144 : i32
      %mul3A_24 = arith.muli %arg1, %mul3A_23 : i32
      %add3A_25 = arith.constant 0 : i32
      %add3A_26 = arith.addi %mul3A_24, %add3A_25 : i32
      "tpu.region"() ({
        %run_scoped3A_81 = tpu.sem_alloc : memref<!tpu.dma_semaphore, #tpu.memory_space<semaphore_mem>>
        %dma_start3A_82 = arith.constant 0 : i32
        %dma_start3A_83 = arith.constant 0 : i32
        %dma_start3A_84 = tpu.memref_slice %arg6[%dma_start3A_82, %dma_start3A_83] : memref<48x128xi32, #tpu.memory_space<vmem>> -> memref<48x128xi32, #tpu.memory_space<vmem>>
        %dma_start3A_85 = arith.constant 0 : i32
        %dma_start3A_86 = tpu.memref_slice %arg3[%add3A_26, %dma_start3A_85] : memref<2560x128xi32, #tpu.memory_space<hbm>> -> memref<48x128xi32, #tpu.memory_space<hbm>>
        %dma_start3A_87 = arith.constant 0 : i32
        %dma_start3A_88 = arith.constant 0 : i32
        %dma_start3A_89 = tpu.memref_slice %arg6[%dma_start3A_87, %dma_start3A_88] : memref<48x128xi32, #tpu.memory_space<vmem>> -> memref<48x128xi32, #tpu.memory_space<vmem>>
        %dma_start3A_90 = arith.constant 0 : i32
        %dma_start3A_91 = tpu.memref_slice %arg3[%add3A_26, %dma_start3A_90] : memref<2560x128xi32, #tpu.memory_space<hbm>> -> memref<48x128xi32, #tpu.memory_space<hbm>>
        tpu.enqueue_dma source(%dma_start3A_91 : memref<48x128xi32, #tpu.memory_space<hbm>>) target(%dma_start3A_89 : memref<48x128xi32, #tpu.memory_space<vmem>>) target_semaphore(%run_scoped3A_81 : memref<!tpu.dma_semaphore, #tpu.memory_space<semaphore_mem>>)
        %dma_wait3A = arith.constant 0 : i32
        %dma_wait3A_92 = arith.constant 0 : i32
        %dma_wait3A_93 = tpu.memref_slice %arg6[%dma_wait3A, %dma_wait3A_92] : memref<48x128xi32, #tpu.memory_space<vmem>> -> memref<48x128xi32, #tpu.memory_space<vmem>>
        %dma_wait3A_94 = arith.constant 0 : i32
        %dma_wait3A_95 = tpu.memref_slice %arg3[%add3A_26, %dma_wait3A_94] : memref<2560x128xi32, #tpu.memory_space<hbm>> -> memref<48x128xi32, #tpu.memory_space<hbm>>
        %dma_wait3A_96 = arith.constant 0 : i32
        %dma_wait3A_97 = arith.constant 0 : i32
        %dma_wait3A_98 = tpu.memref_slice %arg6[%dma_wait3A_96, %dma_wait3A_97] : memref<48x128xi32, #tpu.memory_space<vmem>> -> memref<48x128xi32, #tpu.memory_space<vmem>>
        %dma_wait3A_99 = arith.constant 0 : i32
        %dma_wait3A_100 = tpu.memref_slice %arg3[%add3A_26, %dma_wait3A_99] : memref<2560x128xi32, #tpu.memory_space<hbm>> -> memref<48x128xi32, #tpu.memory_space<hbm>>
        tpu.wait_dma2 semaphore(%run_scoped3A_81 : memref<!tpu.dma_semaphore, #tpu.memory_space<semaphore_mem>>) src(%dma_wait3A_100 : memref<48x128xi32, #tpu.memory_space<hbm>>) dst(%dma_wait3A_98 : memref<48x128xi32, #tpu.memory_space<vmem>>)
        tpu.yield
      }) : () -> ()
      "tpu.region"() ({
        %run_scoped3A_81 = tpu.sem_alloc : memref<!tpu.dma_semaphore, #tpu.memory_space<semaphore_mem>>
        %dma_start3A_82 = arith.constant 0 : i32
        %dma_start3A_83 = arith.constant 0 : i32
        %dma_start3A_84 = tpu.memref_slice %arg7[%dma_start3A_82, %dma_start3A_83] : memref<48x128xi32, #tpu.memory_space<vmem>> -> memref<48x128xi32, #tpu.memory_space<vmem>>
        %dma_start3A_85 = arith.constant 0 : i32
        %dma_start3A_86 = tpu.memref_slice %arg4[%add3A_26, %dma_start3A_85] : memref<2560x128xi32, #tpu.memory_space<hbm>> -> memref<48x128xi32, #tpu.memory_space<hbm>>
        %dma_start3A_87 = arith.constant 0 : i32
        %dma_start3A_88 = arith.constant 0 : i32
        %dma_start3A_89 = tpu.memref_slice %arg7[%dma_start3A_87, %dma_start3A_88] : memref<48x128xi32, #tpu.memory_space<vmem>> -> memref<48x128xi32, #tpu.memory_space<vmem>>
        %dma_start3A_90 = arith.constant 0 : i32
        %dma_start3A_91 = tpu.memref_slice %arg4[%add3A_26, %dma_start3A_90] : memref<2560x128xi32, #tpu.memory_space<hbm>> -> memref<48x128xi32, #tpu.memory_space<hbm>>
        tpu.enqueue_dma source(%dma_start3A_91 : memref<48x128xi32, #tpu.memory_space<hbm>>) target(%dma_start3A_89 : memref<48x128xi32, #tpu.memory_space<vmem>>) target_semaphore(%run_scoped3A_81 : memref<!tpu.dma_semaphore, #tpu.memory_space<semaphore_mem>>)
        %dma_wait3A = arith.constant 0 : i32
        %dma_wait3A_92 = arith.constant 0 : i32
        %dma_wait3A_93 = tpu.memref_slice %arg7[%dma_wait3A, %dma_wait3A_92] : memref<48x128xi32, #tpu.memory_space<vmem>> -> memref<48x128xi32, #tpu.memory_space<vmem>>
        %dma_wait3A_94 = arith.constant 0 : i32
        %dma_wait3A_95 = tpu.memref_slice %arg4[%add3A_26, %dma_wait3A_94] : memref<2560x128xi32, #tpu.memory_space<hbm>> -> memref<48x128xi32, #tpu.memory_space<hbm>>
        %dma_wait3A_96 = arith.constant 0 : i32
        %dma_wait3A_97 = arith.constant 0 : i32
        %dma_wait3A_98 = tpu.memref_slice %arg7[%dma_wait3A_96, %dma_wait3A_97] : memref<48x128xi32, #tpu.memory_space<vmem>> -> memref<48x128xi32, #tpu.memory_space<vmem>>
        %dma_wait3A_99 = arith.constant 0 : i32
        %dma_wait3A_100 = tpu.memref_slice %arg4[%add3A_26, %dma_wait3A_99] : memref<2560x128xi32, #tpu.memory_space<hbm>> -> memref<48x128xi32, #tpu.memory_space<hbm>>
        tpu.wait_dma2 semaphore(%run_scoped3A_81 : memref<!tpu.dma_semaphore, #tpu.memory_space<semaphore_mem>>) src(%dma_wait3A_100 : memref<48x128xi32, #tpu.memory_space<hbm>>) dst(%dma_wait3A_98 : memref<48x128xi32, #tpu.memory_space<vmem>>)
        tpu.yield
      }) : () -> ()
      %dma_start3A = arith.constant 0 : i32
      %dma_start3A_27 = arith.constant 0 : i32
      %dma_start3A_28 = arith.constant 0 : i32
      %dma_start3A_29 = arith.constant 0 : i32
      %dma_start3A_30 = tpu.memref_slice %arg8[%dma_start3A_27, %dma_start3A_28, %dma_start3A_29] : memref<2x128x128xf32, #tpu.memory_space<vmem>> -> memref<1x128x128xf32, #tpu.memory_space<vmem>>
      %dma_start3A_31 = tpu.memref_squeeze %dma_start3A_30 : memref<1x128x128xf32, #tpu.memory_space<vmem>> -> memref<128x128xf32, #tpu.memory_space<vmem>>
      %dma_start3A_32 = arith.constant 0 : i32
      %dma_start3A_33 = tpu.memref_slice %arg6[%dma_start3A, %dma_start3A_32] : memref<48x128xi32, #tpu.memory_space<vmem>> -> memref<1x128xi32, #tpu.memory_space<vmem>>
      %dma_start3A_34 = tpu.memref_squeeze %dma_start3A_33 : memref<1x128xi32, #tpu.memory_space<vmem>> -> memref<128xi32, #tpu.memory_space<vmem>>
      %dma_start3A_35 = arith.constant 0 : i32
      %dma_start3A_36 = arith.constant 0 : i32
      %dma_start3A_37 = tpu.memref_slice %arg2[%dma_start3A_35, %dma_start3A_36] : memref<10000x128xf32, #tpu.memory_space<hbm>> -> memref<10000x128xf32, #tpu.memory_space<hbm>>
      tpu.enqueue_indirect_dma source(%dma_start3A_37 : memref<10000x128xf32, #tpu.memory_space<hbm>>) target(%dma_start3A_31 : memref<128x128xf32, #tpu.memory_space<vmem>>) offsets(%dma_start3A_34 : memref<128xi32, #tpu.memory_space<vmem>>) semaphore(%arg10 : memref<!tpu.dma_semaphore, #tpu.memory_space<semaphore_mem>>)
      %scan3A_38 = arith.constant 0 : i32
      %scan3A_39 = arith.constant 24 : i32
      %scan3A_40 = arith.addi %scan3A_38, %scan3A_39 : i32
      %scan3A_41 = arith.constant 1 : i32
      scf.for %scan3A_81 = %scan3A_38 to %scan3A_40 step %scan3A_41  : i32 {
        %mul3A_82 = arith.constant 2 : i32
        %mul3A_83 = arith.muli %scan3A_81, %mul3A_82 : i32
        %add3A_84 = arith.constant 0 : i32
        %add3A_85 = arith.addi %add3A_84, %mul3A_83 : i32
        %add3A_86 = arith.constant 1 : i32
        %add3A_87 = arith.addi %add3A_85, %add3A_86 : i32
        %dma_start3A_88 = arith.constant 1 : i32
        %dma_start3A_89 = arith.constant 0 : i32
        %dma_start3A_90 = arith.constant 0 : i32
        %dma_start3A_91 = tpu.memref_slice %arg8[%dma_start3A_88, %dma_start3A_89, %dma_start3A_90] : memref<2x128x128xf32, #tpu.memory_space<vmem>> -> memref<1x128x128xf32, #tpu.memory_space<vmem>>
        %dma_start3A_92 = tpu.memref_squeeze %dma_start3A_91 : memref<1x128x128xf32, #tpu.memory_space<vmem>> -> memref<128x128xf32, #tpu.memory_space<vmem>>
        %dma_start3A_93 = arith.constant 0 : i32
        %dma_start3A_94 = tpu.memref_slice %arg6[%add3A_87, %dma_start3A_93] : memref<48x128xi32, #tpu.memory_space<vmem>> -> memref<1x128xi32, #tpu.memory_space<vmem>>
        %dma_start3A_95 = tpu.memref_squeeze %dma_start3A_94 : memref<1x128xi32, #tpu.memory_space<vmem>> -> memref<128xi32, #tpu.memory_space<vmem>>
        %dma_start3A_96 = arith.constant 0 : i32
        %dma_start3A_97 = arith.constant 0 : i32
        %dma_start3A_98 = tpu.memref_slice %arg2[%dma_start3A_96, %dma_start3A_97] : memref<10000x128xf32, #tpu.memory_space<hbm>> -> memref<10000x128xf32, #tpu.memory_space<hbm>>
        tpu.enqueue_indirect_dma source(%dma_start3A_98 : memref<10000x128xf32, #tpu.memory_space<hbm>>) target(%dma_start3A_92 : memref<128x128xf32, #tpu.memory_space<vmem>>) offsets(%dma_start3A_95 : memref<128xi32, #tpu.memory_space<vmem>>) semaphore(%arg11 : memref<!tpu.dma_semaphore, #tpu.memory_space<semaphore_mem>>)
        %dma_wait3A = arith.constant 0 : i32
        %dma_wait3A_99 = arith.constant 0 : i32
        %dma_wait3A_100 = arith.constant 0 : i32
        %dma_wait3A_101 = tpu.memref_slice %arg8[%dma_wait3A, %dma_wait3A_99, %dma_wait3A_100] : memref<2x128x128xf32, #tpu.memory_space<vmem>> -> memref<1x128x128xf32, #tpu.memory_space<vmem>>
        %dma_wait3A_102 = tpu.memref_squeeze %dma_wait3A_101 : memref<1x128x128xf32, #tpu.memory_space<vmem>> -> memref<128x128xf32, #tpu.memory_space<vmem>>
        %dma_wait3A_103 = arith.constant 0 : i32
        %dma_wait3A_104 = tpu.memref_slice %arg6[%add3A_85, %dma_wait3A_103] : memref<48x128xi32, #tpu.memory_space<vmem>> -> memref<1x128xi32, #tpu.memory_space<vmem>>
        %dma_wait3A_105 = tpu.memref_squeeze %dma_wait3A_104 : memref<1x128xi32, #tpu.memory_space<vmem>> -> memref<128xi32, #tpu.memory_space<vmem>>
        %dma_wait3A_106 = arith.constant 0 : i32
        %dma_wait3A_107 = arith.constant 0 : i32
        %dma_wait3A_108 = tpu.memref_slice %arg2[%dma_wait3A_106, %dma_wait3A_107] : memref<10000x128xf32, #tpu.memory_space<hbm>> -> memref<10000x128xf32, #tpu.memory_space<hbm>>
        tpu.wait_indirect_dma semaphore(%arg10 : memref<!tpu.dma_semaphore, #tpu.memory_space<semaphore_mem>>) src(%dma_wait3A_108 : memref<10000x128xf32, #tpu.memory_space<hbm>>) dst(%dma_wait3A_102 : memref<128x128xf32, #tpu.memory_space<vmem>>)
        %run_scoped3A_109 = arith.constant 0 : i32
        "tpu.region"() ({
          %run_scoped3A_132 = tpu.sem_alloc : memref<!tpu.dma_semaphore, #tpu.memory_space<semaphore_mem>>
          %dma_start3A_133 = arith.constant 0 : i32
          %dma_start3A_134 = arith.constant 0 : i32
          %dma_start3A_135 = tpu.memref_slice %arg8[%run_scoped3A_109, %dma_start3A_133, %dma_start3A_134] : memref<2x128x128xf32, #tpu.memory_space<vmem>> -> memref<1x128x128xf32, #tpu.memory_space<vmem>>
          %dma_start3A_136 = tpu.memref_squeeze %dma_start3A_135 : memref<1x128x128xf32, #tpu.memory_space<vmem>> -> memref<128x128xf32, #tpu.memory_space<vmem>>
          %dma_start3A_137 = arith.constant 0 : i32
          %dma_start3A_138 = tpu.memref_slice %arg7[%add3A_85, %dma_start3A_137] : memref<48x128xi32, #tpu.memory_space<vmem>> -> memref<1x128xi32, #tpu.memory_space<vmem>>
          %dma_start3A_139 = tpu.memref_squeeze %dma_start3A_138 : memref<1x128xi32, #tpu.memory_space<vmem>> -> memref<128xi32, #tpu.memory_space<vmem>>
          %dma_start3A_140 = arith.constant 0 : i32
          %dma_start3A_141 = arith.constant 0 : i32
          %dma_start3A_142 = tpu.memref_slice %arg9[%dma_start3A_140, %dma_start3A_141] : memref<10112x128xf32, #tpu.memory_space<vmem_shared>> -> memref<10112x128xf32, #tpu.memory_space<vmem_shared>>
          tpu.enqueue_indirect_dma source(%dma_start3A_136 : memref<128x128xf32, #tpu.memory_space<vmem>>) target(%dma_start3A_142 : memref<10112x128xf32, #tpu.memory_space<vmem_shared>>) offsets(%dma_start3A_139 : memref<128xi32, #tpu.memory_space<vmem>>) semaphore(%run_scoped3A_132 : memref<!tpu.dma_semaphore, #tpu.memory_space<semaphore_mem>>) {add = true}
          %dma_wait3A_143 = arith.constant 0 : i32
          %dma_wait3A_144 = arith.constant 0 : i32
          %dma_wait3A_145 = tpu.memref_slice %arg8[%run_scoped3A_109, %dma_wait3A_143, %dma_wait3A_144] : memref<2x128x128xf32, #tpu.memory_space<vmem>> -> memref<1x128x128xf32, #tpu.memory_space<vmem>>
          %dma_wait3A_146 = tpu.memref_squeeze %dma_wait3A_145 : memref<1x128x128xf32, #tpu.memory_space<vmem>> -> memref<128x128xf32, #tpu.memory_space<vmem>>
          %dma_wait3A_147 = arith.constant 0 : i32
          %dma_wait3A_148 = tpu.memref_slice %arg7[%add3A_85, %dma_wait3A_147] : memref<48x128xi32, #tpu.memory_space<vmem>> -> memref<1x128xi32, #tpu.memory_space<vmem>>
          %dma_wait3A_149 = tpu.memref_squeeze %dma_wait3A_148 : memref<1x128xi32, #tpu.memory_space<vmem>> -> memref<128xi32, #tpu.memory_space<vmem>>
          %dma_wait3A_150 = arith.constant 0 : i32
          %dma_wait3A_151 = arith.constant 0 : i32
          %dma_wait3A_152 = tpu.memref_slice %arg9[%dma_wait3A_150, %dma_wait3A_151] : memref<10112x128xf32, #tpu.memory_space<vmem_shared>> -> memref<10112x128xf32, #tpu.memory_space<vmem_shared>>
          tpu.wait_indirect_dma semaphore(%run_scoped3A_132 : memref<!tpu.dma_semaphore, #tpu.memory_space<semaphore_mem>>) src(%dma_wait3A_146 : memref<128x128xf32, #tpu.memory_space<vmem>>) dst(%dma_wait3A_152 : memref<10112x128xf32, #tpu.memory_space<vmem_shared>>)
          tpu.yield
        }) : () -> ()
        %add3A_110 = arith.constant 2 : i32
        %add3A_111 = arith.addi %add3A_85, %add3A_110 : i32
        %lt3A = arith.constant 48 : i32
        %lt3A_112 = arith.cmpi slt, %add3A_111, %lt3A : i32
        %convert_element_type3A_113 = arith.extui %lt3A_112 : i1 to i32
        %cond3A_114 = arith.constant 0 : i32
        %cond3A_115 = arith.cmpi ne, %convert_element_type3A_113, %cond3A_114 : i32
        scf.if %cond3A_115 {
          %add3A_132 = arith.constant 2 : i32
          %add3A_133 = arith.addi %add3A_85, %add3A_132 : i32
          %dma_start3A_134 = arith.constant 0 : i32
          %dma_start3A_135 = arith.constant 0 : i32
          %dma_start3A_136 = arith.constant 0 : i32
          %dma_start3A_137 = tpu.memref_slice %arg8[%dma_start3A_134, %dma_start3A_135, %dma_start3A_136] : memref<2x128x128xf32, #tpu.memory_space<vmem>> -> memref<1x128x128xf32, #tpu.memory_space<vmem>>
          %dma_start3A_138 = tpu.memref_squeeze %dma_start3A_137 : memref<1x128x128xf32, #tpu.memory_space<vmem>> -> memref<128x128xf32, #tpu.memory_space<vmem>>
          %dma_start3A_139 = arith.constant 0 : i32
          %dma_start3A_140 = tpu.memref_slice %arg6[%add3A_133, %dma_start3A_139] : memref<48x128xi32, #tpu.memory_space<vmem>> -> memref<1x128xi32, #tpu.memory_space<vmem>>
          %dma_start3A_141 = tpu.memref_squeeze %dma_start3A_140 : memref<1x128xi32, #tpu.memory_space<vmem>> -> memref<128xi32, #tpu.memory_space<vmem>>
          %dma_start3A_142 = arith.constant 0 : i32
          %dma_start3A_143 = arith.constant 0 : i32
          %dma_start3A_144 = tpu.memref_slice %arg2[%dma_start3A_142, %dma_start3A_143] : memref<10000x128xf32, #tpu.memory_space<hbm>> -> memref<10000x128xf32, #tpu.memory_space<hbm>>
          tpu.enqueue_indirect_dma source(%dma_start3A_144 : memref<10000x128xf32, #tpu.memory_space<hbm>>) target(%dma_start3A_138 : memref<128x128xf32, #tpu.memory_space<vmem>>) offsets(%dma_start3A_141 : memref<128xi32, #tpu.memory_space<vmem>>) semaphore(%arg10 : memref<!tpu.dma_semaphore, #tpu.memory_space<semaphore_mem>>)
        } else {
        }
        %add3A_116 = arith.constant 1 : i32
        %add3A_117 = arith.addi %add3A_85, %add3A_116 : i32
        %dma_wait3A_118 = arith.constant 1 : i32
        %dma_wait3A_119 = arith.constant 0 : i32
        %dma_wait3A_120 = arith.constant 0 : i32
        %dma_wait3A_121 = tpu.memref_slice %arg8[%dma_wait3A_118, %dma_wait3A_119, %dma_wait3A_120] : memref<2x128x128xf32, #tpu.memory_space<vmem>> -> memref<1x128x128xf32, #tpu.memory_space<vmem>>
        %dma_wait3A_122 = tpu.memref_squeeze %dma_wait3A_121 : memref<1x128x128xf32, #tpu.memory_space<vmem>> -> memref<128x128xf32, #tpu.memory_space<vmem>>
        %dma_wait3A_123 = arith.constant 0 : i32
        %dma_wait3A_124 = tpu.memref_slice %arg6[%add3A_117, %dma_wait3A_123] : memref<48x128xi32, #tpu.memory_space<vmem>> -> memref<1x128xi32, #tpu.memory_space<vmem>>
        %dma_wait3A_125 = tpu.memref_squeeze %dma_wait3A_124 : memref<1x128xi32, #tpu.memory_space<vmem>> -> memref<128xi32, #tpu.memory_space<vmem>>
        %dma_wait3A_126 = arith.constant 0 : i32
        %dma_wait3A_127 = arith.constant 0 : i32
        %dma_wait3A_128 = tpu.memref_slice %arg2[%dma_wait3A_126, %dma_wait3A_127] : memref<10000x128xf32, #tpu.memory_space<hbm>> -> memref<10000x128xf32, #tpu.memory_space<hbm>>
        tpu.wait_indirect_dma semaphore(%arg11 : memref<!tpu.dma_semaphore, #tpu.memory_space<semaphore_mem>>) src(%dma_wait3A_128 : memref<10000x128xf32, #tpu.memory_space<hbm>>) dst(%dma_wait3A_122 : memref<128x128xf32, #tpu.memory_space<vmem>>)
        %add3A_129 = arith.constant 1 : i32
        %add3A_130 = arith.addi %add3A_85, %add3A_129 : i32
        %run_scoped3A_131 = arith.constant 1 : i32
        "tpu.region"() ({
          %run_scoped3A_132 = tpu.sem_alloc : memref<!tpu.dma_semaphore, #tpu.memory_space<semaphore_mem>>
          %dma_start3A_133 = arith.constant 0 : i32
          %dma_start3A_134 = arith.constant 0 : i32
          %dma_start3A_135 = tpu.memref_slice %arg8[%run_scoped3A_131, %dma_start3A_133, %dma_start3A_134] : memref<2x128x128xf32, #tpu.memory_space<vmem>> -> memref<1x128x128xf32, #tpu.memory_space<vmem>>
          %dma_start3A_136 = tpu.memref_squeeze %dma_start3A_135 : memref<1x128x128xf32, #tpu.memory_space<vmem>> -> memref<128x128xf32, #tpu.memory_space<vmem>>
          %dma_start3A_137 = arith.constant 0 : i32
          %dma_start3A_138 = tpu.memref_slice %arg7[%add3A_130, %dma_start3A_137] : memref<48x128xi32, #tpu.memory_space<vmem>> -> memref<1x128xi32, #tpu.memory_space<vmem>>
          %dma_start3A_139 = tpu.memref_squeeze %dma_start3A_138 : memref<1x128xi32, #tpu.memory_space<vmem>> -> memref<128xi32, #tpu.memory_space<vmem>>
          %dma_start3A_140 = arith.constant 0 : i32
          %dma_start3A_141 = arith.constant 0 : i32
          %dma_start3A_142 = tpu.memref_slice %arg9[%dma_start3A_140, %dma_start3A_141] : memref<10112x128xf32, #tpu.memory_space<vmem_shared>> -> memref<10112x128xf32, #tpu.memory_space<vmem_shared>>
          tpu.enqueue_indirect_dma source(%dma_start3A_136 : memref<128x128xf32, #tpu.memory_space<vmem>>) target(%dma_start3A_142 : memref<10112x128xf32, #tpu.memory_space<vmem_shared>>) offsets(%dma_start3A_139 : memref<128xi32, #tpu.memory_space<vmem>>) semaphore(%run_scoped3A_132 : memref<!tpu.dma_semaphore, #tpu.memory_space<semaphore_mem>>) {add = true}
          %dma_wait3A_143 = arith.constant 0 : i32
          %dma_wait3A_144 = arith.constant 0 : i32
          %dma_wait3A_145 = tpu.memref_slice %arg8[%run_scoped3A_131, %dma_wait3A_143, %dma_wait3A_144] : memref<2x128x128xf32, #tpu.memory_space<vmem>> -> memref<1x128x128xf32, #tpu.memory_space<vmem>>
          %dma_wait3A_146 = tpu.memref_squeeze %dma_wait3A_145 : memref<1x128x128xf32, #tpu.memory_space<vmem>> -> memref<128x128xf32, #tpu.memory_space<vmem>>
          %dma_wait3A_147 = arith.constant 0 : i32
          %dma_wait3A_148 = tpu.memref_slice %arg7[%add3A_130, %dma_wait3A_147] : memref<48x128xi32, #tpu.memory_space<vmem>> -> memref<1x128xi32, #tpu.memory_space<vmem>>
          %dma_wait3A_149 = tpu.memref_squeeze %dma_wait3A_148 : memref<1x128xi32, #tpu.memory_space<vmem>> -> memref<128xi32, #tpu.memory_space<vmem>>
          %dma_wait3A_150 = arith.constant 0 : i32
          %dma_wait3A_151 = arith.constant 0 : i32
          %dma_wait3A_152 = tpu.memref_slice %arg9[%dma_wait3A_150, %dma_wait3A_151] : memref<10112x128xf32, #tpu.memory_space<vmem_shared>> -> memref<10112x128xf32, #tpu.memory_space<vmem_shared>>
          tpu.wait_indirect_dma semaphore(%run_scoped3A_132 : memref<!tpu.dma_semaphore, #tpu.memory_space<semaphore_mem>>) src(%dma_wait3A_146 : memref<128x128xf32, #tpu.memory_space<vmem>>) dst(%dma_wait3A_152 : memref<10112x128xf32, #tpu.memory_space<vmem_shared>>)
          tpu.yield
        }) : () -> ()
      }
      %scan3A_42 = arith.constant 24 : i32
      %add3A_43 = arith.constant 48 : i32
      %add3A_44 = arith.addi %mul3A_24, %add3A_43 : i32
      "tpu.region"() ({
        %run_scoped3A_81 = tpu.sem_alloc : memref<!tpu.dma_semaphore, #tpu.memory_space<semaphore_mem>>
        %dma_start3A_82 = arith.constant 0 : i32
        %dma_start3A_83 = arith.constant 0 : i32
        %dma_start3A_84 = tpu.memref_slice %arg6[%dma_start3A_82, %dma_start3A_83] : memref<48x128xi32, #tpu.memory_space<vmem>> -> memref<48x128xi32, #tpu.memory_space<vmem>>
        %dma_start3A_85 = arith.constant 0 : i32
        %dma_start3A_86 = tpu.memref_slice %arg3[%add3A_44, %dma_start3A_85] : memref<2560x128xi32, #tpu.memory_space<hbm>> -> memref<48x128xi32, #tpu.memory_space<hbm>>
        %dma_start3A_87 = arith.constant 0 : i32
        %dma_start3A_88 = arith.constant 0 : i32
        %dma_start3A_89 = tpu.memref_slice %arg6[%dma_start3A_87, %dma_start3A_88] : memref<48x128xi32, #tpu.memory_space<vmem>> -> memref<48x128xi32, #tpu.memory_space<vmem>>
        %dma_start3A_90 = arith.constant 0 : i32
        %dma_start3A_91 = tpu.memref_slice %arg3[%add3A_44, %dma_start3A_90] : memref<2560x128xi32, #tpu.memory_space<hbm>> -> memref<48x128xi32, #tpu.memory_space<hbm>>
        tpu.enqueue_dma source(%dma_start3A_91 : memref<48x128xi32, #tpu.memory_space<hbm>>) target(%dma_start3A_89 : memref<48x128xi32, #tpu.memory_space<vmem>>) target_semaphore(%run_scoped3A_81 : memref<!tpu.dma_semaphore, #tpu.memory_space<semaphore_mem>>)
        %dma_wait3A = arith.constant 0 : i32
        %dma_wait3A_92 = arith.constant 0 : i32
        %dma_wait3A_93 = tpu.memref_slice %arg6[%dma_wait3A, %dma_wait3A_92] : memref<48x128xi32, #tpu.memory_space<vmem>> -> memref<48x128xi32, #tpu.memory_space<vmem>>
        %dma_wait3A_94 = arith.constant 0 : i32
        %dma_wait3A_95 = tpu.memref_slice %arg3[%add3A_44, %dma_wait3A_94] : memref<2560x128xi32, #tpu.memory_space<hbm>> -> memref<48x128xi32, #tpu.memory_space<hbm>>
        %dma_wait3A_96 = arith.constant 0 : i32
        %dma_wait3A_97 = arith.constant 0 : i32
        %dma_wait3A_98 = tpu.memref_slice %arg6[%dma_wait3A_96, %dma_wait3A_97] : memref<48x128xi32, #tpu.memory_space<vmem>> -> memref<48x128xi32, #tpu.memory_space<vmem>>
        %dma_wait3A_99 = arith.constant 0 : i32
        %dma_wait3A_100 = tpu.memref_slice %arg3[%add3A_44, %dma_wait3A_99] : memref<2560x128xi32, #tpu.memory_space<hbm>> -> memref<48x128xi32, #tpu.memory_space<hbm>>
        tpu.wait_dma2 semaphore(%run_scoped3A_81 : memref<!tpu.dma_semaphore, #tpu.memory_space<semaphore_mem>>) src(%dma_wait3A_100 : memref<48x128xi32, #tpu.memory_space<hbm>>) dst(%dma_wait3A_98 : memref<48x128xi32, #tpu.memory_space<vmem>>)
        tpu.yield
      }) : () -> ()
      "tpu.region"() ({
        %run_scoped3A_81 = tpu.sem_alloc : memref<!tpu.dma_semaphore, #tpu.memory_space<semaphore_mem>>
        %dma_start3A_82 = arith.constant 0 : i32
        %dma_start3A_83 = arith.constant 0 : i32
        %dma_start3A_84 = tpu.memref_slice %arg7[%dma_start3A_82, %dma_start3A_83] : memref<48x128xi32, #tpu.memory_space<vmem>> -> memref<48x128xi32, #tpu.memory_space<vmem>>
        %dma_start3A_85 = arith.constant 0 : i32
        %dma_start3A_86 = tpu.memref_slice %arg4[%add3A_44, %dma_start3A_85] : memref<2560x128xi32, #tpu.memory_space<hbm>> -> memref<48x128xi32, #tpu.memory_space<hbm>>
        %dma_start3A_87 = arith.constant 0 : i32
        %dma_start3A_88 = arith.constant 0 : i32
        %dma_start3A_89 = tpu.memref_slice %arg7[%dma_start3A_87, %dma_start3A_88] : memref<48x128xi32, #tpu.memory_space<vmem>> -> memref<48x128xi32, #tpu.memory_space<vmem>>
        %dma_start3A_90 = arith.constant 0 : i32
        %dma_start3A_91 = tpu.memref_slice %arg4[%add3A_44, %dma_start3A_90] : memref<2560x128xi32, #tpu.memory_space<hbm>> -> memref<48x128xi32, #tpu.memory_space<hbm>>
        tpu.enqueue_dma source(%dma_start3A_91 : memref<48x128xi32, #tpu.memory_space<hbm>>) target(%dma_start3A_89 : memref<48x128xi32, #tpu.memory_space<vmem>>) target_semaphore(%run_scoped3A_81 : memref<!tpu.dma_semaphore, #tpu.memory_space<semaphore_mem>>)
        %dma_wait3A = arith.constant 0 : i32
        %dma_wait3A_92 = arith.constant 0 : i32
        %dma_wait3A_93 = tpu.memref_slice %arg7[%dma_wait3A, %dma_wait3A_92] : memref<48x128xi32, #tpu.memory_space<vmem>> -> memref<48x128xi32, #tpu.memory_space<vmem>>
        %dma_wait3A_94 = arith.constant 0 : i32
        %dma_wait3A_95 = tpu.memref_slice %arg4[%add3A_44, %dma_wait3A_94] : memref<2560x128xi32, #tpu.memory_space<hbm>> -> memref<48x128xi32, #tpu.memory_space<hbm>>
        %dma_wait3A_96 = arith.constant 0 : i32
        %dma_wait3A_97 = arith.constant 0 : i32
        %dma_wait3A_98 = tpu.memref_slice %arg7[%dma_wait3A_96, %dma_wait3A_97] : memref<48x128xi32, #tpu.memory_space<vmem>> -> memref<48x128xi32, #tpu.memory_space<vmem>>
        %dma_wait3A_99 = arith.constant 0 : i32
        %dma_wait3A_100 = tpu.memref_slice %arg4[%add3A_44, %dma_wait3A_99] : memref<2560x128xi32, #tpu.memory_space<hbm>> -> memref<48x128xi32, #tpu.memory_space<hbm>>
        tpu.wait_dma2 semaphore(%run_scoped3A_81 : memref<!tpu.dma_semaphore, #tpu.memory_space<semaphore_mem>>) src(%dma_wait3A_100 : memref<48x128xi32, #tpu.memory_space<hbm>>) dst(%dma_wait3A_98 : memref<48x128xi32, #tpu.memory_space<vmem>>)
        tpu.yield
      }) : () -> ()
      %dma_start3A_45 = arith.constant 0 : i32
      %dma_start3A_46 = arith.constant 0 : i32
      %dma_start3A_47 = arith.constant 0 : i32
      %dma_start3A_48 = arith.constant 0 : i32
      %dma_start3A_49 = tpu.memref_slice %arg8[%dma_start3A_46, %dma_start3A_47, %dma_start3A_48] : memref<2x128x128xf32, #tpu.memory_space<vmem>> -> memref<1x128x128xf32, #tpu.memory_space<vmem>>
      %dma_start3A_50 = tpu.memref_squeeze %dma_start3A_49 : memref<1x128x128xf32, #tpu.memory_space<vmem>> -> memref<128x128xf32, #tpu.memory_space<vmem>>
      %dma_start3A_51 = arith.constant 0 : i32
      %dma_start3A_52 = tpu.memref_slice %arg6[%dma_start3A_45, %dma_start3A_51] : memref<48x128xi32, #tpu.memory_space<vmem>> -> memref<1x128xi32, #tpu.memory_space<vmem>>
      %dma_start3A_53 = tpu.memref_squeeze %dma_start3A_52 : memref<1x128xi32, #tpu.memory_space<vmem>> -> memref<128xi32, #tpu.memory_space<vmem>>
      %dma_start3A_54 = arith.constant 0 : i32
      %dma_start3A_55 = arith.constant 0 : i32
      %dma_start3A_56 = tpu.memref_slice %arg2[%dma_start3A_54, %dma_start3A_55] : memref<10000x128xf32, #tpu.memory_space<hbm>> -> memref<10000x128xf32, #tpu.memory_space<hbm>>
      tpu.enqueue_indirect_dma source(%dma_start3A_56 : memref<10000x128xf32, #tpu.memory_space<hbm>>) target(%dma_start3A_50 : memref<128x128xf32, #tpu.memory_space<vmem>>) offsets(%dma_start3A_53 : memref<128xi32, #tpu.memory_space<vmem>>) semaphore(%arg10 : memref<!tpu.dma_semaphore, #tpu.memory_space<semaphore_mem>>)
      %scan3A_57 = arith.constant 0 : i32
      %scan3A_58 = arith.constant 24 : i32
      %scan3A_59 = arith.addi %scan3A_57, %scan3A_58 : i32
      %scan3A_60 = arith.constant 1 : i32
      scf.for %scan3A_81 = %scan3A_57 to %scan3A_59 step %scan3A_60  : i32 {
        %mul3A_82 = arith.constant 2 : i32
        %mul3A_83 = arith.muli %scan3A_81, %mul3A_82 : i32
        %add3A_84 = arith.constant 0 : i32
        %add3A_85 = arith.addi %add3A_84, %mul3A_83 : i32
        %add3A_86 = arith.constant 1 : i32
        %add3A_87 = arith.addi %add3A_85, %add3A_86 : i32
        %dma_start3A_88 = arith.constant 1 : i32
        %dma_start3A_89 = arith.constant 0 : i32
        %dma_start3A_90 = arith.constant 0 : i32
        %dma_start3A_91 = tpu.memref_slice %arg8[%dma_start3A_88, %dma_start3A_89, %dma_start3A_90] : memref<2x128x128xf32, #tpu.memory_space<vmem>> -> memref<1x128x128xf32, #tpu.memory_space<vmem>>
        %dma_start3A_92 = tpu.memref_squeeze %dma_start3A_91 : memref<1x128x128xf32, #tpu.memory_space<vmem>> -> memref<128x128xf32, #tpu.memory_space<vmem>>
        %dma_start3A_93 = arith.constant 0 : i32
        %dma_start3A_94 = tpu.memref_slice %arg6[%add3A_87, %dma_start3A_93] : memref<48x128xi32, #tpu.memory_space<vmem>> -> memref<1x128xi32, #tpu.memory_space<vmem>>
        %dma_start3A_95 = tpu.memref_squeeze %dma_start3A_94 : memref<1x128xi32, #tpu.memory_space<vmem>> -> memref<128xi32, #tpu.memory_space<vmem>>
        %dma_start3A_96 = arith.constant 0 : i32
        %dma_start3A_97 = arith.constant 0 : i32
        %dma_start3A_98 = tpu.memref_slice %arg2[%dma_start3A_96, %dma_start3A_97] : memref<10000x128xf32, #tpu.memory_space<hbm>> -> memref<10000x128xf32, #tpu.memory_space<hbm>>
        tpu.enqueue_indirect_dma source(%dma_start3A_98 : memref<10000x128xf32, #tpu.memory_space<hbm>>) target(%dma_start3A_92 : memref<128x128xf32, #tpu.memory_space<vmem>>) offsets(%dma_start3A_95 : memref<128xi32, #tpu.memory_space<vmem>>) semaphore(%arg11 : memref<!tpu.dma_semaphore, #tpu.memory_space<semaphore_mem>>)
        %dma_wait3A = arith.constant 0 : i32
        %dma_wait3A_99 = arith.constant 0 : i32
        %dma_wait3A_100 = arith.constant 0 : i32
        %dma_wait3A_101 = tpu.memref_slice %arg8[%dma_wait3A, %dma_wait3A_99, %dma_wait3A_100] : memref<2x128x128xf32, #tpu.memory_space<vmem>> -> memref<1x128x128xf32, #tpu.memory_space<vmem>>
        %dma_wait3A_102 = tpu.memref_squeeze %dma_wait3A_101 : memref<1x128x128xf32, #tpu.memory_space<vmem>> -> memref<128x128xf32, #tpu.memory_space<vmem>>
        %dma_wait3A_103 = arith.constant 0 : i32
        %dma_wait3A_104 = tpu.memref_slice %arg6[%add3A_85, %dma_wait3A_103] : memref<48x128xi32, #tpu.memory_space<vmem>> -> memref<1x128xi32, #tpu.memory_space<vmem>>
        %dma_wait3A_105 = tpu.memref_squeeze %dma_wait3A_104 : memref<1x128xi32, #tpu.memory_space<vmem>> -> memref<128xi32, #tpu.memory_space<vmem>>
        %dma_wait3A_106 = arith.constant 0 : i32
        %dma_wait3A_107 = arith.constant 0 : i32
        %dma_wait3A_108 = tpu.memref_slice %arg2[%dma_wait3A_106, %dma_wait3A_107] : memref<10000x128xf32, #tpu.memory_space<hbm>> -> memref<10000x128xf32, #tpu.memory_space<hbm>>
        tpu.wait_indirect_dma semaphore(%arg10 : memref<!tpu.dma_semaphore, #tpu.memory_space<semaphore_mem>>) src(%dma_wait3A_108 : memref<10000x128xf32, #tpu.memory_space<hbm>>) dst(%dma_wait3A_102 : memref<128x128xf32, #tpu.memory_space<vmem>>)
        %run_scoped3A_109 = arith.constant 0 : i32
        "tpu.region"() ({
          %run_scoped3A_132 = tpu.sem_alloc : memref<!tpu.dma_semaphore, #tpu.memory_space<semaphore_mem>>
          %dma_start3A_133 = arith.constant 0 : i32
          %dma_start3A_134 = arith.constant 0 : i32
          %dma_start3A_135 = tpu.memref_slice %arg8[%run_scoped3A_109, %dma_start3A_133, %dma_start3A_134] : memref<2x128x128xf32, #tpu.memory_space<vmem>> -> memref<1x128x128xf32, #tpu.memory_space<vmem>>
          %dma_start3A_136 = tpu.memref_squeeze %dma_start3A_135 : memref<1x128x128xf32, #tpu.memory_space<vmem>> -> memref<128x128xf32, #tpu.memory_space<vmem>>
          %dma_start3A_137 = arith.constant 0 : i32
          %dma_start3A_138 = tpu.memref_slice %arg7[%add3A_85, %dma_start3A_137] : memref<48x128xi32, #tpu.memory_space<vmem>> -> memref<1x128xi32, #tpu.memory_space<vmem>>
          %dma_start3A_139 = tpu.memref_squeeze %dma_start3A_138 : memref<1x128xi32, #tpu.memory_space<vmem>> -> memref<128xi32, #tpu.memory_space<vmem>>
          %dma_start3A_140 = arith.constant 0 : i32
          %dma_start3A_141 = arith.constant 0 : i32
          %dma_start3A_142 = tpu.memref_slice %arg9[%dma_start3A_140, %dma_start3A_141] : memref<10112x128xf32, #tpu.memory_space<vmem_shared>> -> memref<10112x128xf32, #tpu.memory_space<vmem_shared>>
          tpu.enqueue_indirect_dma source(%dma_start3A_136 : memref<128x128xf32, #tpu.memory_space<vmem>>) target(%dma_start3A_142 : memref<10112x128xf32, #tpu.memory_space<vmem_shared>>) offsets(%dma_start3A_139 : memref<128xi32, #tpu.memory_space<vmem>>) semaphore(%run_scoped3A_132 : memref<!tpu.dma_semaphore, #tpu.memory_space<semaphore_mem>>) {add = true}
          %dma_wait3A_143 = arith.constant 0 : i32
          %dma_wait3A_144 = arith.constant 0 : i32
          %dma_wait3A_145 = tpu.memref_slice %arg8[%run_scoped3A_109, %dma_wait3A_143, %dma_wait3A_144] : memref<2x128x128xf32, #tpu.memory_space<vmem>> -> memref<1x128x128xf32, #tpu.memory_space<vmem>>
          %dma_wait3A_146 = tpu.memref_squeeze %dma_wait3A_145 : memref<1x128x128xf32, #tpu.memory_space<vmem>> -> memref<128x128xf32, #tpu.memory_space<vmem>>
          %dma_wait3A_147 = arith.constant 0 : i32
          %dma_wait3A_148 = tpu.memref_slice %arg7[%add3A_85, %dma_wait3A_147] : memref<48x128xi32, #tpu.memory_space<vmem>> -> memref<1x128xi32, #tpu.memory_space<vmem>>
          %dma_wait3A_149 = tpu.memref_squeeze %dma_wait3A_148 : memref<1x128xi32, #tpu.memory_space<vmem>> -> memref<128xi32, #tpu.memory_space<vmem>>
          %dma_wait3A_150 = arith.constant 0 : i32
          %dma_wait3A_151 = arith.constant 0 : i32
          %dma_wait3A_152 = tpu.memref_slice %arg9[%dma_wait3A_150, %dma_wait3A_151] : memref<10112x128xf32, #tpu.memory_space<vmem_shared>> -> memref<10112x128xf32, #tpu.memory_space<vmem_shared>>
          tpu.wait_indirect_dma semaphore(%run_scoped3A_132 : memref<!tpu.dma_semaphore, #tpu.memory_space<semaphore_mem>>) src(%dma_wait3A_146 : memref<128x128xf32, #tpu.memory_space<vmem>>) dst(%dma_wait3A_152 : memref<10112x128xf32, #tpu.memory_space<vmem_shared>>)
          tpu.yield
        }) : () -> ()
        %add3A_110 = arith.constant 2 : i32
        %add3A_111 = arith.addi %add3A_85, %add3A_110 : i32
        %lt3A = arith.constant 48 : i32
        %lt3A_112 = arith.cmpi slt, %add3A_111, %lt3A : i32
        %convert_element_type3A_113 = arith.extui %lt3A_112 : i1 to i32
        %cond3A_114 = arith.constant 0 : i32
        %cond3A_115 = arith.cmpi ne, %convert_element_type3A_113, %cond3A_114 : i32
        scf.if %cond3A_115 {
          %add3A_132 = arith.constant 2 : i32
          %add3A_133 = arith.addi %add3A_85, %add3A_132 : i32
          %dma_start3A_134 = arith.constant 0 : i32
          %dma_start3A_135 = arith.constant 0 : i32
          %dma_start3A_136 = arith.constant 0 : i32
          %dma_start3A_137 = tpu.memref_slice %arg8[%dma_start3A_134, %dma_start3A_135, %dma_start3A_136] : memref<2x128x128xf32, #tpu.memory_space<vmem>> -> memref<1x128x128xf32, #tpu.memory_space<vmem>>
          %dma_start3A_138 = tpu.memref_squeeze %dma_start3A_137 : memref<1x128x128xf32, #tpu.memory_space<vmem>> -> memref<128x128xf32, #tpu.memory_space<vmem>>
          %dma_start3A_139 = arith.constant 0 : i32
          %dma_start3A_140 = tpu.memref_slice %arg6[%add3A_133, %dma_start3A_139] : memref<48x128xi32, #tpu.memory_space<vmem>> -> memref<1x128xi32, #tpu.memory_space<vmem>>
          %dma_start3A_141 = tpu.memref_squeeze %dma_start3A_140 : memref<1x128xi32, #tpu.memory_space<vmem>> -> memref<128xi32, #tpu.memory_space<vmem>>
          %dma_start3A_142 = arith.constant 0 : i32
          %dma_start3A_143 = arith.constant 0 : i32
          %dma_start3A_144 = tpu.memref_slice %arg2[%dma_start3A_142, %dma_start3A_143] : memref<10000x128xf32, #tpu.memory_space<hbm>> -> memref<10000x128xf32, #tpu.memory_space<hbm>>
          tpu.enqueue_indirect_dma source(%dma_start3A_144 : memref<10000x128xf32, #tpu.memory_space<hbm>>) target(%dma_start3A_138 : memref<128x128xf32, #tpu.memory_space<vmem>>) offsets(%dma_start3A_141 : memref<128xi32, #tpu.memory_space<vmem>>) semaphore(%arg10 : memref<!tpu.dma_semaphore, #tpu.memory_space<semaphore_mem>>)
        } else {
        }
        %add3A_116 = arith.constant 1 : i32
        %add3A_117 = arith.addi %add3A_85, %add3A_116 : i32
        %dma_wait3A_118 = arith.constant 1 : i32
        %dma_wait3A_119 = arith.constant 0 : i32
        %dma_wait3A_120 = arith.constant 0 : i32
        %dma_wait3A_121 = tpu.memref_slice %arg8[%dma_wait3A_118, %dma_wait3A_119, %dma_wait3A_120] : memref<2x128x128xf32, #tpu.memory_space<vmem>> -> memref<1x128x128xf32, #tpu.memory_space<vmem>>
        %dma_wait3A_122 = tpu.memref_squeeze %dma_wait3A_121 : memref<1x128x128xf32, #tpu.memory_space<vmem>> -> memref<128x128xf32, #tpu.memory_space<vmem>>
        %dma_wait3A_123 = arith.constant 0 : i32
        %dma_wait3A_124 = tpu.memref_slice %arg6[%add3A_117, %dma_wait3A_123] : memref<48x128xi32, #tpu.memory_space<vmem>> -> memref<1x128xi32, #tpu.memory_space<vmem>>
        %dma_wait3A_125 = tpu.memref_squeeze %dma_wait3A_124 : memref<1x128xi32, #tpu.memory_space<vmem>> -> memref<128xi32, #tpu.memory_space<vmem>>
        %dma_wait3A_126 = arith.constant 0 : i32
        %dma_wait3A_127 = arith.constant 0 : i32
        %dma_wait3A_128 = tpu.memref_slice %arg2[%dma_wait3A_126, %dma_wait3A_127] : memref<10000x128xf32, #tpu.memory_space<hbm>> -> memref<10000x128xf32, #tpu.memory_space<hbm>>
        tpu.wait_indirect_dma semaphore(%arg11 : memref<!tpu.dma_semaphore, #tpu.memory_space<semaphore_mem>>) src(%dma_wait3A_128 : memref<10000x128xf32, #tpu.memory_space<hbm>>) dst(%dma_wait3A_122 : memref<128x128xf32, #tpu.memory_space<vmem>>)
        %add3A_129 = arith.constant 1 : i32
        %add3A_130 = arith.addi %add3A_85, %add3A_129 : i32
        %run_scoped3A_131 = arith.constant 1 : i32
        "tpu.region"() ({
          %run_scoped3A_132 = tpu.sem_alloc : memref<!tpu.dma_semaphore, #tpu.memory_space<semaphore_mem>>
          %dma_start3A_133 = arith.constant 0 : i32
          %dma_start3A_134 = arith.constant 0 : i32
          %dma_start3A_135 = tpu.memref_slice %arg8[%run_scoped3A_131, %dma_start3A_133, %dma_start3A_134] : memref<2x128x128xf32, #tpu.memory_space<vmem>> -> memref<1x128x128xf32, #tpu.memory_space<vmem>>
          %dma_start3A_136 = tpu.memref_squeeze %dma_start3A_135 : memref<1x128x128xf32, #tpu.memory_space<vmem>> -> memref<128x128xf32, #tpu.memory_space<vmem>>
          %dma_start3A_137 = arith.constant 0 : i32
          %dma_start3A_138 = tpu.memref_slice %arg7[%add3A_130, %dma_start3A_137] : memref<48x128xi32, #tpu.memory_space<vmem>> -> memref<1x128xi32, #tpu.memory_space<vmem>>
          %dma_start3A_139 = tpu.memref_squeeze %dma_start3A_138 : memref<1x128xi32, #tpu.memory_space<vmem>> -> memref<128xi32, #tpu.memory_space<vmem>>
          %dma_start3A_140 = arith.constant 0 : i32
          %dma_start3A_141 = arith.constant 0 : i32
          %dma_start3A_142 = tpu.memref_slice %arg9[%dma_start3A_140, %dma_start3A_141] : memref<10112x128xf32, #tpu.memory_space<vmem_shared>> -> memref<10112x128xf32, #tpu.memory_space<vmem_shared>>
          tpu.enqueue_indirect_dma source(%dma_start3A_136 : memref<128x128xf32, #tpu.memory_space<vmem>>) target(%dma_start3A_142 : memref<10112x128xf32, #tpu.memory_space<vmem_shared>>) offsets(%dma_start3A_139 : memref<128xi32, #tpu.memory_space<vmem>>) semaphore(%run_scoped3A_132 : memref<!tpu.dma_semaphore, #tpu.memory_space<semaphore_mem>>) {add = true}
          %dma_wait3A_143 = arith.constant 0 : i32
          %dma_wait3A_144 = arith.constant 0 : i32
          %dma_wait3A_145 = tpu.memref_slice %arg8[%run_scoped3A_131, %dma_wait3A_143, %dma_wait3A_144] : memref<2x128x128xf32, #tpu.memory_space<vmem>> -> memref<1x128x128xf32, #tpu.memory_space<vmem>>
          %dma_wait3A_146 = tpu.memref_squeeze %dma_wait3A_145 : memref<1x128x128xf32, #tpu.memory_space<vmem>> -> memref<128x128xf32, #tpu.memory_space<vmem>>
          %dma_wait3A_147 = arith.constant 0 : i32
          %dma_wait3A_148 = tpu.memref_slice %arg7[%add3A_130, %dma_wait3A_147] : memref<48x128xi32, #tpu.memory_space<vmem>> -> memref<1x128xi32, #tpu.memory_space<vmem>>
          %dma_wait3A_149 = tpu.memref_squeeze %dma_wait3A_148 : memref<1x128xi32, #tpu.memory_space<vmem>> -> memref<128xi32, #tpu.memory_space<vmem>>
          %dma_wait3A_150 = arith.constant 0 : i32
          %dma_wait3A_151 = arith.constant 0 : i32
          %dma_wait3A_152 = tpu.memref_slice %arg9[%dma_wait3A_150, %dma_wait3A_151] : memref<10112x128xf32, #tpu.memory_space<vmem_shared>> -> memref<10112x128xf32, #tpu.memory_space<vmem_shared>>
          tpu.wait_indirect_dma semaphore(%run_scoped3A_132 : memref<!tpu.dma_semaphore, #tpu.memory_space<semaphore_mem>>) src(%dma_wait3A_146 : memref<128x128xf32, #tpu.memory_space<vmem>>) dst(%dma_wait3A_152 : memref<10112x128xf32, #tpu.memory_space<vmem_shared>>)
          tpu.yield
        }) : () -> ()
      }
      %scan3A_61 = arith.constant 24 : i32
      %add3A_62 = arith.constant 96 : i32
      %add3A_63 = arith.addi %mul3A_24, %add3A_62 : i32
      "tpu.region"() ({
        %run_scoped3A_81 = tpu.sem_alloc : memref<!tpu.dma_semaphore, #tpu.memory_space<semaphore_mem>>
        %dma_start3A_82 = arith.constant 0 : i32
        %dma_start3A_83 = arith.constant 0 : i32
        %dma_start3A_84 = tpu.memref_slice %arg6[%dma_start3A_82, %dma_start3A_83] : memref<48x128xi32, #tpu.memory_space<vmem>> -> memref<48x128xi32, #tpu.memory_space<vmem>>
        %dma_start3A_85 = arith.constant 0 : i32
        %dma_start3A_86 = tpu.memref_slice %arg3[%add3A_63, %dma_start3A_85] : memref<2560x128xi32, #tpu.memory_space<hbm>> -> memref<48x128xi32, #tpu.memory_space<hbm>>
        %dma_start3A_87 = arith.constant 0 : i32
        %dma_start3A_88 = arith.constant 0 : i32
        %dma_start3A_89 = tpu.memref_slice %arg6[%dma_start3A_87, %dma_start3A_88] : memref<48x128xi32, #tpu.memory_space<vmem>> -> memref<48x128xi32, #tpu.memory_space<vmem>>
        %dma_start3A_90 = arith.constant 0 : i32
        %dma_start3A_91 = tpu.memref_slice %arg3[%add3A_63, %dma_start3A_90] : memref<2560x128xi32, #tpu.memory_space<hbm>> -> memref<48x128xi32, #tpu.memory_space<hbm>>
        tpu.enqueue_dma source(%dma_start3A_91 : memref<48x128xi32, #tpu.memory_space<hbm>>) target(%dma_start3A_89 : memref<48x128xi32, #tpu.memory_space<vmem>>) target_semaphore(%run_scoped3A_81 : memref<!tpu.dma_semaphore, #tpu.memory_space<semaphore_mem>>)
        %dma_wait3A = arith.constant 0 : i32
        %dma_wait3A_92 = arith.constant 0 : i32
        %dma_wait3A_93 = tpu.memref_slice %arg6[%dma_wait3A, %dma_wait3A_92] : memref<48x128xi32, #tpu.memory_space<vmem>> -> memref<48x128xi32, #tpu.memory_space<vmem>>
        %dma_wait3A_94 = arith.constant 0 : i32
        %dma_wait3A_95 = tpu.memref_slice %arg3[%add3A_63, %dma_wait3A_94] : memref<2560x128xi32, #tpu.memory_space<hbm>> -> memref<48x128xi32, #tpu.memory_space<hbm>>
        %dma_wait3A_96 = arith.constant 0 : i32
        %dma_wait3A_97 = arith.constant 0 : i32
        %dma_wait3A_98 = tpu.memref_slice %arg6[%dma_wait3A_96, %dma_wait3A_97] : memref<48x128xi32, #tpu.memory_space<vmem>> -> memref<48x128xi32, #tpu.memory_space<vmem>>
        %dma_wait3A_99 = arith.constant 0 : i32
        %dma_wait3A_100 = tpu.memref_slice %arg3[%add3A_63, %dma_wait3A_99] : memref<2560x128xi32, #tpu.memory_space<hbm>> -> memref<48x128xi32, #tpu.memory_space<hbm>>
        tpu.wait_dma2 semaphore(%run_scoped3A_81 : memref<!tpu.dma_semaphore, #tpu.memory_space<semaphore_mem>>) src(%dma_wait3A_100 : memref<48x128xi32, #tpu.memory_space<hbm>>) dst(%dma_wait3A_98 : memref<48x128xi32, #tpu.memory_space<vmem>>)
        tpu.yield
      }) : () -> ()
      "tpu.region"() ({
        %run_scoped3A_81 = tpu.sem_alloc : memref<!tpu.dma_semaphore, #tpu.memory_space<semaphore_mem>>
        %dma_start3A_82 = arith.constant 0 : i32
        %dma_start3A_83 = arith.constant 0 : i32
        %dma_start3A_84 = tpu.memref_slice %arg7[%dma_start3A_82, %dma_start3A_83] : memref<48x128xi32, #tpu.memory_space<vmem>> -> memref<48x128xi32, #tpu.memory_space<vmem>>
        %dma_start3A_85 = arith.constant 0 : i32
        %dma_start3A_86 = tpu.memref_slice %arg4[%add3A_63, %dma_start3A_85] : memref<2560x128xi32, #tpu.memory_space<hbm>> -> memref<48x128xi32, #tpu.memory_space<hbm>>
        %dma_start3A_87 = arith.constant 0 : i32
        %dma_start3A_88 = arith.constant 0 : i32
        %dma_start3A_89 = tpu.memref_slice %arg7[%dma_start3A_87, %dma_start3A_88] : memref<48x128xi32, #tpu.memory_space<vmem>> -> memref<48x128xi32, #tpu.memory_space<vmem>>
        %dma_start3A_90 = arith.constant 0 : i32
        %dma_start3A_91 = tpu.memref_slice %arg4[%add3A_63, %dma_start3A_90] : memref<2560x128xi32, #tpu.memory_space<hbm>> -> memref<48x128xi32, #tpu.memory_space<hbm>>
        tpu.enqueue_dma source(%dma_start3A_91 : memref<48x128xi32, #tpu.memory_space<hbm>>) target(%dma_start3A_89 : memref<48x128xi32, #tpu.memory_space<vmem>>) target_semaphore(%run_scoped3A_81 : memref<!tpu.dma_semaphore, #tpu.memory_space<semaphore_mem>>)
        %dma_wait3A = arith.constant 0 : i32
        %dma_wait3A_92 = arith.constant 0 : i32
        %dma_wait3A_93 = tpu.memref_slice %arg7[%dma_wait3A, %dma_wait3A_92] : memref<48x128xi32, #tpu.memory_space<vmem>> -> memref<48x128xi32, #tpu.memory_space<vmem>>
        %dma_wait3A_94 = arith.constant 0 : i32
        %dma_wait3A_95 = tpu.memref_slice %arg4[%add3A_63, %dma_wait3A_94] : memref<2560x128xi32, #tpu.memory_space<hbm>> -> memref<48x128xi32, #tpu.memory_space<hbm>>
        %dma_wait3A_96 = arith.constant 0 : i32
        %dma_wait3A_97 = arith.constant 0 : i32
        %dma_wait3A_98 = tpu.memref_slice %arg7[%dma_wait3A_96, %dma_wait3A_97] : memref<48x128xi32, #tpu.memory_space<vmem>> -> memref<48x128xi32, #tpu.memory_space<vmem>>
        %dma_wait3A_99 = arith.constant 0 : i32
        %dma_wait3A_100 = tpu.memref_slice %arg4[%add3A_63, %dma_wait3A_99] : memref<2560x128xi32, #tpu.memory_space<hbm>> -> memref<48x128xi32, #tpu.memory_space<hbm>>
        tpu.wait_dma2 semaphore(%run_scoped3A_81 : memref<!tpu.dma_semaphore, #tpu.memory_space<semaphore_mem>>) src(%dma_wait3A_100 : memref<48x128xi32, #tpu.memory_space<hbm>>) dst(%dma_wait3A_98 : memref<48x128xi32, #tpu.memory_space<vmem>>)
        tpu.yield
      }) : () -> ()
      %dma_start3A_64 = arith.constant 0 : i32
      %dma_start3A_65 = arith.constant 0 : i32
      %dma_start3A_66 = arith.constant 0 : i32
      %dma_start3A_67 = arith.constant 0 : i32
      %dma_start3A_68 = tpu.memref_slice %arg8[%dma_start3A_65, %dma_start3A_66, %dma_start3A_67] : memref<2x128x128xf32, #tpu.memory_space<vmem>> -> memref<1x128x128xf32, #tpu.memory_space<vmem>>
      %dma_start3A_69 = tpu.memref_squeeze %dma_start3A_68 : memref<1x128x128xf32, #tpu.memory_space<vmem>> -> memref<128x128xf32, #tpu.memory_space<vmem>>
      %dma_start3A_70 = arith.constant 0 : i32
      %dma_start3A_71 = tpu.memref_slice %arg6[%dma_start3A_64, %dma_start3A_70] : memref<48x128xi32, #tpu.memory_space<vmem>> -> memref<1x128xi32, #tpu.memory_space<vmem>>
      %dma_start3A_72 = tpu.memref_squeeze %dma_start3A_71 : memref<1x128xi32, #tpu.memory_space<vmem>> -> memref<128xi32, #tpu.memory_space<vmem>>
      %dma_start3A_73 = arith.constant 0 : i32
      %dma_start3A_74 = arith.constant 0 : i32
      %dma_start3A_75 = tpu.memref_slice %arg2[%dma_start3A_73, %dma_start3A_74] : memref<10000x128xf32, #tpu.memory_space<hbm>> -> memref<10000x128xf32, #tpu.memory_space<hbm>>
      tpu.enqueue_indirect_dma source(%dma_start3A_75 : memref<10000x128xf32, #tpu.memory_space<hbm>>) target(%dma_start3A_69 : memref<128x128xf32, #tpu.memory_space<vmem>>) offsets(%dma_start3A_72 : memref<128xi32, #tpu.memory_space<vmem>>) semaphore(%arg10 : memref<!tpu.dma_semaphore, #tpu.memory_space<semaphore_mem>>)
      %scan3A_76 = arith.constant 0 : i32
      %scan3A_77 = arith.constant 24 : i32
      %scan3A_78 = arith.addi %scan3A_76, %scan3A_77 : i32
      %scan3A_79 = arith.constant 1 : i32
      scf.for %scan3A_81 = %scan3A_76 to %scan3A_78 step %scan3A_79  : i32 {
        %mul3A_82 = arith.constant 2 : i32
        %mul3A_83 = arith.muli %scan3A_81, %mul3A_82 : i32
        %add3A_84 = arith.constant 0 : i32
        %add3A_85 = arith.addi %add3A_84, %mul3A_83 : i32
        %add3A_86 = arith.constant 1 : i32
        %add3A_87 = arith.addi %add3A_85, %add3A_86 : i32
        %dma_start3A_88 = arith.constant 1 : i32
        %dma_start3A_89 = arith.constant 0 : i32
        %dma_start3A_90 = arith.constant 0 : i32
        %dma_start3A_91 = tpu.memref_slice %arg8[%dma_start3A_88, %dma_start3A_89, %dma_start3A_90] : memref<2x128x128xf32, #tpu.memory_space<vmem>> -> memref<1x128x128xf32, #tpu.memory_space<vmem>>
        %dma_start3A_92 = tpu.memref_squeeze %dma_start3A_91 : memref<1x128x128xf32, #tpu.memory_space<vmem>> -> memref<128x128xf32, #tpu.memory_space<vmem>>
        %dma_start3A_93 = arith.constant 0 : i32
        %dma_start3A_94 = tpu.memref_slice %arg6[%add3A_87, %dma_start3A_93] : memref<48x128xi32, #tpu.memory_space<vmem>> -> memref<1x128xi32, #tpu.memory_space<vmem>>
        %dma_start3A_95 = tpu.memref_squeeze %dma_start3A_94 : memref<1x128xi32, #tpu.memory_space<vmem>> -> memref<128xi32, #tpu.memory_space<vmem>>
        %dma_start3A_96 = arith.constant 0 : i32
        %dma_start3A_97 = arith.constant 0 : i32
        %dma_start3A_98 = tpu.memref_slice %arg2[%dma_start3A_96, %dma_start3A_97] : memref<10000x128xf32, #tpu.memory_space<hbm>> -> memref<10000x128xf32, #tpu.memory_space<hbm>>
        tpu.enqueue_indirect_dma source(%dma_start3A_98 : memref<10000x128xf32, #tpu.memory_space<hbm>>) target(%dma_start3A_92 : memref<128x128xf32, #tpu.memory_space<vmem>>) offsets(%dma_start3A_95 : memref<128xi32, #tpu.memory_space<vmem>>) semaphore(%arg11 : memref<!tpu.dma_semaphore, #tpu.memory_space<semaphore_mem>>)
        %dma_wait3A = arith.constant 0 : i32
        %dma_wait3A_99 = arith.constant 0 : i32
        %dma_wait3A_100 = arith.constant 0 : i32
        %dma_wait3A_101 = tpu.memref_slice %arg8[%dma_wait3A, %dma_wait3A_99, %dma_wait3A_100] : memref<2x128x128xf32, #tpu.memory_space<vmem>> -> memref<1x128x128xf32, #tpu.memory_space<vmem>>
        %dma_wait3A_102 = tpu.memref_squeeze %dma_wait3A_101 : memref<1x128x128xf32, #tpu.memory_space<vmem>> -> memref<128x128xf32, #tpu.memory_space<vmem>>
        %dma_wait3A_103 = arith.constant 0 : i32
        %dma_wait3A_104 = tpu.memref_slice %arg6[%add3A_85, %dma_wait3A_103] : memref<48x128xi32, #tpu.memory_space<vmem>> -> memref<1x128xi32, #tpu.memory_space<vmem>>
        %dma_wait3A_105 = tpu.memref_squeeze %dma_wait3A_104 : memref<1x128xi32, #tpu.memory_space<vmem>> -> memref<128xi32, #tpu.memory_space<vmem>>
        %dma_wait3A_106 = arith.constant 0 : i32
        %dma_wait3A_107 = arith.constant 0 : i32
        %dma_wait3A_108 = tpu.memref_slice %arg2[%dma_wait3A_106, %dma_wait3A_107] : memref<10000x128xf32, #tpu.memory_space<hbm>> -> memref<10000x128xf32, #tpu.memory_space<hbm>>
        tpu.wait_indirect_dma semaphore(%arg10 : memref<!tpu.dma_semaphore, #tpu.memory_space<semaphore_mem>>) src(%dma_wait3A_108 : memref<10000x128xf32, #tpu.memory_space<hbm>>) dst(%dma_wait3A_102 : memref<128x128xf32, #tpu.memory_space<vmem>>)
        %run_scoped3A_109 = arith.constant 0 : i32
        "tpu.region"() ({
          %run_scoped3A_132 = tpu.sem_alloc : memref<!tpu.dma_semaphore, #tpu.memory_space<semaphore_mem>>
          %dma_start3A_133 = arith.constant 0 : i32
          %dma_start3A_134 = arith.constant 0 : i32
          %dma_start3A_135 = tpu.memref_slice %arg8[%run_scoped3A_109, %dma_start3A_133, %dma_start3A_134] : memref<2x128x128xf32, #tpu.memory_space<vmem>> -> memref<1x128x128xf32, #tpu.memory_space<vmem>>
          %dma_start3A_136 = tpu.memref_squeeze %dma_start3A_135 : memref<1x128x128xf32, #tpu.memory_space<vmem>> -> memref<128x128xf32, #tpu.memory_space<vmem>>
          %dma_start3A_137 = arith.constant 0 : i32
          %dma_start3A_138 = tpu.memref_slice %arg7[%add3A_85, %dma_start3A_137] : memref<48x128xi32, #tpu.memory_space<vmem>> -> memref<1x128xi32, #tpu.memory_space<vmem>>
          %dma_start3A_139 = tpu.memref_squeeze %dma_start3A_138 : memref<1x128xi32, #tpu.memory_space<vmem>> -> memref<128xi32, #tpu.memory_space<vmem>>
          %dma_start3A_140 = arith.constant 0 : i32
          %dma_start3A_141 = arith.constant 0 : i32
          %dma_start3A_142 = tpu.memref_slice %arg9[%dma_start3A_140, %dma_start3A_141] : memref<10112x128xf32, #tpu.memory_space<vmem_shared>> -> memref<10112x128xf32, #tpu.memory_space<vmem_shared>>
          tpu.enqueue_indirect_dma source(%dma_start3A_136 : memref<128x128xf32, #tpu.memory_space<vmem>>) target(%dma_start3A_142 : memref<10112x128xf32, #tpu.memory_space<vmem_shared>>) offsets(%dma_start3A_139 : memref<128xi32, #tpu.memory_space<vmem>>) semaphore(%run_scoped3A_132 : memref<!tpu.dma_semaphore, #tpu.memory_space<semaphore_mem>>) {add = true}
          %dma_wait3A_143 = arith.constant 0 : i32
          %dma_wait3A_144 = arith.constant 0 : i32
          %dma_wait3A_145 = tpu.memref_slice %arg8[%run_scoped3A_109, %dma_wait3A_143, %dma_wait3A_144] : memref<2x128x128xf32, #tpu.memory_space<vmem>> -> memref<1x128x128xf32, #tpu.memory_space<vmem>>
          %dma_wait3A_146 = tpu.memref_squeeze %dma_wait3A_145 : memref<1x128x128xf32, #tpu.memory_space<vmem>> -> memref<128x128xf32, #tpu.memory_space<vmem>>
          %dma_wait3A_147 = arith.constant 0 : i32
          %dma_wait3A_148 = tpu.memref_slice %arg7[%add3A_85, %dma_wait3A_147] : memref<48x128xi32, #tpu.memory_space<vmem>> -> memref<1x128xi32, #tpu.memory_space<vmem>>
          %dma_wait3A_149 = tpu.memref_squeeze %dma_wait3A_148 : memref<1x128xi32, #tpu.memory_space<vmem>> -> memref<128xi32, #tpu.memory_space<vmem>>
          %dma_wait3A_150 = arith.constant 0 : i32
          %dma_wait3A_151 = arith.constant 0 : i32
          %dma_wait3A_152 = tpu.memref_slice %arg9[%dma_wait3A_150, %dma_wait3A_151] : memref<10112x128xf32, #tpu.memory_space<vmem_shared>> -> memref<10112x128xf32, #tpu.memory_space<vmem_shared>>
          tpu.wait_indirect_dma semaphore(%run_scoped3A_132 : memref<!tpu.dma_semaphore, #tpu.memory_space<semaphore_mem>>) src(%dma_wait3A_146 : memref<128x128xf32, #tpu.memory_space<vmem>>) dst(%dma_wait3A_152 : memref<10112x128xf32, #tpu.memory_space<vmem_shared>>)
          tpu.yield
        }) : () -> ()
        %add3A_110 = arith.constant 2 : i32
        %add3A_111 = arith.addi %add3A_85, %add3A_110 : i32
        %lt3A = arith.constant 48 : i32
        %lt3A_112 = arith.cmpi slt, %add3A_111, %lt3A : i32
        %convert_element_type3A_113 = arith.extui %lt3A_112 : i1 to i32
        %cond3A_114 = arith.constant 0 : i32
        %cond3A_115 = arith.cmpi ne, %convert_element_type3A_113, %cond3A_114 : i32
        scf.if %cond3A_115 {
          %add3A_132 = arith.constant 2 : i32
          %add3A_133 = arith.addi %add3A_85, %add3A_132 : i32
          %dma_start3A_134 = arith.constant 0 : i32
          %dma_start3A_135 = arith.constant 0 : i32
          %dma_start3A_136 = arith.constant 0 : i32
          %dma_start3A_137 = tpu.memref_slice %arg8[%dma_start3A_134, %dma_start3A_135, %dma_start3A_136] : memref<2x128x128xf32, #tpu.memory_space<vmem>> -> memref<1x128x128xf32, #tpu.memory_space<vmem>>
          %dma_start3A_138 = tpu.memref_squeeze %dma_start3A_137 : memref<1x128x128xf32, #tpu.memory_space<vmem>> -> memref<128x128xf32, #tpu.memory_space<vmem>>
          %dma_start3A_139 = arith.constant 0 : i32
          %dma_start3A_140 = tpu.memref_slice %arg6[%add3A_133, %dma_start3A_139] : memref<48x128xi32, #tpu.memory_space<vmem>> -> memref<1x128xi32, #tpu.memory_space<vmem>>
          %dma_start3A_141 = tpu.memref_squeeze %dma_start3A_140 : memref<1x128xi32, #tpu.memory_space<vmem>> -> memref<128xi32, #tpu.memory_space<vmem>>
          %dma_start3A_142 = arith.constant 0 : i32
          %dma_start3A_143 = arith.constant 0 : i32
          %dma_start3A_144 = tpu.memref_slice %arg2[%dma_start3A_142, %dma_start3A_143] : memref<10000x128xf32, #tpu.memory_space<hbm>> -> memref<10000x128xf32, #tpu.memory_space<hbm>>
          tpu.enqueue_indirect_dma source(%dma_start3A_144 : memref<10000x128xf32, #tpu.memory_space<hbm>>) target(%dma_start3A_138 : memref<128x128xf32, #tpu.memory_space<vmem>>) offsets(%dma_start3A_141 : memref<128xi32, #tpu.memory_space<vmem>>) semaphore(%arg10 : memref<!tpu.dma_semaphore, #tpu.memory_space<semaphore_mem>>)
        } else {
        }
        %add3A_116 = arith.constant 1 : i32
        %add3A_117 = arith.addi %add3A_85, %add3A_116 : i32
        %dma_wait3A_118 = arith.constant 1 : i32
        %dma_wait3A_119 = arith.constant 0 : i32
        %dma_wait3A_120 = arith.constant 0 : i32
        %dma_wait3A_121 = tpu.memref_slice %arg8[%dma_wait3A_118, %dma_wait3A_119, %dma_wait3A_120] : memref<2x128x128xf32, #tpu.memory_space<vmem>> -> memref<1x128x128xf32, #tpu.memory_space<vmem>>
        %dma_wait3A_122 = tpu.memref_squeeze %dma_wait3A_121 : memref<1x128x128xf32, #tpu.memory_space<vmem>> -> memref<128x128xf32, #tpu.memory_space<vmem>>
        %dma_wait3A_123 = arith.constant 0 : i32
        %dma_wait3A_124 = tpu.memref_slice %arg6[%add3A_117, %dma_wait3A_123] : memref<48x128xi32, #tpu.memory_space<vmem>> -> memref<1x128xi32, #tpu.memory_space<vmem>>
        %dma_wait3A_125 = tpu.memref_squeeze %dma_wait3A_124 : memref<1x128xi32, #tpu.memory_space<vmem>> -> memref<128xi32, #tpu.memory_space<vmem>>
        %dma_wait3A_126 = arith.constant 0 : i32
        %dma_wait3A_127 = arith.constant 0 : i32
        %dma_wait3A_128 = tpu.memref_slice %arg2[%dma_wait3A_126, %dma_wait3A_127] : memref<10000x128xf32, #tpu.memory_space<hbm>> -> memref<10000x128xf32, #tpu.memory_space<hbm>>
        tpu.wait_indirect_dma semaphore(%arg11 : memref<!tpu.dma_semaphore, #tpu.memory_space<semaphore_mem>>) src(%dma_wait3A_128 : memref<10000x128xf32, #tpu.memory_space<hbm>>) dst(%dma_wait3A_122 : memref<128x128xf32, #tpu.memory_space<vmem>>)
        %add3A_129 = arith.constant 1 : i32
        %add3A_130 = arith.addi %add3A_85, %add3A_129 : i32
        %run_scoped3A_131 = arith.constant 1 : i32
        "tpu.region"() ({
          %run_scoped3A_132 = tpu.sem_alloc : memref<!tpu.dma_semaphore, #tpu.memory_space<semaphore_mem>>
          %dma_start3A_133 = arith.constant 0 : i32
          %dma_start3A_134 = arith.constant 0 : i32
          %dma_start3A_135 = tpu.memref_slice %arg8[%run_scoped3A_131, %dma_start3A_133, %dma_start3A_134] : memref<2x128x128xf32, #tpu.memory_space<vmem>> -> memref<1x128x128xf32, #tpu.memory_space<vmem>>
          %dma_start3A_136 = tpu.memref_squeeze %dma_start3A_135 : memref<1x128x128xf32, #tpu.memory_space<vmem>> -> memref<128x128xf32, #tpu.memory_space<vmem>>
          %dma_start3A_137 = arith.constant 0 : i32
          %dma_start3A_138 = tpu.memref_slice %arg7[%add3A_130, %dma_start3A_137] : memref<48x128xi32, #tpu.memory_space<vmem>> -> memref<1x128xi32, #tpu.memory_space<vmem>>
          %dma_start3A_139 = tpu.memref_squeeze %dma_start3A_138 : memref<1x128xi32, #tpu.memory_space<vmem>> -> memref<128xi32, #tpu.memory_space<vmem>>
          %dma_start3A_140 = arith.constant 0 : i32
          %dma_start3A_141 = arith.constant 0 : i32
          %dma_start3A_142 = tpu.memref_slice %arg9[%dma_start3A_140, %dma_start3A_141] : memref<10112x128xf32, #tpu.memory_space<vmem_shared>> -> memref<10112x128xf32, #tpu.memory_space<vmem_shared>>
          tpu.enqueue_indirect_dma source(%dma_start3A_136 : memref<128x128xf32, #tpu.memory_space<vmem>>) target(%dma_start3A_142 : memref<10112x128xf32, #tpu.memory_space<vmem_shared>>) offsets(%dma_start3A_139 : memref<128xi32, #tpu.memory_space<vmem>>) semaphore(%run_scoped3A_132 : memref<!tpu.dma_semaphore, #tpu.memory_space<semaphore_mem>>) {add = true}
          %dma_wait3A_143 = arith.constant 0 : i32
          %dma_wait3A_144 = arith.constant 0 : i32
          %dma_wait3A_145 = tpu.memref_slice %arg8[%run_scoped3A_131, %dma_wait3A_143, %dma_wait3A_144] : memref<2x128x128xf32, #tpu.memory_space<vmem>> -> memref<1x128x128xf32, #tpu.memory_space<vmem>>
          %dma_wait3A_146 = tpu.memref_squeeze %dma_wait3A_145 : memref<1x128x128xf32, #tpu.memory_space<vmem>> -> memref<128x128xf32, #tpu.memory_space<vmem>>
          %dma_wait3A_147 = arith.constant 0 : i32
          %dma_wait3A_148 = tpu.memref_slice %arg7[%add3A_130, %dma_wait3A_147] : memref<48x128xi32, #tpu.memory_space<vmem>> -> memref<1x128xi32, #tpu.memory_space<vmem>>
          %dma_wait3A_149 = tpu.memref_squeeze %dma_wait3A_148 : memref<1x128xi32, #tpu.memory_space<vmem>> -> memref<128xi32, #tpu.memory_space<vmem>>
          %dma_wait3A_150 = arith.constant 0 : i32
          %dma_wait3A_151 = arith.constant 0 : i32
          %dma_wait3A_152 = tpu.memref_slice %arg9[%dma_wait3A_150, %dma_wait3A_151] : memref<10112x128xf32, #tpu.memory_space<vmem_shared>> -> memref<10112x128xf32, #tpu.memory_space<vmem_shared>>
          tpu.wait_indirect_dma semaphore(%run_scoped3A_132 : memref<!tpu.dma_semaphore, #tpu.memory_space<semaphore_mem>>) src(%dma_wait3A_146 : memref<128x128xf32, #tpu.memory_space<vmem>>) dst(%dma_wait3A_152 : memref<10112x128xf32, #tpu.memory_space<vmem_shared>>)
          tpu.yield
        }) : () -> ()
      }
      %scan3A_80 = arith.constant 24 : i32
    } else {
    }
    %eq3A_13 = arith.constant 1 : i32
    %eq3A_14 = arith.cmpi eq, %arg0, %eq3A_13 : i32
    %convert_element_type3A_15 = arith.extui %eq3A_14 : i1 to i32
    %cond3A_16 = arith.constant 0 : i32
    %cond3A_17 = arith.cmpi ne, %convert_element_type3A_15, %cond3A_16 : i32
    scf.if %cond3A_17 {
      %mul3A_23 = arith.constant 16 : i32
      %mul3A_24 = arith.muli %arg1, %mul3A_23 : i32
      %add3A_25 = arith.constant 2304 : i32
      %add3A_26 = arith.addi %add3A_25, %mul3A_24 : i32
      %add3A_27 = arith.constant 0 : i32
      %add3A_28 = arith.addi %add3A_26, %add3A_27 : i32
      "tpu.region"() ({
        %run_scoped3A_45 = tpu.sem_alloc : memref<!tpu.dma_semaphore, #tpu.memory_space<semaphore_mem>>
        %dma_start3A_46 = arith.constant 0 : i32
        %dma_start3A_47 = arith.constant 0 : i32
        %dma_start3A_48 = tpu.memref_slice %arg6[%dma_start3A_46, %dma_start3A_47] : memref<48x128xi32, #tpu.memory_space<vmem>> -> memref<16x128xi32, #tpu.memory_space<vmem>>
        %dma_start3A_49 = arith.constant 0 : i32
        %dma_start3A_50 = tpu.memref_slice %arg3[%add3A_28, %dma_start3A_49] : memref<2560x128xi32, #tpu.memory_space<hbm>> -> memref<16x128xi32, #tpu.memory_space<hbm>>
        %dma_start3A_51 = arith.constant 0 : i32
        %dma_start3A_52 = arith.constant 0 : i32
        %dma_start3A_53 = tpu.memref_slice %arg6[%dma_start3A_51, %dma_start3A_52] : memref<48x128xi32, #tpu.memory_space<vmem>> -> memref<16x128xi32, #tpu.memory_space<vmem>>
        %dma_start3A_54 = arith.constant 0 : i32
        %dma_start3A_55 = tpu.memref_slice %arg3[%add3A_28, %dma_start3A_54] : memref<2560x128xi32, #tpu.memory_space<hbm>> -> memref<16x128xi32, #tpu.memory_space<hbm>>
        tpu.enqueue_dma source(%dma_start3A_55 : memref<16x128xi32, #tpu.memory_space<hbm>>) target(%dma_start3A_53 : memref<16x128xi32, #tpu.memory_space<vmem>>) target_semaphore(%run_scoped3A_45 : memref<!tpu.dma_semaphore, #tpu.memory_space<semaphore_mem>>)
        %dma_wait3A = arith.constant 0 : i32
        %dma_wait3A_56 = arith.constant 0 : i32
        %dma_wait3A_57 = tpu.memref_slice %arg6[%dma_wait3A, %dma_wait3A_56] : memref<48x128xi32, #tpu.memory_space<vmem>> -> memref<16x128xi32, #tpu.memory_space<vmem>>
        %dma_wait3A_58 = arith.constant 0 : i32
        %dma_wait3A_59 = tpu.memref_slice %arg3[%add3A_28, %dma_wait3A_58] : memref<2560x128xi32, #tpu.memory_space<hbm>> -> memref<16x128xi32, #tpu.memory_space<hbm>>
        %dma_wait3A_60 = arith.constant 0 : i32
        %dma_wait3A_61 = arith.constant 0 : i32
        %dma_wait3A_62 = tpu.memref_slice %arg6[%dma_wait3A_60, %dma_wait3A_61] : memref<48x128xi32, #tpu.memory_space<vmem>> -> memref<16x128xi32, #tpu.memory_space<vmem>>
        %dma_wait3A_63 = arith.constant 0 : i32
        %dma_wait3A_64 = tpu.memref_slice %arg3[%add3A_28, %dma_wait3A_63] : memref<2560x128xi32, #tpu.memory_space<hbm>> -> memref<16x128xi32, #tpu.memory_space<hbm>>
        tpu.wait_dma2 semaphore(%run_scoped3A_45 : memref<!tpu.dma_semaphore, #tpu.memory_space<semaphore_mem>>) src(%dma_wait3A_64 : memref<16x128xi32, #tpu.memory_space<hbm>>) dst(%dma_wait3A_62 : memref<16x128xi32, #tpu.memory_space<vmem>>)
        tpu.yield
      }) : () -> ()
      "tpu.region"() ({
        %run_scoped3A_45 = tpu.sem_alloc : memref<!tpu.dma_semaphore, #tpu.memory_space<semaphore_mem>>
        %dma_start3A_46 = arith.constant 0 : i32
        %dma_start3A_47 = arith.constant 0 : i32
        %dma_start3A_48 = tpu.memref_slice %arg7[%dma_start3A_46, %dma_start3A_47] : memref<48x128xi32, #tpu.memory_space<vmem>> -> memref<16x128xi32, #tpu.memory_space<vmem>>
        %dma_start3A_49 = arith.constant 0 : i32
        %dma_start3A_50 = tpu.memref_slice %arg4[%add3A_28, %dma_start3A_49] : memref<2560x128xi32, #tpu.memory_space<hbm>> -> memref<16x128xi32, #tpu.memory_space<hbm>>
        %dma_start3A_51 = arith.constant 0 : i32
        %dma_start3A_52 = arith.constant 0 : i32
        %dma_start3A_53 = tpu.memref_slice %arg7[%dma_start3A_51, %dma_start3A_52] : memref<48x128xi32, #tpu.memory_space<vmem>> -> memref<16x128xi32, #tpu.memory_space<vmem>>
        %dma_start3A_54 = arith.constant 0 : i32
        %dma_start3A_55 = tpu.memref_slice %arg4[%add3A_28, %dma_start3A_54] : memref<2560x128xi32, #tpu.memory_space<hbm>> -> memref<16x128xi32, #tpu.memory_space<hbm>>
        tpu.enqueue_dma source(%dma_start3A_55 : memref<16x128xi32, #tpu.memory_space<hbm>>) target(%dma_start3A_53 : memref<16x128xi32, #tpu.memory_space<vmem>>) target_semaphore(%run_scoped3A_45 : memref<!tpu.dma_semaphore, #tpu.memory_space<semaphore_mem>>)
        %dma_wait3A = arith.constant 0 : i32
        %dma_wait3A_56 = arith.constant 0 : i32
        %dma_wait3A_57 = tpu.memref_slice %arg7[%dma_wait3A, %dma_wait3A_56] : memref<48x128xi32, #tpu.memory_space<vmem>> -> memref<16x128xi32, #tpu.memory_space<vmem>>
        %dma_wait3A_58 = arith.constant 0 : i32
        %dma_wait3A_59 = tpu.memref_slice %arg4[%add3A_28, %dma_wait3A_58] : memref<2560x128xi32, #tpu.memory_space<hbm>> -> memref<16x128xi32, #tpu.memory_space<hbm>>
        %dma_wait3A_60 = arith.constant 0 : i32
        %dma_wait3A_61 = arith.constant 0 : i32
        %dma_wait3A_62 = tpu.memref_slice %arg7[%dma_wait3A_60, %dma_wait3A_61] : memref<48x128xi32, #tpu.memory_space<vmem>> -> memref<16x128xi32, #tpu.memory_space<vmem>>
        %dma_wait3A_63 = arith.constant 0 : i32
        %dma_wait3A_64 = tpu.memref_slice %arg4[%add3A_28, %dma_wait3A_63] : memref<2560x128xi32, #tpu.memory_space<hbm>> -> memref<16x128xi32, #tpu.memory_space<hbm>>
        tpu.wait_dma2 semaphore(%run_scoped3A_45 : memref<!tpu.dma_semaphore, #tpu.memory_space<semaphore_mem>>) src(%dma_wait3A_64 : memref<16x128xi32, #tpu.memory_space<hbm>>) dst(%dma_wait3A_62 : memref<16x128xi32, #tpu.memory_space<vmem>>)
        tpu.yield
      }) : () -> ()
      %dma_start3A = arith.constant 0 : i32
      %dma_start3A_29 = arith.constant 0 : i32
      %dma_start3A_30 = arith.constant 0 : i32
      %dma_start3A_31 = arith.constant 0 : i32
      %dma_start3A_32 = tpu.memref_slice %arg8[%dma_start3A_29, %dma_start3A_30, %dma_start3A_31] : memref<2x128x128xf32, #tpu.memory_space<vmem>> -> memref<1x128x128xf32, #tpu.memory_space<vmem>>
      %dma_start3A_33 = tpu.memref_squeeze %dma_start3A_32 : memref<1x128x128xf32, #tpu.memory_space<vmem>> -> memref<128x128xf32, #tpu.memory_space<vmem>>
      %dma_start3A_34 = arith.constant 0 : i32
      %dma_start3A_35 = tpu.memref_slice %arg6[%dma_start3A, %dma_start3A_34] : memref<48x128xi32, #tpu.memory_space<vmem>> -> memref<1x128xi32, #tpu.memory_space<vmem>>
      %dma_start3A_36 = tpu.memref_squeeze %dma_start3A_35 : memref<1x128xi32, #tpu.memory_space<vmem>> -> memref<128xi32, #tpu.memory_space<vmem>>
      %dma_start3A_37 = arith.constant 0 : i32
      %dma_start3A_38 = arith.constant 0 : i32
      %dma_start3A_39 = tpu.memref_slice %arg2[%dma_start3A_37, %dma_start3A_38] : memref<10000x128xf32, #tpu.memory_space<hbm>> -> memref<10000x128xf32, #tpu.memory_space<hbm>>
      tpu.enqueue_indirect_dma source(%dma_start3A_39 : memref<10000x128xf32, #tpu.memory_space<hbm>>) target(%dma_start3A_33 : memref<128x128xf32, #tpu.memory_space<vmem>>) offsets(%dma_start3A_36 : memref<128xi32, #tpu.memory_space<vmem>>) semaphore(%arg10 : memref<!tpu.dma_semaphore, #tpu.memory_space<semaphore_mem>>)
      %scan3A_40 = arith.constant 0 : i32
      %scan3A_41 = arith.constant 8 : i32
      %scan3A_42 = arith.addi %scan3A_40, %scan3A_41 : i32
      %scan3A_43 = arith.constant 1 : i32
      scf.for %scan3A_45 = %scan3A_40 to %scan3A_42 step %scan3A_43  : i32 {
        %mul3A_46 = arith.constant 2 : i32
        %mul3A_47 = arith.muli %scan3A_45, %mul3A_46 : i32
        %add3A_48 = arith.constant 0 : i32
        %add3A_49 = arith.addi %add3A_48, %mul3A_47 : i32
        %add3A_50 = arith.constant 1 : i32
        %add3A_51 = arith.addi %add3A_49, %add3A_50 : i32
        %dma_start3A_52 = arith.constant 1 : i32
        %dma_start3A_53 = arith.constant 0 : i32
        %dma_start3A_54 = arith.constant 0 : i32
        %dma_start3A_55 = tpu.memref_slice %arg8[%dma_start3A_52, %dma_start3A_53, %dma_start3A_54] : memref<2x128x128xf32, #tpu.memory_space<vmem>> -> memref<1x128x128xf32, #tpu.memory_space<vmem>>
        %dma_start3A_56 = tpu.memref_squeeze %dma_start3A_55 : memref<1x128x128xf32, #tpu.memory_space<vmem>> -> memref<128x128xf32, #tpu.memory_space<vmem>>
        %dma_start3A_57 = arith.constant 0 : i32
        %dma_start3A_58 = tpu.memref_slice %arg6[%add3A_51, %dma_start3A_57] : memref<48x128xi32, #tpu.memory_space<vmem>> -> memref<1x128xi32, #tpu.memory_space<vmem>>
        %dma_start3A_59 = tpu.memref_squeeze %dma_start3A_58 : memref<1x128xi32, #tpu.memory_space<vmem>> -> memref<128xi32, #tpu.memory_space<vmem>>
        %dma_start3A_60 = arith.constant 0 : i32
        %dma_start3A_61 = arith.constant 0 : i32
        %dma_start3A_62 = tpu.memref_slice %arg2[%dma_start3A_60, %dma_start3A_61] : memref<10000x128xf32, #tpu.memory_space<hbm>> -> memref<10000x128xf32, #tpu.memory_space<hbm>>
        tpu.enqueue_indirect_dma source(%dma_start3A_62 : memref<10000x128xf32, #tpu.memory_space<hbm>>) target(%dma_start3A_56 : memref<128x128xf32, #tpu.memory_space<vmem>>) offsets(%dma_start3A_59 : memref<128xi32, #tpu.memory_space<vmem>>) semaphore(%arg11 : memref<!tpu.dma_semaphore, #tpu.memory_space<semaphore_mem>>)
        %dma_wait3A = arith.constant 0 : i32
        %dma_wait3A_63 = arith.constant 0 : i32
        %dma_wait3A_64 = arith.constant 0 : i32
        %dma_wait3A_65 = tpu.memref_slice %arg8[%dma_wait3A, %dma_wait3A_63, %dma_wait3A_64] : memref<2x128x128xf32, #tpu.memory_space<vmem>> -> memref<1x128x128xf32, #tpu.memory_space<vmem>>
        %dma_wait3A_66 = tpu.memref_squeeze %dma_wait3A_65 : memref<1x128x128xf32, #tpu.memory_space<vmem>> -> memref<128x128xf32, #tpu.memory_space<vmem>>
        %dma_wait3A_67 = arith.constant 0 : i32
        %dma_wait3A_68 = tpu.memref_slice %arg6[%add3A_49, %dma_wait3A_67] : memref<48x128xi32, #tpu.memory_space<vmem>> -> memref<1x128xi32, #tpu.memory_space<vmem>>
        %dma_wait3A_69 = tpu.memref_squeeze %dma_wait3A_68 : memref<1x128xi32, #tpu.memory_space<vmem>> -> memref<128xi32, #tpu.memory_space<vmem>>
        %dma_wait3A_70 = arith.constant 0 : i32
        %dma_wait3A_71 = arith.constant 0 : i32
        %dma_wait3A_72 = tpu.memref_slice %arg2[%dma_wait3A_70, %dma_wait3A_71] : memref<10000x128xf32, #tpu.memory_space<hbm>> -> memref<10000x128xf32, #tpu.memory_space<hbm>>
        tpu.wait_indirect_dma semaphore(%arg10 : memref<!tpu.dma_semaphore, #tpu.memory_space<semaphore_mem>>) src(%dma_wait3A_72 : memref<10000x128xf32, #tpu.memory_space<hbm>>) dst(%dma_wait3A_66 : memref<128x128xf32, #tpu.memory_space<vmem>>)
        %run_scoped3A_73 = arith.constant 0 : i32
        "tpu.region"() ({
          %run_scoped3A_96 = tpu.sem_alloc : memref<!tpu.dma_semaphore, #tpu.memory_space<semaphore_mem>>
          %dma_start3A_97 = arith.constant 0 : i32
          %dma_start3A_98 = arith.constant 0 : i32
          %dma_start3A_99 = tpu.memref_slice %arg8[%run_scoped3A_73, %dma_start3A_97, %dma_start3A_98] : memref<2x128x128xf32, #tpu.memory_space<vmem>> -> memref<1x128x128xf32, #tpu.memory_space<vmem>>
          %dma_start3A_100 = tpu.memref_squeeze %dma_start3A_99 : memref<1x128x128xf32, #tpu.memory_space<vmem>> -> memref<128x128xf32, #tpu.memory_space<vmem>>
          %dma_start3A_101 = arith.constant 0 : i32
          %dma_start3A_102 = tpu.memref_slice %arg7[%add3A_49, %dma_start3A_101] : memref<48x128xi32, #tpu.memory_space<vmem>> -> memref<1x128xi32, #tpu.memory_space<vmem>>
          %dma_start3A_103 = tpu.memref_squeeze %dma_start3A_102 : memref<1x128xi32, #tpu.memory_space<vmem>> -> memref<128xi32, #tpu.memory_space<vmem>>
          %dma_start3A_104 = arith.constant 0 : i32
          %dma_start3A_105 = arith.constant 0 : i32
          %dma_start3A_106 = tpu.memref_slice %arg9[%dma_start3A_104, %dma_start3A_105] : memref<10112x128xf32, #tpu.memory_space<vmem_shared>> -> memref<10112x128xf32, #tpu.memory_space<vmem_shared>>
          tpu.enqueue_indirect_dma source(%dma_start3A_100 : memref<128x128xf32, #tpu.memory_space<vmem>>) target(%dma_start3A_106 : memref<10112x128xf32, #tpu.memory_space<vmem_shared>>) offsets(%dma_start3A_103 : memref<128xi32, #tpu.memory_space<vmem>>) semaphore(%run_scoped3A_96 : memref<!tpu.dma_semaphore, #tpu.memory_space<semaphore_mem>>) {add = true}
          %dma_wait3A_107 = arith.constant 0 : i32
          %dma_wait3A_108 = arith.constant 0 : i32
          %dma_wait3A_109 = tpu.memref_slice %arg8[%run_scoped3A_73, %dma_wait3A_107, %dma_wait3A_108] : memref<2x128x128xf32, #tpu.memory_space<vmem>> -> memref<1x128x128xf32, #tpu.memory_space<vmem>>
          %dma_wait3A_110 = tpu.memref_squeeze %dma_wait3A_109 : memref<1x128x128xf32, #tpu.memory_space<vmem>> -> memref<128x128xf32, #tpu.memory_space<vmem>>
          %dma_wait3A_111 = arith.constant 0 : i32
          %dma_wait3A_112 = tpu.memref_slice %arg7[%add3A_49, %dma_wait3A_111] : memref<48x128xi32, #tpu.memory_space<vmem>> -> memref<1x128xi32, #tpu.memory_space<vmem>>
          %dma_wait3A_113 = tpu.memref_squeeze %dma_wait3A_112 : memref<1x128xi32, #tpu.memory_space<vmem>> -> memref<128xi32, #tpu.memory_space<vmem>>
          %dma_wait3A_114 = arith.constant 0 : i32
          %dma_wait3A_115 = arith.constant 0 : i32
          %dma_wait3A_116 = tpu.memref_slice %arg9[%dma_wait3A_114, %dma_wait3A_115] : memref<10112x128xf32, #tpu.memory_space<vmem_shared>> -> memref<10112x128xf32, #tpu.memory_space<vmem_shared>>
          tpu.wait_indirect_dma semaphore(%run_scoped3A_96 : memref<!tpu.dma_semaphore, #tpu.memory_space<semaphore_mem>>) src(%dma_wait3A_110 : memref<128x128xf32, #tpu.memory_space<vmem>>) dst(%dma_wait3A_116 : memref<10112x128xf32, #tpu.memory_space<vmem_shared>>)
          tpu.yield
        }) : () -> ()
        %add3A_74 = arith.constant 2 : i32
        %add3A_75 = arith.addi %add3A_49, %add3A_74 : i32
        %lt3A = arith.constant 16 : i32
        %lt3A_76 = arith.cmpi slt, %add3A_75, %lt3A : i32
        %convert_element_type3A_77 = arith.extui %lt3A_76 : i1 to i32
        %cond3A_78 = arith.constant 0 : i32
        %cond3A_79 = arith.cmpi ne, %convert_element_type3A_77, %cond3A_78 : i32
        scf.if %cond3A_79 {
          %add3A_96 = arith.constant 2 : i32
          %add3A_97 = arith.addi %add3A_49, %add3A_96 : i32
          %dma_start3A_98 = arith.constant 0 : i32
          %dma_start3A_99 = arith.constant 0 : i32
          %dma_start3A_100 = arith.constant 0 : i32
          %dma_start3A_101 = tpu.memref_slice %arg8[%dma_start3A_98, %dma_start3A_99, %dma_start3A_100] : memref<2x128x128xf32, #tpu.memory_space<vmem>> -> memref<1x128x128xf32, #tpu.memory_space<vmem>>
          %dma_start3A_102 = tpu.memref_squeeze %dma_start3A_101 : memref<1x128x128xf32, #tpu.memory_space<vmem>> -> memref<128x128xf32, #tpu.memory_space<vmem>>
          %dma_start3A_103 = arith.constant 0 : i32
          %dma_start3A_104 = tpu.memref_slice %arg6[%add3A_97, %dma_start3A_103] : memref<48x128xi32, #tpu.memory_space<vmem>> -> memref<1x128xi32, #tpu.memory_space<vmem>>
          %dma_start3A_105 = tpu.memref_squeeze %dma_start3A_104 : memref<1x128xi32, #tpu.memory_space<vmem>> -> memref<128xi32, #tpu.memory_space<vmem>>
          %dma_start3A_106 = arith.constant 0 : i32
          %dma_start3A_107 = arith.constant 0 : i32
          %dma_start3A_108 = tpu.memref_slice %arg2[%dma_start3A_106, %dma_start3A_107] : memref<10000x128xf32, #tpu.memory_space<hbm>> -> memref<10000x128xf32, #tpu.memory_space<hbm>>
          tpu.enqueue_indirect_dma source(%dma_start3A_108 : memref<10000x128xf32, #tpu.memory_space<hbm>>) target(%dma_start3A_102 : memref<128x128xf32, #tpu.memory_space<vmem>>) offsets(%dma_start3A_105 : memref<128xi32, #tpu.memory_space<vmem>>) semaphore(%arg10 : memref<!tpu.dma_semaphore, #tpu.memory_space<semaphore_mem>>)
        } else {
        }
        %add3A_80 = arith.constant 1 : i32
        %add3A_81 = arith.addi %add3A_49, %add3A_80 : i32
        %dma_wait3A_82 = arith.constant 1 : i32
        %dma_wait3A_83 = arith.constant 0 : i32
        %dma_wait3A_84 = arith.constant 0 : i32
        %dma_wait3A_85 = tpu.memref_slice %arg8[%dma_wait3A_82, %dma_wait3A_83, %dma_wait3A_84] : memref<2x128x128xf32, #tpu.memory_space<vmem>> -> memref<1x128x128xf32, #tpu.memory_space<vmem>>
        %dma_wait3A_86 = tpu.memref_squeeze %dma_wait3A_85 : memref<1x128x128xf32, #tpu.memory_space<vmem>> -> memref<128x128xf32, #tpu.memory_space<vmem>>
        %dma_wait3A_87 = arith.constant 0 : i32
        %dma_wait3A_88 = tpu.memref_slice %arg6[%add3A_81, %dma_wait3A_87] : memref<48x128xi32, #tpu.memory_space<vmem>> -> memref<1x128xi32, #tpu.memory_space<vmem>>
        %dma_wait3A_89 = tpu.memref_squeeze %dma_wait3A_88 : memref<1x128xi32, #tpu.memory_space<vmem>> -> memref<128xi32, #tpu.memory_space<vmem>>
        %dma_wait3A_90 = arith.constant 0 : i32
        %dma_wait3A_91 = arith.constant 0 : i32
        %dma_wait3A_92 = tpu.memref_slice %arg2[%dma_wait3A_90, %dma_wait3A_91] : memref<10000x128xf32, #tpu.memory_space<hbm>> -> memref<10000x128xf32, #tpu.memory_space<hbm>>
        tpu.wait_indirect_dma semaphore(%arg11 : memref<!tpu.dma_semaphore, #tpu.memory_space<semaphore_mem>>) src(%dma_wait3A_92 : memref<10000x128xf32, #tpu.memory_space<hbm>>) dst(%dma_wait3A_86 : memref<128x128xf32, #tpu.memory_space<vmem>>)
        %add3A_93 = arith.constant 1 : i32
        %add3A_94 = arith.addi %add3A_49, %add3A_93 : i32
        %run_scoped3A_95 = arith.constant 1 : i32
        "tpu.region"() ({
          %run_scoped3A_96 = tpu.sem_alloc : memref<!tpu.dma_semaphore, #tpu.memory_space<semaphore_mem>>
          %dma_start3A_97 = arith.constant 0 : i32
          %dma_start3A_98 = arith.constant 0 : i32
          %dma_start3A_99 = tpu.memref_slice %arg8[%run_scoped3A_95, %dma_start3A_97, %dma_start3A_98] : memref<2x128x128xf32, #tpu.memory_space<vmem>> -> memref<1x128x128xf32, #tpu.memory_space<vmem>>
          %dma_start3A_100 = tpu.memref_squeeze %dma_start3A_99 : memref<1x128x128xf32, #tpu.memory_space<vmem>> -> memref<128x128xf32, #tpu.memory_space<vmem>>
          %dma_start3A_101 = arith.constant 0 : i32
          %dma_start3A_102 = tpu.memref_slice %arg7[%add3A_94, %dma_start3A_101] : memref<48x128xi32, #tpu.memory_space<vmem>> -> memref<1x128xi32, #tpu.memory_space<vmem>>
          %dma_start3A_103 = tpu.memref_squeeze %dma_start3A_102 : memref<1x128xi32, #tpu.memory_space<vmem>> -> memref<128xi32, #tpu.memory_space<vmem>>
          %dma_start3A_104 = arith.constant 0 : i32
          %dma_start3A_105 = arith.constant 0 : i32
          %dma_start3A_106 = tpu.memref_slice %arg9[%dma_start3A_104, %dma_start3A_105] : memref<10112x128xf32, #tpu.memory_space<vmem_shared>> -> memref<10112x128xf32, #tpu.memory_space<vmem_shared>>
          tpu.enqueue_indirect_dma source(%dma_start3A_100 : memref<128x128xf32, #tpu.memory_space<vmem>>) target(%dma_start3A_106 : memref<10112x128xf32, #tpu.memory_space<vmem_shared>>) offsets(%dma_start3A_103 : memref<128xi32, #tpu.memory_space<vmem>>) semaphore(%run_scoped3A_96 : memref<!tpu.dma_semaphore, #tpu.memory_space<semaphore_mem>>) {add = true}
          %dma_wait3A_107 = arith.constant 0 : i32
          %dma_wait3A_108 = arith.constant 0 : i32
          %dma_wait3A_109 = tpu.memref_slice %arg8[%run_scoped3A_95, %dma_wait3A_107, %dma_wait3A_108] : memref<2x128x128xf32, #tpu.memory_space<vmem>> -> memref<1x128x128xf32, #tpu.memory_space<vmem>>
          %dma_wait3A_110 = tpu.memref_squeeze %dma_wait3A_109 : memref<1x128x128xf32, #tpu.memory_space<vmem>> -> memref<128x128xf32, #tpu.memory_space<vmem>>
          %dma_wait3A_111 = arith.constant 0 : i32
          %dma_wait3A_112 = tpu.memref_slice %arg7[%add3A_94, %dma_wait3A_111] : memref<48x128xi32, #tpu.memory_space<vmem>> -> memref<1x128xi32, #tpu.memory_space<vmem>>
          %dma_wait3A_113 = tpu.memref_squeeze %dma_wait3A_112 : memref<1x128xi32, #tpu.memory_space<vmem>> -> memref<128xi32, #tpu.memory_space<vmem>>
          %dma_wait3A_114 = arith.constant 0 : i32
          %dma_wait3A_115 = arith.constant 0 : i32
          %dma_wait3A_116 = tpu.memref_slice %arg9[%dma_wait3A_114, %dma_wait3A_115] : memref<10112x128xf32, #tpu.memory_space<vmem_shared>> -> memref<10112x128xf32, #tpu.memory_space<vmem_shared>>
          tpu.wait_indirect_dma semaphore(%run_scoped3A_96 : memref<!tpu.dma_semaphore, #tpu.memory_space<semaphore_mem>>) src(%dma_wait3A_110 : memref<128x128xf32, #tpu.memory_space<vmem>>) dst(%dma_wait3A_116 : memref<10112x128xf32, #tpu.memory_space<vmem_shared>>)
          tpu.yield
        }) : () -> ()
      }
      %scan3A_44 = arith.constant 8 : i32
    } else {
    }
    %barrier3A_18 = arith.constant 0 : index
    tpu.barrier barrier_id(%barrier3A_18)
    %mul3A_19 = arith.constant 632 : i32
    %mul3A_20 = arith.muli %arg1, %mul3A_19 : i32
    %mul3A_21 = arith.constant 632 : i32
    %mul3A_22 = arith.muli %arg1, %mul3A_21 : i32
    "tpu.region"() ({
      %run_scoped3A_23 = tpu.sem_alloc : memref<!tpu.dma_semaphore, #tpu.memory_space<semaphore_mem>>
      %dma_start3A = arith.constant 0 : i32
      %dma_start3A_24 = tpu.memref_slice %arg5[%arg0, %mul3A_22, %dma_start3A] : memref<2x10112x128xf32, #tpu.memory_space<hbm>> -> memref<1x632x128xf32, #tpu.memory_space<hbm>>
      %dma_start3A_25 = tpu.memref_squeeze %dma_start3A_24 : memref<1x632x128xf32, #tpu.memory_space<hbm>> -> memref<632x128xf32, #tpu.memory_space<hbm>>
      %dma_start3A_26 = arith.constant 0 : i32
      %dma_start3A_27 = tpu.memref_slice %arg9[%mul3A_20, %dma_start3A_26] : memref<10112x128xf32, #tpu.memory_space<vmem_shared>> -> memref<632x128xf32, #tpu.memory_space<vmem_shared>>
      tpu.enqueue_dma source(%dma_start3A_27 : memref<632x128xf32, #tpu.memory_space<vmem_shared>>) target(%dma_start3A_25 : memref<632x128xf32, #tpu.memory_space<hbm>>) target_semaphore(%run_scoped3A_23 : memref<!tpu.dma_semaphore, #tpu.memory_space<semaphore_mem>>)
      %dma_wait3A = arith.constant 0 : i32
      %dma_wait3A_28 = tpu.memref_slice %arg5[%arg0, %mul3A_22, %dma_wait3A] : memref<2x10112x128xf32, #tpu.memory_space<hbm>> -> memref<1x632x128xf32, #tpu.memory_space<hbm>>
      %dma_wait3A_29 = tpu.memref_squeeze %dma_wait3A_28 : memref<1x632x128xf32, #tpu.memory_space<hbm>> -> memref<632x128xf32, #tpu.memory_space<hbm>>
      %dma_wait3A_30 = arith.constant 0 : i32
      %dma_wait3A_31 = tpu.memref_slice %arg9[%mul3A_20, %dma_wait3A_30] : memref<10112x128xf32, #tpu.memory_space<vmem_shared>> -> memref<632x128xf32, #tpu.memory_space<vmem_shared>>
      tpu.wait_dma2 semaphore(%run_scoped3A_23 : memref<!tpu.dma_semaphore, #tpu.memory_space<semaphore_mem>>) src(%dma_wait3A_31 : memref<632x128xf32, #tpu.memory_space<vmem_shared>>) dst(%dma_wait3A_29 : memref<632x128xf32, #tpu.memory_space<hbm>>)
      tpu.yield
    }) : () -> ()
    return
  }
}

module attributes {stable_mosaic.version = 14 : i64} {
  func.func @_mm_body(%arg0: i32, %arg1: memref<1000x128xf32, #tpu.memory_space<vmem>>, %arg2: memref<128x128xf32, #tpu.memory_space<vmem>>, %arg3: memref<1000x128xf32, #tpu.memory_space<vmem>>) attributes {dimension_semantics = [#tpu.dimension_semantics<arbitrary>], iteration_bounds = array<i64: 10>, scalar_prefetch = 0 : i64, scratch_operands = 0 : i64, tpu.core_type = #tpu.core_type<tc>, window_params = [{transform_indices = @transform_0, window_bounds = array<i64: 1000, 128>}, {pipeline_mode = #tpu.pipeline_mode<synchronous>, transform_indices = @transform_1, window_bounds = array<i64: 128, 128>}, {transform_indices = @transform_2, window_bounds = array<i64: 1000, 128>}]} {
    %get3A = arith.constant 0 : index
    %get3A_0 = arith.constant 0 : index
    %get3A_1 = vector.load %arg1[%get3A, %get3A_0] : memref<1000x128xf32, #tpu.memory_space<vmem>>, vector<1000x128xf32>
    %get3A_2 = arith.constant 0 : index
    %get3A_3 = arith.constant 0 : index
    %get3A_4 = vector.load %arg2[%get3A_2, %get3A_3] : memref<128x128xf32, #tpu.memory_space<vmem>>, vector<128x128xf32>
    %dot_general3A = arith.constant dense<0.000000e+00> : vector<1000x128xf32>
    %dot_general3A_5 = tpu.matmul %get3A_1, %get3A_4, %dot_general3A {dimension_numbers = #tpu.dot_dimension_numbers<[1], [0], [0], [1], [0, 0, 1, 1], [], []>, transpose_lhs_hint = false} : vector<1000x128xf32>, vector<128x128xf32>, vector<1000x128xf32> -> vector<1000x128xf32>
    %swap3A = arith.constant 0 : index
    %swap3A_6 = arith.constant 0 : index
    %swap3A_7 = vector.load %arg3[%swap3A, %swap3A_6] : memref<1000x128xf32, #tpu.memory_space<vmem>>, vector<1000x128xf32>
    tpu.vector_store %arg3[%swap3A, %swap3A_6], %dot_general3A_5 {strides = array<i32>} : memref<1000x128xf32, #tpu.memory_space<vmem>>, vector<1000x128xf32>,
    return
  }
  func.func @transform_0(%arg0: i32) -> (i32, i32) {
    %c0_i32 = arith.constant 0 : i32
    %c0_i32_0 = arith.constant 0 : i32
    return %arg0, %c0_i32 : i32, i32
  }
  func.func @transform_1(%arg0: i32) -> (i32, i32) {
    %c0_i32 = arith.constant 0 : i32
    %c0_i32_0 = arith.constant 0 : i32
    %c0_i32_1 = arith.constant 0 : i32
    return %c0_i32, %c0_i32_0 : i32, i32
  }
  func.func @transform_2(%arg0: i32) -> (i32, i32) {
    %c0_i32 = arith.constant 0 : i32
    %c0_i32_0 = arith.constant 0 : i32
    return %arg0, %c0_i32 : i32, i32
  }
}

module attributes {stable_mosaic.version = 14 : i64} {
  func.func @_gh_body(%arg0: i32, %arg1: memref<1000x128xf32, #tpu.memory_space<vmem>>, %arg2: memref<128x384xf32, #tpu.memory_space<vmem>>, %arg3: memref<1x384xf32, #tpu.memory_space<vmem>>, %arg4: memref<1000x384xf32, #tpu.memory_space<vmem>>) attributes {dimension_semantics = [#tpu.dimension_semantics<arbitrary>], iteration_bounds = array<i64: 10>, scalar_prefetch = 0 : i64, scratch_operands = 0 : i64, tpu.core_type = #tpu.core_type<tc>, window_params = [{transform_indices = @transform_0, window_bounds = array<i64: 1000, 128>}, {pipeline_mode = #tpu.pipeline_mode<synchronous>, transform_indices = @transform_1, window_bounds = array<i64: 128, 384>}, {pipeline_mode = #tpu.pipeline_mode<synchronous>, transform_indices = @transform_2, window_bounds = array<i64: 1, 384>}, {transform_indices = @transform_3, window_bounds = array<i64: 1000, 384>}]} {
    %get3A = arith.constant 0 : index
    %get3A_0 = arith.constant 0 : index
    %get3A_1 = vector.load %arg1[%get3A, %get3A_0] : memref<1000x128xf32, #tpu.memory_space<vmem>>, vector<1000x128xf32>
    %get3A_2 = arith.constant 0 : index
    %get3A_3 = arith.constant 0 : index
    %get3A_4 = vector.load %arg2[%get3A_2, %get3A_3] : memref<128x384xf32, #tpu.memory_space<vmem>>, vector<128x384xf32>
    %dot_general3A = arith.constant dense<0.000000e+00> : vector<1000x384xf32>
    %dot_general3A_5 = tpu.matmul %get3A_1, %get3A_4, %dot_general3A {dimension_numbers = #tpu.dot_dimension_numbers<[1], [0], [0], [1], [0, 0, 1, 1], [], []>, transpose_lhs_hint = false} : vector<1000x128xf32>, vector<128x384xf32>, vector<1000x384xf32> -> vector<1000x384xf32>
    %get3A_6 = arith.constant 0 : index
    %get3A_7 = arith.constant 0 : index
    %get3A_8 = vector.load %arg3[%get3A_6, %get3A_7] : memref<1x384xf32, #tpu.memory_space<vmem>>, vector<1x384xf32>
    %add3A = vector.broadcast %get3A_8 : vector<1x384xf32> to vector<1000x384xf32>
    %add3A_9 = arith.addf %dot_general3A_5, %add3A : vector<1000x384xf32>
    %swap3A = arith.constant 0 : index
    %swap3A_10 = arith.constant 0 : index
    %swap3A_11 = vector.load %arg4[%swap3A, %swap3A_10] : memref<1000x384xf32, #tpu.memory_space<vmem>>, vector<1000x384xf32>
    tpu.vector_store %arg4[%swap3A, %swap3A_10], %add3A_9 {strides = array<i32>} : memref<1000x384xf32, #tpu.memory_space<vmem>>, vector<1000x384xf32>,
    return
  }
  func.func @transform_0(%arg0: i32) -> (i32, i32) {
    %c0_i32 = arith.constant 0 : i32
    %c0_i32_0 = arith.constant 0 : i32
    return %arg0, %c0_i32 : i32, i32
  }
  func.func @transform_1(%arg0: i32) -> (i32, i32) {
    %c0_i32 = arith.constant 0 : i32
    %c0_i32_0 = arith.constant 0 : i32
    %c0_i32_1 = arith.constant 0 : i32
    return %c0_i32, %c0_i32_0 : i32, i32
  }
  func.func @transform_2(%arg0: i32) -> (i32, i32) {
    %c0_i32 = arith.constant 0 : i32
    %c0_i32_0 = arith.constant 0 : i32
    %c0_i32_1 = arith.constant 0 : i32
    return %c0_i32, %c0_i32_0 : i32, i32
  }
  func.func @transform_3(%arg0: i32) -> (i32, i32) {
    %c0_i32 = arith.constant 0 : i32
    %c0_i32_0 = arith.constant 0 : i32
    return %arg0, %c0_i32 : i32, i32
  }
}

module attributes {stable_mosaic.version = 14 : i64} {
  func.func @_gru_body(%arg0: i32, %arg1: memref<2x1000x128xf32, #tpu.memory_space<vmem>>, %arg2: memref<1000x384xf32, #tpu.memory_space<vmem>>, %arg3: memref<1000x128xf32, #tpu.memory_space<vmem>>, %arg4: memref<128x384xf32, #tpu.memory_space<vmem>>, %arg5: memref<1x384xf32, #tpu.memory_space<vmem>>, %arg6: memref<1000x128xf32, #tpu.memory_space<vmem>>) attributes {dimension_semantics = [#tpu.dimension_semantics<arbitrary>], iteration_bounds = array<i64: 10>, scalar_prefetch = 0 : i64, scratch_operands = 0 : i64, tpu.core_type = #tpu.core_type<tc>, window_params = [{transform_indices = @transform_0, window_bounds = array<i64: 2, 1000, 128>}, {transform_indices = @transform_1, window_bounds = array<i64: 1000, 384>}, {transform_indices = @transform_2, window_bounds = array<i64: 1000, 128>}, {pipeline_mode = #tpu.pipeline_mode<synchronous>, transform_indices = @transform_3, window_bounds = array<i64: 128, 384>}, {pipeline_mode = #tpu.pipeline_mode<synchronous>, transform_indices = @transform_4, window_bounds = array<i64: 1, 384>}, {transform_indices = @transform_5, window_bounds = array<i64: 1000, 128>}]} {
    %get3A = arith.constant 0 : index
    %get3A_0 = arith.constant 0 : index
    %get3A_1 = arith.constant 0 : index
    %get3A_2 = vector.load %arg1[%get3A, %get3A_0, %get3A_1] : memref<2x1000x128xf32, #tpu.memory_space<vmem>>, vector<1x1000x128xf32>
    %get3A_3 = vector.shape_cast %get3A_2 : vector<1x1000x128xf32> to vector<1000x128xf32>
    %get3A_4 = arith.constant 1 : index
    %get3A_5 = arith.constant 0 : index
    %get3A_6 = arith.constant 0 : index
    %get3A_7 = vector.load %arg1[%get3A_4, %get3A_5, %get3A_6] : memref<2x1000x128xf32, #tpu.memory_space<vmem>>, vector<1x1000x128xf32>
    %get3A_8 = vector.shape_cast %get3A_7 : vector<1x1000x128xf32> to vector<1000x128xf32>
    %add3A = arith.addf %get3A_3, %get3A_8 : vector<1000x128xf32>
    %get3A_9 = arith.constant 0 : index
    %get3A_10 = arith.constant 0 : index
    %get3A_11 = vector.load %arg4[%get3A_9, %get3A_10] : memref<128x384xf32, #tpu.memory_space<vmem>>, vector<128x384xf32>
    %dot_general3A = arith.constant dense<0.000000e+00> : vector<1000x384xf32>
    %dot_general3A_12 = tpu.matmul %add3A, %get3A_11, %dot_general3A {dimension_numbers = #tpu.dot_dimension_numbers<[1], [0], [0], [1], [0, 0, 1, 1], [], []>, transpose_lhs_hint = false} : vector<1000x128xf32>, vector<128x384xf32>, vector<1000x384xf32> -> vector<1000x384xf32>
    %get3A_13 = arith.constant 0 : index
    %get3A_14 = arith.constant 0 : index
    %get3A_15 = vector.load %arg5[%get3A_13, %get3A_14] : memref<1x384xf32, #tpu.memory_space<vmem>>, vector<1x384xf32>
    %add3A_16 = vector.broadcast %get3A_15 : vector<1x384xf32> to vector<1000x384xf32>
    %add3A_17 = arith.addf %dot_general3A_12, %add3A_16 : vector<1000x384xf32>
    %get3A_18 = arith.constant 0 : index
    %get3A_19 = arith.constant 0 : index
    %get3A_20 = vector.load %arg2[%get3A_18, %get3A_19] : memref<1000x384xf32, #tpu.memory_space<vmem>>, vector<1000x384xf32>
    %get3A_21 = arith.constant 0 : index
    %get3A_22 = arith.constant 0 : index
    %get3A_23 = vector.load %arg3[%get3A_21, %get3A_22] : memref<1000x128xf32, #tpu.memory_space<vmem>>, vector<1000x128xf32>
    %slice3A = vector.extract_strided_slice %add3A_17 {offsets = [0, 0], sizes = [1000, 128], strides = [1, 1]} : vector<1000x384xf32> to vector<1000x128xf32>
    %slice3A_24 = vector.extract_strided_slice %get3A_20 {offsets = [0, 0], sizes = [1000, 128], strides = [1, 1]} : vector<1000x384xf32> to vector<1000x128xf32>
    %add3A_25 = arith.addf %slice3A, %slice3A_24 : vector<1000x128xf32>
    %logistic3A = arith.negf %add3A_25 : vector<1000x128xf32>
    %logistic3A_26 = math.exp %logistic3A : vector<1000x128xf32>
    %logistic3A_27 = arith.constant 1.000000e+00 : f32
    %logistic3A_28 = vector.broadcast %logistic3A_27 : f32 to vector<1000x128xf32>
    %logistic3A_29 = arith.addf %logistic3A_28, %logistic3A_26 : vector<1000x128xf32>
    %logistic3A_30 = arith.divf %logistic3A_28, %logistic3A_29 : vector<1000x128xf32>
    %slice3A_31 = vector.extract_strided_slice %add3A_17 {offsets = [0, 128], sizes = [1000, 128], strides = [1, 1]} : vector<1000x384xf32> to vector<1000x128xf32>
    %slice3A_32 = vector.extract_strided_slice %get3A_20 {offsets = [0, 128], sizes = [1000, 128], strides = [1, 1]} : vector<1000x384xf32> to vector<1000x128xf32>
    %add3A_33 = arith.addf %slice3A_31, %slice3A_32 : vector<1000x128xf32>
    %logistic3A_34 = arith.negf %add3A_33 : vector<1000x128xf32>
    %logistic3A_35 = math.exp %logistic3A_34 : vector<1000x128xf32>
    %logistic3A_36 = arith.constant 1.000000e+00 : f32
    %logistic3A_37 = vector.broadcast %logistic3A_36 : f32 to vector<1000x128xf32>
    %logistic3A_38 = arith.addf %logistic3A_37, %logistic3A_35 : vector<1000x128xf32>
    %logistic3A_39 = arith.divf %logistic3A_37, %logistic3A_38 : vector<1000x128xf32>
    %slice3A_40 = vector.extract_strided_slice %add3A_17 {offsets = [0, 256], sizes = [1000, 128], strides = [1, 1]} : vector<1000x384xf32> to vector<1000x128xf32>
    %slice3A_41 = vector.extract_strided_slice %get3A_20 {offsets = [0, 256], sizes = [1000, 128], strides = [1, 1]} : vector<1000x384xf32> to vector<1000x128xf32>
    %mul3A = arith.mulf %logistic3A_30, %slice3A_41 : vector<1000x128xf32>
    %add3A_42 = arith.addf %slice3A_40, %mul3A : vector<1000x128xf32>
    %tanh3A = math.tanh %add3A_42 : vector<1000x128xf32>
    %sub3A = arith.constant 1.000000e+00 : f32
    %sub3A_43 = vector.broadcast %sub3A : f32 to vector<1000x128xf32>
    %sub3A_44 = arith.subf %sub3A_43, %logistic3A_39 : vector<1000x128xf32>
    %mul3A_45 = arith.mulf %sub3A_44, %tanh3A : vector<1000x128xf32>
    %mul3A_46 = arith.mulf %logistic3A_39, %get3A_23 : vector<1000x128xf32>
    %add3A_47 = arith.addf %mul3A_45, %mul3A_46 : vector<1000x128xf32>
    %swap3A = arith.constant 0 : index
    %swap3A_48 = arith.constant 0 : index
    %swap3A_49 = vector.load %arg6[%swap3A, %swap3A_48] : memref<1000x128xf32, #tpu.memory_space<vmem>>, vector<1000x128xf32>
    tpu.vector_store %arg6[%swap3A, %swap3A_48], %add3A_47 {strides = array<i32>} : memref<1000x128xf32, #tpu.memory_space<vmem>>, vector<1000x128xf32>,
    return
  }
  func.func @transform_0(%arg0: i32) -> (i32, i32, i32) {
    %c0_i32 = arith.constant 0 : i32
    %c0_i32_0 = arith.constant 0 : i32
    %c0_i32_1 = arith.constant 0 : i32
    return %c0_i32, %arg0, %c0_i32_0 : i32, i32, i32
  }
  func.func @transform_1(%arg0: i32) -> (i32, i32) {
    %c0_i32 = arith.constant 0 : i32
    %c0_i32_0 = arith.constant 0 : i32
    return %arg0, %c0_i32 : i32, i32
  }
  func.func @transform_2(%arg0: i32) -> (i32, i32) {
    %c0_i32 = arith.constant 0 : i32
    %c0_i32_0 = arith.constant 0 : i32
    return %arg0, %c0_i32 : i32, i32
  }
  func.func @transform_3(%arg0: i32) -> (i32, i32) {
    %c0_i32 = arith.constant 0 : i32
    %c0_i32_0 = arith.constant 0 : i32
    %c0_i32_1 = arith.constant 0 : i32
    return %c0_i32, %c0_i32_0 : i32, i32
  }
  func.func @transform_4(%arg0: i32) -> (i32, i32) {
    %c0_i32 = arith.constant 0 : i32
    %c0_i32_0 = arith.constant 0 : i32
    %c0_i32_1 = arith.constant 0 : i32
    return %c0_i32, %c0_i32_0 : i32, i32
  }
  func.func @transform_5(%arg0: i32) -> (i32, i32) {
    %c0_i32 = arith.constant 0 : i32
    %c0_i32_0 = arith.constant 0 : i32
    return %arg0, %c0_i32 : i32, i32
  }
}

module attributes {stable_mosaic.version = 14 : i64} {
  func.func @_gru_body(%arg0: i32, %arg1: memref<2x1000x128xf32, #tpu.memory_space<vmem>>, %arg2: memref<1000x384xf32, #tpu.memory_space<vmem>>, %arg3: memref<1000x128xf32, #tpu.memory_space<vmem>>, %arg4: memref<128x384xf32, #tpu.memory_space<vmem>>, %arg5: memref<1x384xf32, #tpu.memory_space<vmem>>, %arg6: memref<1000x128xf32, #tpu.memory_space<vmem>>) attributes {dimension_semantics = [#tpu.dimension_semantics<arbitrary>], iteration_bounds = array<i64: 10>, scalar_prefetch = 0 : i64, scratch_operands = 0 : i64, tpu.core_type = #tpu.core_type<tc>, window_params = [{transform_indices = @transform_0, window_bounds = array<i64: 2, 1000, 128>}, {transform_indices = @transform_1, window_bounds = array<i64: 1000, 384>}, {transform_indices = @transform_2, window_bounds = array<i64: 1000, 128>}, {pipeline_mode = #tpu.pipeline_mode<synchronous>, transform_indices = @transform_3, window_bounds = array<i64: 128, 384>}, {pipeline_mode = #tpu.pipeline_mode<synchronous>, transform_indices = @transform_4, window_bounds = array<i64: 1, 384>}, {transform_indices = @transform_5, window_bounds = array<i64: 1000, 128>}]} {
    %get3A = arith.constant 0 : index
    %get3A_0 = arith.constant 0 : index
    %get3A_1 = arith.constant 0 : index
    %get3A_2 = vector.load %arg1[%get3A, %get3A_0, %get3A_1] : memref<2x1000x128xf32, #tpu.memory_space<vmem>>, vector<1x1000x128xf32>
    %get3A_3 = vector.shape_cast %get3A_2 : vector<1x1000x128xf32> to vector<1000x128xf32>
    %get3A_4 = arith.constant 1 : index
    %get3A_5 = arith.constant 0 : index
    %get3A_6 = arith.constant 0 : index
    %get3A_7 = vector.load %arg1[%get3A_4, %get3A_5, %get3A_6] : memref<2x1000x128xf32, #tpu.memory_space<vmem>>, vector<1x1000x128xf32>
    %get3A_8 = vector.shape_cast %get3A_7 : vector<1x1000x128xf32> to vector<1000x128xf32>
    %add3A = arith.addf %get3A_3, %get3A_8 : vector<1000x128xf32>
    %get3A_9 = arith.constant 0 : index
    %get3A_10 = arith.constant 0 : index
    %get3A_11 = vector.load %arg4[%get3A_9, %get3A_10] : memref<128x384xf32, #tpu.memory_space<vmem>>, vector<128x384xf32>
    %dot_general3A = arith.constant dense<0.000000e+00> : vector<1000x384xf32>
    %dot_general3A_12 = tpu.matmul %add3A, %get3A_11, %dot_general3A {dimension_numbers = #tpu.dot_dimension_numbers<[1], [0], [0], [1], [0, 0, 1, 1], [], []>, transpose_lhs_hint = false} : vector<1000x128xf32>, vector<128x384xf32>, vector<1000x384xf32> -> vector<1000x384xf32>
    %get3A_13 = arith.constant 0 : index
    %get3A_14 = arith.constant 0 : index
    %get3A_15 = vector.load %arg5[%get3A_13, %get3A_14] : memref<1x384xf32, #tpu.memory_space<vmem>>, vector<1x384xf32>
    %add3A_16 = vector.broadcast %get3A_15 : vector<1x384xf32> to vector<1000x384xf32>
    %add3A_17 = arith.addf %dot_general3A_12, %add3A_16 : vector<1000x384xf32>
    %get3A_18 = arith.constant 0 : index
    %get3A_19 = arith.constant 0 : index
    %get3A_20 = vector.load %arg2[%get3A_18, %get3A_19] : memref<1000x384xf32, #tpu.memory_space<vmem>>, vector<1000x384xf32>
    %get3A_21 = arith.constant 0 : index
    %get3A_22 = arith.constant 0 : index
    %get3A_23 = vector.load %arg3[%get3A_21, %get3A_22] : memref<1000x128xf32, #tpu.memory_space<vmem>>, vector<1000x128xf32>
    %slice3A = vector.extract_strided_slice %add3A_17 {offsets = [0, 0], sizes = [1000, 128], strides = [1, 1]} : vector<1000x384xf32> to vector<1000x128xf32>
    %slice3A_24 = vector.extract_strided_slice %get3A_20 {offsets = [0, 0], sizes = [1000, 128], strides = [1, 1]} : vector<1000x384xf32> to vector<1000x128xf32>
    %add3A_25 = arith.addf %slice3A, %slice3A_24 : vector<1000x128xf32>
    %logistic3A = arith.negf %add3A_25 : vector<1000x128xf32>
    %logistic3A_26 = math.exp %logistic3A : vector<1000x128xf32>
    %logistic3A_27 = arith.constant 1.000000e+00 : f32
    %logistic3A_28 = vector.broadcast %logistic3A_27 : f32 to vector<1000x128xf32>
    %logistic3A_29 = arith.addf %logistic3A_28, %logistic3A_26 : vector<1000x128xf32>
    %logistic3A_30 = arith.divf %logistic3A_28, %logistic3A_29 : vector<1000x128xf32>
    %slice3A_31 = vector.extract_strided_slice %add3A_17 {offsets = [0, 128], sizes = [1000, 128], strides = [1, 1]} : vector<1000x384xf32> to vector<1000x128xf32>
    %slice3A_32 = vector.extract_strided_slice %get3A_20 {offsets = [0, 128], sizes = [1000, 128], strides = [1, 1]} : vector<1000x384xf32> to vector<1000x128xf32>
    %add3A_33 = arith.addf %slice3A_31, %slice3A_32 : vector<1000x128xf32>
    %logistic3A_34 = arith.negf %add3A_33 : vector<1000x128xf32>
    %logistic3A_35 = math.exp %logistic3A_34 : vector<1000x128xf32>
    %logistic3A_36 = arith.constant 1.000000e+00 : f32
    %logistic3A_37 = vector.broadcast %logistic3A_36 : f32 to vector<1000x128xf32>
    %logistic3A_38 = arith.addf %logistic3A_37, %logistic3A_35 : vector<1000x128xf32>
    %logistic3A_39 = arith.divf %logistic3A_37, %logistic3A_38 : vector<1000x128xf32>
    %slice3A_40 = vector.extract_strided_slice %add3A_17 {offsets = [0, 256], sizes = [1000, 128], strides = [1, 1]} : vector<1000x384xf32> to vector<1000x128xf32>
    %slice3A_41 = vector.extract_strided_slice %get3A_20 {offsets = [0, 256], sizes = [1000, 128], strides = [1, 1]} : vector<1000x384xf32> to vector<1000x128xf32>
    %mul3A = arith.mulf %logistic3A_30, %slice3A_41 : vector<1000x128xf32>
    %add3A_42 = arith.addf %slice3A_40, %mul3A : vector<1000x128xf32>
    %tanh3A = math.tanh %add3A_42 : vector<1000x128xf32>
    %sub3A = arith.constant 1.000000e+00 : f32
    %sub3A_43 = vector.broadcast %sub3A : f32 to vector<1000x128xf32>
    %sub3A_44 = arith.subf %sub3A_43, %logistic3A_39 : vector<1000x128xf32>
    %mul3A_45 = arith.mulf %sub3A_44, %tanh3A : vector<1000x128xf32>
    %mul3A_46 = arith.mulf %logistic3A_39, %get3A_23 : vector<1000x128xf32>
    %add3A_47 = arith.addf %mul3A_45, %mul3A_46 : vector<1000x128xf32>
    %swap3A = arith.constant 0 : index
    %swap3A_48 = arith.constant 0 : index
    %swap3A_49 = vector.load %arg6[%swap3A, %swap3A_48] : memref<1000x128xf32, #tpu.memory_space<vmem>>, vector<1000x128xf32>
    tpu.vector_store %arg6[%swap3A, %swap3A_48], %add3A_47 {strides = array<i32>} : memref<1000x128xf32, #tpu.memory_space<vmem>>, vector<1000x128xf32>,
    return
  }
  func.func @transform_0(%arg0: i32) -> (i32, i32, i32) {
    %c0_i32 = arith.constant 0 : i32
    %c0_i32_0 = arith.constant 0 : i32
    %c0_i32_1 = arith.constant 0 : i32
    return %c0_i32, %arg0, %c0_i32_0 : i32, i32, i32
  }
  func.func @transform_1(%arg0: i32) -> (i32, i32) {
    %c0_i32 = arith.constant 0 : i32
    %c0_i32_0 = arith.constant 0 : i32
    return %arg0, %c0_i32 : i32, i32
  }
  func.func @transform_2(%arg0: i32) -> (i32, i32) {
    %c0_i32 = arith.constant 0 : i32
    %c0_i32_0 = arith.constant 0 : i32
    return %arg0, %c0_i32 : i32, i32
  }
  func.func @transform_3(%arg0: i32) -> (i32, i32) {
    %c0_i32 = arith.constant 0 : i32
    %c0_i32_0 = arith.constant 0 : i32
    %c0_i32_1 = arith.constant 0 : i32
    return %c0_i32, %c0_i32_0 : i32, i32
  }
  func.func @transform_4(%arg0: i32) -> (i32, i32) {
    %c0_i32 = arith.constant 0 : i32
    %c0_i32_0 = arith.constant 0 : i32
    %c0_i32_1 = arith.constant 0 : i32
    return %c0_i32, %c0_i32_0 : i32, i32
  }
  func.func @transform_5(%arg0: i32) -> (i32, i32) {
    %c0_i32 = arith.constant 0 : i32
    %c0_i32_0 = arith.constant 0 : i32
    return %arg0, %c0_i32 : i32, i32
  }
}

</mosaic_0001>

<sc_bundles>
// kernel: kernel.10.cloned.1.call-start
scs
__scs_entry_jumppad:
0x0: {  	(pc) =	sbr.rel $0x88, $3  }
0x1: {  	(tag) =	ssettag $0x0;
	lr =	simm.s32 $0x1  }
0x2: {  	[smem:$0x3F9A] =	sst lr;
	_ =	strace $0xD0000000  }
0x3: {  	_ = 	snop  }
0x4: {  	_ = 	snop  }
0x5: {  	_ = 	snop  }
0x6: {  	_ = 	snop  }
0x7: {  	_ = 	snop  }
__scs_overlays_trampoline_lowered:
0x8: {  	[smem:$0x3FA9] =	sst s0  }
0x9: {  	[smem:$0x3FAA] =	sst s1  }
0xa: {  	[smem:$0x3FAB] =	sst s2  }
0xb: {  	[smem:$0x3FAC] =	sst s3  }
0xc: {  	[smem:$0x3FAD] =	sst s4  }
0xd: {  	[smem:$0x3FAE] =	sst s5  }
0xe: {  	[smem:$0x3FAF] =	sst s6  }
0xf: {  	[smem:$0x3FB0] =	sst s7  }
0x10: {  	[smem:$0x3FB1] =	sst s8  }
0x11: {  	[smem:$0x3FB2] =	sst s9;
	s0 =	simm.s32 @!p0 $0x0  }
0x12: {  	s1 =	sld [smem:$0x3F98];
	s0 =	simm.s32 @p0 $0x1  }
0x13: {  	[smem:$0x3FB3] =	sst s0;
	s0 =	simm.s32 @!p1 $0x0  }
0x14: {  	s2 =	sld [smem:$0x3F97];
	s0 =	simm.s32 @p1 $0x1  }
0x15: {  	[smem:$0x3FB4] =	sst s0;
	s0 =	simm.s32 @!p2 $0x0  }
0x16: {  	s3 =	sld [smem:$0x3FDB];
	s0 =	simm.s32 @p2 $0x1  }
0x17: {  	s4 =	simm.s32 $0x1BF5;
	[smem:$0x3FB6] =	sst s0  }
0x18: {  	s0 =	sld [smem:$0x3F99];
	_ =	swait.ge [sflag:s4], $0x0  }
0x19: {  	s7 =	sld [smem:$0x3F9A]  }
0x1a: {  	s8 =	sadd.s32 $0xFFFFE003, lr  }
0x1b: {  	s9 =	sadd.s32 $0xFFFFFEF7, lr;
	s5 =	simm.s32 $0xFFFFFFFF;
	p2 =	slt.u32 s8, $0xFFFFF086  }
0x1c: {  	p1 =	slt.u32 s9, $0xF7A;
	s5 =	simm.s32 @!p2 $0x0  }
0x1d: {  	s5 =	simm.s32 @p1 $0x1;
	p0 =	seq.s32 s7, s2  }
0x1e: {  	s7 =	smul.u32 @!p0 $0xF7A, s2;
	p2 =	seq.s32 @!p0 s5, $0x0  }
0x1f: {  	s9 =	smul.u32 $0xF7A, s1;
	s8 =	simm.s32 @!p0 $0x1BF5;
	p2 =	por !p2, p0  }
0x20: {  	[sflag:s8] =	ssyncset.s32 @!p0 $0xFFFFF086;
	s6 =	sadd.s32 @!p0 s3, s7;
	s7 =	simm.s32 @!p0 $0x108  }
0x21: {  	s3 =	sadd.s32 s3, s9;
	s6 =	sadd.s32 @!p0 $0x88, s6;
	s7 =	simm.s32 @p2 $0x1082  }
0x22: {  	[simem:s7], [sflag:s8] =	dma.local @!p0 [hbm:s6], $0xF7A  }
0x23: {  	s9 =	sor.u32 $0xD0000000, s2;
	s6 =	simm.s32 $0x108;
	_ =	swait.ge @!p0 [sflag:s8], $0x0  }
0x24: {  	s3 =	sadd.s32 $0x88, s3;
	s6 =	simm.s32 @!p1 $0x1082;
	[sflag:s4] =	ssyncset.s32 $0xFFFFF086  }
0x25: {  	[simem:s6], [sflag:s4] =	dma.local [hbm:s3], $0xF7A  }
0x26: {  	[smem:$0x3F9A] =	sst s1;
	(tag) =	ssettag s2;
	_ =	strace s9  }
0x27: {  	s1 =	sld [smem:$0x3FAA]  }
0x28: {  	s2 =	sld [smem:$0x3FAB]  }
0x29: {  	s4 =	sld [smem:$0x3FAD]  }
0x2a: {  	p0 =	seq.s32 s5, $0x0;
	s5 =	sld [smem:$0x3FAE]  }
0x2b: {  	s6 =	sld [smem:$0x3FAF]  }
0x2c: {  	s7 =	sld [smem:$0x3FB0]  }
0x2d: {  	s3 =	simm.s32 $0x108;
	s8 =	sld [smem:$0x3FB1]  }
0x2e: {  	s3 =	simm.s32 @!p0 $0x1082;
	s9 =	sld [smem:$0x3FB2]  }
0x2f: {  	lr =	sadd.s32 s0, s3;
	s0 =	sld [smem:$0x3FA9]  }
0x30: {  	s3 =	sld [smem:$0x3FAC]  }
0x31: {  	[smem:$0x3FB5] =	sst s10  }
0x32: {  	s10 =	sld [smem:$0x3FB3];
	_ =	sdelay $0x3  }
0x33: {  	p0 =	seq.s32 s10, $0x1;
	s10 =	sld [smem:$0x3FB5];
	_ =	sdelay $0x3  }
0x34: {  	[smem:$0x3FB5] =	sst s10  }
0x35: {  	s10 =	sld [smem:$0x3FB4];
	_ =	sdelay $0x3  }
0x36: {  	p1 =	seq.s32 s10, $0x1;
	s10 =	sld [smem:$0x3FB5];
	_ =	sdelay $0x3  }
0x37: {  	[smem:$0x3FB5] =	sst s10  }
0x38: {  	s10 =	sld [smem:$0x3FB6]  }
0x39: {  	_ = 	snop;
	(pc) =	sbr.ind lr, $3  }
0x3a: {  	_ = 	snop  }
0x3b: {  	_ = 	snop  }
0x3c: {  	p2 =	seq.s32 s10, $0x1;
	s10 =	sld [smem:$0x3FB5]  }
0x3d: {  	_ =	shalt  }
0x3e: {  	_ =	shalt  }
0x3f: {  	_ =	shalt  }
0x40: {  	_ =	shalt  }
0x41: {  	_ =	shalt  }
0x42: {  	_ =	shalt  }
0x43: {  	_ =	shalt  }
0x44: {  	_ =	shalt  }
0x45: {  	_ =	shalt  }
0x46: {  	_ =	shalt  }
0x47: {  	_ =	shalt  }
0x48: {  	_ =	shalt  }
0x49: {  	_ =	shalt  }
0x4a: {  	_ =	shalt  }
0x4b: {  	_ =	shalt  }
0x4c: {  	_ =	shalt  }
0x4d: {  	_ =	shalt  }
0x4e: {  	_ =	shalt  }
0x4f: {  	_ =	shalt  }
0x50: {  	_ =	shalt  }
0x51: {  	_ =	shalt  }
0x52: {  	_ =	shalt  }
0x53: {  	_ =	shalt  }
0x54: {  	_ =	shalt  }
0x55: {  	_ =	shalt  }
0x56: {  	_ =	shalt  }
0x57: {  	_ =	shalt  }
0x58: {  	_ =	shalt  }
0x59: {  	_ =	shalt  }
0x5a: {  	_ =	shalt  }
0x5b: {  	_ =	shalt  }
0x5c: {  	_ =	shalt  }
0x5d: {  	_ =	shalt  }
0x5e: {  	_ =	shalt  }
0x5f: {  	_ =	shalt  }
0x60: {  	_ =	shalt  }
0x61: {  	_ =	shalt  }
0x62: {  	_ =	shalt  }
0x63: {  	_ =	shalt  }
0x64: {  	_ =	shalt  }
0x65: {  	_ =	shalt  }
0x66: {  	_ =	shalt  }
0x67: {  	_ =	shalt  }
0x68: {  	_ =	shalt  }
0x69: {  	_ =	shalt  }
0x6a: {  	_ =	shalt  }
0x6b: {  	_ =	shalt  }
0x6c: {  	_ =	shalt  }
0x6d: {  	_ =	shalt  }
0x6e: {  	_ =	shalt  }
0x6f: {  	_ =	shalt  }
0x70: {  	_ =	shalt  }
0x71: {  	_ =	shalt  }
0x72: {  	_ =	shalt  }
0x73: {  	_ =	shalt  }
0x74: {  	_ =	shalt  }
0x75: {  	_ =	shalt  }
0x76: {  	_ =	shalt  }
0x77: {  	_ =	shalt  }
0x78: {  	_ =	shalt  }
0x79: {  	_ =	shalt  }
0x7a: {  	_ =	shalt  }
0x7b: {  	_ =	shalt  }
0x7c: {  	_ =	shalt  }
0x7d: {  	_ =	shalt  }
0x7e: {  	_ =	shalt  }
0x7f: {  	_ =	shalt  }
0x80: {  	_ =	shalt  }
0x81: {  	_ =	shalt  }
0x82: {  	_ =	shalt  }
0x83: {  	_ =	shalt  }
0x84: {  	_ =	shalt  }
0x85: {  	_ =	shalt  }
0x86: {  	_ =	shalt  }
0x87: {  	_ =	shalt  }
.Lfunc_end0:
.L_simem_size_0:
called_computation_lowered:
.L_overlay_start_0:
0x88: {  	s2 =	sld [smem:$0x3FD9]  }
0x89: {  	s3 =	sld [smem:$0x3FFE];
	_ =	sdelay $0x1  }
0x8a: {  	s1 =	srdreg.scid  }
0x8b: {  	s0 =	sand.u32 $0x1, s1  }
0x8c: {  	s17 =	sshll.u32 s0, $0xA;
	s2 =	sadd.s32 s3, s2  }
0x8d: {  	s2 =	sadd.s32 s2, s17  }
0x8e: {  	[smem:$0x3FC1] =	sst s2  }
0x8f: {  	_ = 	snop  }
0x90: {  	s2 =	sld [smem:$0x3FD0];
	(tm) =	ssettm $0x1  }
0x91: {  	s18 =	sld [smem:$0x3FFB];
	_ =	sdelay $0x3  }
0x92: {  	_ =	strace s18  }
0x93: {  	s3 =	sld [smem:$0x3FFC];
	_ =	sdelay $0x3  }
0x94: {  	_ =	strace s3  }
0x95: {  	s3 =	sld [smem:$0x3FFD];
	_ =	sdelay $0x3  }
0x96: {  	_ =	strace s3  }
0x97: {  	_ =	strace $0x8FFFFFFF  }
0x98: {  	s19 =	sld [smem:$0x3FDB];
	_ =	sdelay $0x1  }
0x99: {  	s4 =	simm.s32 $_scs_section_size  }
0x9a: {  	s5 =	simm.s32 $_size__tile_overlayer_lowered;
	s6 =	simm.s32 $_tile_overlayer_lowered  }
0x9b: {  	s22 =	simm.s32 $0x1BFF;
	s21 =	sshll.u32 s6, $0x1;
	s3 =	sadd.s32 s4, s19  }
0x9c: {  	s7 =	simm.s32 $0x0;
	s20 =	sshll.u32 s5, $0x1;
	s5 =	sadd.s32 s21, s3  }
0x9d: {  	[timem:s7], [sflag:s22] =	dma.local [hbm:s5], s20  }
0x9e: {  	_ =	swait.ge [sflag:s22], s20  }
0x9f: {  	s4 =	ssub.s32 $0x0, s20;
	[sflag:s22] =	ssyncset.done $0x0  }
0xa0: {  	[sflag:s22] =	ssyncadd.s32 s4;
	_ =	sdelay $0x1  }
0xa1: {  	s23 =	simm.s32 $0x1B8B  }
0xa2: {  	_ =	swait.ge [sflag:s23], $0x1  }
0xa3: {  	[sflag:s23] =	ssyncset.done $0x0  }
0xa4: {  	s25 =	simm.s32 $0x1B8E;
	s24 =	sld [smem:$0x3FFE];
	[sflag:s23] =	ssyncadd.s32 $0xFFFFFFFF  }
0xa5: {  	s26 =	simm.s32 $execute0_lowered;
	[smem:$0x3FD2] =	sst s25  }
0xa6: {  	s5 =	sshll.u32 s26, $0x1;
	_ =	strace $0x80000046;
	[dreg:$0x1] =	wrdreg $0xFFFFFFFF  }
0xa7: {  	s28 =	simm.s32 $_size_execute0_lowered;
	s3 =	sadd.s32 s3, s5;
	[dreg:$0x0] =	wrdreg $0x0  }
0xa8: {  	s5 =	sshll.u32 s28, $0x1;
	[dreg:$0x2] =	wrdreg s3  }
0xa9: {  	[dreg:$0x3] =	wrdreg s5  }
0xaa: {  	[dreg:$0x4] =	wrdreg $0xC0  }
0xab: {  	_ =	task [dreg:s7], $0x5FFFF  }
0xac: {  	[dreg:$0x1] =	wrdreg $0xFFFFFFFF  }
0xad: {  	[dreg:$0x0] =	wrdreg $0x60  }
0xae: {  	[dreg:$0x2] =	wrdreg s2  }
0xaf: {  	[dreg:$0x3] =	wrdreg s24  }
0xb0: {  	[dreg:$0x4] =	wrdreg $0xB0000  }
0xb1: {  	[dreg:$0x5] =	wrdreg $0x9  }
0xb2: {  	_ =	task.clear_ibuf [dreg:s7], $0x6FFFF;
	_ =	strace $0x90000046  }
0xb3: {  	s29 =	simm.s32 $0x9;
	_ =	strace $0x80000048  }
0xb4: {  	_ =	swait.ge [sflag:s29], $0x1  }
0xb5: {  	[sflag:s29] =	ssyncadd.s32 $0xFFFFFFFF  }
0xb6: {  	_ =	strace $0x90000048  }
0xb7: {  	_ =	sfence  }
0xb8: {  	s30 =	sld [smem:$0x0];
	_ =	sdelay $0x2  }
0xb9: {  	s31 =	sshll.u32 s1, $0xD;
	s1 =	sshrl.u32 s1, $0x2  }
0xba: {  	s3 =	sand.u32 $0x4000, s31;
	s1 =	sadd.s32 s1, s30  }
0xbb: {  	s0 =	sor.u32 s3, s0;
	s1 =	sshll.u32 s1, $0x11  }
0xbc: {  	s0 =	sor.u32 s1, s0  }
0xbd: {  	s0 =	sadd.s32 $0x8F2B, s0  }
0xbe: {  	[sflag:s0] =	ssyncadd.remote.s32 $0x1  }
0xbf: {  	_ =	sfence.sel $0xFFFF  }
0xc0: {  	[dreg:$0x0] =	wrdreg $0xFFFFFFFF;
	(pc) =	sbr.abs _section_cstart, $3  }
0xc1: {  	[dreg:$0x1] =	wrdreg $0xFFFFFFFF  }
0xc2: {  	_ =	task.clear_ibuf [dreg:s7], $0x2FFFF;
	_ =	strace $0x9FFFFFFF  }
0xc3: {  	(tm) =	ssettm $0x7FFFFFFF  }
tec
execute0_lowered:
.L_overlay_start_1:
0x0: {  	(tag) =	ssettag $0x1  }
0x1: {  	s0 =	rddreg [dreg:$0x0]  }
0x2: {  	s1 =	rddreg [dreg:$0x1];
	s2 =	srdreg.scid  }
0x3: {  	s3 =	rddreg [dreg:$0x2];
	s4 =	simm.s32 $0x0;
	s7 =	sand.u32 $0x1, s2  }
0x4: {  	s28 =	simm.s32 $0x2;
	s2 =	stileid.u32;
	s5 =	smul.u32 $0x13C000, s7  }
0x5: {  	s29 =	simm.s32 $0x1780;
	s30 =	simm.s32 $0x2F00;
	s6 =	smul.u32 $0x13C00, s2  }
0x6: {  	s31 =	simm.s32 $0x2F80;
	[smem:$0x7FF] =	sst s4;
	s19 =	smul.u32 $0x4F000, s2  }
0x7: {  	s8 =	sadd.s32 $0xC000, s1;
	s14 =	sadd.s32 $0x2000, s1;
	s10 =	smul.u32 $0x4800, s2  }
0x8: {  	_ =	strace $0x80000047;
	s20 =	ssub.s32 $0x2, s7;
	s21 =	smul.u32 $0x900, s2  }
0x9: {  	p0 =	seq.s32 s7, $0x1;
	s12 =	sshll.u32 s2, $0x8;
	s9 =	sshrl.u32 s20, $0x1  }
0xa: {  	s15 =	sor.u32 $0x9000, s12;
	s5 =	sadd.s32 s6, s5;
	s6 =	sshrl.u32 s19, $0x2  }
0xb: {  	s16 =	ssub.s32 s20, s9;
	s22 =	sshrl.u32 s10, $0x3;
	s23 =	sadd.s32 s8, s21  }
0xc: {  	s9 =	sadd.s32 s14, s21;
	s13 =	sadd.s32 s8, s15;
	s20 =	simm.s32 $0x3000  }
0xd: {  	s21 =	simm.s32 $0x3;
	s5 =	sshrl.u32 s5, $0x3;
	[dreg:$0x4] =	wrdreg s23  }
0xe: {  	[dreg:$0x5] =	wrdreg s9;
	s24 =	sadd.s32 $0x300, s22;
	s7 =	sadd.s32 $0x600, s22  }
0xf: {  	s16 =	smax.u32 s16, $0x1;
	s22 =	simm.s32 $0x1800;
	s23 =	simm.s32 $0x80  }
0x10: {  	s1 =	sadd.s32 s5, s1;
	s5 =	sadd.s32 s6, s3;
	s25 =	sadd.s32 s8, s24  }
.Ltmp0:
0x11: {  	s26 =	sadd.s32 s14, s24;
	s11 =	sadd.s32 s8, s7;
	(pc) =	sbr.rel .LBB2_1-.Ltmp0, $4  }
0x12: {  	s12 =	sadd.s32 s14, s7;
	s14 =	sadd.s32 s14, s15;
	[dreg:$0x6] =	wrdreg s25  }
0x13: {  	s24 =	simm.s32 $0x7000;
	s6 =	sadd.s32 $0x10000, s5;
	[dreg:$0x7] =	wrdreg s26  }
0x14: {  	s15 =	sadd.s32 $0x16000, s1;
	s17 =	sadd.s32 $0x4000, s5;
	s18 =	sadd.s32 $0x8000, s5  }
0x15: {  	v0 =	vimm.f32 $0.0e+00;
	s19 =	sadd.s32 $0xC000, s5;
	s25 =	simm.s32 $0x1;
	s1 =	simm.s32 $0x0  }
.LBB2_12:
0x16: {  	[tilespmem:s4], [sflag:$0x3] =	stream.linear.gather [hbm4b:s13+s4], $0x800, $0x38;
	[tilespmem:$0x1EC00] =	vst v63  }
0x17: {  	_ =	swait.ge [sflag:s21], $0x800  }
0x18: {  	[sflag:s21] =	ssyncset.done $0x0  }
0x19: {  	[sflag:s21] =	ssyncadd.s32 $0xFFFFF800  }
0x1a: {  	[tilespmem:s22], [sflag:$0x3] =	stream.linear.gather [hbm4b:s14+s4], $0x800, $0x38;
	[tilespmem:$0x1EC00] =	vst v63  }
0x1b: {  	_ =	swait.ge [sflag:s21], $0x800  }
0x1c: {  	[sflag:s21] =	ssyncset.done $0x0  }
0x1d: {  	[sflag:s21] =	ssyncadd.s32 $0xFFFFF800  }
0x1e: {  	[tilespmem:s20], [sflag:$0x1] =	stream.indirect.gather [hbm4b:s0+s23], $0x80, s4, s23, $0xb8;
	[tilespmem:$0x1EC00] =	vst v63  }
0x1f: {  	_ = 	snop  }
0x20: {  	[tilespmem:s24], [sflag:$0x2] =	stream.indirect.gather [hbm4b:s0+s23], $0x80, s23, s23, $0xb8;
	[tilespmem:$0x1EC00] =	vst v63  }
0x21: {  	_ =	swait.ge [sflag:s25], $0x4000  }
0x22: {  	[sflag:s25] =	ssyncset.done $0x0  }
0x23: {  	[sflag:s25] =	ssyncadd.s32 $0xFFFFC000  }
0x24: {  	[spmem:s3] =	stream.indirect.scatter.add.f32 [tilespmem:s20], [sflag:$0x3], $0x80, s22, s23, $0xb8;
	[tilespmem:$0x1EC00] =	vst v63  }
0x25: {  	_ =	swait.ge [sflag:s21], $0x4000  }
0x26: {  	[sflag:s21] =	ssyncset.done $0x0  }
0x27: {  	s7 =	simm.s32 $0x100;
	[sflag:s21] =	ssyncadd.s32 $0xFFFFC000  }
0x28: {  	[tilespmem:s20], [sflag:$0x1] =	stream.indirect.gather [hbm4b:s0+s23], $0x80, s7, s23, $0xb8;
	[tilespmem:$0x1EC00] =	vst v63  }
0x29: {  	_ =	swait.ge [sflag:s28], $0x4000  }
0x2a: {  	[sflag:s28] =	ssyncset.done $0x0  }
0x2b: {  	s26 =	simm.s32 $0x1880;
	[sflag:s28] =	ssyncadd.s32 $0xFFFFC000  }
0x2c: {  	[spmem:s3] =	stream.indirect.scatter.add.f32 [tilespmem:s24], [sflag:$0x3], $0x80, s26, s23, $0xb8;
	[tilespmem:$0x1EC00] =	vst v63  }
0x2d: {  	_ =	swait.ge [sflag:s21], $0x4000  }
0x2e: {  	[sflag:s21] =	ssyncset.done $0x0  }
0x2f: {  	s8 =	simm.s32 $0x180;
	[sflag:s21] =	ssyncadd.s32 $0xFFFFC000  }
0x30: {  	[tilespmem:s24], [sflag:$0x2] =	stream.indirect.gather [hbm4b:s0+s23], $0x80, s8, s23, $0xb8;
	[tilespmem:$0x1EC00] =	vst v63  }
0x31: {  	_ =	swait.ge [sflag:s25], $0x4000  }
0x32: {  	[sflag:s25] =	ssyncset.done $0x0  }
0x33: {  	s9 =	simm.s32 $0x1900;
	[sflag:s25] =	ssyncadd.s32 $0xFFFFC000  }
0x34: {  	[spmem:s3] =	stream.indirect.scatter.add.f32 [tilespmem:s20], [sflag:$0x3], $0x80, s9, s23, $0xb8;
	[tilespmem:$0x1EC00] =	vst v63  }
0x35: {  	_ =	swait.ge [sflag:s21], $0x4000  }
0x36: {  	[sflag:s21] =	ssyncset.done $0x0  }
0x37: {  	s10 =	simm.s32 $0x200;
	[sflag:s21] =	ssyncadd.s32 $0xFFFFC000  }
0x38: {  	[tilespmem:s20], [sflag:$0x1] =	stream.indirect.gather [hbm4b:s0+s23], $0x80, s10, s23, $0xb8;
	[tilespmem:$0x1EC00] =	vst v63  }
0x39: {  	_ =	swait.ge [sflag:s28], $0x4000  }
0x3a: {  	[sflag:s28] =	ssyncset.done $0x0  }
0x3b: {  	s26 =	simm.s32 $0x1980;
	[sflag:s28] =	ssyncadd.s32 $0xFFFFC000  }
0x3c: {  	[spmem:s3] =	stream.indirect.scatter.add.f32 [tilespmem:s24], [sflag:$0x3], $0x80, s26, s23, $0xb8;
	[tilespmem:$0x1EC00] =	vst v63  }
0x3d: {  	_ =	swait.ge [sflag:s21], $0x4000  }
0x3e: {  	[sflag:s21] =	ssyncset.done $0x0  }
0x3f: {  	s8 =	simm.s32 $0x280;
	[sflag:s21] =	ssyncadd.s32 $0xFFFFC000  }
0x40: {  	[tilespmem:s24], [sflag:$0x2] =	stream.indirect.gather [hbm4b:s0+s23], $0x80, s8, s23, $0xb8;
	[tilespmem:$0x1EC00] =	vst v63  }
0x41: {  	_ =	swait.ge [sflag:s25], $0x4000  }
0x42: {  	[sflag:s25] =	ssyncset.done $0x0  }
0x43: {  	s9 =	simm.s32 $0x1A00;
	[sflag:s25] =	ssyncadd.s32 $0xFFFFC000  }
0x44: {  	[spmem:s3] =	stream.indirect.scatter.add.f32 [tilespmem:s20], [sflag:$0x3], $0x80, s9, s23, $0xb8;
	[tilespmem:$0x1EC00] =	vst v63  }
0x45: {  	_ =	swait.ge [sflag:s21], $0x4000  }
0x46: {  	[sflag:s21] =	ssyncset.done $0x0  }
0x47: {  	s10 =	simm.s32 $0x300;
	[sflag:s21] =	ssyncadd.s32 $0xFFFFC000  }
0x48: {  	[tilespmem:s20], [sflag:$0x1] =	stream.indirect.gather [hbm4b:s0+s23], $0x80, s10, s23, $0xb8;
	[tilespmem:$0x1EC00] =	vst v63  }
0x49: {  	_ =	swait.ge [sflag:s28], $0x4000  }
0x4a: {  	[sflag:s28] =	ssyncset.done $0x0  }
0x4b: {  	s26 =	simm.s32 $0x1A80;
	[sflag:s28] =	ssyncadd.s32 $0xFFFFC000  }
0x4c: {  	[spmem:s3] =	stream.indirect.scatter.add.f32 [tilespmem:s24], [sflag:$0x3], $0x80, s26, s23, $0xb8;
	[tilespmem:$0x1EC00] =	vst v63  }
0x4d: {  	_ =	swait.ge [sflag:s21], $0x4000  }
0x4e: {  	[sflag:s21] =	ssyncset.done $0x0  }
0x4f: {  	s8 =	simm.s32 $0x380;
	[sflag:s21] =	ssyncadd.s32 $0xFFFFC000  }
0x50: {  	[tilespmem:s24], [sflag:$0x2] =	stream.indirect.gather [hbm4b:s0+s23], $0x80, s8, s23, $0xb8;
	[tilespmem:$0x1EC00] =	vst v63  }
0x51: {  	_ =	swait.ge [sflag:s25], $0x4000  }
0x52: {  	[sflag:s25] =	ssyncset.done $0x0  }
0x53: {  	s9 =	simm.s32 $0x1B00;
	[sflag:s25] =	ssyncadd.s32 $0xFFFFC000  }
0x54: {  	[spmem:s3] =	stream.indirect.scatter.add.f32 [tilespmem:s20], [sflag:$0x3], $0x80, s9, s23, $0xb8;
	[tilespmem:$0x1EC00] =	vst v63  }
0x55: {  	_ =	swait.ge [sflag:s21], $0x4000  }
0x56: {  	[sflag:s21] =	ssyncset.done $0x0  }
0x57: {  	s10 =	simm.s32 $0x400;
	[sflag:s21] =	ssyncadd.s32 $0xFFFFC000  }
0x58: {  	[tilespmem:s20], [sflag:$0x1] =	stream.indirect.gather [hbm4b:s0+s23], $0x80, s10, s23, $0xb8;
	[tilespmem:$0x1EC00] =	vst v63  }
0x59: {  	_ =	swait.ge [sflag:s28], $0x4000  }
0x5a: {  	[sflag:s28] =	ssyncset.done $0x0  }
0x5b: {  	s26 =	simm.s32 $0x1B80;
	[sflag:s28] =	ssyncadd.s32 $0xFFFFC000  }
0x5c: {  	[spmem:s3] =	stream.indirect.scatter.add.f32 [tilespmem:s24], [sflag:$0x3], $0x80, s26, s23, $0xb8;
	[tilespmem:$0x1EC00] =	vst v63  }
0x5d: {  	_ =	swait.ge [sflag:s21], $0x4000  }
0x5e: {  	[sflag:s21] =	ssyncset.done $0x0  }
0x5f: {  	s8 =	simm.s32 $0x480;
	[sflag:s21] =	ssyncadd.s32 $0xFFFFC000  }
0x60: {  	[tilespmem:s24], [sflag:$0x2] =	stream.indirect.gather [hbm4b:s0+s23], $0x80, s8, s23, $0xb8;
	[tilespmem:$0x1EC00] =	vst v63  }
0x61: {  	_ =	swait.ge [sflag:s25], $0x4000  }
0x62: {  	[sflag:s25] =	ssyncset.done $0x0  }
0x63: {  	s9 =	simm.s32 $0x1C00;
	[sflag:s25] =	ssyncadd.s32 $0xFFFFC000  }
0x64: {  	[spmem:s3] =	stream.indirect.scatter.add.f32 [tilespmem:s20], [sflag:$0x3], $0x80, s9, s23, $0xb8;
	[tilespmem:$0x1EC00] =	vst v63  }
0x65: {  	_ =	swait.ge [sflag:s21], $0x4000  }
0x66: {  	[sflag:s21] =	ssyncset.done $0x0  }
0x67: {  	s10 =	simm.s32 $0x500;
	[sflag:s21] =	ssyncadd.s32 $0xFFFFC000  }
0x68: {  	[tilespmem:s20], [sflag:$0x1] =	stream.indirect.gather [hbm4b:s0+s23], $0x80, s10, s23, $0xb8;
	[tilespmem:$0x1EC00] =	vst v63  }
0x69: {  	_ =	swait.ge [sflag:s28], $0x4000  }
0x6a: {  	[sflag:s28] =	ssyncset.done $0x0  }
0x6b: {  	s26 =	simm.s32 $0x1C80;
	[sflag:s28] =	ssyncadd.s32 $0xFFFFC000  }
0x6c: {  	[spmem:s3] =	stream.indirect.scatter.add.f32 [tilespmem:s24], [sflag:$0x3], $0x80, s26, s23, $0xb8;
	[tilespmem:$0x1EC00] =	vst v63  }
0x6d: {  	_ =	swait.ge [sflag:s21], $0x4000  }
0x6e: {  	[sflag:s21] =	ssyncset.done $0x0  }
0x6f: {  	s8 =	simm.s32 $0x580;
	[sflag:s21] =	ssyncadd.s32 $0xFFFFC000  }
0x70: {  	[tilespmem:s24], [sflag:$0x2] =	stream.indirect.gather [hbm4b:s0+s23], $0x80, s8, s23, $0xb8;
	[tilespmem:$0x1EC00] =	vst v63  }
0x71: {  	_ =	swait.ge [sflag:s25], $0x4000  }
0x72: {  	[sflag:s25] =	ssyncset.done $0x0  }
0x73: {  	s9 =	simm.s32 $0x1D00;
	[sflag:s25] =	ssyncadd.s32 $0xFFFFC000  }
0x74: {  	[spmem:s3] =	stream.indirect.scatter.add.f32 [tilespmem:s20], [sflag:$0x3], $0x80, s9, s23, $0xb8;
	[tilespmem:$0x1EC00] =	vst v63  }
0x75: {  	_ =	swait.ge [sflag:s21], $0x4000  }
0x76: {  	[sflag:s21] =	ssyncset.done $0x0  }
0x77: {  	s10 =	simm.s32 $0x600;
	[sflag:s21] =	ssyncadd.s32 $0xFFFFC000  }
0x78: {  	[tilespmem:s20], [sflag:$0x1] =	stream.indirect.gather [hbm4b:s0+s23], $0x80, s10, s23, $0xb8;
	[tilespmem:$0x1EC00] =	vst v63  }
0x79: {  	_ =	swait.ge [sflag:s28], $0x4000  }
0x7a: {  	[sflag:s28] =	ssyncset.done $0x0  }
0x7b: {  	s26 =	simm.s32 $0x1D80;
	[sflag:s28] =	ssyncadd.s32 $0xFFFFC000  }
0x7c: {  	[spmem:s3] =	stream.indirect.scatter.add.f32 [tilespmem:s24], [sflag:$0x3], $0x80, s26, s23, $0xb8;
	[tilespmem:$0x1EC00] =	vst v63  }
0x7d: {  	_ =	swait.ge [sflag:s21], $0x4000  }
0x7e: {  	[sflag:s21] =	ssyncset.done $0x0  }
0x7f: {  	s8 =	simm.s32 $0x680;
	[sflag:s21] =	ssyncadd.s32 $0xFFFFC000  }
0x80: {  	[tilespmem:s24], [sflag:$0x2] =	stream.indirect.gather [hbm4b:s0+s23], $0x80, s8, s23, $0xb8;
	[tilespmem:$0x1EC00] =	vst v63  }
0x81: {  	_ =	swait.ge [sflag:s25], $0x4000  }
0x82: {  	[sflag:s25] =	ssyncset.done $0x0  }
0x83: {  	s9 =	simm.s32 $0x1E00;
	[sflag:s25] =	ssyncadd.s32 $0xFFFFC000  }
0x84: {  	[spmem:s3] =	stream.indirect.scatter.add.f32 [tilespmem:s20], [sflag:$0x3], $0x80, s9, s23, $0xb8;
	[tilespmem:$0x1EC00] =	vst v63  }
0x85: {  	_ =	swait.ge [sflag:s21], $0x4000  }
0x86: {  	[sflag:s21] =	ssyncset.done $0x0  }
0x87: {  	s10 =	simm.s32 $0x700;
	[sflag:s21] =	ssyncadd.s32 $0xFFFFC000  }
0x88: {  	[tilespmem:s20], [sflag:$0x1] =	stream.indirect.gather [hbm4b:s0+s23], $0x80, s10, s23, $0xb8;
	[tilespmem:$0x1EC00] =	vst v63  }
0x89: {  	_ =	swait.ge [sflag:s28], $0x4000  }
0x8a: {  	[sflag:s28] =	ssyncset.done $0x0  }
0x8b: {  	s26 =	simm.s32 $0x1E80;
	[sflag:s28] =	ssyncadd.s32 $0xFFFFC000  }
0x8c: {  	[spmem:s3] =	stream.indirect.scatter.add.f32 [tilespmem:s24], [sflag:$0x3], $0x80, s26, s23, $0xb8;
	[tilespmem:$0x1EC00] =	vst v63  }
0x8d: {  	_ =	swait.ge [sflag:s21], $0x4000  }
0x8e: {  	s7 =	simm.s32 $0x1F80;
	[sflag:s21] =	ssyncset.done $0x0  }
0x8f: {  	s8 =	simm.s32 $0x780;
	s26 =	simm.s32 $0x1F00;
	[sflag:s21] =	ssyncadd.s32 $0xFFFFC000  }
.LBB2_13:
0x90: {  	[tilespmem:s24], [sflag:$0x2] =	stream.indirect.gather [hbm4b:s0+s23], $0x80, s8, s23, $0xb8;
	[tilespmem:$0x1EC00] =	vst v63  }
0x91: {  	_ =	swait.ge [sflag:s25], $0x4000  }
0x92: {  	[sflag:s25] =	ssyncset.done $0x0  }
0x93: {  	[sflag:s25] =	ssyncadd.s32 $0xFFFFC000  }
0x94: {  	[spmem:s3] =	stream.indirect.scatter.add.f32 [tilespmem:s20], [sflag:$0x3], $0x80, s26, s23, $0xb8;
	[tilespmem:$0x1EC00] =	vst v63  }
0x95: {  	_ =	swait.ge [sflag:s21], $0x4000  }
0x96: {  	[sflag:s21] =	ssyncset.done $0x0  }
0x97: {  	[sflag:s21] =	ssyncadd.s32 $0xFFFFC000  }
0x98: {  	_ =	swait.ge [sflag:s28], $0x4000  }
0x99: {  	[sflag:s28] =	ssyncset.done $0x0  }
0x9a: {  	[sflag:s28] =	ssyncadd.s32 $0xFFFFC000  }
0x9b: {  	[spmem:s3] =	stream.indirect.scatter.add.f32 [tilespmem:s24], [sflag:$0x3], $0x80, s7, s23, $0xb8;
	[tilespmem:$0x1EC00] =	vst v63  }
0x9c: {  	_ =	swait.ge [sflag:s21], $0x4000  }
0x9d: {  	s10 =	sshll.u32 s2, $0x6;
	s1 =	sadd.s32 $0x1, s1;
	[sflag:s21] =	ssyncset.done $0x0  }
0x9e: {  	p1 =	sne.s32 s1, s16;
	s26 =	sshrl.u32 s5, $0x3;
	[sflag:s21] =	ssyncadd.s32 $0xFFFFC000  }
.Ltmp1:
0x9f: {  	s7 =	sor.u32 $0x1C03, s10;
	[bflag:$0x0] =	sbarrier.arrive $0xFFFF;
	(pc) =	sbr.rel @!p1 .LBB2_14-.Ltmp1, $4  }
0xa0: {  	[hbm:s15], [sflag:s7] =	dma.local [spmem:s26], $0x2780  }
0xa1: {  	_ =	swait.ge [sflag:s21], $0x2780  }
0xa2: {  	[sflag:s21] =	ssyncset.done $0x0  }
0xa3: {  	[sflag:s21] =	ssyncadd.s32 $0xFFFFD880  }
.LBB2_1:
0xa4: {  	s26 =	simm.s32 $0x0;
	s7 =	simm.s32 $0x200  }
.LBB2_2:
0xa5: {  	p1 =	sne.s32 s7, $0xFE00;
	[tilespmem:s26+$0x3070] =	vst v0  }
0xa6: {  	[tilespmem:s26+$0x3000] =	vst v0  }
0xa7: {  	[tilespmem:s26+$0x3010] =	vst v0  }
.Ltmp2:
0xa8: {  	[tilespmem:s26+$0x3020] =	vst v0;
	(pc) =	sbr.rel @p1 .LBB2_2-.Ltmp2, $4  }
0xa9: {  	[tilespmem:s26+$0x3030] =	vst v0  }
0xaa: {  	[tilespmem:s26+$0x3040] =	vst v0  }
0xab: {  	[tilespmem:s26+$0x3050] =	vst v0  }
0xac: {  	[tilespmem:s26+$0x3060] =	vst v0;
	s26 =	sshra.s32 s7, $0x2;
	s7 =	sadd.s32 $0x200, s7  }
0xad: {  	[tilespmem:s26+$0x3070] =	vst v0  }
0xae: {  	[tilespmem:s26+$0x3000] =	vst v0  }
0xaf: {  	[tilespmem:s26+$0x3010] =	vst v0  }
0xb0: {  	[tilespmem:s26+$0x3020] =	vst v0  }
0xb1: {  	[tilespmem:s26+$0x3030] =	vst v0  }
0xb2: {  	[tilespmem:s26+$0x3040] =	vst v0  }
0xb3: {  	[tilespmem:s26+$0x3050] =	vst v0  }
0xb4: {  	[tilespmem:s26+$0x3060] =	vst v0  }
0xb5: {  	[spmem:s5] =	stream.linear.scatter [tilespmem:s20], [sflag:$0x3], $0x4000, $0x38;
	[tilespmem:$0x1EC00] =	vst v63  }
0xb6: {  	_ =	swait.ge [sflag:s21], $0x4000  }
0xb7: {  	[sflag:s21] =	ssyncset.done $0x0  }
0xb8: {  	[sflag:s21] =	ssyncadd.s32 $0xFFFFC000  }
0xb9: {  	[spmem:s17] =	stream.linear.scatter [tilespmem:s20], [sflag:$0x3], $0x4000, $0x38;
	[tilespmem:$0x1EC00] =	vst v63  }
0xba: {  	_ =	swait.ge [sflag:s21], $0x4000  }
0xbb: {  	[sflag:s21] =	ssyncset.done $0x0  }
0xbc: {  	[sflag:s21] =	ssyncadd.s32 $0xFFFFC000  }
0xbd: {  	[spmem:s18] =	stream.linear.scatter [tilespmem:s20], [sflag:$0x3], $0x4000, $0x38;
	[tilespmem:$0x1EC00] =	vst v63  }
0xbe: {  	_ =	swait.ge [sflag:s21], $0x4000  }
0xbf: {  	[sflag:s21] =	ssyncset.done $0x0  }
0xc0: {  	[sflag:s21] =	ssyncadd.s32 $0xFFFFC000  }
0xc1: {  	[spmem:s19] =	stream.linear.scatter [tilespmem:s20], [sflag:$0x3], $0x4000, $0x38;
	[tilespmem:$0x1EC00] =	vst v63  }
0xc2: {  	_ =	swait.ge [sflag:s21], $0x4000  }
0xc3: {  	[sflag:s21] =	ssyncset.done $0x0  }
0xc4: {  	[sflag:s21] =	ssyncadd.s32 $0xFFFFC000  }
0xc5: {  	[spmem:s6] =	stream.linear.scatter [tilespmem:s20], [sflag:$0x3], $0x3C00, $0x38;
	[tilespmem:$0x1EC00] =	vst v63  }
.Ltmp3:
0xc6: {  	_ =	swait.ge [sflag:s21], $0x3C00;
	(pc) =	sbr.rel @p0 .LBB2_12-.Ltmp3, $3  }
0xc7: {  	[sflag:s21] =	ssyncset.done $0x0  }
0xc8: {  	[sflag:s21] =	ssyncadd.s32 $0xFFFFC400  }
0xc9: {  	[bflag:$0x0] =	sbarrier.arrive $0xFFFF;
	_ =	sdelay $0x1  }
0xca: {  	s7 =	simm.s32 $0x0;
	s8 =	rddreg [dreg:$0x4]  }
0xcb: {  	[tilespmem:s7], [sflag:$0x3] =	stream.linear.gather [hbm4b:s8+s7], $0x1800, $0x38;
	[tilespmem:$0x1EC00] =	vst v63  }
0xcc: {  	_ =	swait.ge [sflag:s21], $0x1800  }
0xcd: {  	[sflag:s21] =	ssyncset.done $0x0  }
0xce: {  	s26 =	rddreg [dreg:$0x5];
	[sflag:s21] =	ssyncadd.s32 $0xFFFFE800  }
0xcf: {  	[tilespmem:s22], [sflag:$0x3] =	stream.linear.gather [hbm4b:s26+s7], $0x1800, $0x38;
	[tilespmem:$0x1EC00] =	vst v63  }
0xd0: {  	_ =	swait.ge [sflag:s21], $0x1800  }
0xd1: {  	[sflag:s21] =	ssyncset.done $0x0  }
0xd2: {  	[sflag:s21] =	ssyncadd.s32 $0xFFFFE800  }
0xd3: {  	[tilespmem:s20], [sflag:$0x1] =	stream.indirect.gather [hbm4b:s0+s23], $0x80, s7, s23, $0xb8;
	[tilespmem:$0x1EC00] =	vst v63  }
0xd4: {  	s8 =	simm.s32 $0x80  }
0xd5: {  	[tilespmem:s24], [sflag:$0x2] =	stream.indirect.gather [hbm4b:s0+s23], $0x80, s8, s23, $0xb8;
	[tilespmem:$0x1EC00] =	vst v63  }
0xd6: {  	_ =	swait.ge [sflag:s25], $0x4000  }
0xd7: {  	[sflag:s25] =	ssyncset.done $0x0  }
0xd8: {  	s9 =	simm.s32 $0x1800;
	[sflag:s25] =	ssyncadd.s32 $0xFFFFC000  }
0xd9: {  	[spmem:s3] =	stream.indirect.scatter.add.f32 [tilespmem:s20], [sflag:$0x3], $0x80, s9, s23, $0xb8;
	[tilespmem:$0x1EC00] =	vst v63  }
0xda: {  	_ =	swait.ge [sflag:s21], $0x4000  }
0xdb: {  	[sflag:s21] =	ssyncset.done $0x0  }
0xdc: {  	s10 =	simm.s32 $0x100;
	[sflag:s21] =	ssyncadd.s32 $0xFFFFC000  }
0xdd: {  	[tilespmem:s20], [sflag:$0x1] =	stream.indirect.gather [hbm4b:s0+s23], $0x80, s10, s23, $0xb8;
	[tilespmem:$0x1EC00] =	vst v63  }
0xde: {  	_ =	swait.ge [sflag:s28], $0x4000  }
0xdf: {  	[sflag:s28] =	ssyncset.done $0x0  }
0xe0: {  	s26 =	simm.s32 $0x1880;
	[sflag:s28] =	ssyncadd.s32 $0xFFFFC000  }
0xe1: {  	[spmem:s3] =	stream.indirect.scatter.add.f32 [tilespmem:s24], [sflag:$0x3], $0x80, s26, s23, $0xb8;
	[tilespmem:$0x1EC00] =	vst v63  }
0xe2: {  	_ =	swait.ge [sflag:s21], $0x4000  }
0xe3: {  	s7 =	simm.s32 $0x800;
	s26 =	simm.s32 $0x100;
	[sflag:s21] =	ssyncset.done $0x0  }
.LBB2_5:
0xe4: {  	s8 =	sadd.s32 $0x80, s26  }
0xe5: {  	[sflag:s21] =	ssyncadd.s32 $0xFFFFC000;
	s9 =	smov.u32 s7;
	s10 =	sadd.s32 $0x400, s7  }
0xe6: {  	[tilespmem:s24], [sflag:$0x2] =	stream.indirect.gather [hbm4b:s0+s23], $0x80, s8, s23, $0xb8;
	[tilespmem:$0x1EC00] =	vst v63  }
0xe7: {  	p1 =	sne.s32 s7, $0x5800;
	_ =	swait.ge [sflag:s25], $0x4000  }
0xe8: {  	[sflag:s25] =	ssyncset.done $0x0  }
0xe9: {  	s7 =	sadd.s32 $0x1800, s26;
	[sflag:s25] =	ssyncadd.s32 $0xFFFFC000  }
0xea: {  	[spmem:s3] =	stream.indirect.scatter.add.f32 [tilespmem:s20], [sflag:$0x3], $0x80, s7, s23, $0xb8;
	[tilespmem:$0x1EC00] =	vst v63  }
0xeb: {  	_ =	swait.ge [sflag:s21], $0x4000  }
0xec: {  	[sflag:s21] =	ssyncset.done $0x0  }
0xed: {  	s7 =	sadd.s32 $0x100, s26;
	[sflag:s21] =	ssyncadd.s32 $0xFFFFC000  }
0xee: {  	[tilespmem:s20], [sflag:$0x1] =	stream.indirect.gather [hbm4b:s0+s23], $0x80, s7, s23, $0xb8;
	[tilespmem:$0x1EC00] =	vst v63  }
0xef: {  	_ =	swait.ge [sflag:s28], $0x4000  }
.Ltmp4:
0xf0: {  	[sflag:s28] =	ssyncset.done $0x0;
	(pc) =	sbr.rel @p1 .LBB2_5-.Ltmp4, $4  }
0xf1: {  	s7 =	sadd.s32 $0x1880, s26;
	[sflag:s28] =	ssyncadd.s32 $0xFFFFC000  }
0xf2: {  	[spmem:s3] =	stream.indirect.scatter.add.f32 [tilespmem:s24], [sflag:$0x3], $0x80, s7, s23, $0xb8;
	[tilespmem:$0x1EC00] =	vst v63  }
0xf3: {  	_ =	swait.ge [sflag:s21], $0x4000  }
0xf4: {  	s26 =	sshra.s32 s9, $0x2;
	s7 =	smov.u32 s10;
	[sflag:s21] =	ssyncset.done $0x0  }
0xf5: {  	s7 =	sadd.s32 $0x80, s26;
	[sflag:s21] =	ssyncadd.s32 $0xFFFFC000  }
0xf6: {  	[tilespmem:s24], [sflag:$0x2] =	stream.indirect.gather [hbm4b:s0+s23], $0x80, s7, s23, $0xb8;
	[tilespmem:$0x1EC00] =	vst v63  }
0xf7: {  	_ =	swait.ge [sflag:s25], $0x4000  }
0xf8: {  	[sflag:s25] =	ssyncset.done $0x0  }
0xf9: {  	s10 =	sadd.s32 $0x1800, s26;
	[sflag:s25] =	ssyncadd.s32 $0xFFFFC000  }
0xfa: {  	[spmem:s3] =	stream.indirect.scatter.add.f32 [tilespmem:s20], [sflag:$0x3], $0x80, s10, s23, $0xb8;
	[tilespmem:$0x1EC00] =	vst v63  }
0xfb: {  	_ =	swait.ge [sflag:s21], $0x4000  }
0xfc: {  	[sflag:s21] =	ssyncset.done $0x0  }
0xfd: {  	s8 =	sadd.s32 $0x100, s26;
	[sflag:s21] =	ssyncadd.s32 $0xFFFFC000  }
0xfe: {  	[tilespmem:s20], [sflag:$0x1] =	stream.indirect.gather [hbm4b:s0+s23], $0x80, s8, s23, $0xb8;
	[tilespmem:$0x1EC00] =	vst v63  }
0xff: {  	_ =	swait.ge [sflag:s28], $0x4000  }
0x100: {  	[sflag:s28] =	ssyncset.done $0x0  }
0x101: {  	s9 =	sadd.s32 $0x1880, s26;
	[sflag:s28] =	ssyncadd.s32 $0xFFFFC000  }
0x102: {  	[spmem:s3] =	stream.indirect.scatter.add.f32 [tilespmem:s24], [sflag:$0x3], $0x80, s9, s23, $0xb8;
	[tilespmem:$0x1EC00] =	vst v63  }
0x103: {  	_ =	swait.ge [sflag:s21], $0x4000  }
0x104: {  	[sflag:s21] =	ssyncset.done $0x0  }
0x105: {  	[sflag:s21] =	ssyncadd.s32 $0xFFFFC000  }
0x106: {  	[tilespmem:s24], [sflag:$0x2] =	stream.indirect.gather [hbm4b:s0+s23], $0x80, s29, s23, $0xb8;
	[tilespmem:$0x1EC00] =	vst v63  }
0x107: {  	_ =	swait.ge [sflag:s25], $0x4000  }
0x108: {  	[sflag:s25] =	ssyncset.done $0x0  }
0x109: {  	[sflag:s25] =	ssyncadd.s32 $0xFFFFC000  }
0x10a: {  	[spmem:s3] =	stream.indirect.scatter.add.f32 [tilespmem:s20], [sflag:$0x3], $0x80, s30, s23, $0xb8;
	[tilespmem:$0x1EC00] =	vst v63  }
0x10b: {  	_ =	swait.ge [sflag:s21], $0x4000  }
0x10c: {  	[sflag:s21] =	ssyncset.done $0x0  }
0x10d: {  	[sflag:s21] =	ssyncadd.s32 $0xFFFFC000  }
0x10e: {  	_ =	swait.ge [sflag:s28], $0x4000  }
0x10f: {  	[sflag:s28] =	ssyncset.done $0x0  }
0x110: {  	[sflag:s28] =	ssyncadd.s32 $0xFFFFC000  }
0x111: {  	[spmem:s3] =	stream.indirect.scatter.add.f32 [tilespmem:s24], [sflag:$0x3], $0x80, s31, s23, $0xb8;
	[tilespmem:$0x1EC00] =	vst v63  }
0x112: {  	_ =	swait.ge [sflag:s21], $0x4000  }
0x113: {  	[sflag:s21] =	ssyncset.done $0x0  }
0x114: {  	s10 =	simm.s32 $0x0;
	s8 =	rddreg [dreg:$0x6];
	[sflag:s21] =	ssyncadd.s32 $0xFFFFC000  }
0x115: {  	[tilespmem:s10], [sflag:$0x3] =	stream.linear.gather [hbm4b:s8+s10], $0x1800, $0x38;
	[tilespmem:$0x1EC00] =	vst v63  }
0x116: {  	_ =	swait.ge [sflag:s21], $0x1800  }
0x117: {  	[sflag:s21] =	ssyncset.done $0x0  }
0x118: {  	s26 =	rddreg [dreg:$0x7];
	[sflag:s21] =	ssyncadd.s32 $0xFFFFE800  }
0x119: {  	[tilespmem:s22], [sflag:$0x3] =	stream.linear.gather [hbm4b:s26+s10], $0x1800, $0x38;
	[tilespmem:$0x1EC00] =	vst v63  }
0x11a: {  	_ =	swait.ge [sflag:s21], $0x1800  }
0x11b: {  	[sflag:s21] =	ssyncset.done $0x0  }
0x11c: {  	[sflag:s21] =	ssyncadd.s32 $0xFFFFE800  }
0x11d: {  	[tilespmem:s20], [sflag:$0x1] =	stream.indirect.gather [hbm4b:s0+s23], $0x80, s10, s23, $0xb8;
	[tilespmem:$0x1EC00] =	vst v63  }
0x11e: {  	s8 =	simm.s32 $0x80  }
0x11f: {  	[tilespmem:s24], [sflag:$0x2] =	stream.indirect.gather [hbm4b:s0+s23], $0x80, s8, s23, $0xb8;
	[tilespmem:$0x1EC00] =	vst v63  }
0x120: {  	_ =	swait.ge [sflag:s25], $0x4000  }
0x121: {  	[sflag:s25] =	ssyncset.done $0x0  }
0x122: {  	s9 =	simm.s32 $0x1800;
	[sflag:s25] =	ssyncadd.s32 $0xFFFFC000  }
0x123: {  	[spmem:s3] =	stream.indirect.scatter.add.f32 [tilespmem:s20], [sflag:$0x3], $0x80, s9, s23, $0xb8;
	[tilespmem:$0x1EC00] =	vst v63  }
0x124: {  	_ =	swait.ge [sflag:s21], $0x4000  }
0x125: {  	[sflag:s21] =	ssyncset.done $0x0  }
0x126: {  	s10 =	simm.s32 $0x100;
	[sflag:s21] =	ssyncadd.s32 $0xFFFFC000  }
0x127: {  	[tilespmem:s20], [sflag:$0x1] =	stream.indirect.gather [hbm4b:s0+s23], $0x80, s10, s23, $0xb8;
	[tilespmem:$0x1EC00] =	vst v63  }
0x128: {  	_ =	swait.ge [sflag:s28], $0x4000  }
0x129: {  	[sflag:s28] =	ssyncset.done $0x0  }
0x12a: {  	s26 =	simm.s32 $0x1880;
	[sflag:s28] =	ssyncadd.s32 $0xFFFFC000  }
0x12b: {  	[spmem:s3] =	stream.indirect.scatter.add.f32 [tilespmem:s24], [sflag:$0x3], $0x80, s26, s23, $0xb8;
	[tilespmem:$0x1EC00] =	vst v63  }
0x12c: {  	_ =	swait.ge [sflag:s21], $0x4000  }
0x12d: {  	s7 =	simm.s32 $0x800;
	s26 =	simm.s32 $0x100;
	[sflag:s21] =	ssyncset.done $0x0  }
.LBB2_7:
0x12e: {  	s8 =	sadd.s32 $0x80, s26  }
0x12f: {  	[sflag:s21] =	ssyncadd.s32 $0xFFFFC000;
	s9 =	smov.u32 s7;
	s10 =	sadd.s32 $0x400, s7  }
0x130: {  	[tilespmem:s24], [sflag:$0x2] =	stream.indirect.gather [hbm4b:s0+s23], $0x80, s8, s23, $0xb8;
	[tilespmem:$0x1EC00] =	vst v63  }
0x131: {  	p1 =	sne.s32 s7, $0x5800;
	_ =	swait.ge [sflag:s25], $0x4000  }
0x132: {  	[sflag:s25] =	ssyncset.done $0x0  }
0x133: {  	s7 =	sadd.s32 $0x1800, s26;
	[sflag:s25] =	ssyncadd.s32 $0xFFFFC000  }
0x134: {  	[spmem:s3] =	stream.indirect.scatter.add.f32 [tilespmem:s20], [sflag:$0x3], $0x80, s7, s23, $0xb8;
	[tilespmem:$0x1EC00] =	vst v63  }
0x135: {  	_ =	swait.ge [sflag:s21], $0x4000  }
0x136: {  	[sflag:s21] =	ssyncset.done $0x0  }
0x137: {  	s7 =	sadd.s32 $0x100, s26;
	[sflag:s21] =	ssyncadd.s32 $0xFFFFC000  }
0x138: {  	[tilespmem:s20], [sflag:$0x1] =	stream.indirect.gather [hbm4b:s0+s23], $0x80, s7, s23, $0xb8;
	[tilespmem:$0x1EC00] =	vst v63  }
0x139: {  	_ =	swait.ge [sflag:s28], $0x4000  }
.Ltmp5:
0x13a: {  	[sflag:s28] =	ssyncset.done $0x0;
	(pc) =	sbr.rel @p1 .LBB2_7-.Ltmp5, $4  }
0x13b: {  	s7 =	sadd.s32 $0x1880, s26;
	[sflag:s28] =	ssyncadd.s32 $0xFFFFC000  }
0x13c: {  	[spmem:s3] =	stream.indirect.scatter.add.f32 [tilespmem:s24], [sflag:$0x3], $0x80, s7, s23, $0xb8;
	[tilespmem:$0x1EC00] =	vst v63  }
0x13d: {  	_ =	swait.ge [sflag:s21], $0x4000  }
0x13e: {  	s26 =	sshra.s32 s9, $0x2;
	s7 =	smov.u32 s10;
	[sflag:s21] =	ssyncset.done $0x0  }
0x13f: {  	s7 =	sadd.s32 $0x80, s26;
	[sflag:s21] =	ssyncadd.s32 $0xFFFFC000  }
0x140: {  	[tilespmem:s24], [sflag:$0x2] =	stream.indirect.gather [hbm4b:s0+s23], $0x80, s7, s23, $0xb8;
	[tilespmem:$0x1EC00] =	vst v63  }
0x141: {  	_ =	swait.ge [sflag:s25], $0x4000  }
0x142: {  	[sflag:s25] =	ssyncset.done $0x0  }
0x143: {  	s8 =	sadd.s32 $0x1800, s26;
	[sflag:s25] =	ssyncadd.s32 $0xFFFFC000  }
0x144: {  	[spmem:s3] =	stream.indirect.scatter.add.f32 [tilespmem:s20], [sflag:$0x3], $0x80, s8, s23, $0xb8;
	[tilespmem:$0x1EC00] =	vst v63  }
0x145: {  	_ =	swait.ge [sflag:s21], $0x4000  }
0x146: {  	[sflag:s21] =	ssyncset.done $0x0  }
0x147: {  	s9 =	sadd.s32 $0x100, s26;
	[sflag:s21] =	ssyncadd.s32 $0xFFFFC000  }
0x148: {  	[tilespmem:s20], [sflag:$0x1] =	stream.indirect.gather [hbm4b:s0+s23], $0x80, s9, s23, $0xb8;
	[tilespmem:$0x1EC00] =	vst v63  }
0x149: {  	_ =	swait.ge [sflag:s28], $0x4000  }
0x14a: {  	[sflag:s28] =	ssyncset.done $0x0  }
0x14b: {  	s10 =	sadd.s32 $0x1880, s26;
	[sflag:s28] =	ssyncadd.s32 $0xFFFFC000  }
0x14c: {  	[spmem:s3] =	stream.indirect.scatter.add.f32 [tilespmem:s24], [sflag:$0x3], $0x80, s10, s23, $0xb8;
	[tilespmem:$0x1EC00] =	vst v63  }
0x14d: {  	_ =	swait.ge [sflag:s21], $0x4000  }
0x14e: {  	[sflag:s21] =	ssyncset.done $0x0  }
0x14f: {  	[sflag:s21] =	ssyncadd.s32 $0xFFFFC000  }
0x150: {  	[tilespmem:s24], [sflag:$0x2] =	stream.indirect.gather [hbm4b:s0+s23], $0x80, s29, s23, $0xb8;
	[tilespmem:$0x1EC00] =	vst v63  }
0x151: {  	_ =	swait.ge [sflag:s25], $0x4000  }
0x152: {  	[sflag:s25] =	ssyncset.done $0x0  }
0x153: {  	[sflag:s25] =	ssyncadd.s32 $0xFFFFC000  }
0x154: {  	[spmem:s3] =	stream.indirect.scatter.add.f32 [tilespmem:s20], [sflag:$0x3], $0x80, s30, s23, $0xb8;
	[tilespmem:$0x1EC00] =	vst v63  }
0x155: {  	_ =	swait.ge [sflag:s21], $0x4000  }
0x156: {  	[sflag:s21] =	ssyncset.done $0x0  }
0x157: {  	[sflag:s21] =	ssyncadd.s32 $0xFFFFC000  }
0x158: {  	_ =	swait.ge [sflag:s28], $0x4000  }
0x159: {  	[sflag:s28] =	ssyncset.done $0x0  }
0x15a: {  	[sflag:s28] =	ssyncadd.s32 $0xFFFFC000  }
0x15b: {  	[spmem:s3] =	stream.indirect.scatter.add.f32 [tilespmem:s24], [sflag:$0x3], $0x80, s31, s23, $0xb8;
	[tilespmem:$0x1EC00] =	vst v63  }
0x15c: {  	_ =	swait.ge [sflag:s21], $0x4000  }
0x15d: {  	[sflag:s21] =	ssyncset.done $0x0  }
0x15e: {  	s26 =	simm.s32 $0x0;
	[sflag:s21] =	ssyncadd.s32 $0xFFFFC000  }
0x15f: {  	[tilespmem:s26], [sflag:$0x3] =	stream.linear.gather [hbm4b:s11+s26], $0x1800, $0x38;
	[tilespmem:$0x1EC00] =	vst v63  }
0x160: {  	_ =	swait.ge [sflag:s21], $0x1800  }
0x161: {  	[sflag:s21] =	ssyncset.done $0x0  }
0x162: {  	p2 =	por $0x0, $0x0;
	[sflag:s21] =	ssyncadd.s32 $0xFFFFE800  }
0x163: {  	[tilespmem:s22], [sflag:$0x3] =	stream.linear.gather [hbm4b:s12+s26], $0x1800, $0x38;
	[tilespmem:$0x1EC00] =	vst v63  }
.Ltmp6:
0x164: {  	_ =	swait.ge [sflag:s21], $0x1800;
	(pc) =	sbr.rel @p2 .LBB2_11-.Ltmp6, $4  }
0x165: {  	[sflag:s21] =	ssyncset.done $0x0  }
0x166: {  	[sflag:s21] =	ssyncadd.s32 $0xFFFFE800  }
0x167: {  	[tilespmem:s20], [sflag:$0x1] =	stream.indirect.gather [hbm4b:s0+s23], $0x80, s26, s23, $0xb8;
	[tilespmem:$0x1EC00] =	vst v63  }
0x168: {  	p1 =	por $0x0, $0x0;
	s26 =	simm.s32 $0x0  }
0x169: {  	s7 =	simm.s32 $0x80  }
0x16a: {  	[tilespmem:s24], [sflag:$0x2] =	stream.indirect.gather [hbm4b:s0+s23], $0x80, s7, s23, $0xb8;
	[tilespmem:$0x1EC00] =	vst v63  }
0x16b: {  	_ =	swait.ge [sflag:s25], $0x4000  }
0x16c: {  	[sflag:s25] =	ssyncset.done $0x0  }
0x16d: {  	s9 =	simm.s32 $0x1800;
	[sflag:s25] =	ssyncadd.s32 $0xFFFFC000  }
0x16e: {  	[spmem:s3] =	stream.indirect.scatter.add.f32 [tilespmem:s20], [sflag:$0x3], $0x80, s9, s23, $0xb8;
	[tilespmem:$0x1EC00] =	vst v63  }
0x16f: {  	_ =	swait.ge [sflag:s21], $0x4000  }
0x170: {  	[sflag:s21] =	ssyncset.done $0x0  }
0x171: {  	s10 =	simm.s32 $0x100;
	[sflag:s21] =	ssyncadd.s32 $0xFFFFC000  }
0x172: {  	[tilespmem:s20], [sflag:$0x1] =	stream.indirect.gather [hbm4b:s0+s23], $0x80, s10, s23, $0xb8;
	[tilespmem:$0x1EC00] =	vst v63  }
0x173: {  	p2 =	por $0x0, $0x0;
	_ =	swait.ge [sflag:s28], $0x4000  }
.Ltmp7:
0x174: {  	[sflag:s28] =	ssyncset.done $0x0;
	(pc) =	sbr.rel @p2 .LBB2_11-.Ltmp7, $4  }
0x175: {  	s26 =	simm.s32 $0x1880;
	[sflag:s28] =	ssyncadd.s32 $0xFFFFC000  }
0x176: {  	[spmem:s3] =	stream.indirect.scatter.add.f32 [tilespmem:s24], [sflag:$0x3], $0x80, s26, s23, $0xb8;
	[tilespmem:$0x1EC00] =	vst v63  }
0x177: {  	p1 =	por $0x1, $0x1;
	_ =	swait.ge [sflag:s21], $0x4000  }
0x178: {  	s7 =	simm.s32 $0x800;
	s26 =	simm.s32 $0x100;
	[sflag:s21] =	ssyncset.done $0x0  }
.LBB2_10:
0x179: {  	s8 =	sadd.s32 $0x80, s26  }
0x17a: {  	[sflag:s21] =	ssyncadd.s32 $0xFFFFC000;
	s9 =	smov.u32 s7;
	s10 =	sadd.s32 $0x400, s7  }
0x17b: {  	[tilespmem:s24], [sflag:$0x2] =	stream.indirect.gather [hbm4b:s0+s23], $0x80, s8, s23, $0xb8;
	[tilespmem:$0x1EC00] =	vst v63  }
0x17c: {  	p2 =	seq.s32 s7, $0x5800;
	_ =	swait.ge [sflag:s25], $0x4000  }
0x17d: {  	[sflag:s25] =	ssyncset.done $0x0  }
0x17e: {  	s7 =	sadd.s32 $0x1800, s26;
	[sflag:s25] =	ssyncadd.s32 $0xFFFFC000  }
0x17f: {  	[spmem:s3] =	stream.indirect.scatter.add.f32 [tilespmem:s20], [sflag:$0x3], $0x80, s7, s23, $0xb8;
	[tilespmem:$0x1EC00] =	vst v63  }
0x180: {  	_ =	swait.ge [sflag:s21], $0x4000  }
0x181: {  	[sflag:s21] =	ssyncset.done $0x0  }
0x182: {  	s7 =	sadd.s32 $0x100, s26;
	[sflag:s21] =	ssyncadd.s32 $0xFFFFC000  }
0x183: {  	[tilespmem:s20], [sflag:$0x1] =	stream.indirect.gather [hbm4b:s0+s23], $0x80, s7, s23, $0xb8;
	[tilespmem:$0x1EC00] =	vst v63  }
0x184: {  	_ =	swait.ge [sflag:s28], $0x4000  }
.Ltmp8:
0x185: {  	[sflag:s28] =	ssyncset.done $0x0;
	(pc) =	sbr.rel @!p2 .LBB2_10-.Ltmp8, $4  }
0x186: {  	s7 =	sadd.s32 $0x1880, s26;
	[sflag:s28] =	ssyncadd.s32 $0xFFFFC000  }
0x187: {  	[spmem:s3] =	stream.indirect.scatter.add.f32 [tilespmem:s24], [sflag:$0x3], $0x80, s7, s23, $0xb8;
	[tilespmem:$0x1EC00] =	vst v63  }
0x188: {  	_ =	swait.ge [sflag:s21], $0x4000  }
0x189: {  	s26 =	sshra.s32 s9, $0x2;
	s7 =	smov.u32 s10;
	[sflag:s21] =	ssyncset.done $0x0  }
.LBB2_11:
0x18a: {  	s7 =	sadd.s32 $0x80, s26;
	[sflag:s21] =	ssyncadd.s32 @p1 $0xFFFFC000  }
0x18b: {  	[tilespmem:s24], [sflag:$0x2] =	stream.indirect.gather [hbm4b:s0+s23], $0x80, s7, s23, $0xb8;
	[tilespmem:$0x1EC00] =	vst v63  }
0x18c: {  	_ =	swait.ge [sflag:s25], $0x4000  }
0x18d: {  	[sflag:s25] =	ssyncset.done $0x0  }
0x18e: {  	s9 =	sadd.s32 $0x1800, s26;
	[sflag:s25] =	ssyncadd.s32 $0xFFFFC000  }
0x18f: {  	[spmem:s3] =	stream.indirect.scatter.add.f32 [tilespmem:s20], [sflag:$0x3], $0x80, s9, s23, $0xb8;
	[tilespmem:$0x1EC00] =	vst v63  }
0x190: {  	_ =	swait.ge [sflag:s21], $0x4000  }
0x191: {  	[sflag:s21] =	ssyncset.done $0x0  }
0x192: {  	s10 =	sadd.s32 $0x100, s26;
	[sflag:s21] =	ssyncadd.s32 $0xFFFFC000  }
0x193: {  	[tilespmem:s20], [sflag:$0x1] =	stream.indirect.gather [hbm4b:s0+s23], $0x80, s10, s23, $0xb8;
	[tilespmem:$0x1EC00] =	vst v63  }
0x194: {  	_ =	swait.ge [sflag:s28], $0x4000  }
0x195: {  	[sflag:s28] =	ssyncset.done $0x0  }
.Ltmp9:
0x196: {  	s26 =	sadd.s32 $0x1880, s26;
	[sflag:s28] =	ssyncadd.s32 $0xFFFFC000;
	(pc) =	sbr.rel .LBB2_13-.Ltmp9, $4  }
0x197: {  	[spmem:s3] =	stream.indirect.scatter.add.f32 [tilespmem:s24], [sflag:$0x3], $0x80, s26, s23, $0xb8;
	[tilespmem:$0x1EC00] =	vst v63  }
0x198: {  	_ =	swait.ge [sflag:s21], $0x4000  }
0x199: {  	s8 =	simm.s32 $0x1780;
	[sflag:s21] =	ssyncset.done $0x0  }
0x19a: {  	s7 =	simm.s32 $0x2F80;
	s26 =	simm.s32 $0x2F00;
	[sflag:s21] =	ssyncadd.s32 $0xFFFFC000  }
.LBB2_14:
0x19b: {  	_ =	sfence.sel $0x180000  }
0x19c: {  	[bflag:$0x0] =	sbarrier.arrive $0xFFFF  }
0x19d: {  	_ =	strace $0x90000047  }
0x19e: {  	[bflag:$0x2] =	sbarrier.arrive $0xFFFF  }
0x19f: {  	p0 =	sne.s32 s2, $0x0;
	s0 =	rddreg [dreg:$0x3]  }
0x1a0: {  	s0 =	sadd.s32 @!p0 $0x100000, s0  }
0x1a1: {  	[sflag:s0] =	ssyncadd.tile.s32 @!p0 $0x1;
	_ =	shalt  }
.Lfunc_end2:
_tile_overlayer_lowered:
.L_overlay_start_2:
0x1a2: {  	(tag) =	ssettag $0x2  }
0x1a3: {  	s0 =	rddreg [dreg:$0x0];
	s2 =	stileid.u32  }
0x1a4: {  	s1 =	rddreg [dreg:$0x1];
	p0 =	sne.s32 s2, $0x0  }
0x1a5: {  	s3 =	rddreg [dreg:$0x2];
	[bflag:$0x3] =	sbarrier.arrive $0xFFFF;
	s2 =	simm.s32 @!p0 $0x1C03  }
0x1a6: {  	[timem:s3], [sflag:s2] =	dma.local @!p0 [hbm:s0], s1  }
0x1a7: {  	s0 =	simm.s32 @!p0 $0x3  }
0x1a8: {  	_ =	swait.ge @!p0 [sflag:s0], s1  }
0x1a9: {  	s1 =	ssub.s32 @!p0 $0x0, s1;
	[sflag:s0] =	ssyncset.done @!p0 $0x0  }
0x1aa: {  	[sflag:s0] =	ssyncadd.s32 @!p0 s1  }
0x1ab: {  	[bflag:$0x3] =	sbarrier.arrive $0xFFFF  }
0x1ac: {  	_ =	shalt  }

// kernel: kernel.13.cloned.1.call-start
scs
__scs_entry_jumppad:
0x0: {  	(pc) =	sbr.rel $0x88, $3  }
0x1: {  	(tag) =	ssettag $0x0;
	lr =	simm.s32 $0x1  }
0x2: {  	[smem:$0x3F9A] =	sst lr;
	_ =	strace $0xD0000000  }
0x3: {  	_ = 	snop  }
0x4: {  	_ = 	snop  }
0x5: {  	_ = 	snop  }
0x6: {  	_ = 	snop  }
0x7: {  	_ = 	snop  }
__scs_overlays_trampoline_lowered:
0x8: {  	[smem:$0x3FA9] =	sst s0  }
0x9: {  	[smem:$0x3FAA] =	sst s1  }
0xa: {  	[smem:$0x3FAB] =	sst s2  }
0xb: {  	[smem:$0x3FAC] =	sst s3  }
0xc: {  	[smem:$0x3FAD] =	sst s4  }
0xd: {  	[smem:$0x3FAE] =	sst s5  }
0xe: {  	[smem:$0x3FAF] =	sst s6  }
0xf: {  	[smem:$0x3FB0] =	sst s7  }
0x10: {  	[smem:$0x3FB1] =	sst s8  }
0x11: {  	[smem:$0x3FB2] =	sst s9;
	s0 =	simm.s32 @!p0 $0x0  }
0x12: {  	s1 =	sld [smem:$0x3F98];
	s0 =	simm.s32 @p0 $0x1  }
0x13: {  	[smem:$0x3FB3] =	sst s0;
	s0 =	simm.s32 @!p1 $0x0  }
0x14: {  	s2 =	sld [smem:$0x3F97];
	s0 =	simm.s32 @p1 $0x1  }
0x15: {  	[smem:$0x3FB4] =	sst s0;
	s0 =	simm.s32 @!p2 $0x0  }
0x16: {  	s3 =	sld [smem:$0x3FDB];
	s0 =	simm.s32 @p2 $0x1  }
0x17: {  	s4 =	simm.s32 $0x1BF5;
	[smem:$0x3FB6] =	sst s0  }
0x18: {  	s0 =	sld [smem:$0x3F99];
	_ =	swait.ge [sflag:s4], $0x0  }
0x19: {  	s7 =	sld [smem:$0x3F9A]  }
0x1a: {  	s8 =	sadd.s32 $0xFFFFE003, lr  }
0x1b: {  	s9 =	sadd.s32 $0xFFFFFEF7, lr;
	s5 =	simm.s32 $0xFFFFFFFF;
	p2 =	slt.u32 s8, $0xFFFFF086  }
0x1c: {  	p1 =	slt.u32 s9, $0xF7A;
	s5 =	simm.s32 @!p2 $0x0  }
0x1d: {  	s5 =	simm.s32 @p1 $0x1;
	p0 =	seq.s32 s7, s2  }
0x1e: {  	s7 =	smul.u32 @!p0 $0xF7A, s2;
	p2 =	seq.s32 @!p0 s5, $0x0  }
0x1f: {  	s9 =	smul.u32 $0xF7A, s1;
	s8 =	simm.s32 @!p0 $0x1BF5;
	p2 =	por !p2, p0  }
0x20: {  	[sflag:s8] =	ssyncset.s32 @!p0 $0xFFFFF086;
	s6 =	sadd.s32 @!p0 s3, s7;
	s7 =	simm.s32 @!p0 $0x108  }
0x21: {  	s3 =	sadd.s32 s3, s9;
	s6 =	sadd.s32 @!p0 $0x88, s6;
	s7 =	simm.s32 @p2 $0x1082  }
0x22: {  	[simem:s7], [sflag:s8] =	dma.local @!p0 [hbm:s6], $0xF7A  }
0x23: {  	s9 =	sor.u32 $0xD0000000, s2;
	s6 =	simm.s32 $0x108;
	_ =	swait.ge @!p0 [sflag:s8], $0x0  }
0x24: {  	s3 =	sadd.s32 $0x88, s3;
	s6 =	simm.s32 @!p1 $0x1082;
	[sflag:s4] =	ssyncset.s32 $0xFFFFF086  }
0x25: {  	[simem:s6], [sflag:s4] =	dma.local [hbm:s3], $0xF7A  }
0x26: {  	[smem:$0x3F9A] =	sst s1;
	(tag) =	ssettag s2;
	_ =	strace s9  }
0x27: {  	s1 =	sld [smem:$0x3FAA]  }
0x28: {  	s2 =	sld [smem:$0x3FAB]  }
0x29: {  	s4 =	sld [smem:$0x3FAD]  }
0x2a: {  	p0 =	seq.s32 s5, $0x0;
	s5 =	sld [smem:$0x3FAE]  }
0x2b: {  	s6 =	sld [smem:$0x3FAF]  }
0x2c: {  	s7 =	sld [smem:$0x3FB0]  }
0x2d: {  	s3 =	simm.s32 $0x108;
	s8 =	sld [smem:$0x3FB1]  }
0x2e: {  	s3 =	simm.s32 @!p0 $0x1082;
	s9 =	sld [smem:$0x3FB2]  }
0x2f: {  	lr =	sadd.s32 s0, s3;
	s0 =	sld [smem:$0x3FA9]  }
0x30: {  	s3 =	sld [smem:$0x3FAC]  }
0x31: {  	[smem:$0x3FB5] =	sst s10  }
0x32: {  	s10 =	sld [smem:$0x3FB3];
	_ =	sdelay $0x3  }
0x33: {  	p0 =	seq.s32 s10, $0x1;
	s10 =	sld [smem:$0x3FB5];
	_ =	sdelay $0x3  }
0x34: {  	[smem:$0x3FB5] =	sst s10  }
0x35: {  	s10 =	sld [smem:$0x3FB4];
	_ =	sdelay $0x3  }
0x36: {  	p1 =	seq.s32 s10, $0x1;
	s10 =	sld [smem:$0x3FB5];
	_ =	sdelay $0x3  }
0x37: {  	[smem:$0x3FB5] =	sst s10  }
0x38: {  	s10 =	sld [smem:$0x3FB6]  }
0x39: {  	_ = 	snop;
	(pc) =	sbr.ind lr, $3  }
0x3a: {  	_ = 	snop  }
0x3b: {  	_ = 	snop  }
0x3c: {  	p2 =	seq.s32 s10, $0x1;
	s10 =	sld [smem:$0x3FB5]  }
0x3d: {  	_ =	shalt  }
0x3e: {  	_ =	shalt  }
0x3f: {  	_ =	shalt  }
0x40: {  	_ =	shalt  }
0x41: {  	_ =	shalt  }
0x42: {  	_ =	shalt  }
0x43: {  	_ =	shalt  }
0x44: {  	_ =	shalt  }
0x45: {  	_ =	shalt  }
0x46: {  	_ =	shalt  }
0x47: {  	_ =	shalt  }
0x48: {  	_ =	shalt  }
0x49: {  	_ =	shalt  }
0x4a: {  	_ =	shalt  }
0x4b: {  	_ =	shalt  }
0x4c: {  	_ =	shalt  }
0x4d: {  	_ =	shalt  }
0x4e: {  	_ =	shalt  }
0x4f: {  	_ =	shalt  }
0x50: {  	_ =	shalt  }
0x51: {  	_ =	shalt  }
0x52: {  	_ =	shalt  }
0x53: {  	_ =	shalt  }
0x54: {  	_ =	shalt  }
0x55: {  	_ =	shalt  }
0x56: {  	_ =	shalt  }
0x57: {  	_ =	shalt  }
0x58: {  	_ =	shalt  }
0x59: {  	_ =	shalt  }
0x5a: {  	_ =	shalt  }
0x5b: {  	_ =	shalt  }
0x5c: {  	_ =	shalt  }
0x5d: {  	_ =	shalt  }
0x5e: {  	_ =	shalt  }
0x5f: {  	_ =	shalt  }
0x60: {  	_ =	shalt  }
0x61: {  	_ =	shalt  }
0x62: {  	_ =	shalt  }
0x63: {  	_ =	shalt  }
0x64: {  	_ =	shalt  }
0x65: {  	_ =	shalt  }
0x66: {  	_ =	shalt  }
0x67: {  	_ =	shalt  }
0x68: {  	_ =	shalt  }
0x69: {  	_ =	shalt  }
0x6a: {  	_ =	shalt  }
0x6b: {  	_ =	shalt  }
0x6c: {  	_ =	shalt  }
0x6d: {  	_ =	shalt  }
0x6e: {  	_ =	shalt  }
0x6f: {  	_ =	shalt  }
0x70: {  	_ =	shalt  }
0x71: {  	_ =	shalt  }
0x72: {  	_ =	shalt  }
0x73: {  	_ =	shalt  }
0x74: {  	_ =	shalt  }
0x75: {  	_ =	shalt  }
0x76: {  	_ =	shalt  }
0x77: {  	_ =	shalt  }
0x78: {  	_ =	shalt  }
0x79: {  	_ =	shalt  }
0x7a: {  	_ =	shalt  }
0x7b: {  	_ =	shalt  }
0x7c: {  	_ =	shalt  }
0x7d: {  	_ =	shalt  }
0x7e: {  	_ =	shalt  }
0x7f: {  	_ =	shalt  }
0x80: {  	_ =	shalt  }
0x81: {  	_ =	shalt  }
0x82: {  	_ =	shalt  }
0x83: {  	_ =	shalt  }
0x84: {  	_ =	shalt  }
0x85: {  	_ =	shalt  }
0x86: {  	_ =	shalt  }
0x87: {  	_ =	shalt  }
.Lfunc_end0:
.L_simem_size_0:
called_computation.1_lowered:
.L_overlay_start_0:
0x88: {  	s2 =	sld [smem:$0x3FD9]  }
0x89: {  	s3 =	sld [smem:$0x3FFE];
	_ =	sdelay $0x1  }
0x8a: {  	s1 =	srdreg.scid  }
0x8b: {  	s0 =	sand.u32 $0x1, s1  }
0x8c: {  	s17 =	sshll.u32 s0, $0xA;
	s2 =	sadd.s32 s3, s2  }
0x8d: {  	s2 =	sadd.s32 s2, s17  }
0x8e: {  	[smem:$0x3FC1] =	sst s2  }
0x8f: {  	_ = 	snop  }
0x90: {  	s2 =	sld [smem:$0x3FD0];
	(tm) =	ssettm $0x1  }
0x91: {  	s18 =	sld [smem:$0x3FFB];
	_ =	sdelay $0x3  }
0x92: {  	_ =	strace s18  }
0x93: {  	s3 =	sld [smem:$0x3FFC];
	_ =	sdelay $0x3  }
0x94: {  	_ =	strace s3  }
0x95: {  	s3 =	sld [smem:$0x3FFD];
	_ =	sdelay $0x3  }
0x96: {  	_ =	strace s3  }
0x97: {  	_ =	strace $0x8FFFFFFF  }
0x98: {  	s19 =	sld [smem:$0x3FDB];
	_ =	sdelay $0x1  }
0x99: {  	s4 =	simm.s32 $_scs_section_size  }
0x9a: {  	s5 =	simm.s32 $_size__tile_overlayer_lowered;
	s6 =	simm.s32 $_tile_overlayer_lowered  }
0x9b: {  	s22 =	simm.s32 $0x1BFF;
	s21 =	sshll.u32 s6, $0x1;
	s3 =	sadd.s32 s4, s19  }
0x9c: {  	s7 =	simm.s32 $0x0;
	s20 =	sshll.u32 s5, $0x1;
	s5 =	sadd.s32 s21, s3  }
0x9d: {  	[timem:s7], [sflag:s22] =	dma.local [hbm:s5], s20  }
0x9e: {  	_ =	swait.ge [sflag:s22], s20  }
0x9f: {  	s4 =	ssub.s32 $0x0, s20;
	[sflag:s22] =	ssyncset.done $0x0  }
0xa0: {  	[sflag:s22] =	ssyncadd.s32 s4;
	_ =	sdelay $0x1  }
0xa1: {  	s23 =	simm.s32 $0x1B8B  }
0xa2: {  	_ =	swait.ge [sflag:s23], $0x1  }
0xa3: {  	[sflag:s23] =	ssyncset.done $0x0  }
0xa4: {  	s25 =	simm.s32 $0x1B8E;
	s24 =	sld [smem:$0x3FFE];
	[sflag:s23] =	ssyncadd.s32 $0xFFFFFFFF  }
0xa5: {  	s26 =	simm.s32 $execute0_lowered;
	[smem:$0x3FD2] =	sst s25  }
0xa6: {  	s5 =	sshll.u32 s26, $0x1;
	_ =	strace $0x80000049;
	[dreg:$0x1] =	wrdreg $0xFFFFFFFF  }
0xa7: {  	s28 =	simm.s32 $_size_execute0_lowered;
	s3 =	sadd.s32 s3, s5;
	[dreg:$0x0] =	wrdreg $0x0  }
0xa8: {  	s5 =	sshll.u32 s28, $0x1;
	[dreg:$0x2] =	wrdreg s3  }
0xa9: {  	[dreg:$0x3] =	wrdreg s5  }
0xaa: {  	[dreg:$0x4] =	wrdreg $0xC0  }
0xab: {  	_ =	task [dreg:s7], $0x5FFFF  }
0xac: {  	[dreg:$0x1] =	wrdreg $0xFFFFFFFF  }
0xad: {  	[dreg:$0x0] =	wrdreg $0x60  }
0xae: {  	[dreg:$0x2] =	wrdreg s2  }
0xaf: {  	[dreg:$0x3] =	wrdreg s24  }
0xb0: {  	[dreg:$0x4] =	wrdreg $0xB0000  }
0xb1: {  	[dreg:$0x5] =	wrdreg $0x9  }
0xb2: {  	_ =	task.clear_ibuf [dreg:s7], $0x6FFFF;
	_ =	strace $0x90000049  }
0xb3: {  	s29 =	simm.s32 $0x9;
	_ =	strace $0x8000004B  }
0xb4: {  	_ =	swait.ge [sflag:s29], $0x1  }
0xb5: {  	[sflag:s29] =	ssyncadd.s32 $0xFFFFFFFF  }
0xb6: {  	_ =	strace $0x9000004B  }
0xb7: {  	_ =	sfence  }
0xb8: {  	s30 =	sld [smem:$0x0];
	_ =	sdelay $0x2  }
0xb9: {  	s31 =	sshll.u32 s1, $0xD;
	s1 =	sshrl.u32 s1, $0x2  }
0xba: {  	s3 =	sand.u32 $0x4000, s31;
	s1 =	sadd.s32 s1, s30  }
0xbb: {  	s0 =	sor.u32 s3, s0;
	s1 =	sshll.u32 s1, $0x11  }
0xbc: {  	s0 =	sor.u32 s1, s0  }
0xbd: {  	s0 =	sadd.s32 $0x8F2B, s0  }
0xbe: {  	[sflag:s0] =	ssyncadd.remote.s32 $0x1  }
0xbf: {  	_ =	sfence.sel $0xFFFF  }
0xc0: {  	[dreg:$0x0] =	wrdreg $0xFFFFFFFF;
	(pc) =	sbr.abs _section_cstart, $3  }
0xc1: {  	[dreg:$0x1] =	wrdreg $0xFFFFFFFF  }
0xc2: {  	_ =	task.clear_ibuf [dreg:s7], $0x2FFFF;
	_ =	strace $0x9FFFFFFF  }
0xc3: {  	(tm) =	ssettm $0x7FFFFFFF  }
tec
execute0_lowered:
.L_overlay_start_1:
0x0: {  	(tag) =	ssettag $0x1  }
0x1: {  	s0 =	rddreg [dreg:$0x0]  }
0x2: {  	s1 =	rddreg [dreg:$0x1];
	s2 =	srdreg.scid  }
0x3: {  	s3 =	rddreg [dreg:$0x2];
	s4 =	simm.s32 $0x0;
	s7 =	sand.u32 $0x1, s2  }
0x4: {  	s28 =	simm.s32 $0x2;
	s2 =	stileid.u32;
	s5 =	smul.u32 $0x13C000, s7  }
0x5: {  	s29 =	simm.s32 $0x1780;
	s30 =	simm.s32 $0x2F00;
	s6 =	smul.u32 $0x13C00, s2  }
0x6: {  	s31 =	simm.s32 $0x2F80;
	[smem:$0x7FF] =	sst s4;
	s19 =	smul.u32 $0x4F000, s2  }
0x7: {  	s8 =	sadd.s32 $0xC000, s1;
	s14 =	sadd.s32 $0x2000, s1;
	s10 =	smul.u32 $0x4800, s2  }
0x8: {  	_ =	strace $0x8000004A;
	s20 =	ssub.s32 $0x2, s7;
	s21 =	smul.u32 $0x900, s2  }
0x9: {  	p0 =	seq.s32 s7, $0x1;
	s12 =	sshll.u32 s2, $0x8;
	s9 =	sshrl.u32 s20, $0x1  }
0xa: {  	s15 =	sor.u32 $0x9000, s12;
	s5 =	sadd.s32 s6, s5;
	s6 =	sshrl.u32 s19, $0x2  }
0xb: {  	s16 =	ssub.s32 s20, s9;
	s22 =	sshrl.u32 s10, $0x3;
	s23 =	sadd.s32 s8, s21  }
0xc: {  	s9 =	sadd.s32 s14, s21;
	s13 =	sadd.s32 s8, s15;
	s20 =	simm.s32 $0x3000  }
0xd: {  	s21 =	simm.s32 $0x3;
	s5 =	sshrl.u32 s5, $0x3;
	[dreg:$0x4] =	wrdreg s23  }
0xe: {  	[dreg:$0x5] =	wrdreg s9;
	s24 =	sadd.s32 $0x300, s22;
	s7 =	sadd.s32 $0x600, s22  }
0xf: {  	s16 =	smax.u32 s16, $0x1;
	s22 =	simm.s32 $0x1800;
	s23 =	simm.s32 $0x80  }
0x10: {  	s1 =	sadd.s32 s5, s1;
	s5 =	sadd.s32 s6, s3;
	s25 =	sadd.s32 s8, s24  }
.Ltmp0:
0x11: {  	s26 =	sadd.s32 s14, s24;
	s11 =	sadd.s32 s8, s7;
	(pc) =	sbr.rel .LBB2_1-.Ltmp0, $4  }
0x12: {  	s12 =	sadd.s32 s14, s7;
	s14 =	sadd.s32 s14, s15;
	[dreg:$0x6] =	wrdreg s25  }
0x13: {  	s24 =	simm.s32 $0x7000;
	s6 =	sadd.s32 $0x10000, s5;
	[dreg:$0x7] =	wrdreg s26  }
0x14: {  	s15 =	sadd.s32 $0x16000, s1;
	s17 =	sadd.s32 $0x4000, s5;
	s18 =	sadd.s32 $0x8000, s5  }
0x15: {  	v0 =	vimm.f32 $0.0e+00;
	s19 =	sadd.s32 $0xC000, s5;
	s25 =	simm.s32 $0x1;
	s1 =	simm.s32 $0x0  }
.LBB2_12:
0x16: {  	[tilespmem:s4], [sflag:$0x3] =	stream.linear.gather [hbm4b:s13+s4], $0x800, $0x38;
	[tilespmem:$0x1EC00] =	vst v63  }
0x17: {  	_ =	swait.ge [sflag:s21], $0x800  }
0x18: {  	[sflag:s21] =	ssyncset.done $0x0  }
0x19: {  	[sflag:s21] =	ssyncadd.s32 $0xFFFFF800  }
0x1a: {  	[tilespmem:s22], [sflag:$0x3] =	stream.linear.gather [hbm4b:s14+s4], $0x800, $0x38;
	[tilespmem:$0x1EC00] =	vst v63  }
0x1b: {  	_ =	swait.ge [sflag:s21], $0x800  }
0x1c: {  	[sflag:s21] =	ssyncset.done $0x0  }
0x1d: {  	[sflag:s21] =	ssyncadd.s32 $0xFFFFF800  }
0x1e: {  	[tilespmem:s20], [sflag:$0x1] =	stream.indirect.gather [hbm4b:s0+s23], $0x80, s4, s23, $0xb8;
	[tilespmem:$0x1EC00] =	vst v63  }
0x1f: {  	_ = 	snop  }
0x20: {  	[tilespmem:s24], [sflag:$0x2] =	stream.indirect.gather [hbm4b:s0+s23], $0x80, s23, s23, $0xb8;
	[tilespmem:$0x1EC00] =	vst v63  }
0x21: {  	_ =	swait.ge [sflag:s25], $0x4000  }
0x22: {  	[sflag:s25] =	ssyncset.done $0x0  }
0x23: {  	[sflag:s25] =	ssyncadd.s32 $0xFFFFC000  }
0x24: {  	[spmem:s3] =	stream.indirect.scatter.add.f32 [tilespmem:s20], [sflag:$0x3], $0x80, s22, s23, $0xb8;
	[tilespmem:$0x1EC00] =	vst v63  }
0x25: {  	_ =	swait.ge [sflag:s21], $0x4000  }
0x26: {  	[sflag:s21] =	ssyncset.done $0x0  }
0x27: {  	s7 =	simm.s32 $0x100;
	[sflag:s21] =	ssyncadd.s32 $0xFFFFC000  }
0x28: {  	[tilespmem:s20], [sflag:$0x1] =	stream.indirect.gather [hbm4b:s0+s23], $0x80, s7, s23, $0xb8;
	[tilespmem:$0x1EC00] =	vst v63  }
0x29: {  	_ =	swait.ge [sflag:s28], $0x4000  }
0x2a: {  	[sflag:s28] =	ssyncset.done $0x0  }
0x2b: {  	s26 =	simm.s32 $0x1880;
	[sflag:s28] =	ssyncadd.s32 $0xFFFFC000  }
0x2c: {  	[spmem:s3] =	stream.indirect.scatter.add.f32 [tilespmem:s24], [sflag:$0x3], $0x80, s26, s23, $0xb8;
	[tilespmem:$0x1EC00] =	vst v63  }
0x2d: {  	_ =	swait.ge [sflag:s21], $0x4000  }
0x2e: {  	[sflag:s21] =	ssyncset.done $0x0  }
0x2f: {  	s8 =	simm.s32 $0x180;
	[sflag:s21] =	ssyncadd.s32 $0xFFFFC000  }
0x30: {  	[tilespmem:s24], [sflag:$0x2] =	stream.indirect.gather [hbm4b:s0+s23], $0x80, s8, s23, $0xb8;
	[tilespmem:$0x1EC00] =	vst v63  }
0x31: {  	_ =	swait.ge [sflag:s25], $0x4000  }
0x32: {  	[sflag:s25] =	ssyncset.done $0x0  }
0x33: {  	s9 =	simm.s32 $0x1900;
	[sflag:s25] =	ssyncadd.s32 $0xFFFFC000  }
0x34: {  	[spmem:s3] =	stream.indirect.scatter.add.f32 [tilespmem:s20], [sflag:$0x3], $0x80, s9, s23, $0xb8;
	[tilespmem:$0x1EC00] =	vst v63  }
0x35: {  	_ =	swait.ge [sflag:s21], $0x4000  }
0x36: {  	[sflag:s21] =	ssyncset.done $0x0  }
0x37: {  	s10 =	simm.s32 $0x200;
	[sflag:s21] =	ssyncadd.s32 $0xFFFFC000  }
0x38: {  	[tilespmem:s20], [sflag:$0x1] =	stream.indirect.gather [hbm4b:s0+s23], $0x80, s10, s23, $0xb8;
	[tilespmem:$0x1EC00] =	vst v63  }
0x39: {  	_ =	swait.ge [sflag:s28], $0x4000  }
0x3a: {  	[sflag:s28] =	ssyncset.done $0x0  }
0x3b: {  	s26 =	simm.s32 $0x1980;
	[sflag:s28] =	ssyncadd.s32 $0xFFFFC000  }
0x3c: {  	[spmem:s3] =	stream.indirect.scatter.add.f32 [tilespmem:s24], [sflag:$0x3], $0x80, s26, s23, $0xb8;
	[tilespmem:$0x1EC00] =	vst v63  }
0x3d: {  	_ =	swait.ge [sflag:s21], $0x4000  }
0x3e: {  	[sflag:s21] =	ssyncset.done $0x0  }
0x3f: {  	s8 =	simm.s32 $0x280;
	[sflag:s21] =	ssyncadd.s32 $0xFFFFC000  }
0x40: {  	[tilespmem:s24], [sflag:$0x2] =	stream.indirect.gather [hbm4b:s0+s23], $0x80, s8, s23, $0xb8;
	[tilespmem:$0x1EC00] =	vst v63  }
0x41: {  	_ =	swait.ge [sflag:s25], $0x4000  }
0x42: {  	[sflag:s25] =	ssyncset.done $0x0  }
0x43: {  	s9 =	simm.s32 $0x1A00;
	[sflag:s25] =	ssyncadd.s32 $0xFFFFC000  }
0x44: {  	[spmem:s3] =	stream.indirect.scatter.add.f32 [tilespmem:s20], [sflag:$0x3], $0x80, s9, s23, $0xb8;
	[tilespmem:$0x1EC00] =	vst v63  }
0x45: {  	_ =	swait.ge [sflag:s21], $0x4000  }
0x46: {  	[sflag:s21] =	ssyncset.done $0x0  }
0x47: {  	s10 =	simm.s32 $0x300;
	[sflag:s21] =	ssyncadd.s32 $0xFFFFC000  }
0x48: {  	[tilespmem:s20], [sflag:$0x1] =	stream.indirect.gather [hbm4b:s0+s23], $0x80, s10, s23, $0xb8;
	[tilespmem:$0x1EC00] =	vst v63  }
0x49: {  	_ =	swait.ge [sflag:s28], $0x4000  }
0x4a: {  	[sflag:s28] =	ssyncset.done $0x0  }
0x4b: {  	s26 =	simm.s32 $0x1A80;
	[sflag:s28] =	ssyncadd.s32 $0xFFFFC000  }
0x4c: {  	[spmem:s3] =	stream.indirect.scatter.add.f32 [tilespmem:s24], [sflag:$0x3], $0x80, s26, s23, $0xb8;
	[tilespmem:$0x1EC00] =	vst v63  }
0x4d: {  	_ =	swait.ge [sflag:s21], $0x4000  }
0x4e: {  	[sflag:s21] =	ssyncset.done $0x0  }
0x4f: {  	s8 =	simm.s32 $0x380;
	[sflag:s21] =	ssyncadd.s32 $0xFFFFC000  }
0x50: {  	[tilespmem:s24], [sflag:$0x2] =	stream.indirect.gather [hbm4b:s0+s23], $0x80, s8, s23, $0xb8;
	[tilespmem:$0x1EC00] =	vst v63  }
0x51: {  	_ =	swait.ge [sflag:s25], $0x4000  }
0x52: {  	[sflag:s25] =	ssyncset.done $0x0  }
0x53: {  	s9 =	simm.s32 $0x1B00;
	[sflag:s25] =	ssyncadd.s32 $0xFFFFC000  }
0x54: {  	[spmem:s3] =	stream.indirect.scatter.add.f32 [tilespmem:s20], [sflag:$0x3], $0x80, s9, s23, $0xb8;
	[tilespmem:$0x1EC00] =	vst v63  }
0x55: {  	_ =	swait.ge [sflag:s21], $0x4000  }
0x56: {  	[sflag:s21] =	ssyncset.done $0x0  }
0x57: {  	s10 =	simm.s32 $0x400;
	[sflag:s21] =	ssyncadd.s32 $0xFFFFC000  }
0x58: {  	[tilespmem:s20], [sflag:$0x1] =	stream.indirect.gather [hbm4b:s0+s23], $0x80, s10, s23, $0xb8;
	[tilespmem:$0x1EC00] =	vst v63  }
0x59: {  	_ =	swait.ge [sflag:s28], $0x4000  }
0x5a: {  	[sflag:s28] =	ssyncset.done $0x0  }
0x5b: {  	s26 =	simm.s32 $0x1B80;
	[sflag:s28] =	ssyncadd.s32 $0xFFFFC000  }
0x5c: {  	[spmem:s3] =	stream.indirect.scatter.add.f32 [tilespmem:s24], [sflag:$0x3], $0x80, s26, s23, $0xb8;
	[tilespmem:$0x1EC00] =	vst v63  }
0x5d: {  	_ =	swait.ge [sflag:s21], $0x4000  }
0x5e: {  	[sflag:s21] =	ssyncset.done $0x0  }
0x5f: {  	s8 =	simm.s32 $0x480;
	[sflag:s21] =	ssyncadd.s32 $0xFFFFC000  }
0x60: {  	[tilespmem:s24], [sflag:$0x2] =	stream.indirect.gather [hbm4b:s0+s23], $0x80, s8, s23, $0xb8;
	[tilespmem:$0x1EC00] =	vst v63  }
0x61: {  	_ =	swait.ge [sflag:s25], $0x4000  }
0x62: {  	[sflag:s25] =	ssyncset.done $0x0  }
0x63: {  	s9 =	simm.s32 $0x1C00;
	[sflag:s25] =	ssyncadd.s32 $0xFFFFC000  }
0x64: {  	[spmem:s3] =	stream.indirect.scatter.add.f32 [tilespmem:s20], [sflag:$0x3], $0x80, s9, s23, $0xb8;
	[tilespmem:$0x1EC00] =	vst v63  }
0x65: {  	_ =	swait.ge [sflag:s21], $0x4000  }
0x66: {  	[sflag:s21] =	ssyncset.done $0x0  }
0x67: {  	s10 =	simm.s32 $0x500;
	[sflag:s21] =	ssyncadd.s32 $0xFFFFC000  }
0x68: {  	[tilespmem:s20], [sflag:$0x1] =	stream.indirect.gather [hbm4b:s0+s23], $0x80, s10, s23, $0xb8;
	[tilespmem:$0x1EC00] =	vst v63  }
0x69: {  	_ =	swait.ge [sflag:s28], $0x4000  }
0x6a: {  	[sflag:s28] =	ssyncset.done $0x0  }
0x6b: {  	s26 =	simm.s32 $0x1C80;
	[sflag:s28] =	ssyncadd.s32 $0xFFFFC000  }
0x6c: {  	[spmem:s3] =	stream.indirect.scatter.add.f32 [tilespmem:s24], [sflag:$0x3], $0x80, s26, s23, $0xb8;
	[tilespmem:$0x1EC00] =	vst v63  }
0x6d: {  	_ =	swait.ge [sflag:s21], $0x4000  }
0x6e: {  	[sflag:s21] =	ssyncset.done $0x0  }
0x6f: {  	s8 =	simm.s32 $0x580;
	[sflag:s21] =	ssyncadd.s32 $0xFFFFC000  }
0x70: {  	[tilespmem:s24], [sflag:$0x2] =	stream.indirect.gather [hbm4b:s0+s23], $0x80, s8, s23, $0xb8;
	[tilespmem:$0x1EC00] =	vst v63  }
0x71: {  	_ =	swait.ge [sflag:s25], $0x4000  }
0x72: {  	[sflag:s25] =	ssyncset.done $0x0  }
0x73: {  	s9 =	simm.s32 $0x1D00;
	[sflag:s25] =	ssyncadd.s32 $0xFFFFC000  }
0x74: {  	[spmem:s3] =	stream.indirect.scatter.add.f32 [tilespmem:s20], [sflag:$0x3], $0x80, s9, s23, $0xb8;
	[tilespmem:$0x1EC00] =	vst v63  }
0x75: {  	_ =	swait.ge [sflag:s21], $0x4000  }
0x76: {  	[sflag:s21] =	ssyncset.done $0x0  }
0x77: {  	s10 =	simm.s32 $0x600;
	[sflag:s21] =	ssyncadd.s32 $0xFFFFC000  }
0x78: {  	[tilespmem:s20], [sflag:$0x1] =	stream.indirect.gather [hbm4b:s0+s23], $0x80, s10, s23, $0xb8;
	[tilespmem:$0x1EC00] =	vst v63  }
0x79: {  	_ =	swait.ge [sflag:s28], $0x4000  }
0x7a: {  	[sflag:s28] =	ssyncset.done $0x0  }
0x7b: {  	s26 =	simm.s32 $0x1D80;
	[sflag:s28] =	ssyncadd.s32 $0xFFFFC000  }
0x7c: {  	[spmem:s3] =	stream.indirect.scatter.add.f32 [tilespmem:s24], [sflag:$0x3], $0x80, s26, s23, $0xb8;
	[tilespmem:$0x1EC00] =	vst v63  }
0x7d: {  	_ =	swait.ge [sflag:s21], $0x4000  }
0x7e: {  	[sflag:s21] =	ssyncset.done $0x0  }
0x7f: {  	s8 =	simm.s32 $0x680;
	[sflag:s21] =	ssyncadd.s32 $0xFFFFC000  }
0x80: {  	[tilespmem:s24], [sflag:$0x2] =	stream.indirect.gather [hbm4b:s0+s23], $0x80, s8, s23, $0xb8;
	[tilespmem:$0x1EC00] =	vst v63  }
0x81: {  	_ =	swait.ge [sflag:s25], $0x4000  }
0x82: {  	[sflag:s25] =	ssyncset.done $0x0  }
0x83: {  	s9 =	simm.s32 $0x1E00;
	[sflag:s25] =	ssyncadd.s32 $0xFFFFC000  }
0x84: {  	[spmem:s3] =	stream.indirect.scatter.add.f32 [tilespmem:s20], [sflag:$0x3], $0x80, s9, s23, $0xb8;
	[tilespmem:$0x1EC00] =	vst v63  }
0x85: {  	_ =	swait.ge [sflag:s21], $0x4000  }
0x86: {  	[sflag:s21] =	ssyncset.done $0x0  }
0x87: {  	s10 =	simm.s32 $0x700;
	[sflag:s21] =	ssyncadd.s32 $0xFFFFC000  }
0x88: {  	[tilespmem:s20], [sflag:$0x1] =	stream.indirect.gather [hbm4b:s0+s23], $0x80, s10, s23, $0xb8;
	[tilespmem:$0x1EC00] =	vst v63  }
0x89: {  	_ =	swait.ge [sflag:s28], $0x4000  }
0x8a: {  	[sflag:s28] =	ssyncset.done $0x0  }
0x8b: {  	s26 =	simm.s32 $0x1E80;
	[sflag:s28] =	ssyncadd.s32 $0xFFFFC000  }
0x8c: {  	[spmem:s3] =	stream.indirect.scatter.add.f32 [tilespmem:s24], [sflag:$0x3], $0x80, s26, s23, $0xb8;
	[tilespmem:$0x1EC00] =	vst v63  }
0x8d: {  	_ =	swait.ge [sflag:s21], $0x4000  }
0x8e: {  	s7 =	simm.s32 $0x1F80;
	[sflag:s21] =	ssyncset.done $0x0  }
0x8f: {  	s8 =	simm.s32 $0x780;
	s26 =	simm.s32 $0x1F00;
	[sflag:s21] =	ssyncadd.s32 $0xFFFFC000  }
.LBB2_13:
0x90: {  	[tilespmem:s24], [sflag:$0x2] =	stream.indirect.gather [hbm4b:s0+s23], $0x80, s8, s23, $0xb8;
	[tilespmem:$0x1EC00] =	vst v63  }
0x91: {  	_ =	swait.ge [sflag:s25], $0x4000  }
0x92: {  	[sflag:s25] =	ssyncset.done $0x0  }
0x93: {  	[sflag:s25] =	ssyncadd.s32 $0xFFFFC000  }
0x94: {  	[spmem:s3] =	stream.indirect.scatter.add.f32 [tilespmem:s20], [sflag:$0x3], $0x80, s26, s23, $0xb8;
	[tilespmem:$0x1EC00] =	vst v63  }
0x95: {  	_ =	swait.ge [sflag:s21], $0x4000  }
0x96: {  	[sflag:s21] =	ssyncset.done $0x0  }
0x97: {  	[sflag:s21] =	ssyncadd.s32 $0xFFFFC000  }
0x98: {  	_ =	swait.ge [sflag:s28], $0x4000  }
0x99: {  	[sflag:s28] =	ssyncset.done $0x0  }
0x9a: {  	[sflag:s28] =	ssyncadd.s32 $0xFFFFC000  }
0x9b: {  	[spmem:s3] =	stream.indirect.scatter.add.f32 [tilespmem:s24], [sflag:$0x3], $0x80, s7, s23, $0xb8;
	[tilespmem:$0x1EC00] =	vst v63  }
0x9c: {  	_ =	swait.ge [sflag:s21], $0x4000  }
0x9d: {  	s10 =	sshll.u32 s2, $0x6;
	s1 =	sadd.s32 $0x1, s1;
	[sflag:s21] =	ssyncset.done $0x0  }
0x9e: {  	p1 =	sne.s32 s1, s16;
	s26 =	sshrl.u32 s5, $0x3;
	[sflag:s21] =	ssyncadd.s32 $0xFFFFC000  }
.Ltmp1:
0x9f: {  	s7 =	sor.u32 $0x1C03, s10;
	[bflag:$0x0] =	sbarrier.arrive $0xFFFF;
	(pc) =	sbr.rel @!p1 .LBB2_14-.Ltmp1, $4  }
0xa0: {  	[hbm:s15], [sflag:s7] =	dma.local [spmem:s26], $0x2780  }
0xa1: {  	_ =	swait.ge [sflag:s21], $0x2780  }
0xa2: {  	[sflag:s21] =	ssyncset.done $0x0  }
0xa3: {  	[sflag:s21] =	ssyncadd.s32 $0xFFFFD880  }
.LBB2_1:
0xa4: {  	s26 =	simm.s32 $0x0;
	s7 =	simm.s32 $0x200  }
.LBB2_2:
0xa5: {  	p1 =	sne.s32 s7, $0xFE00;
	[tilespmem:s26+$0x3070] =	vst v0  }
0xa6: {  	[tilespmem:s26+$0x3000] =	vst v0  }
0xa7: {  	[tilespmem:s26+$0x3010] =	vst v0  }
.Ltmp2:
0xa8: {  	[tilespmem:s26+$0x3020] =	vst v0;
	(pc) =	sbr.rel @p1 .LBB2_2-.Ltmp2, $4  }
0xa9: {  	[tilespmem:s26+$0x3030] =	vst v0  }
0xaa: {  	[tilespmem:s26+$0x3040] =	vst v0  }
0xab: {  	[tilespmem:s26+$0x3050] =	vst v0  }
0xac: {  	[tilespmem:s26+$0x3060] =	vst v0;
	s26 =	sshra.s32 s7, $0x2;
	s7 =	sadd.s32 $0x200, s7  }
0xad: {  	[tilespmem:s26+$0x3070] =	vst v0  }
0xae: {  	[tilespmem:s26+$0x3000] =	vst v0  }
0xaf: {  	[tilespmem:s26+$0x3010] =	vst v0  }
0xb0: {  	[tilespmem:s26+$0x3020] =	vst v0  }
0xb1: {  	[tilespmem:s26+$0x3030] =	vst v0  }
0xb2: {  	[tilespmem:s26+$0x3040] =	vst v0  }
0xb3: {  	[tilespmem:s26+$0x3050] =	vst v0  }
0xb4: {  	[tilespmem:s26+$0x3060] =	vst v0  }
0xb5: {  	[spmem:s5] =	stream.linear.scatter [tilespmem:s20], [sflag:$0x3], $0x4000, $0x38;
	[tilespmem:$0x1EC00] =	vst v63  }
0xb6: {  	_ =	swait.ge [sflag:s21], $0x4000  }
0xb7: {  	[sflag:s21] =	ssyncset.done $0x0  }
0xb8: {  	[sflag:s21] =	ssyncadd.s32 $0xFFFFC000  }
0xb9: {  	[spmem:s17] =	stream.linear.scatter [tilespmem:s20], [sflag:$0x3], $0x4000, $0x38;
	[tilespmem:$0x1EC00] =	vst v63  }
0xba: {  	_ =	swait.ge [sflag:s21], $0x4000  }
0xbb: {  	[sflag:s21] =	ssyncset.done $0x0  }
0xbc: {  	[sflag:s21] =	ssyncadd.s32 $0xFFFFC000  }
0xbd: {  	[spmem:s18] =	stream.linear.scatter [tilespmem:s20], [sflag:$0x3], $0x4000, $0x38;
	[tilespmem:$0x1EC00] =	vst v63  }
0xbe: {  	_ =	swait.ge [sflag:s21], $0x4000  }
0xbf: {  	[sflag:s21] =	ssyncset.done $0x0  }
0xc0: {  	[sflag:s21] =	ssyncadd.s32 $0xFFFFC000  }
0xc1: {  	[spmem:s19] =	stream.linear.scatter [tilespmem:s20], [sflag:$0x3], $0x4000, $0x38;
	[tilespmem:$0x1EC00] =	vst v63  }
0xc2: {  	_ =	swait.ge [sflag:s21], $0x4000  }
0xc3: {  	[sflag:s21] =	ssyncset.done $0x0  }
0xc4: {  	[sflag:s21] =	ssyncadd.s32 $0xFFFFC000  }
0xc5: {  	[spmem:s6] =	stream.linear.scatter [tilespmem:s20], [sflag:$0x3], $0x3C00, $0x38;
	[tilespmem:$0x1EC00] =	vst v63  }
.Ltmp3:
0xc6: {  	_ =	swait.ge [sflag:s21], $0x3C00;
	(pc) =	sbr.rel @p0 .LBB2_12-.Ltmp3, $3  }
0xc7: {  	[sflag:s21] =	ssyncset.done $0x0  }
0xc8: {  	[sflag:s21] =	ssyncadd.s32 $0xFFFFC400  }
0xc9: {  	[bflag:$0x0] =	sbarrier.arrive $0xFFFF;
	_ =	sdelay $0x1  }
0xca: {  	s7 =	simm.s32 $0x0;
	s8 =	rddreg [dreg:$0x4]  }
0xcb: {  	[tilespmem:s7], [sflag:$0x3] =	stream.linear.gather [hbm4b:s8+s7], $0x1800, $0x38;
	[tilespmem:$0x1EC00] =	vst v63  }
0xcc: {  	_ =	swait.ge [sflag:s21], $0x1800  }
0xcd: {  	[sflag:s21] =	ssyncset.done $0x0  }
0xce: {  	s26 =	rddreg [dreg:$0x5];
	[sflag:s21] =	ssyncadd.s32 $0xFFFFE800  }
0xcf: {  	[tilespmem:s22], [sflag:$0x3] =	stream.linear.gather [hbm4b:s26+s7], $0x1800, $0x38;
	[tilespmem:$0x1EC00] =	vst v63  }
0xd0: {  	_ =	swait.ge [sflag:s21], $0x1800  }
0xd1: {  	[sflag:s21] =	ssyncset.done $0x0  }
0xd2: {  	[sflag:s21] =	ssyncadd.s32 $0xFFFFE800  }
0xd3: {  	[tilespmem:s20], [sflag:$0x1] =	stream.indirect.gather [hbm4b:s0+s23], $0x80, s7, s23, $0xb8;
	[tilespmem:$0x1EC00] =	vst v63  }
0xd4: {  	s8 =	simm.s32 $0x80  }
0xd5: {  	[tilespmem:s24], [sflag:$0x2] =	stream.indirect.gather [hbm4b:s0+s23], $0x80, s8, s23, $0xb8;
	[tilespmem:$0x1EC00] =	vst v63  }
0xd6: {  	_ =	swait.ge [sflag:s25], $0x4000  }
0xd7: {  	[sflag:s25] =	ssyncset.done $0x0  }
0xd8: {  	s9 =	simm.s32 $0x1800;
	[sflag:s25] =	ssyncadd.s32 $0xFFFFC000  }
0xd9: {  	[spmem:s3] =	stream.indirect.scatter.add.f32 [tilespmem:s20], [sflag:$0x3], $0x80, s9, s23, $0xb8;
	[tilespmem:$0x1EC00] =	vst v63  }
0xda: {  	_ =	swait.ge [sflag:s21], $0x4000  }
0xdb: {  	[sflag:s21] =	ssyncset.done $0x0  }
0xdc: {  	s10 =	simm.s32 $0x100;
	[sflag:s21] =	ssyncadd.s32 $0xFFFFC000  }
0xdd: {  	[tilespmem:s20], [sflag:$0x1] =	stream.indirect.gather [hbm4b:s0+s23], $0x80, s10, s23, $0xb8;
	[tilespmem:$0x1EC00] =	vst v63  }
0xde: {  	_ =	swait.ge [sflag:s28], $0x4000  }
0xdf: {  	[sflag:s28] =	ssyncset.done $0x0  }
0xe0: {  	s26 =	simm.s32 $0x1880;
	[sflag:s28] =	ssyncadd.s32 $0xFFFFC000  }
0xe1: {  	[spmem:s3] =	stream.indirect.scatter.add.f32 [tilespmem:s24], [sflag:$0x3], $0x80, s26, s23, $0xb8;
	[tilespmem:$0x1EC00] =	vst v63  }
0xe2: {  	_ =	swait.ge [sflag:s21], $0x4000  }
0xe3: {  	s7 =	simm.s32 $0x800;
	s26 =	simm.s32 $0x100;
	[sflag:s21] =	ssyncset.done $0x0  }
.LBB2_5:
0xe4: {  	s8 =	sadd.s32 $0x80, s26  }
0xe5: {  	[sflag:s21] =	ssyncadd.s32 $0xFFFFC000;
	s9 =	smov.u32 s7;
	s10 =	sadd.s32 $0x400, s7  }
0xe6: {  	[tilespmem:s24], [sflag:$0x2] =	stream.indirect.gather [hbm4b:s0+s23], $0x80, s8, s23, $0xb8;
	[tilespmem:$0x1EC00] =	vst v63  }
0xe7: {  	p1 =	sne.s32 s7, $0x5800;
	_ =	swait.ge [sflag:s25], $0x4000  }
0xe8: {  	[sflag:s25] =	ssyncset.done $0x0  }
0xe9: {  	s7 =	sadd.s32 $0x1800, s26;
	[sflag:s25] =	ssyncadd.s32 $0xFFFFC000  }
0xea: {  	[spmem:s3] =	stream.indirect.scatter.add.f32 [tilespmem:s20], [sflag:$0x3], $0x80, s7, s23, $0xb8;
	[tilespmem:$0x1EC00] =	vst v63  }
0xeb: {  	_ =	swait.ge [sflag:s21], $0x4000  }
0xec: {  	[sflag:s21] =	ssyncset.done $0x0  }
0xed: {  	s7 =	sadd.s32 $0x100, s26;
	[sflag:s21] =	ssyncadd.s32 $0xFFFFC000  }
0xee: {  	[tilespmem:s20], [sflag:$0x1] =	stream.indirect.gather [hbm4b:s0+s23], $0x80, s7, s23, $0xb8;
	[tilespmem:$0x1EC00] =	vst v63  }
0xef: {  	_ =	swait.ge [sflag:s28], $0x4000  }
.Ltmp4:
0xf0: {  	[sflag:s28] =	ssyncset.done $0x0;
	(pc) =	sbr.rel @p1 .LBB2_5-.Ltmp4, $4  }
0xf1: {  	s7 =	sadd.s32 $0x1880, s26;
	[sflag:s28] =	ssyncadd.s32 $0xFFFFC000  }
0xf2: {  	[spmem:s3] =	stream.indirect.scatter.add.f32 [tilespmem:s24], [sflag:$0x3], $0x80, s7, s23, $0xb8;
	[tilespmem:$0x1EC00] =	vst v63  }
0xf3: {  	_ =	swait.ge [sflag:s21], $0x4000  }
0xf4: {  	s26 =	sshra.s32 s9, $0x2;
	s7 =	smov.u32 s10;
	[sflag:s21] =	ssyncset.done $0x0  }
0xf5: {  	s7 =	sadd.s32 $0x80, s26;
	[sflag:s21] =	ssyncadd.s32 $0xFFFFC000  }
0xf6: {  	[tilespmem:s24], [sflag:$0x2] =	stream.indirect.gather [hbm4b:s0+s23], $0x80, s7, s23, $0xb8;
	[tilespmem:$0x1EC00] =	vst v63  }
0xf7: {  	_ =	swait.ge [sflag:s25], $0x4000  }
0xf8: {  	[sflag:s25] =	ssyncset.done $0x0  }
0xf9: {  	s10 =	sadd.s32 $0x1800, s26;
	[sflag:s25] =	ssyncadd.s32 $0xFFFFC000  }
0xfa: {  	[spmem:s3] =	stream.indirect.scatter.add.f32 [tilespmem:s20], [sflag:$0x3], $0x80, s10, s23, $0xb8;
	[tilespmem:$0x1EC00] =	vst v63  }
0xfb: {  	_ =	swait.ge [sflag:s21], $0x4000  }
0xfc: {  	[sflag:s21] =	ssyncset.done $0x0  }
0xfd: {  	s8 =	sadd.s32 $0x100, s26;
	[sflag:s21] =	ssyncadd.s32 $0xFFFFC000  }
0xfe: {  	[tilespmem:s20], [sflag:$0x1] =	stream.indirect.gather [hbm4b:s0+s23], $0x80, s8, s23, $0xb8;
	[tilespmem:$0x1EC00] =	vst v63  }
0xff: {  	_ =	swait.ge [sflag:s28], $0x4000  }
0x100: {  	[sflag:s28] =	ssyncset.done $0x0  }
0x101: {  	s9 =	sadd.s32 $0x1880, s26;
	[sflag:s28] =	ssyncadd.s32 $0xFFFFC000  }
0x102: {  	[spmem:s3] =	stream.indirect.scatter.add.f32 [tilespmem:s24], [sflag:$0x3], $0x80, s9, s23, $0xb8;
	[tilespmem:$0x1EC00] =	vst v63  }
0x103: {  	_ =	swait.ge [sflag:s21], $0x4000  }
0x104: {  	[sflag:s21] =	ssyncset.done $0x0  }
0x105: {  	[sflag:s21] =	ssyncadd.s32 $0xFFFFC000  }
0x106: {  	[tilespmem:s24], [sflag:$0x2] =	stream.indirect.gather [hbm4b:s0+s23], $0x80, s29, s23, $0xb8;
	[tilespmem:$0x1EC00] =	vst v63  }
0x107: {  	_ =	swait.ge [sflag:s25], $0x4000  }
0x108: {  	[sflag:s25] =	ssyncset.done $0x0  }
0x109: {  	[sflag:s25] =	ssyncadd.s32 $0xFFFFC000  }
0x10a: {  	[spmem:s3] =	stream.indirect.scatter.add.f32 [tilespmem:s20], [sflag:$0x3], $0x80, s30, s23, $0xb8;
	[tilespmem:$0x1EC00] =	vst v63  }
0x10b: {  	_ =	swait.ge [sflag:s21], $0x4000  }
0x10c: {  	[sflag:s21] =	ssyncset.done $0x0  }
0x10d: {  	[sflag:s21] =	ssyncadd.s32 $0xFFFFC000  }
0x10e: {  	_ =	swait.ge [sflag:s28], $0x4000  }
0x10f: {  	[sflag:s28] =	ssyncset.done $0x0  }
0x110: {  	[sflag:s28] =	ssyncadd.s32 $0xFFFFC000  }
0x111: {  	[spmem:s3] =	stream.indirect.scatter.add.f32 [tilespmem:s24], [sflag:$0x3], $0x80, s31, s23, $0xb8;
	[tilespmem:$0x1EC00] =	vst v63  }
0x112: {  	_ =	swait.ge [sflag:s21], $0x4000  }
0x113: {  	[sflag:s21] =	ssyncset.done $0x0  }
0x114: {  	s10 =	simm.s32 $0x0;
	s8 =	rddreg [dreg:$0x6];
	[sflag:s21] =	ssyncadd.s32 $0xFFFFC000  }
0x115: {  	[tilespmem:s10], [sflag:$0x3] =	stream.linear.gather [hbm4b:s8+s10], $0x1800, $0x38;
	[tilespmem:$0x1EC00] =	vst v63  }
0x116: {  	_ =	swait.ge [sflag:s21], $0x1800  }
0x117: {  	[sflag:s21] =	ssyncset.done $0x0  }
0x118: {  	s26 =	rddreg [dreg:$0x7];
	[sflag:s21] =	ssyncadd.s32 $0xFFFFE800  }
0x119: {  	[tilespmem:s22], [sflag:$0x3] =	stream.linear.gather [hbm4b:s26+s10], $0x1800, $0x38;
	[tilespmem:$0x1EC00] =	vst v63  }
0x11a: {  	_ =	swait.ge [sflag:s21], $0x1800  }
0x11b: {  	[sflag:s21] =	ssyncset.done $0x0  }
0x11c: {  	[sflag:s21] =	ssyncadd.s32 $0xFFFFE800  }
0x11d: {  	[tilespmem:s20], [sflag:$0x1] =	stream.indirect.gather [hbm4b:s0+s23], $0x80, s10, s23, $0xb8;
	[tilespmem:$0x1EC00] =	vst v63  }
0x11e: {  	s8 =	simm.s32 $0x80  }
0x11f: {  	[tilespmem:s24], [sflag:$0x2] =	stream.indirect.gather [hbm4b:s0+s23], $0x80, s8, s23, $0xb8;
	[tilespmem:$0x1EC00] =	vst v63  }
0x120: {  	_ =	swait.ge [sflag:s25], $0x4000  }
0x121: {  	[sflag:s25] =	ssyncset.done $0x0  }
0x122: {  	s9 =	simm.s32 $0x1800;
	[sflag:s25] =	ssyncadd.s32 $0xFFFFC000  }
0x123: {  	[spmem:s3] =	stream.indirect.scatter.add.f32 [tilespmem:s20], [sflag:$0x3], $0x80, s9, s23, $0xb8;
	[tilespmem:$0x1EC00] =	vst v63  }
0x124: {  	_ =	swait.ge [sflag:s21], $0x4000  }
0x125: {  	[sflag:s21] =	ssyncset.done $0x0  }
0x126: {  	s10 =	simm.s32 $0x100;
	[sflag:s21] =	ssyncadd.s32 $0xFFFFC000  }
0x127: {  	[tilespmem:s20], [sflag:$0x1] =	stream.indirect.gather [hbm4b:s0+s23], $0x80, s10, s23, $0xb8;
	[tilespmem:$0x1EC00] =	vst v63  }
0x128: {  	_ =	swait.ge [sflag:s28], $0x4000  }
0x129: {  	[sflag:s28] =	ssyncset.done $0x0  }
0x12a: {  	s26 =	simm.s32 $0x1880;
	[sflag:s28] =	ssyncadd.s32 $0xFFFFC000  }
0x12b: {  	[spmem:s3] =	stream.indirect.scatter.add.f32 [tilespmem:s24], [sflag:$0x3], $0x80, s26, s23, $0xb8;
	[tilespmem:$0x1EC00] =	vst v63  }
0x12c: {  	_ =	swait.ge [sflag:s21], $0x4000  }
0x12d: {  	s7 =	simm.s32 $0x800;
	s26 =	simm.s32 $0x100;
	[sflag:s21] =	ssyncset.done $0x0  }
.LBB2_7:
0x12e: {  	s8 =	sadd.s32 $0x80, s26  }
0x12f: {  	[sflag:s21] =	ssyncadd.s32 $0xFFFFC000;
	s9 =	smov.u32 s7;
	s10 =	sadd.s32 $0x400, s7  }
0x130: {  	[tilespmem:s24], [sflag:$0x2] =	stream.indirect.gather [hbm4b:s0+s23], $0x80, s8, s23, $0xb8;
	[tilespmem:$0x1EC00] =	vst v63  }
0x131: {  	p1 =	sne.s32 s7, $0x5800;
	_ =	swait.ge [sflag:s25], $0x4000  }
0x132: {  	[sflag:s25] =	ssyncset.done $0x0  }
0x133: {  	s7 =	sadd.s32 $0x1800, s26;
	[sflag:s25] =	ssyncadd.s32 $0xFFFFC000  }
0x134: {  	[spmem:s3] =	stream.indirect.scatter.add.f32 [tilespmem:s20], [sflag:$0x3], $0x80, s7, s23, $0xb8;
	[tilespmem:$0x1EC00] =	vst v63  }
0x135: {  	_ =	swait.ge [sflag:s21], $0x4000  }
0x136: {  	[sflag:s21] =	ssyncset.done $0x0  }
0x137: {  	s7 =	sadd.s32 $0x100, s26;
	[sflag:s21] =	ssyncadd.s32 $0xFFFFC000  }
0x138: {  	[tilespmem:s20], [sflag:$0x1] =	stream.indirect.gather [hbm4b:s0+s23], $0x80, s7, s23, $0xb8;
	[tilespmem:$0x1EC00] =	vst v63  }
0x139: {  	_ =	swait.ge [sflag:s28], $0x4000  }
.Ltmp5:
0x13a: {  	[sflag:s28] =	ssyncset.done $0x0;
	(pc) =	sbr.rel @p1 .LBB2_7-.Ltmp5, $4  }
0x13b: {  	s7 =	sadd.s32 $0x1880, s26;
	[sflag:s28] =	ssyncadd.s32 $0xFFFFC000  }
0x13c: {  	[spmem:s3] =	stream.indirect.scatter.add.f32 [tilespmem:s24], [sflag:$0x3], $0x80, s7, s23, $0xb8;
	[tilespmem:$0x1EC00] =	vst v63  }
0x13d: {  	_ =	swait.ge [sflag:s21], $0x4000  }
0x13e: {  	s26 =	sshra.s32 s9, $0x2;
	s7 =	smov.u32 s10;
	[sflag:s21] =	ssyncset.done $0x0  }
0x13f: {  	s7 =	sadd.s32 $0x80, s26;
	[sflag:s21] =	ssyncadd.s32 $0xFFFFC000  }
0x140: {  	[tilespmem:s24], [sflag:$0x2] =	stream.indirect.gather [hbm4b:s0+s23], $0x80, s7, s23, $0xb8;
	[tilespmem:$0x1EC00] =	vst v63  }
0x141: {  	_ =	swait.ge [sflag:s25], $0x4000  }
0x142: {  	[sflag:s25] =	ssyncset.done $0x0  }
0x143: {  	s8 =	sadd.s32 $0x1800, s26;
	[sflag:s25] =	ssyncadd.s32 $0xFFFFC000  }
0x144: {  	[spmem:s3] =	stream.indirect.scatter.add.f32 [tilespmem:s20], [sflag:$0x3], $0x80, s8, s23, $0xb8;
	[tilespmem:$0x1EC00] =	vst v63  }
0x145: {  	_ =	swait.ge [sflag:s21], $0x4000  }
0x146: {  	[sflag:s21] =	ssyncset.done $0x0  }
0x147: {  	s9 =	sadd.s32 $0x100, s26;
	[sflag:s21] =	ssyncadd.s32 $0xFFFFC000  }
0x148: {  	[tilespmem:s20], [sflag:$0x1] =	stream.indirect.gather [hbm4b:s0+s23], $0x80, s9, s23, $0xb8;
	[tilespmem:$0x1EC00] =	vst v63  }
0x149: {  	_ =	swait.ge [sflag:s28], $0x4000  }
0x14a: {  	[sflag:s28] =	ssyncset.done $0x0  }
0x14b: {  	s10 =	sadd.s32 $0x1880, s26;
	[sflag:s28] =	ssyncadd.s32 $0xFFFFC000  }
0x14c: {  	[spmem:s3] =	stream.indirect.scatter.add.f32 [tilespmem:s24], [sflag:$0x3], $0x80, s10, s23, $0xb8;
	[tilespmem:$0x1EC00] =	vst v63  }
0x14d: {  	_ =	swait.ge [sflag:s21], $0x4000  }
0x14e: {  	[sflag:s21] =	ssyncset.done $0x0  }
0x14f: {  	[sflag:s21] =	ssyncadd.s32 $0xFFFFC000  }
0x150: {  	[tilespmem:s24], [sflag:$0x2] =	stream.indirect.gather [hbm4b:s0+s23], $0x80, s29, s23, $0xb8;
	[tilespmem:$0x1EC00] =	vst v63  }
0x151: {  	_ =	swait.ge [sflag:s25], $0x4000  }
0x152: {  	[sflag:s25] =	ssyncset.done $0x0  }
0x153: {  	[sflag:s25] =	ssyncadd.s32 $0xFFFFC000  }
0x154: {  	[spmem:s3] =	stream.indirect.scatter.add.f32 [tilespmem:s20], [sflag:$0x3], $0x80, s30, s23, $0xb8;
	[tilespmem:$0x1EC00] =	vst v63  }
0x155: {  	_ =	swait.ge [sflag:s21], $0x4000  }
0x156: {  	[sflag:s21] =	ssyncset.done $0x0  }
0x157: {  	[sflag:s21] =	ssyncadd.s32 $0xFFFFC000  }
0x158: {  	_ =	swait.ge [sflag:s28], $0x4000  }
0x159: {  	[sflag:s28] =	ssyncset.done $0x0  }
0x15a: {  	[sflag:s28] =	ssyncadd.s32 $0xFFFFC000  }
0x15b: {  	[spmem:s3] =	stream.indirect.scatter.add.f32 [tilespmem:s24], [sflag:$0x3], $0x80, s31, s23, $0xb8;
	[tilespmem:$0x1EC00] =	vst v63  }
0x15c: {  	_ =	swait.ge [sflag:s21], $0x4000  }
0x15d: {  	[sflag:s21] =	ssyncset.done $0x0  }
0x15e: {  	s26 =	simm.s32 $0x0;
	[sflag:s21] =	ssyncadd.s32 $0xFFFFC000  }
0x15f: {  	[tilespmem:s26], [sflag:$0x3] =	stream.linear.gather [hbm4b:s11+s26], $0x1800, $0x38;
	[tilespmem:$0x1EC00] =	vst v63  }
0x160: {  	_ =	swait.ge [sflag:s21], $0x1800  }
0x161: {  	[sflag:s21] =	ssyncset.done $0x0  }
0x162: {  	p2 =	por $0x0, $0x0;
	[sflag:s21] =	ssyncadd.s32 $0xFFFFE800  }
0x163: {  	[tilespmem:s22], [sflag:$0x3] =	stream.linear.gather [hbm4b:s12+s26], $0x1800, $0x38;
	[tilespmem:$0x1EC00] =	vst v63  }
.Ltmp6:
0x164: {  	_ =	swait.ge [sflag:s21], $0x1800;
	(pc) =	sbr.rel @p2 .LBB2_11-.Ltmp6, $4  }
0x165: {  	[sflag:s21] =	ssyncset.done $0x0  }
0x166: {  	[sflag:s21] =	ssyncadd.s32 $0xFFFFE800  }
0x167: {  	[tilespmem:s20], [sflag:$0x1] =	stream.indirect.gather [hbm4b:s0+s23], $0x80, s26, s23, $0xb8;
	[tilespmem:$0x1EC00] =	vst v63  }
0x168: {  	p1 =	por $0x0, $0x0;
	s26 =	simm.s32 $0x0  }
0x169: {  	s7 =	simm.s32 $0x80  }
0x16a: {  	[tilespmem:s24], [sflag:$0x2] =	stream.indirect.gather [hbm4b:s0+s23], $0x80, s7, s23, $0xb8;
	[tilespmem:$0x1EC00] =	vst v63  }
0x16b: {  	_ =	swait.ge [sflag:s25], $0x4000  }
0x16c: {  	[sflag:s25] =	ssyncset.done $0x0  }
0x16d: {  	s9 =	simm.s32 $0x1800;
	[sflag:s25] =	ssyncadd.s32 $0xFFFFC000  }
0x16e: {  	[spmem:s3] =	stream.indirect.scatter.add.f32 [tilespmem:s20], [sflag:$0x3], $0x80, s9, s23, $0xb8;
	[tilespmem:$0x1EC00] =	vst v63  }
0x16f: {  	_ =	swait.ge [sflag:s21], $0x4000  }
0x170: {  	[sflag:s21] =	ssyncset.done $0x0  }
0x171: {  	s10 =	simm.s32 $0x100;
	[sflag:s21] =	ssyncadd.s32 $0xFFFFC000  }
0x172: {  	[tilespmem:s20], [sflag:$0x1] =	stream.indirect.gather [hbm4b:s0+s23], $0x80, s10, s23, $0xb8;
	[tilespmem:$0x1EC00] =	vst v63  }
0x173: {  	p2 =	por $0x0, $0x0;
	_ =	swait.ge [sflag:s28], $0x4000  }
.Ltmp7:
0x174: {  	[sflag:s28] =	ssyncset.done $0x0;
	(pc) =	sbr.rel @p2 .LBB2_11-.Ltmp7, $4  }
0x175: {  	s26 =	simm.s32 $0x1880;
	[sflag:s28] =	ssyncadd.s32 $0xFFFFC000  }
0x176: {  	[spmem:s3] =	stream.indirect.scatter.add.f32 [tilespmem:s24], [sflag:$0x3], $0x80, s26, s23, $0xb8;
	[tilespmem:$0x1EC00] =	vst v63  }
0x177: {  	p1 =	por $0x1, $0x1;
	_ =	swait.ge [sflag:s21], $0x4000  }
0x178: {  	s7 =	simm.s32 $0x800;
	s26 =	simm.s32 $0x100;
	[sflag:s21] =	ssyncset.done $0x0  }
.LBB2_10:
0x179: {  	s8 =	sadd.s32 $0x80, s26  }
0x17a: {  	[sflag:s21] =	ssyncadd.s32 $0xFFFFC000;
	s9 =	smov.u32 s7;
	s10 =	sadd.s32 $0x400, s7  }
0x17b: {  	[tilespmem:s24], [sflag:$0x2] =	stream.indirect.gather [hbm4b:s0+s23], $0x80, s8, s23, $0xb8;
	[tilespmem:$0x1EC00] =	vst v63  }
0x17c: {  	p2 =	seq.s32 s7, $0x5800;
	_ =	swait.ge [sflag:s25], $0x4000  }
0x17d: {  	[sflag:s25] =	ssyncset.done $0x0  }
0x17e: {  	s7 =	sadd.s32 $0x1800, s26;
	[sflag:s25] =	ssyncadd.s32 $0xFFFFC000  }
0x17f: {  	[spmem:s3] =	stream.indirect.scatter.add.f32 [tilespmem:s20], [sflag:$0x3], $0x80, s7, s23, $0xb8;
	[tilespmem:$0x1EC00] =	vst v63  }
0x180: {  	_ =	swait.ge [sflag:s21], $0x4000  }
0x181: {  	[sflag:s21] =	ssyncset.done $0x0  }
0x182: {  	s7 =	sadd.s32 $0x100, s26;
	[sflag:s21] =	ssyncadd.s32 $0xFFFFC000  }
0x183: {  	[tilespmem:s20], [sflag:$0x1] =	stream.indirect.gather [hbm4b:s0+s23], $0x80, s7, s23, $0xb8;
	[tilespmem:$0x1EC00] =	vst v63  }
0x184: {  	_ =	swait.ge [sflag:s28], $0x4000  }
.Ltmp8:
0x185: {  	[sflag:s28] =	ssyncset.done $0x0;
	(pc) =	sbr.rel @!p2 .LBB2_10-.Ltmp8, $4  }
0x186: {  	s7 =	sadd.s32 $0x1880, s26;
	[sflag:s28] =	ssyncadd.s32 $0xFFFFC000  }
0x187: {  	[spmem:s3] =	stream.indirect.scatter.add.f32 [tilespmem:s24], [sflag:$0x3], $0x80, s7, s23, $0xb8;
	[tilespmem:$0x1EC00] =	vst v63  }
0x188: {  	_ =	swait.ge [sflag:s21], $0x4000  }
0x189: {  	s26 =	sshra.s32 s9, $0x2;
	s7 =	smov.u32 s10;
	[sflag:s21] =	ssyncset.done $0x0  }
.LBB2_11:
0x18a: {  	s7 =	sadd.s32 $0x80, s26;
	[sflag:s21] =	ssyncadd.s32 @p1 $0xFFFFC000  }
0x18b: {  	[tilespmem:s24], [sflag:$0x2] =	stream.indirect.gather [hbm4b:s0+s23], $0x80, s7, s23, $0xb8;
	[tilespmem:$0x1EC00] =	vst v63  }
0x18c: {  	_ =	swait.ge [sflag:s25], $0x4000  }
0x18d: {  	[sflag:s25] =	ssyncset.done $0x0  }
0x18e: {  	s9 =	sadd.s32 $0x1800, s26;
	[sflag:s25] =	ssyncadd.s32 $0xFFFFC000  }
0x18f: {  	[spmem:s3] =	stream.indirect.scatter.add.f32 [tilespmem:s20], [sflag:$0x3], $0x80, s9, s23, $0xb8;
	[tilespmem:$0x1EC00] =	vst v63  }
0x190: {  	_ =	swait.ge [sflag:s21], $0x4000  }
0x191: {  	[sflag:s21] =	ssyncset.done $0x0  }
0x192: {  	s10 =	sadd.s32 $0x100, s26;
	[sflag:s21] =	ssyncadd.s32 $0xFFFFC000  }
0x193: {  	[tilespmem:s20], [sflag:$0x1] =	stream.indirect.gather [hbm4b:s0+s23], $0x80, s10, s23, $0xb8;
	[tilespmem:$0x1EC00] =	vst v63  }
0x194: {  	_ =	swait.ge [sflag:s28], $0x4000  }
0x195: {  	[sflag:s28] =	ssyncset.done $0x0  }
.Ltmp9:
0x196: {  	s26 =	sadd.s32 $0x1880, s26;
	[sflag:s28] =	ssyncadd.s32 $0xFFFFC000;
	(pc) =	sbr.rel .LBB2_13-.Ltmp9, $4  }
0x197: {  	[spmem:s3] =	stream.indirect.scatter.add.f32 [tilespmem:s24], [sflag:$0x3], $0x80, s26, s23, $0xb8;
	[tilespmem:$0x1EC00] =	vst v63  }
0x198: {  	_ =	swait.ge [sflag:s21], $0x4000  }
0x199: {  	s8 =	simm.s32 $0x1780;
	[sflag:s21] =	ssyncset.done $0x0  }
0x19a: {  	s7 =	simm.s32 $0x2F80;
	s26 =	simm.s32 $0x2F00;
	[sflag:s21] =	ssyncadd.s32 $0xFFFFC000  }
.LBB2_14:
0x19b: {  	_ =	sfence.sel $0x180000  }
0x19c: {  	[bflag:$0x0] =	sbarrier.arrive $0xFFFF  }
0x19d: {  	_ =	strace $0x9000004A  }
0x19e: {  	[bflag:$0x2] =	sbarrier.arrive $0xFFFF  }
0x19f: {  	p0 =	sne.s32 s2, $0x0;
	s0 =	rddreg [dreg:$0x3]  }
0x1a0: {  	s0 =	sadd.s32 @!p0 $0x100000, s0  }
0x1a1: {  	[sflag:s0] =	ssyncadd.tile.s32 @!p0 $0x1;
	_ =	shalt  }
.Lfunc_end2:
_tile_overlayer_lowered:
.L_overlay_start_2:
0x1a2: {  	(tag) =	ssettag $0x2  }
0x1a3: {  	s0 =	rddreg [dreg:$0x0];
	s2 =	stileid.u32  }
0x1a4: {  	s1 =	rddreg [dreg:$0x1];
	p0 =	sne.s32 s2, $0x0  }
0x1a5: {  	s3 =	rddreg [dreg:$0x2];
	[bflag:$0x3] =	sbarrier.arrive $0xFFFF;
	s2 =	simm.s32 @!p0 $0x1C03  }
0x1a6: {  	[timem:s3], [sflag:s2] =	dma.local @!p0 [hbm:s0], s1  }
0x1a7: {  	s0 =	simm.s32 @!p0 $0x3  }
0x1a8: {  	_ =	swait.ge @!p0 [sflag:s0], s1  }
0x1a9: {  	s1 =	ssub.s32 @!p0 $0x0, s1;
	[sflag:s0] =	ssyncset.done @!p0 $0x0  }
0x1aa: {  	[sflag:s0] =	ssyncadd.s32 @!p0 s1  }
0x1ab: {  	[bflag:$0x3] =	sbarrier.arrive $0xFFFF  }
0x1ac: {  	_ =	shalt  }

</sc_bundles>
